<compile_context>
chip_gen: v7x
topology: tpu7x:2x2x1
jax: 0.10.2.dev20260603
libtpu: 0.0.44.dev20260713+nightly
codegen_flags: <defaults>
</compile_context>

<pallas_src>
import functools

import jax
import jax.numpy as jnp
from jax import lax
from jax.experimental import pallas as pl
from jax.experimental.pallas import tpu as pltpu
from jax.experimental.pallas import tpu_sc as plsc

NC = 2
NS = 16
NW = NC * NS
NP = 50176
E_TOT = 800000
EPT = E_TOT // NS
EW = 2000
NWIN = EPT // EW
RPT = NP // NS
R = 3136
N_RB = NP // R
SEGP = 528
RW = NP // NW
WR = RW // 2

ED = E_TOT // NW
EWD = 1000
NWD = ED // EWD


def _deg_body(dst_ref, out_ref, ones_v, didx_v, zero_v, acc_sp):
    c = lax.axis_index("c")
    s = lax.axis_index("s")

    def fill(i, _):
        ones_v[pl.ds(i * 16, 16)] = jnp.full((16,), 1.0, jnp.float32)
        return 0
    lax.fori_loop(0, EWD // 16, fill, 0)

    def zfill(i, _):
        zero_v[pl.ds(i * 16, 16)] = jnp.zeros((16,), jnp.float32)
        return 0
    lax.fori_loop(0, RPT // 16, zfill, 0)
    pltpu.sync_copy(zero_v, acc_sp.at[pl.ds(s * RPT, RPT)])
    plsc.subcore_barrier()

    ebase = (c * NS + s) * ED

    def win(w, _):
        pltpu.sync_copy(dst_ref.at[pl.ds(ebase + w * EWD, EWD)], didx_v)
        pltpu.sync_copy(ones_v, acc_sp.at[didx_v], add=True)
        return 0
    lax.fori_loop(0, NWD, win, 0)
    plsc.subcore_barrier()
    pltpu.sync_copy(acc_sp.at[pl.ds(s * RPT, RPT)],
                    out_ref.at[c, pl.ds(s * RPT, RPT)])


def _sc_deg(dst):
    mesh = plsc.VectorSubcoreMesh(core_axis_name="c", subcore_axis_name="s")
    return pl.kernel(
        _deg_body,
        out_type=jax.ShapeDtypeStruct((NC, NP), jnp.float32),
        mesh=mesh,
        compiler_params=pltpu.CompilerParams(use_tc_tiling_on_sc=False),
        scratch_types=[
            pltpu.VMEM((EWD,), jnp.float32),
            pltpu.VMEM((EWD,), jnp.int32),
            pltpu.VMEM((RPT,), jnp.float32),
            pltpu.VMEM_SHARED((NP,), jnp.float32),
        ],
    )(dst)


E_EXT = 864000
EPTX = E_EXT // NS
NWINX = EPTX // EW


def _scatter_body(nf, y_ref, zeros_ref, src_ref, dst_ref, out_ref,
                  idx_a, didx_a, rows_a, idx_b, didx_b, rows_b,
                  acc_sp, gsem_a, gsem_b):
    c = lax.axis_index("c")
    s = lax.axis_index("s")
    ebase = s * EPTX

    def chunk_body(jj, _):
        j = c + 2 * jj
        pltpu.sync_copy(zeros_ref.at[pl.ds(s * RPT, RPT)],
                        acc_sp.at[pl.ds(s * RPT, RPT)])
        plsc.subcore_barrier()

        yj = y_ref.at[j]

        def load(w, idx_v, didx_v):
            base = ebase + w * EW
            pltpu.sync_copy(src_ref.at[pl.ds(base, EW)], idx_v)
            pltpu.sync_copy(dst_ref.at[pl.ds(base, EW)], didx_v)

        load(0, idx_a, didx_a)
        pltpu.async_copy(yj.at[idx_a], rows_a, gsem_a)

        def pair(k, _):
            w = 2 * k
            load(w + 1, idx_b, didx_b)
            pltpu.async_copy(yj.at[idx_b], rows_b, gsem_b)
            pltpu.make_async_copy(yj.at[idx_a], rows_a, gsem_a).wait()
            pltpu.sync_copy(rows_a, acc_sp.at[didx_a], add=True)
            load(w + 2, idx_a, didx_a)
            pltpu.async_copy(yj.at[idx_a], rows_a, gsem_a)
            pltpu.make_async_copy(yj.at[idx_b], rows_b, gsem_b).wait()
            pltpu.sync_copy(rows_b, acc_sp.at[didx_b], add=True)
            return 0

        lax.fori_loop(0, (NWINX - 1) // 2, pair, 0)
        pltpu.make_async_copy(yj.at[idx_a], rows_a, gsem_a).wait()
        pltpu.sync_copy(rows_a, acc_sp.at[didx_a], add=True)

        plsc.subcore_barrier()
        pltpu.sync_copy(acc_sp.at[pl.ds(s * RPT, RPT)],
                        out_ref.at[pl.ds(s * RPT, RPT), pl.ds(j * 16, 16)])
        return 0

    lax.fori_loop(0, (nf - c + 1) // 2, chunk_body, 0)


def _sc_scatter(y_t, zeros_hbm, src, dst):
    nf = y_t.shape[0]
    mesh = plsc.VectorSubcoreMesh(core_axis_name="c", subcore_axis_name="s")
    return pl.kernel(
        functools.partial(_scatter_body, nf),
        out_type=jax.ShapeDtypeStruct((NP, nf * 16), jnp.float32),
        mesh=mesh,
        compiler_params=pltpu.CompilerParams(use_tc_tiling_on_sc=False),
        scratch_types=[
            pltpu.VMEM((EW,), jnp.int32),
            pltpu.VMEM((EW,), jnp.int32),
            pltpu.VMEM((EW, 16), jnp.float32),
            pltpu.VMEM((EW,), jnp.int32),
            pltpu.VMEM((EW,), jnp.int32),
            pltpu.VMEM((EW, 16), jnp.float32),
            pltpu.VMEM_SHARED((NP, 16), jnp.float32),
            pltpu.SemaphoreType.DMA,
            pltpu.SemaphoreType.DMA,
        ],
    )(y_t, zeros_hbm, src, dst)


def _segmax_body(nf, s3_ref, dis_ref, b_ref, batch_ref, out_ref,
                 rows_a, rows_b, batch_v, dis_v, b_v, out_v,
                 gsem_a, gsem_b):
    c = lax.axis_index("c")
    s = lax.axis_index("s")
    w = c * NS + s
    rbase = w * RW

    pltpu.sync_copy(batch_ref.at[pl.ds(rbase, RW)], batch_v.at[pl.ds(0, RW)])
    pltpu.sync_copy(dis_ref.at[pl.ds(rbase, RW)], dis_v.at[pl.ds(0, RW)])
    pltpu.sync_copy(b_ref, b_v)

    def ifill(i, _):
        out_v[pl.ds(i * 16, 16)] = jnp.full((16,), -1e30, jnp.float32)
        return 0
    lax.fori_loop(0, SEGP, ifill, 0)
    b_first = batch_v[pl.ds(0, 16)][0]
    b_last = batch_v[pl.ds(RW - 16, 16)][15]

    def chunk_body(j, _):
        lax.fori_loop(b_first, b_last + 1, ifill, 0)
        bj = b_v[pl.ds(j * 16, 16)]
        pltpu.async_copy(
            s3_ref.at[pl.ds(rbase, WR), pl.ds(j * 16, 16)], rows_a, gsem_a)
        pltpu.async_copy(
            s3_ref.at[pl.ds(rbase + WR, WR), pl.ds(j * 16, 16)], rows_b, gsem_b)

        def scan_rows(rows_v, roff, carry):
            def row_body(r, car):
                bprev, m = car
                b = batch_v[pl.ds(roff + r, 16)][0]
                d = dis_v[pl.ds(roff + r, 16)][0]
                row = jnp.maximum(rows_v[r] * d + bj, 0.0)

                @pl.when(b != bprev)
                def _():
                    out_v[pl.ds(bprev * 16, 16)] = m

                m = jnp.where(b != bprev, jnp.full((16,), -1e30, jnp.float32), m)
                return (b, jnp.maximum(m, row))
            return lax.fori_loop(0, WR, row_body, carry)

        pltpu.make_async_copy(
            s3_ref.at[pl.ds(rbase, WR), pl.ds(j * 16, 16)], rows_a, gsem_a).wait()
        carry = scan_rows(rows_a, 0,
                          (batch_v[pl.ds(0, 16)][0],
                           jnp.full((16,), -1e30, jnp.float32)))
        pltpu.make_async_copy(
            s3_ref.at[pl.ds(rbase + WR, WR), pl.ds(j * 16, 16)], rows_b, gsem_b).wait()
        bprev, m = scan_rows(rows_b, WR, carry)
        out_v[pl.ds(bprev * 16, 16)] = m

        pltpu.sync_copy(out_v, out_ref.at[w, pl.ds(j * SEGP * 16, SEGP * 16)])
        return 0

    lax.fori_loop(0, nf, chunk_body, 0)


def _sc_segmax(s3, dis1d, b3, batch_pad):
    nf = s3.shape[1] // 16
    mesh = plsc.VectorSubcoreMesh(core_axis_name="c", subcore_axis_name="s")
    return pl.kernel(
        functools.partial(_segmax_body, nf),
        out_type=jax.ShapeDtypeStruct((NW, nf * SEGP * 16), jnp.float32),
        mesh=mesh,
        compiler_params=pltpu.CompilerParams(use_tc_tiling_on_sc=False),
        scratch_types=[
            pltpu.VMEM((WR, 16), jnp.float32),
            pltpu.VMEM((WR, 16), jnp.float32),
            pltpu.VMEM((RW + 16,), jnp.int32),
            pltpu.VMEM((RW + 16,), jnp.float32),
            pltpu.VMEM((nf * 16,), jnp.float32),
            pltpu.VMEM((SEGP * 16,), jnp.float32),
            pltpu.SemaphoreType.DMA,
            pltpu.SemaphoreType.DMA,
        ],
    )(s3, dis1d, b3, batch_pad)


def _dis_body(p_ref, o_ref):
    o_ref[...] = 1.0 / jnp.sqrt(1.0 + p_ref[0] + p_ref[1])


def _tc_dis(partials):
    p = partials.reshape(NC, NP // 128, 128)
    out = pl.pallas_call(
        _dis_body,
        out_shape=jax.ShapeDtypeStruct((NP // 128, 128), jnp.float32),
    )(p)
    return out.reshape(NP, 1)


def _l1_body(x_ref, w_ref, dis_ref, o_ref):
    o_ref[...] = (jnp.dot(x_ref[...], w_ref[0],
                          preferred_element_type=jnp.float32)
                  * dis_ref[...])[None]


def _tc_layer1(x_pad, W, dis):
    k = x_pad.shape[1]
    nf = W.shape[1] // 16
    w_r = W.reshape(k, nf, 16).transpose(1, 0, 2)
    return pl.pallas_call(
        _l1_body,
        grid=(N_RB, nf),
        in_specs=[
            pl.BlockSpec((R, k), lambda i, j: (i, 0)),
            pl.BlockSpec((1, k, 16), lambda i, j: (j, 0, 0)),
            pl.BlockSpec((R, 1), lambda i, j: (i, 0)),
        ],
        out_specs=pl.BlockSpec((1, R, 16), lambda i, j: (j, i, 0)),
        out_shape=jax.ShapeDtypeStruct((nf, NP, 16), jnp.float32),
    )(x_pad, w_r, dis)


def _mid_body(s_ref, w_ref, dis_ref, b_ref, o_ref, h_scr):
    @pl.when(pl.program_id(1) == 0)
    def _():
        h_scr[...] = jnp.maximum(s_ref[...] * dis_ref[...] + b_ref[...], 0.0)

    o_ref[...] = (jnp.dot(h_scr[...], w_ref[0],
                          preferred_element_type=jnp.float32)
                  * dis_ref[...])[None]


def _tc_mid(s_prev, W, dis, b_prev):
    fin = s_prev.shape[1]
    nf = W.shape[1] // 16
    w_r = W.reshape(fin, nf, 16).transpose(1, 0, 2)
    return pl.pallas_call(
        _mid_body,
        grid=(N_RB, nf),
        in_specs=[
            pl.BlockSpec((R, fin), lambda i, j: (i, 0)),
            pl.BlockSpec((1, fin, 16), lambda i, j: (j, 0, 0)),
            pl.BlockSpec((R, 1), lambda i, j: (i, 0)),
            pl.BlockSpec((1, fin), lambda i, j: (0, 0)),
        ],
        out_specs=pl.BlockSpec((1, R, 16), lambda i, j: (j, i, 0)),
        out_shape=jax.ShapeDtypeStruct((nf, NP, 16), jnp.float32),
        scratch_shapes=[pltpu.VMEM((R, fin), jnp.float32)],
    )(s_prev, w_r, dis, b_prev)


def _gmax_body(nf, p_ref, o_ref):
    @pl.when(pl.program_id(0) == 0)
    def _():
        o_ref[...] = jnp.full_like(o_ref, -1e30)
    g = jnp.concatenate([p_ref[0, j] for j in range(nf)], axis=1)
    o_ref[...] = jnp.maximum(o_ref[...], g)


def _tc_gmax(partials_flat, nf):
    p = partials_flat.reshape(NW, nf, SEGP, 16)
    return pl.pallas_call(
        functools.partial(_gmax_body, nf),
        grid=(NW,),
        in_specs=[pl.BlockSpec((1, nf, SEGP, 16), lambda i: (i, 0, 0, 0))],
        out_specs=pl.BlockSpec((SEGP, nf * 16), lambda i: (0, 0)),
        out_shape=jax.ShapeDtypeStruct((SEGP, nf * 16), jnp.float32),
    )(p)


def _head_body(g_ref, tp_ref, wg1_ref, bg1_ref, wg2_ref, bg2_ref,
               wf1_ref, bf1_ref, wf2_ref, bf2_ref, wo_ref, bo_ref, out_ref):
    g = g_ref[...]
    h = jnp.maximum(jnp.dot(g, wg1_ref[...], preferred_element_type=jnp.float32)
                    + bg1_ref[...], 0.0)
    g2 = jnp.dot(h, wg2_ref[...], preferred_element_type=jnp.float32) + bg2_ref[...]
    xc = jnp.concatenate([g2, tp_ref[...]], axis=1)
    f1 = jnp.maximum(jnp.dot(xc, wf1_ref[...], preferred_element_type=jnp.float32)
                     + bf1_ref[...], 0.0)
    f2 = jnp.maximum(jnp.dot(f1, wf2_ref[...], preferred_element_type=jnp.float32)
                     + bf2_ref[...], 0.0)
    out_ref[...] = jnp.dot(f2, wo_ref[...], preferred_element_type=jnp.float32) + bo_ref[...]


def _mlp_head(g, T, P, Wg1, bg1, Wg2, bg2, Wf1, bf1, Wf2, bf2, Wo, bo):
    B = T.shape[0]
    F = Wg1.shape[0]
    Fp = g.shape[1]
    wg1 = jnp.pad(Wg1, ((0, Fp - F), (0, 0)))
    tp = jnp.pad(jnp.stack([T, P], axis=1), ((0, 0), (0, 126)))
    wf1 = jnp.pad(Wf1, ((0, 256 - Wf1.shape[0]), (0, 0)))
    wo = jnp.pad(Wo, ((0, 0), (0, 127)))
    bo_p = jnp.pad(bo, ((0, 127)))
    out = pl.pallas_call(
        _head_body,
        out_shape=jax.ShapeDtypeStruct((B, 128), jnp.float32),
    )(g, tp, wg1, bg1.reshape(1, -1), Wg2, bg2.reshape(1, -1),
      wf1, bf1.reshape(1, -1), Wf2, bf2.reshape(1, -1), wo, bo_p.reshape(1, -1))
    return out[:, :1]


def _pad_w(W, b):
    fin, fout = W.shape
    fi = ((fin + 15) // 16) * 16
    fo = ((fout + 15) // 16) * 16
    return (jnp.pad(W, ((0, fi - fin), (0, fo - fout))),
            jnp.pad(b, (0, fo - fout)).reshape(1, fo))


def kernel(x, edge_index, batch, T, P, W1, b1, W2, b2, W3, b3,
           Wg1, bg1, Wg2, bg2, Wf1, bf1, Wf2, bf2, Wo, bo):
    n = x.shape[0]
    B = T.shape[0]
    src = edge_index[0]
    dst = edge_index[1]

    partials = _sc_deg(dst)
    dis = _tc_dis(partials)

    w1, b1p = _pad_w(W1, b1)
    x_pad = jnp.pad(x, ((0, NP - n), (0, w1.shape[0] - x.shape[1])))
    w2, b2p = _pad_w(W2, b2)
    w3, b3p = _pad_w(W3, b3)
    batch_pad = jnp.concatenate([batch, jnp.full((NP - n,), B, jnp.int32)])

    iota = jnp.arange(n, dtype=jnp.int32)
    pad_e = n + jnp.arange(E_EXT - E_TOT - n, dtype=jnp.int32) % (NP - n)
    src_ext = jnp.concatenate([src, iota, pad_e])
    dst_ext = jnp.concatenate([dst, iota, pad_e])
    zeros_hbm = jnp.zeros((NP, 16), jnp.float32)

    y1 = _tc_layer1(x_pad, w1, dis)
    s1 = _sc_scatter(y1, zeros_hbm, src_ext, dst_ext)
    y2 = _tc_mid(s1, w2, dis, b1p)
    s2 = _sc_scatter(y2, zeros_hbm, src_ext, dst_ext)
    y3 = _tc_mid(s2, w3, dis, b2p)
    s3 = _sc_scatter(y3, zeros_hbm, src_ext, dst_ext)

    partials_g = _sc_segmax(s3, dis.reshape(NP), b3p.reshape(-1), batch_pad)
    g = _tc_gmax(partials_g, w3.shape[1] // 16)
    return _mlp_head(g[:B, :], T, P, Wg1, bg1, Wg2, bg2, Wf1, bf1, Wf2, bf2, Wo, bo)

# --- scband reference (transcript-rebuilt; emitter-appended) ---
"""Pipeline reference for scband-gcnnet-12137577579001 (READ-ONLY COPY).

The authoritative reference and input builder live on the scoring server;
editing this copy changes nothing except your own understanding.
"""

import jax, jax.numpy as jnp
import numpy as np

N = 50000
E = 800000
B = 512


def gcn_conv(x, src, dst, W, b):
    n = x.shape[0]
    deg = jnp.zeros((n,), jnp.float32).at[dst].add(1.0)
    dis = jnp.where(deg > 0, 1.0 / jnp.sqrt(deg), 0.0)
    norm = dis[src] * dis[dst]
    xw = x @ W
    msg = xw[src] * norm[:, None]
    out = jnp.zeros((n, W.shape[1]), xw.dtype).at[dst].add(msg)
    return out + b


def setup_inputs(seed: int = 0):
    key = jax.random.key(seed)
    ks = jax.random.split(key, 32)
    def p(i, shape, s=0.05):
        return jax.random.normal(ks[i], shape, jnp.float32) * s
    inp = {}
    inp["x"] = jax.random.normal(ks[0], (N, 78), jnp.float32)
    inp["edge_index"] = jax.random.randint(ks[1], (2, E), 0, N, jnp.int32)
    inp["batch"] = jnp.sort(jax.random.randint(ks[2], (N,), 0, B, jnp.int32))
    inp["T"] = jax.random.normal(ks[3], (B,), jnp.float32)
    inp["P"] = jax.random.normal(ks[4], (B,), jnp.float32)
    inp["W1"] = p(5, (78, 78)); inp["b1"] = p(6, (78,))
    inp["W2"] = p(7, (78, 156)); inp["b2"] = p(8, (156,))
    inp["W3"] = p(9, (156, 312)); inp["b3"] = p(10, (312,))
    inp["Wg1"] = p(11, (312, 1024)); inp["bg1"] = p(12, (1024,))
    inp["Wg2"] = p(13, (1024, 128)); inp["bg2"] = p(14, (128,))
    inp["Wf1"] = p(15, (130, 1024)); inp["bf1"] = p(16, (1024,))
    inp["Wf2"] = p(17, (1024, 512)); inp["bf2"] = p(18, (512,))
    inp["Wo"] = p(19, (512, 1)); inp["bo"] = p(20, (1,))
    return inp


def reference(x, edge_index, batch, T, P, W1, b1, W2, b2, W3, b3, Wg1, bg1, Wg2, bg2, Wf1, bf1, Wf2, bf2, Wo, bo):
    n = x.shape[0]
    loop = jnp.arange(n, dtype=edge_index.dtype)
    src = jnp.concatenate([edge_index[0], loop])
    dst = jnp.concatenate([edge_index[1], loop])
    h = jax.nn.relu(gcn_conv(x, src, dst, W1, b1))
    h = jax.nn.relu(gcn_conv(h, src, dst, W2, b2))
    h = jax.nn.relu(gcn_conv(h, src, dst, W3, b3))
    g = jax.ops.segment_max(h, batch, num_segments=B)
    g = jax.nn.relu(g @ Wg1 + bg1)
    g = g @ Wg2 + bg2
    xt = jnp.stack([T, P], axis=1)
    xc = jnp.concatenate([g, xt], axis=1)
    xc = jax.nn.relu(xc @ Wf1 + bf1)
    xc = jax.nn.relu(xc @ Wf2 + bf2)
    return xc @ Wo + bo

if __name__ == "__main__":
    import jax
    _d = setup_inputs()
    print(jax.jit(kernel)(*tuple(_d.values())))

</pallas_src>

<mosaic_0001>
#map = affine_map<(d0, d1) -> (0)>
#map1 = affine_map<(d0, d1) -> (0, 0)>
module attributes {stable_mosaic.version = 14 : i64} {
  func.func @_deg_body(%arg0: i32, %arg1: i32, %arg2: memref<800000xi32, #tpu.memory_space<hbm>>, %arg3: memref<2x50176xf32, #tpu.memory_space<hbm>>, %arg4: memref<1000xf32, #tpu.memory_space<vmem>>, %arg5: memref<1000xi32, #tpu.memory_space<vmem>>, %arg6: memref<3136xf32, #tpu.memory_space<vmem>>, %arg7: memref<50176xf32, #tpu.memory_space<vmem_shared>>) attributes {dimension_semantics = [#tpu.dimension_semantics<core_parallel>, #tpu.dimension_semantics<subcore_parallel>], iteration_bounds = array<i64: 2, 16>, scalar_prefetch = 0 : i64, scratch_operands = 4 : i64, tpu.core_type = #tpu.core_type<sc_vector_subcore>, window_params = [{transform_indices = #map}, {transform_indices = #map1}]} {
    %scan3A = arith.constant 0 : i32
    %scan3A_0 = arith.constant 0 : i32
    %scan3A_1 = arith.constant 62 : i32
    %scan3A_2 = arith.addi %scan3A_0, %scan3A_1 : i32
    %scan3A_3 = arith.constant 1 : i32
    %scan3A_4 = scf.for %scan3A_30 = %scan3A_0 to %scan3A_2 step %scan3A_3 iter_args(%scan3A_31 = %scan3A) -> (i32)  : i32 {
      %broadcast_in_dim3A = arith.constant 1.000000e+00 : f32
      %broadcast_in_dim3A_32 = vector.broadcast %broadcast_in_dim3A : f32 to vector<16xf32>
      %mul3A_33 = arith.constant 16 : i32
      %mul3A_34 = arith.muli %scan3A_30, %mul3A_33 : i32
      %swap3A = arith.index_cast %mul3A_34 : i32 to index
      %swap3A_35 = tpu.vector_load %arg4[%swap3A] {strides = array<i32>} : memref<1000xf32, #tpu.memory_space<vmem>>, vector<16xf32>,
      %swap3A_36 = vector.shape_cast %swap3A_35 : vector<16xf32> to vector<16xf32>
      %swap3A_37 = vector.shape_cast %broadcast_in_dim3A_32 : vector<16xf32> to vector<16xf32>
      tpu.vector_store %arg4[%swap3A], %swap3A_37 {strides = array<i32>} : memref<1000xf32, #tpu.memory_space<vmem>>, vector<16xf32>,
      %scan3A_38 = arith.constant 0 : i32
      scf.yield %scan3A_38 : i32
    }
    %scan3A_5 = arith.constant 62 : i32
    %scan3A_6 = arith.constant 0 : i32
    %scan3A_7 = arith.constant 0 : i32
    %scan3A_8 = arith.constant 196 : i32
    %scan3A_9 = arith.addi %scan3A_7, %scan3A_8 : i32
    %scan3A_10 = arith.constant 1 : i32
    %scan3A_11 = scf.for %scan3A_30 = %scan3A_7 to %scan3A_9 step %scan3A_10 iter_args(%scan3A_31 = %scan3A_6) -> (i32)  : i32 {
      %broadcast_in_dim3A = arith.constant 0.000000e+00 : f32
      %broadcast_in_dim3A_32 = vector.broadcast %broadcast_in_dim3A : f32 to vector<16xf32>
      %mul3A_33 = arith.constant 16 : i32
      %mul3A_34 = arith.muli %scan3A_30, %mul3A_33 : i32
      %swap3A = arith.index_cast %mul3A_34 : i32 to index
      %swap3A_35 = tpu.vector_load %arg6[%swap3A] {strides = array<i32>} : memref<3136xf32, #tpu.memory_space<vmem>>, vector<16xf32>,
      %swap3A_36 = vector.shape_cast %swap3A_35 : vector<16xf32> to vector<16xf32>
      %swap3A_37 = vector.shape_cast %broadcast_in_dim3A_32 : vector<16xf32> to vector<16xf32>
      tpu.vector_store %arg6[%swap3A], %swap3A_37 {strides = array<i32>} : memref<3136xf32, #tpu.memory_space<vmem>>, vector<16xf32>,
      %scan3A_38 = arith.constant 0 : i32
      scf.yield %scan3A_38 : i32
    }
    %scan3A_12 = arith.constant 196 : i32
    %mul3A = arith.constant 3136 : i32
    %mul3A_13 = arith.muli %arg1, %mul3A : i32
    "tpu.region"() ({
      %run_scoped3A = tpu.sem_alloc : memref<!tpu.dma_semaphore, #tpu.memory_space<semaphore_mem>>
      %dma_start3A = tpu.memref_slice %arg7[%mul3A_13] : memref<50176xf32, #tpu.memory_space<vmem_shared>> -> memref<3136xf32, #tpu.memory_space<vmem_shared>>
      %dma_start3A_30 = tpu.memref_slice %arg7[%mul3A_13] : memref<50176xf32, #tpu.memory_space<vmem_shared>> -> memref<3136xf32, #tpu.memory_space<vmem_shared>>
      tpu.enqueue_dma source(%arg6 : memref<3136xf32, #tpu.memory_space<vmem>>) target(%dma_start3A_30 : memref<3136xf32, #tpu.memory_space<vmem_shared>>) target_semaphore(%run_scoped3A : memref<!tpu.dma_semaphore, #tpu.memory_space<semaphore_mem>>)
      %dma_wait3A = tpu.memref_slice %arg7[%mul3A_13] : memref<50176xf32, #tpu.memory_space<vmem_shared>> -> memref<3136xf32, #tpu.memory_space<vmem_shared>>
      %dma_wait3A_31 = tpu.memref_slice %arg7[%mul3A_13] : memref<50176xf32, #tpu.memory_space<vmem_shared>> -> memref<3136xf32, #tpu.memory_space<vmem_shared>>
      tpu.wait_dma2 semaphore(%run_scoped3A : memref<!tpu.dma_semaphore, #tpu.memory_space<semaphore_mem>>) src(%arg6 : memref<3136xf32, #tpu.memory_space<vmem>>) dst(%dma_wait3A_31 : memref<3136xf32, #tpu.memory_space<vmem_shared>>)
      tpu.yield
    }) : () -> ()
    %barrier3A = arith.constant 0 : index
    tpu.barrier barrier_id(%barrier3A)
    %mul3A_14 = arith.constant 16 : i32
    %mul3A_15 = arith.muli %arg0, %mul3A_14 : i32
    %add3A = arith.addi %mul3A_15, %arg1 : i32
    %mul3A_16 = arith.constant 25000 : i32
    %mul3A_17 = arith.muli %add3A, %mul3A_16 : i32
    %scan3A_18 = arith.constant 0 : i32
    %scan3A_19 = arith.constant 0 : i32
    %scan3A_20 = arith.constant 25 : i32
    %scan3A_21 = arith.addi %scan3A_19, %scan3A_20 : i32
    %scan3A_22 = arith.constant 1 : i32
    %scan3A_23 = scf.for %scan3A_30 = %scan3A_19 to %scan3A_21 step %scan3A_22 iter_args(%scan3A_31 = %scan3A_18) -> (i32)  : i32 {
      %mul3A_32 = arith.constant 1000 : i32
      %mul3A_33 = arith.muli %scan3A_30, %mul3A_32 : i32
      %add3A_34 = arith.addi %mul3A_17, %mul3A_33 : i32
      "tpu.region"() ({
        %run_scoped3A = tpu.sem_alloc : memref<!tpu.dma_semaphore, #tpu.memory_space<semaphore_mem>>
        %dma_start3A = tpu.memref_slice %arg2[%add3A_34] : memref<800000xi32, #tpu.memory_space<hbm>> -> memref<1000xi32, #tpu.memory_space<hbm>>
        %dma_start3A_36 = tpu.memref_slice %arg2[%add3A_34] : memref<800000xi32, #tpu.memory_space<hbm>> -> memref<1000xi32, #tpu.memory_space<hbm>>
        tpu.enqueue_dma source(%dma_start3A_36 : memref<1000xi32, #tpu.memory_space<hbm>>) target(%arg5 : memref<1000xi32, #tpu.memory_space<vmem>>) target_semaphore(%run_scoped3A : memref<!tpu.dma_semaphore, #tpu.memory_space<semaphore_mem>>)
        %dma_wait3A = tpu.memref_slice %arg2[%add3A_34] : memref<800000xi32, #tpu.memory_space<hbm>> -> memref<1000xi32, #tpu.memory_space<hbm>>
        %dma_wait3A_37 = tpu.memref_slice %arg2[%add3A_34] : memref<800000xi32, #tpu.memory_space<hbm>> -> memref<1000xi32, #tpu.memory_space<hbm>>
        tpu.wait_dma2 semaphore(%run_scoped3A : memref<!tpu.dma_semaphore, #tpu.memory_space<semaphore_mem>>) src(%dma_wait3A_37 : memref<1000xi32, #tpu.memory_space<hbm>>) dst(%arg5 : memref<1000xi32, #tpu.memory_space<vmem>>)
        tpu.yield
      }) : () -> ()
      "tpu.region"() ({
        %run_scoped3A = tpu.sem_alloc : memref<!tpu.dma_semaphore, #tpu.memory_space<semaphore_mem>>
        %dma_start3A = arith.constant 0 : i32
        %dma_start3A_36 = tpu.memref_slice %arg7[%dma_start3A] : memref<50176xf32, #tpu.memory_space<vmem_shared>> -> memref<50176xf32, #tpu.memory_space<vmem_shared>>
        tpu.enqueue_indirect_dma source(%arg4 : memref<1000xf32, #tpu.memory_space<vmem>>) target(%dma_start3A_36 : memref<50176xf32, #tpu.memory_space<vmem_shared>>) offsets(%arg5 : memref<1000xi32, #tpu.memory_space<vmem>>) semaphore(%run_scoped3A : memref<!tpu.dma_semaphore, #tpu.memory_space<semaphore_mem>>) {add = true}
        %dma_wait3A = arith.constant 0 : i32
        %dma_wait3A_37 = tpu.memref_slice %arg7[%dma_wait3A] : memref<50176xf32, #tpu.memory_space<vmem_shared>> -> memref<50176xf32, #tpu.memory_space<vmem_shared>>
        tpu.wait_indirect_dma semaphore(%run_scoped3A : memref<!tpu.dma_semaphore, #tpu.memory_space<semaphore_mem>>) src(%arg4 : memref<1000xf32, #tpu.memory_space<vmem>>) dst(%dma_wait3A_37 : memref<50176xf32, #tpu.memory_space<vmem_shared>>)
        tpu.yield
      }) : () -> ()
      %scan3A_35 = arith.constant 0 : i32
      scf.yield %scan3A_35 : i32
    }
    %scan3A_24 = arith.constant 25 : i32
    %barrier3A_25 = arith.constant 0 : index
    tpu.barrier barrier_id(%barrier3A_25)
    %mul3A_26 = arith.constant 3136 : i32
    %mul3A_27 = arith.muli %arg1, %mul3A_26 : i32
    %mul3A_28 = arith.constant 3136 : i32
    %mul3A_29 = arith.muli %arg1, %mul3A_28 : i32
    "tpu.region"() ({
      %run_scoped3A = tpu.sem_alloc : memref<!tpu.dma_semaphore, #tpu.memory_space<semaphore_mem>>
      %dma_start3A = tpu.memref_slice %arg3[%arg0, %mul3A_29] : memref<2x50176xf32, #tpu.memory_space<hbm>> -> memref<1x3136xf32, #tpu.memory_space<hbm>>
      %dma_start3A_30 = tpu.memref_squeeze %dma_start3A : memref<1x3136xf32, #tpu.memory_space<hbm>> -> memref<3136xf32, #tpu.memory_space<hbm>>
      %dma_start3A_31 = tpu.memref_slice %arg7[%mul3A_27] : memref<50176xf32, #tpu.memory_space<vmem_shared>> -> memref<3136xf32, #tpu.memory_space<vmem_shared>>
      tpu.enqueue_dma source(%dma_start3A_31 : memref<3136xf32, #tpu.memory_space<vmem_shared>>) target(%dma_start3A_30 : memref<3136xf32, #tpu.memory_space<hbm>>) target_semaphore(%run_scoped3A : memref<!tpu.dma_semaphore, #tpu.memory_space<semaphore_mem>>)
      %dma_wait3A = tpu.memref_slice %arg3[%arg0, %mul3A_29] : memref<2x50176xf32, #tpu.memory_space<hbm>> -> memref<1x3136xf32, #tpu.memory_space<hbm>>
      %dma_wait3A_32 = tpu.memref_squeeze %dma_wait3A : memref<1x3136xf32, #tpu.memory_space<hbm>> -> memref<3136xf32, #tpu.memory_space<hbm>>
      %dma_wait3A_33 = tpu.memref_slice %arg7[%mul3A_27] : memref<50176xf32, #tpu.memory_space<vmem_shared>> -> memref<3136xf32, #tpu.memory_space<vmem_shared>>
      tpu.wait_dma2 semaphore(%run_scoped3A : memref<!tpu.dma_semaphore, #tpu.memory_space<semaphore_mem>>) src(%dma_wait3A_33 : memref<3136xf32, #tpu.memory_space<vmem_shared>>) dst(%dma_wait3A_32 : memref<3136xf32, #tpu.memory_space<hbm>>)
      tpu.yield
    }) : () -> ()
    return
  }
}

#map = affine_map<(d0, d1) -> (0, 0, 0)>
#map1 = affine_map<(d0, d1) -> (0, 0)>
#map2 = affine_map<(d0, d1) -> (0)>
module attributes {stable_mosaic.version = 14 : i64} {
  func.func @_scatter_body(%arg0: i32, %arg1: i32, %arg2: memref<10x50176x16xf32, #tpu.memory_space<hbm>>, %arg3: memref<50176x16xf32, #tpu.memory_space<hbm>>, %arg4: memref<864000xi32, #tpu.memory_space<hbm>>, %arg5: memref<864000xi32, #tpu.memory_space<hbm>>, %arg6: memref<50176x160xf32, #tpu.memory_space<hbm>>, %arg7: memref<2000xi32, #tpu.memory_space<vmem>>, %arg8: memref<2000xi32, #tpu.memory_space<vmem>>, %arg9: memref<2000x16xf32, #tpu.memory_space<vmem>>, %arg10: memref<2000xi32, #tpu.memory_space<vmem>>, %arg11: memref<2000xi32, #tpu.memory_space<vmem>>, %arg12: memref<2000x16xf32, #tpu.memory_space<vmem>>, %arg13: memref<50176x16xf32, #tpu.memory_space<vmem_shared>>, %arg14: memref<!tpu.dma_semaphore, #tpu.memory_space<semaphore_mem>>, %arg15: memref<!tpu.dma_semaphore, #tpu.memory_space<semaphore_mem>>) attributes {dimension_semantics = [#tpu.dimension_semantics<core_parallel>, #tpu.dimension_semantics<subcore_parallel>], iteration_bounds = array<i64: 2, 16>, scalar_prefetch = 0 : i64, scratch_operands = 9 : i64, tpu.core_type = #tpu.core_type<sc_vector_subcore>, window_params = [{transform_indices = #map}, {transform_indices = #map1}, {transform_indices = #map2}, {transform_indices = #map2}, {transform_indices = #map1}]} {
    %mul3A = arith.constant 54000 : i32
    %mul3A_0 = arith.muli %arg1, %mul3A : i32
    %sub3A = arith.constant 10 : i32
    %sub3A_1 = arith.subi %sub3A, %arg0 : i32
    %add3A = arith.constant 1 : i32
    %add3A_2 = arith.addi %sub3A_1, %add3A : i32
    %jit3A = arith.constant 2 : i32
    %div3A = arith.divsi %add3A_2, %jit3A : i32
    %sign3A = arith.constant 0 : i32
    %sign3A_3 = arith.cmpi sgt, %add3A_2, %sign3A : i32
    %sign3A_4 = arith.extui %sign3A_3 : i1 to i32
    %sign3A_5 = arith.constant 0 : i32
    %sign3A_6 = arith.cmpi slt, %add3A_2, %sign3A_5 : i32
    %sign3A_7 = arith.extui %sign3A_6 : i1 to i32
    %sign3A_8 = arith.subi %sign3A_4, %sign3A_7 : i32
    %sign3A_9 = arith.constant 0 : i32
    %sign3A_10 = arith.cmpi sgt, %jit3A, %sign3A_9 : i32
    %sign3A_11 = arith.extui %sign3A_10 : i1 to i32
    %sign3A_12 = arith.constant 0 : i32
    %sign3A_13 = arith.cmpi slt, %jit3A, %sign3A_12 : i32
    %sign3A_14 = arith.extui %sign3A_13 : i1 to i32
    %sign3A_15 = arith.subi %sign3A_11, %sign3A_14 : i32
    %ne3A = arith.cmpi ne, %sign3A_8, %sign3A_15 : i32
    %rem3A = arith.remsi %add3A_2, %jit3A : i32
    %ne3A_16 = arith.constant 0 : i32
    %ne3A_17 = arith.cmpi ne, %rem3A, %ne3A_16 : i32
    %and3A = arith.andi %ne3A, %ne3A_17 : i1
    %sub3A_18 = arith.constant 1 : i32
    %sub3A_19 = arith.subi %div3A, %sub3A_18 : i32
    %select_n3A = arith.select %and3A, %sub3A_19, %div3A : i32
    %while3A = arith.constant 0 : i32
    %while3A_20 = arith.constant 0 : i32
    %while3A_21 = arith.subi %select_n3A, %while3A : i32
    %while3A_22 = arith.addi %while3A, %while3A_21 : i32
    %while3A_23 = arith.constant 1 : i32
    %while3A_24 = arith.divsi %while3A_21, %while3A_23 : i32
    %while3A_25 = arith.muli %while3A_24, %while3A_23 : i32
    %while3A_26 = arith.addi %while3A, %while3A_25 : i32
    %while3A_27 = arith.constant 1 : i32
    %while3A_28 = scf.for %while3A_31 = %while3A to %while3A_26 step %while3A_27 iter_args(%while3A_32 = %while3A_20) -> (i32)  : i32 {
      %mul3A_33 = arith.constant 2 : i32
      %mul3A_34 = arith.muli %mul3A_33, %while3A_31 : i32
      %add3A_35 = arith.addi %arg0, %mul3A_34 : i32
      %mul3A_36 = arith.constant 3136 : i32
      %mul3A_37 = arith.muli %arg1, %mul3A_36 : i32
      %mul3A_38 = arith.constant 3136 : i32
      %mul3A_39 = arith.muli %arg1, %mul3A_38 : i32
      "tpu.region"() ({
        %run_scoped3A = tpu.sem_alloc : memref<!tpu.dma_semaphore, #tpu.memory_space<semaphore_mem>>
        %dma_start3A_68 = arith.constant 0 : i32
        %dma_start3A_69 = tpu.memref_slice %arg13[%mul3A_39, %dma_start3A_68] : memref<50176x16xf32, #tpu.memory_space<vmem_shared>> -> memref<3136x16xf32, #tpu.memory_space<vmem_shared>>
        %dma_start3A_70 = arith.constant 0 : i32
        %dma_start3A_71 = tpu.memref_slice %arg3[%mul3A_37, %dma_start3A_70] : memref<50176x16xf32, #tpu.memory_space<hbm>> -> memref<3136x16xf32, #tpu.memory_space<hbm>>
        tpu.enqueue_dma source(%dma_start3A_71 : memref<3136x16xf32, #tpu.memory_space<hbm>>) target(%dma_start3A_69 : memref<3136x16xf32, #tpu.memory_space<vmem_shared>>) target_semaphore(%run_scoped3A : memref<!tpu.dma_semaphore, #tpu.memory_space<semaphore_mem>>)
        %dma_wait3A_72 = arith.constant 0 : i32
        %dma_wait3A_73 = tpu.memref_slice %arg13[%mul3A_39, %dma_wait3A_72] : memref<50176x16xf32, #tpu.memory_space<vmem_shared>> -> memref<3136x16xf32, #tpu.memory_space<vmem_shared>>
        %dma_wait3A_74 = arith.constant 0 : i32
        %dma_wait3A_75 = tpu.memref_slice %arg3[%mul3A_37, %dma_wait3A_74] : memref<50176x16xf32, #tpu.memory_space<hbm>> -> memref<3136x16xf32, #tpu.memory_space<hbm>>
        tpu.wait_dma2 semaphore(%run_scoped3A : memref<!tpu.dma_semaphore, #tpu.memory_space<semaphore_mem>>) src(%dma_wait3A_75 : memref<3136x16xf32, #tpu.memory_space<hbm>>) dst(%dma_wait3A_73 : memref<3136x16xf32, #tpu.memory_space<vmem_shared>>)
        tpu.yield
      }) : () -> ()
      %barrier3A = arith.constant 0 : index
      tpu.barrier barrier_id(%barrier3A)
      %add3A_40 = arith.constant 0 : i32
      %add3A_41 = arith.addi %mul3A_0, %add3A_40 : i32
      "tpu.region"() ({
        %run_scoped3A = tpu.sem_alloc : memref<!tpu.dma_semaphore, #tpu.memory_space<semaphore_mem>>
        %dma_start3A_68 = tpu.memref_slice %arg4[%add3A_41] : memref<864000xi32, #tpu.memory_space<hbm>> -> memref<2000xi32, #tpu.memory_space<hbm>>
        %dma_start3A_69 = tpu.memref_slice %arg4[%add3A_41] : memref<864000xi32, #tpu.memory_space<hbm>> -> memref<2000xi32, #tpu.memory_space<hbm>>
        tpu.enqueue_dma source(%dma_start3A_69 : memref<2000xi32, #tpu.memory_space<hbm>>) target(%arg7 : memref<2000xi32, #tpu.memory_space<vmem>>) target_semaphore(%run_scoped3A : memref<!tpu.dma_semaphore, #tpu.memory_space<semaphore_mem>>)
        %dma_wait3A_70 = tpu.memref_slice %arg4[%add3A_41] : memref<864000xi32, #tpu.memory_space<hbm>> -> memref<2000xi32, #tpu.memory_space<hbm>>
        %dma_wait3A_71 = tpu.memref_slice %arg4[%add3A_41] : memref<864000xi32, #tpu.memory_space<hbm>> -> memref<2000xi32, #tpu.memory_space<hbm>>
        tpu.wait_dma2 semaphore(%run_scoped3A : memref<!tpu.dma_semaphore, #tpu.memory_space<semaphore_mem>>) src(%dma_wait3A_71 : memref<2000xi32, #tpu.memory_space<hbm>>) dst(%arg7 : memref<2000xi32, #tpu.memory_space<vmem>>)
        tpu.yield
      }) : () -> ()
      "tpu.region"() ({
        %run_scoped3A = tpu.sem_alloc : memref<!tpu.dma_semaphore, #tpu.memory_space<semaphore_mem>>
        %dma_start3A_68 = tpu.memref_slice %arg5[%add3A_41] : memref<864000xi32, #tpu.memory_space<hbm>> -> memref<2000xi32, #tpu.memory_space<hbm>>
        %dma_start3A_69 = tpu.memref_slice %arg5[%add3A_41] : memref<864000xi32, #tpu.memory_space<hbm>> -> memref<2000xi32, #tpu.memory_space<hbm>>
        tpu.enqueue_dma source(%dma_start3A_69 : memref<2000xi32, #tpu.memory_space<hbm>>) target(%arg8 : memref<2000xi32, #tpu.memory_space<vmem>>) target_semaphore(%run_scoped3A : memref<!tpu.dma_semaphore, #tpu.memory_space<semaphore_mem>>)
        %dma_wait3A_70 = tpu.memref_slice %arg5[%add3A_41] : memref<864000xi32, #tpu.memory_space<hbm>> -> memref<2000xi32, #tpu.memory_space<hbm>>
        %dma_wait3A_71 = tpu.memref_slice %arg5[%add3A_41] : memref<864000xi32, #tpu.memory_space<hbm>> -> memref<2000xi32, #tpu.memory_space<hbm>>
        tpu.wait_dma2 semaphore(%run_scoped3A : memref<!tpu.dma_semaphore, #tpu.memory_space<semaphore_mem>>) src(%dma_wait3A_71 : memref<2000xi32, #tpu.memory_space<hbm>>) dst(%arg8 : memref<2000xi32, #tpu.memory_space<vmem>>)
        tpu.yield
      }) : () -> ()
      %dma_start3A = arith.constant 0 : i32
      %dma_start3A_42 = arith.constant 0 : i32
      %dma_start3A_43 = tpu.memref_slice %arg2[%add3A_35, %dma_start3A, %dma_start3A_42] : memref<10x50176x16xf32, #tpu.memory_space<hbm>> -> memref<1x50176x16xf32, #tpu.memory_space<hbm>>
      %dma_start3A_44 = tpu.memref_squeeze %dma_start3A_43 : memref<1x50176x16xf32, #tpu.memory_space<hbm>> -> memref<50176x16xf32, #tpu.memory_space<hbm>>
      %dma_start3A_45 = arith.constant 0 : i32
      %dma_start3A_46 = arith.constant 0 : i32
      %dma_start3A_47 = tpu.memref_slice %dma_start3A_44[%dma_start3A_45, %dma_start3A_46] : memref<50176x16xf32, #tpu.memory_space<hbm>> -> memref<50176x16xf32, #tpu.memory_space<hbm>>
      tpu.enqueue_indirect_dma source(%dma_start3A_47 : memref<50176x16xf32, #tpu.memory_space<hbm>>) target(%arg9 : memref<2000x16xf32, #tpu.memory_space<vmem>>) offsets(%arg7 : memref<2000xi32, #tpu.memory_space<vmem>>) semaphore(%arg14 : memref<!tpu.dma_semaphore, #tpu.memory_space<semaphore_mem>>)
      %scan3A = arith.constant 0 : i32
      %scan3A_48 = arith.constant 0 : i32
      %scan3A_49 = arith.constant 13 : i32
      %scan3A_50 = arith.addi %scan3A_48, %scan3A_49 : i32
      %scan3A_51 = arith.constant 1 : i32
      %scan3A_52 = scf.for %scan3A_68 = %scan3A_48 to %scan3A_50 step %scan3A_51 iter_args(%scan3A_69 = %scan3A) -> (i32)  : i32 {
        %mul3A_70 = arith.constant 2 : i32
        %mul3A_71 = arith.muli %mul3A_70, %scan3A_68 : i32
        %add3A_72 = arith.constant 1 : i32
        %add3A_73 = arith.addi %mul3A_71, %add3A_72 : i32
        %mul3A_74 = arith.constant 2000 : i32
        %mul3A_75 = arith.muli %add3A_73, %mul3A_74 : i32
        %add3A_76 = arith.addi %mul3A_0, %mul3A_75 : i32
        "tpu.region"() ({
          %run_scoped3A = tpu.sem_alloc : memref<!tpu.dma_semaphore, #tpu.memory_space<semaphore_mem>>
          %dma_start3A_111 = tpu.memref_slice %arg4[%add3A_76] : memref<864000xi32, #tpu.memory_space<hbm>> -> memref<2000xi32, #tpu.memory_space<hbm>>
          %dma_start3A_112 = tpu.memref_slice %arg4[%add3A_76] : memref<864000xi32, #tpu.memory_space<hbm>> -> memref<2000xi32, #tpu.memory_space<hbm>>
          tpu.enqueue_dma source(%dma_start3A_112 : memref<2000xi32, #tpu.memory_space<hbm>>) target(%arg10 : memref<2000xi32, #tpu.memory_space<vmem>>) target_semaphore(%run_scoped3A : memref<!tpu.dma_semaphore, #tpu.memory_space<semaphore_mem>>)
          %dma_wait3A_113 = tpu.memref_slice %arg4[%add3A_76] : memref<864000xi32, #tpu.memory_space<hbm>> -> memref<2000xi32, #tpu.memory_space<hbm>>
          %dma_wait3A_114 = tpu.memref_slice %arg4[%add3A_76] : memref<864000xi32, #tpu.memory_space<hbm>> -> memref<2000xi32, #tpu.memory_space<hbm>>
          tpu.wait_dma2 semaphore(%run_scoped3A : memref<!tpu.dma_semaphore, #tpu.memory_space<semaphore_mem>>) src(%dma_wait3A_114 : memref<2000xi32, #tpu.memory_space<hbm>>) dst(%arg10 : memref<2000xi32, #tpu.memory_space<vmem>>)
          tpu.yield
        }) : () -> ()
        "tpu.region"() ({
          %run_scoped3A = tpu.sem_alloc : memref<!tpu.dma_semaphore, #tpu.memory_space<semaphore_mem>>
          %dma_start3A_111 = tpu.memref_slice %arg5[%add3A_76] : memref<864000xi32, #tpu.memory_space<hbm>> -> memref<2000xi32, #tpu.memory_space<hbm>>
          %dma_start3A_112 = tpu.memref_slice %arg5[%add3A_76] : memref<864000xi32, #tpu.memory_space<hbm>> -> memref<2000xi32, #tpu.memory_space<hbm>>
          tpu.enqueue_dma source(%dma_start3A_112 : memref<2000xi32, #tpu.memory_space<hbm>>) target(%arg11 : memref<2000xi32, #tpu.memory_space<vmem>>) target_semaphore(%run_scoped3A : memref<!tpu.dma_semaphore, #tpu.memory_space<semaphore_mem>>)
          %dma_wait3A_113 = tpu.memref_slice %arg5[%add3A_76] : memref<864000xi32, #tpu.memory_space<hbm>> -> memref<2000xi32, #tpu.memory_space<hbm>>
          %dma_wait3A_114 = tpu.memref_slice %arg5[%add3A_76] : memref<864000xi32, #tpu.memory_space<hbm>> -> memref<2000xi32, #tpu.memory_space<hbm>>
          tpu.wait_dma2 semaphore(%run_scoped3A : memref<!tpu.dma_semaphore, #tpu.memory_space<semaphore_mem>>) src(%dma_wait3A_114 : memref<2000xi32, #tpu.memory_space<hbm>>) dst(%arg11 : memref<2000xi32, #tpu.memory_space<vmem>>)
          tpu.yield
        }) : () -> ()
        %dma_start3A_77 = arith.constant 0 : i32
        %dma_start3A_78 = arith.constant 0 : i32
        %dma_start3A_79 = tpu.memref_slice %arg2[%add3A_35, %dma_start3A_77, %dma_start3A_78] : memref<10x50176x16xf32, #tpu.memory_space<hbm>> -> memref<1x50176x16xf32, #tpu.memory_space<hbm>>
        %dma_start3A_80 = tpu.memref_squeeze %dma_start3A_79 : memref<1x50176x16xf32, #tpu.memory_space<hbm>> -> memref<50176x16xf32, #tpu.memory_space<hbm>>
        %dma_start3A_81 = arith.constant 0 : i32
        %dma_start3A_82 = arith.constant 0 : i32
        %dma_start3A_83 = tpu.memref_slice %dma_start3A_80[%dma_start3A_81, %dma_start3A_82] : memref<50176x16xf32, #tpu.memory_space<hbm>> -> memref<50176x16xf32, #tpu.memory_space<hbm>>
        tpu.enqueue_indirect_dma source(%dma_start3A_83 : memref<50176x16xf32, #tpu.memory_space<hbm>>) target(%arg12 : memref<2000x16xf32, #tpu.memory_space<vmem>>) offsets(%arg10 : memref<2000xi32, #tpu.memory_space<vmem>>) semaphore(%arg15 : memref<!tpu.dma_semaphore, #tpu.memory_space<semaphore_mem>>)
        %dma_wait3A_84 = arith.constant 0 : i32
        %dma_wait3A_85 = arith.constant 0 : i32
        %dma_wait3A_86 = tpu.memref_slice %arg2[%add3A_35, %dma_wait3A_84, %dma_wait3A_85] : memref<10x50176x16xf32, #tpu.memory_space<hbm>> -> memref<1x50176x16xf32, #tpu.memory_space<hbm>>
        %dma_wait3A_87 = tpu.memref_squeeze %dma_wait3A_86 : memref<1x50176x16xf32, #tpu.memory_space<hbm>> -> memref<50176x16xf32, #tpu.memory_space<hbm>>
        %dma_wait3A_88 = arith.constant 0 : i32
        %dma_wait3A_89 = arith.constant 0 : i32
        %dma_wait3A_90 = tpu.memref_slice %dma_wait3A_87[%dma_wait3A_88, %dma_wait3A_89] : memref<50176x16xf32, #tpu.memory_space<hbm>> -> memref<50176x16xf32, #tpu.memory_space<hbm>>
        tpu.wait_indirect_dma semaphore(%arg14 : memref<!tpu.dma_semaphore, #tpu.memory_space<semaphore_mem>>) src(%dma_wait3A_90 : memref<50176x16xf32, #tpu.memory_space<hbm>>) dst(%arg9 : memref<2000x16xf32, #tpu.memory_space<vmem>>)
        "tpu.region"() ({
          %run_scoped3A = tpu.sem_alloc : memref<!tpu.dma_semaphore, #tpu.memory_space<semaphore_mem>>
          %dma_start3A_111 = arith.constant 0 : i32
          %dma_start3A_112 = arith.constant 0 : i32
          %dma_start3A_113 = tpu.memref_slice %arg13[%dma_start3A_111, %dma_start3A_112] : memref<50176x16xf32, #tpu.memory_space<vmem_shared>> -> memref<50176x16xf32, #tpu.memory_space<vmem_shared>>
          tpu.enqueue_indirect_dma source(%arg9 : memref<2000x16xf32, #tpu.memory_space<vmem>>) target(%dma_start3A_113 : memref<50176x16xf32, #tpu.memory_space<vmem_shared>>) offsets(%arg8 : memref<2000xi32, #tpu.memory_space<vmem>>) semaphore(%run_scoped3A : memref<!tpu.dma_semaphore, #tpu.memory_space<semaphore_mem>>) {add = true}
          %dma_wait3A_114 = arith.constant 0 : i32
          %dma_wait3A_115 = arith.constant 0 : i32
          %dma_wait3A_116 = tpu.memref_slice %arg13[%dma_wait3A_114, %dma_wait3A_115] : memref<50176x16xf32, #tpu.memory_space<vmem_shared>> -> memref<50176x16xf32, #tpu.memory_space<vmem_shared>>
          tpu.wait_indirect_dma semaphore(%run_scoped3A : memref<!tpu.dma_semaphore, #tpu.memory_space<semaphore_mem>>) src(%arg9 : memref<2000x16xf32, #tpu.memory_space<vmem>>) dst(%dma_wait3A_116 : memref<50176x16xf32, #tpu.memory_space<vmem_shared>>)
          tpu.yield
        }) : () -> ()
        %add3A_91 = arith.constant 2 : i32
        %add3A_92 = arith.addi %mul3A_71, %add3A_91 : i32
        %mul3A_93 = arith.constant 2000 : i32
        %mul3A_94 = arith.muli %add3A_92, %mul3A_93 : i32
        %add3A_95 = arith.addi %mul3A_0, %mul3A_94 : i32
        "tpu.region"() ({
          %run_scoped3A = tpu.sem_alloc : memref<!tpu.dma_semaphore, #tpu.memory_space<semaphore_mem>>
          %dma_start3A_111 = tpu.memref_slice %arg4[%add3A_95] : memref<864000xi32, #tpu.memory_space<hbm>> -> memref<2000xi32, #tpu.memory_space<hbm>>
          %dma_start3A_112 = tpu.memref_slice %arg4[%add3A_95] : memref<864000xi32, #tpu.memory_space<hbm>> -> memref<2000xi32, #tpu.memory_space<hbm>>
          tpu.enqueue_dma source(%dma_start3A_112 : memref<2000xi32, #tpu.memory_space<hbm>>) target(%arg7 : memref<2000xi32, #tpu.memory_space<vmem>>) target_semaphore(%run_scoped3A : memref<!tpu.dma_semaphore, #tpu.memory_space<semaphore_mem>>)
          %dma_wait3A_113 = tpu.memref_slice %arg4[%add3A_95] : memref<864000xi32, #tpu.memory_space<hbm>> -> memref<2000xi32, #tpu.memory_space<hbm>>
          %dma_wait3A_114 = tpu.memref_slice %arg4[%add3A_95] : memref<864000xi32, #tpu.memory_space<hbm>> -> memref<2000xi32, #tpu.memory_space<hbm>>
          tpu.wait_dma2 semaphore(%run_scoped3A : memref<!tpu.dma_semaphore, #tpu.memory_space<semaphore_mem>>) src(%dma_wait3A_114 : memref<2000xi32, #tpu.memory_space<hbm>>) dst(%arg7 : memref<2000xi32, #tpu.memory_space<vmem>>)
          tpu.yield
        }) : () -> ()
        "tpu.region"() ({
          %run_scoped3A = tpu.sem_alloc : memref<!tpu.dma_semaphore, #tpu.memory_space<semaphore_mem>>
          %dma_start3A_111 = tpu.memref_slice %arg5[%add3A_95] : memref<864000xi32, #tpu.memory_space<hbm>> -> memref<2000xi32, #tpu.memory_space<hbm>>
          %dma_start3A_112 = tpu.memref_slice %arg5[%add3A_95] : memref<864000xi32, #tpu.memory_space<hbm>> -> memref<2000xi32, #tpu.memory_space<hbm>>
          tpu.enqueue_dma source(%dma_start3A_112 : memref<2000xi32, #tpu.memory_space<hbm>>) target(%arg8 : memref<2000xi32, #tpu.memory_space<vmem>>) target_semaphore(%run_scoped3A : memref<!tpu.dma_semaphore, #tpu.memory_space<semaphore_mem>>)
          %dma_wait3A_113 = tpu.memref_slice %arg5[%add3A_95] : memref<864000xi32, #tpu.memory_space<hbm>> -> memref<2000xi32, #tpu.memory_space<hbm>>
          %dma_wait3A_114 = tpu.memref_slice %arg5[%add3A_95] : memref<864000xi32, #tpu.memory_space<hbm>> -> memref<2000xi32, #tpu.memory_space<hbm>>
          tpu.wait_dma2 semaphore(%run_scoped3A : memref<!tpu.dma_semaphore, #tpu.memory_space<semaphore_mem>>) src(%dma_wait3A_114 : memref<2000xi32, #tpu.memory_space<hbm>>) dst(%arg8 : memref<2000xi32, #tpu.memory_space<vmem>>)
          tpu.yield
        }) : () -> ()
        %dma_start3A_96 = arith.constant 0 : i32
        %dma_start3A_97 = arith.constant 0 : i32
        %dma_start3A_98 = tpu.memref_slice %arg2[%add3A_35, %dma_start3A_96, %dma_start3A_97] : memref<10x50176x16xf32, #tpu.memory_space<hbm>> -> memref<1x50176x16xf32, #tpu.memory_space<hbm>>
        %dma_start3A_99 = tpu.memref_squeeze %dma_start3A_98 : memref<1x50176x16xf32, #tpu.memory_space<hbm>> -> memref<50176x16xf32, #tpu.memory_space<hbm>>
        %dma_start3A_100 = arith.constant 0 : i32
        %dma_start3A_101 = arith.constant 0 : i32
        %dma_start3A_102 = tpu.memref_slice %dma_start3A_99[%dma_start3A_100, %dma_start3A_101] : memref<50176x16xf32, #tpu.memory_space<hbm>> -> memref<50176x16xf32, #tpu.memory_space<hbm>>
        tpu.enqueue_indirect_dma source(%dma_start3A_102 : memref<50176x16xf32, #tpu.memory_space<hbm>>) target(%arg9 : memref<2000x16xf32, #tpu.memory_space<vmem>>) offsets(%arg7 : memref<2000xi32, #tpu.memory_space<vmem>>) semaphore(%arg14 : memref<!tpu.dma_semaphore, #tpu.memory_space<semaphore_mem>>)
        %dma_wait3A_103 = arith.constant 0 : i32
        %dma_wait3A_104 = arith.constant 0 : i32
        %dma_wait3A_105 = tpu.memref_slice %arg2[%add3A_35, %dma_wait3A_103, %dma_wait3A_104] : memref<10x50176x16xf32, #tpu.memory_space<hbm>> -> memref<1x50176x16xf32, #tpu.memory_space<hbm>>
        %dma_wait3A_106 = tpu.memref_squeeze %dma_wait3A_105 : memref<1x50176x16xf32, #tpu.memory_space<hbm>> -> memref<50176x16xf32, #tpu.memory_space<hbm>>
        %dma_wait3A_107 = arith.constant 0 : i32
        %dma_wait3A_108 = arith.constant 0 : i32
        %dma_wait3A_109 = tpu.memref_slice %dma_wait3A_106[%dma_wait3A_107, %dma_wait3A_108] : memref<50176x16xf32, #tpu.memory_space<hbm>> -> memref<50176x16xf32, #tpu.memory_space<hbm>>
        tpu.wait_indirect_dma semaphore(%arg15 : memref<!tpu.dma_semaphore, #tpu.memory_space<semaphore_mem>>) src(%dma_wait3A_109 : memref<50176x16xf32, #tpu.memory_space<hbm>>) dst(%arg12 : memref<2000x16xf32, #tpu.memory_space<vmem>>)
        "tpu.region"() ({
          %run_scoped3A = tpu.sem_alloc : memref<!tpu.dma_semaphore, #tpu.memory_space<semaphore_mem>>
          %dma_start3A_111 = arith.constant 0 : i32
          %dma_start3A_112 = arith.constant 0 : i32
          %dma_start3A_113 = tpu.memref_slice %arg13[%dma_start3A_111, %dma_start3A_112] : memref<50176x16xf32, #tpu.memory_space<vmem_shared>> -> memref<50176x16xf32, #tpu.memory_space<vmem_shared>>
          tpu.enqueue_indirect_dma source(%arg12 : memref<2000x16xf32, #tpu.memory_space<vmem>>) target(%dma_start3A_113 : memref<50176x16xf32, #tpu.memory_space<vmem_shared>>) offsets(%arg11 : memref<2000xi32, #tpu.memory_space<vmem>>) semaphore(%run_scoped3A : memref<!tpu.dma_semaphore, #tpu.memory_space<semaphore_mem>>) {add = true}
          %dma_wait3A_114 = arith.constant 0 : i32
          %dma_wait3A_115 = arith.constant 0 : i32
          %dma_wait3A_116 = tpu.memref_slice %arg13[%dma_wait3A_114, %dma_wait3A_115] : memref<50176x16xf32, #tpu.memory_space<vmem_shared>> -> memref<50176x16xf32, #tpu.memory_space<vmem_shared>>
          tpu.wait_indirect_dma semaphore(%run_scoped3A : memref<!tpu.dma_semaphore, #tpu.memory_space<semaphore_mem>>) src(%arg12 : memref<2000x16xf32, #tpu.memory_space<vmem>>) dst(%dma_wait3A_116 : memref<50176x16xf32, #tpu.memory_space<vmem_shared>>)
          tpu.yield
        }) : () -> ()
        %scan3A_110 = arith.constant 0 : i32
        scf.yield %scan3A_110 : i32
      }
      %scan3A_53 = arith.constant 13 : i32
      %dma_wait3A = arith.constant 0 : i32
      %dma_wait3A_54 = arith.constant 0 : i32
      %dma_wait3A_55 = tpu.memref_slice %arg2[%add3A_35, %dma_wait3A, %dma_wait3A_54] : memref<10x50176x16xf32, #tpu.memory_space<hbm>> -> memref<1x50176x16xf32, #tpu.memory_space<hbm>>
      %dma_wait3A_56 = tpu.memref_squeeze %dma_wait3A_55 : memref<1x50176x16xf32, #tpu.memory_space<hbm>> -> memref<50176x16xf32, #tpu.memory_space<hbm>>
      %dma_wait3A_57 = arith.constant 0 : i32
      %dma_wait3A_58 = arith.constant 0 : i32
      %dma_wait3A_59 = tpu.memref_slice %dma_wait3A_56[%dma_wait3A_57, %dma_wait3A_58] : memref<50176x16xf32, #tpu.memory_space<hbm>> -> memref<50176x16xf32, #tpu.memory_space<hbm>>
      tpu.wait_indirect_dma semaphore(%arg14 : memref<!tpu.dma_semaphore, #tpu.memory_space<semaphore_mem>>) src(%dma_wait3A_59 : memref<50176x16xf32, #tpu.memory_space<hbm>>) dst(%arg9 : memref<2000x16xf32, #tpu.memory_space<vmem>>)
      "tpu.region"() ({
        %run_scoped3A = tpu.sem_alloc : memref<!tpu.dma_semaphore, #tpu.memory_space<semaphore_mem>>
        %dma_start3A_68 = arith.constant 0 : i32
        %dma_start3A_69 = arith.constant 0 : i32
        %dma_start3A_70 = tpu.memref_slice %arg13[%dma_start3A_68, %dma_start3A_69] : memref<50176x16xf32, #tpu.memory_space<vmem_shared>> -> memref<50176x16xf32, #tpu.memory_space<vmem_shared>>
        tpu.enqueue_indirect_dma source(%arg9 : memref<2000x16xf32, #tpu.memory_space<vmem>>) target(%dma_start3A_70 : memref<50176x16xf32, #tpu.memory_space<vmem_shared>>) offsets(%arg8 : memref<2000xi32, #tpu.memory_space<vmem>>) semaphore(%run_scoped3A : memref<!tpu.dma_semaphore, #tpu.memory_space<semaphore_mem>>) {add = true}
        %dma_wait3A_71 = arith.constant 0 : i32
        %dma_wait3A_72 = arith.constant 0 : i32
        %dma_wait3A_73 = tpu.memref_slice %arg13[%dma_wait3A_71, %dma_wait3A_72] : memref<50176x16xf32, #tpu.memory_space<vmem_shared>> -> memref<50176x16xf32, #tpu.memory_space<vmem_shared>>
        tpu.wait_indirect_dma semaphore(%run_scoped3A : memref<!tpu.dma_semaphore, #tpu.memory_space<semaphore_mem>>) src(%arg9 : memref<2000x16xf32, #tpu.memory_space<vmem>>) dst(%dma_wait3A_73 : memref<50176x16xf32, #tpu.memory_space<vmem_shared>>)
        tpu.yield
      }) : () -> ()
      %barrier3A_60 = arith.constant 0 : index
      tpu.barrier barrier_id(%barrier3A_60)
      %mul3A_61 = arith.constant 3136 : i32
      %mul3A_62 = arith.muli %arg1, %mul3A_61 : i32
      %mul3A_63 = arith.constant 3136 : i32
      %mul3A_64 = arith.muli %arg1, %mul3A_63 : i32
      %mul3A_65 = arith.constant 16 : i32
      %mul3A_66 = arith.muli %add3A_35, %mul3A_65 : i32
      "tpu.region"() ({
        %run_scoped3A = tpu.sem_alloc : memref<!tpu.dma_semaphore, #tpu.memory_space<semaphore_mem>>
        %dma_start3A_68 = tpu.memref_slice %arg6[%mul3A_64, %mul3A_66] : memref<50176x160xf32, #tpu.memory_space<hbm>> -> memref<3136x16xf32, #tpu.memory_space<hbm>>
        %dma_start3A_69 = arith.constant 0 : i32
        %dma_start3A_70 = tpu.memref_slice %arg13[%mul3A_62, %dma_start3A_69] : memref<50176x16xf32, #tpu.memory_space<vmem_shared>> -> memref<3136x16xf32, #tpu.memory_space<vmem_shared>>
        tpu.enqueue_dma source(%dma_start3A_70 : memref<3136x16xf32, #tpu.memory_space<vmem_shared>>) target(%dma_start3A_68 : memref<3136x16xf32, #tpu.memory_space<hbm>>) target_semaphore(%run_scoped3A : memref<!tpu.dma_semaphore, #tpu.memory_space<semaphore_mem>>)
        %dma_wait3A_71 = tpu.memref_slice %arg6[%mul3A_64, %mul3A_66] : memref<50176x160xf32, #tpu.memory_space<hbm>> -> memref<3136x16xf32, #tpu.memory_space<hbm>>
        %dma_wait3A_72 = arith.constant 0 : i32
        %dma_wait3A_73 = tpu.memref_slice %arg13[%mul3A_62, %dma_wait3A_72] : memref<50176x16xf32, #tpu.memory_space<vmem_shared>> -> memref<3136x16xf32, #tpu.memory_space<vmem_shared>>
        tpu.wait_dma2 semaphore(%run_scoped3A : memref<!tpu.dma_semaphore, #tpu.memory_space<semaphore_mem>>) src(%dma_wait3A_73 : memref<3136x16xf32, #tpu.memory_space<vmem_shared>>) dst(%dma_wait3A_71 : memref<3136x16xf32, #tpu.memory_space<hbm>>)
        tpu.yield
      }) : () -> ()
      %while3A_67 = arith.constant 0 : i32
      scf.yield %while3A_67 : i32
    }
    %while3A_29 = arith.constant 1 : i32
    %while3A_30 = scf.for %while3A_31 = %while3A_26 to %while3A_22 step %while3A_29 iter_args(%while3A_32 = %while3A_28) -> (i32)  : i32 {
      %mul3A_33 = arith.constant 2 : i32
      %mul3A_34 = arith.muli %mul3A_33, %while3A_31 : i32
      %add3A_35 = arith.addi %arg0, %mul3A_34 : i32
      %mul3A_36 = arith.constant 3136 : i32
      %mul3A_37 = arith.muli %arg1, %mul3A_36 : i32
      %mul3A_38 = arith.constant 3136 : i32
      %mul3A_39 = arith.muli %arg1, %mul3A_38 : i32
      "tpu.region"() ({
        %run_scoped3A = tpu.sem_alloc : memref<!tpu.dma_semaphore, #tpu.memory_space<semaphore_mem>>
        %dma_start3A_68 = arith.constant 0 : i32
        %dma_start3A_69 = tpu.memref_slice %arg13[%mul3A_39, %dma_start3A_68] : memref<50176x16xf32, #tpu.memory_space<vmem_shared>> -> memref<3136x16xf32, #tpu.memory_space<vmem_shared>>
        %dma_start3A_70 = arith.constant 0 : i32
        %dma_start3A_71 = tpu.memref_slice %arg3[%mul3A_37, %dma_start3A_70] : memref<50176x16xf32, #tpu.memory_space<hbm>> -> memref<3136x16xf32, #tpu.memory_space<hbm>>
        tpu.enqueue_dma source(%dma_start3A_71 : memref<3136x16xf32, #tpu.memory_space<hbm>>) target(%dma_start3A_69 : memref<3136x16xf32, #tpu.memory_space<vmem_shared>>) target_semaphore(%run_scoped3A : memref<!tpu.dma_semaphore, #tpu.memory_space<semaphore_mem>>)
        %dma_wait3A_72 = arith.constant 0 : i32
        %dma_wait3A_73 = tpu.memref_slice %arg13[%mul3A_39, %dma_wait3A_72] : memref<50176x16xf32, #tpu.memory_space<vmem_shared>> -> memref<3136x16xf32, #tpu.memory_space<vmem_shared>>
        %dma_wait3A_74 = arith.constant 0 : i32
        %dma_wait3A_75 = tpu.memref_slice %arg3[%mul3A_37, %dma_wait3A_74] : memref<50176x16xf32, #tpu.memory_space<hbm>> -> memref<3136x16xf32, #tpu.memory_space<hbm>>
        tpu.wait_dma2 semaphore(%run_scoped3A : memref<!tpu.dma_semaphore, #tpu.memory_space<semaphore_mem>>) src(%dma_wait3A_75 : memref<3136x16xf32, #tpu.memory_space<hbm>>) dst(%dma_wait3A_73 : memref<3136x16xf32, #tpu.memory_space<vmem_shared>>)
        tpu.yield
      }) : () -> ()
      %barrier3A = arith.constant 0 : index
      tpu.barrier barrier_id(%barrier3A)
      %add3A_40 = arith.constant 0 : i32
      %add3A_41 = arith.addi %mul3A_0, %add3A_40 : i32
      "tpu.region"() ({
        %run_scoped3A = tpu.sem_alloc : memref<!tpu.dma_semaphore, #tpu.memory_space<semaphore_mem>>
        %dma_start3A_68 = tpu.memref_slice %arg4[%add3A_41] : memref<864000xi32, #tpu.memory_space<hbm>> -> memref<2000xi32, #tpu.memory_space<hbm>>
        %dma_start3A_69 = tpu.memref_slice %arg4[%add3A_41] : memref<864000xi32, #tpu.memory_space<hbm>> -> memref<2000xi32, #tpu.memory_space<hbm>>
        tpu.enqueue_dma source(%dma_start3A_69 : memref<2000xi32, #tpu.memory_space<hbm>>) target(%arg7 : memref<2000xi32, #tpu.memory_space<vmem>>) target_semaphore(%run_scoped3A : memref<!tpu.dma_semaphore, #tpu.memory_space<semaphore_mem>>)
        %dma_wait3A_70 = tpu.memref_slice %arg4[%add3A_41] : memref<864000xi32, #tpu.memory_space<hbm>> -> memref<2000xi32, #tpu.memory_space<hbm>>
        %dma_wait3A_71 = tpu.memref_slice %arg4[%add3A_41] : memref<864000xi32, #tpu.memory_space<hbm>> -> memref<2000xi32, #tpu.memory_space<hbm>>
        tpu.wait_dma2 semaphore(%run_scoped3A : memref<!tpu.dma_semaphore, #tpu.memory_space<semaphore_mem>>) src(%dma_wait3A_71 : memref<2000xi32, #tpu.memory_space<hbm>>) dst(%arg7 : memref<2000xi32, #tpu.memory_space<vmem>>)
        tpu.yield
      }) : () -> ()
      "tpu.region"() ({
        %run_scoped3A = tpu.sem_alloc : memref<!tpu.dma_semaphore, #tpu.memory_space<semaphore_mem>>
        %dma_start3A_68 = tpu.memref_slice %arg5[%add3A_41] : memref<864000xi32, #tpu.memory_space<hbm>> -> memref<2000xi32, #tpu.memory_space<hbm>>
        %dma_start3A_69 = tpu.memref_slice %arg5[%add3A_41] : memref<864000xi32, #tpu.memory_space<hbm>> -> memref<2000xi32, #tpu.memory_space<hbm>>
        tpu.enqueue_dma source(%dma_start3A_69 : memref<2000xi32, #tpu.memory_space<hbm>>) target(%arg8 : memref<2000xi32, #tpu.memory_space<vmem>>) target_semaphore(%run_scoped3A : memref<!tpu.dma_semaphore, #tpu.memory_space<semaphore_mem>>)
        %dma_wait3A_70 = tpu.memref_slice %arg5[%add3A_41] : memref<864000xi32, #tpu.memory_space<hbm>> -> memref<2000xi32, #tpu.memory_space<hbm>>
        %dma_wait3A_71 = tpu.memref_slice %arg5[%add3A_41] : memref<864000xi32, #tpu.memory_space<hbm>> -> memref<2000xi32, #tpu.memory_space<hbm>>
        tpu.wait_dma2 semaphore(%run_scoped3A : memref<!tpu.dma_semaphore, #tpu.memory_space<semaphore_mem>>) src(%dma_wait3A_71 : memref<2000xi32, #tpu.memory_space<hbm>>) dst(%arg8 : memref<2000xi32, #tpu.memory_space<vmem>>)
        tpu.yield
      }) : () -> ()
      %dma_start3A = arith.constant 0 : i32
      %dma_start3A_42 = arith.constant 0 : i32
      %dma_start3A_43 = tpu.memref_slice %arg2[%add3A_35, %dma_start3A, %dma_start3A_42] : memref<10x50176x16xf32, #tpu.memory_space<hbm>> -> memref<1x50176x16xf32, #tpu.memory_space<hbm>>
      %dma_start3A_44 = tpu.memref_squeeze %dma_start3A_43 : memref<1x50176x16xf32, #tpu.memory_space<hbm>> -> memref<50176x16xf32, #tpu.memory_space<hbm>>
      %dma_start3A_45 = arith.constant 0 : i32
      %dma_start3A_46 = arith.constant 0 : i32
      %dma_start3A_47 = tpu.memref_slice %dma_start3A_44[%dma_start3A_45, %dma_start3A_46] : memref<50176x16xf32, #tpu.memory_space<hbm>> -> memref<50176x16xf32, #tpu.memory_space<hbm>>
      tpu.enqueue_indirect_dma source(%dma_start3A_47 : memref<50176x16xf32, #tpu.memory_space<hbm>>) target(%arg9 : memref<2000x16xf32, #tpu.memory_space<vmem>>) offsets(%arg7 : memref<2000xi32, #tpu.memory_space<vmem>>) semaphore(%arg14 : memref<!tpu.dma_semaphore, #tpu.memory_space<semaphore_mem>>)
      %scan3A = arith.constant 0 : i32
      %scan3A_48 = arith.constant 0 : i32
      %scan3A_49 = arith.constant 13 : i32
      %scan3A_50 = arith.addi %scan3A_48, %scan3A_49 : i32
      %scan3A_51 = arith.constant 1 : i32
      %scan3A_52 = scf.for %scan3A_68 = %scan3A_48 to %scan3A_50 step %scan3A_51 iter_args(%scan3A_69 = %scan3A) -> (i32)  : i32 {
        %mul3A_70 = arith.constant 2 : i32
        %mul3A_71 = arith.muli %mul3A_70, %scan3A_68 : i32
        %add3A_72 = arith.constant 1 : i32
        %add3A_73 = arith.addi %mul3A_71, %add3A_72 : i32
        %mul3A_74 = arith.constant 2000 : i32
        %mul3A_75 = arith.muli %add3A_73, %mul3A_74 : i32
        %add3A_76 = arith.addi %mul3A_0, %mul3A_75 : i32
        "tpu.region"() ({
          %run_scoped3A = tpu.sem_alloc : memref<!tpu.dma_semaphore, #tpu.memory_space<semaphore_mem>>
          %dma_start3A_111 = tpu.memref_slice %arg4[%add3A_76] : memref<864000xi32, #tpu.memory_space<hbm>> -> memref<2000xi32, #tpu.memory_space<hbm>>
          %dma_start3A_112 = tpu.memref_slice %arg4[%add3A_76] : memref<864000xi32, #tpu.memory_space<hbm>> -> memref<2000xi32, #tpu.memory_space<hbm>>
          tpu.enqueue_dma source(%dma_start3A_112 : memref<2000xi32, #tpu.memory_space<hbm>>) target(%arg10 : memref<2000xi32, #tpu.memory_space<vmem>>) target_semaphore(%run_scoped3A : memref<!tpu.dma_semaphore, #tpu.memory_space<semaphore_mem>>)
          %dma_wait3A_113 = tpu.memref_slice %arg4[%add3A_76] : memref<864000xi32, #tpu.memory_space<hbm>> -> memref<2000xi32, #tpu.memory_space<hbm>>
          %dma_wait3A_114 = tpu.memref_slice %arg4[%add3A_76] : memref<864000xi32, #tpu.memory_space<hbm>> -> memref<2000xi32, #tpu.memory_space<hbm>>
          tpu.wait_dma2 semaphore(%run_scoped3A : memref<!tpu.dma_semaphore, #tpu.memory_space<semaphore_mem>>) src(%dma_wait3A_114 : memref<2000xi32, #tpu.memory_space<hbm>>) dst(%arg10 : memref<2000xi32, #tpu.memory_space<vmem>>)
          tpu.yield
        }) : () -> ()
        "tpu.region"() ({
          %run_scoped3A = tpu.sem_alloc : memref<!tpu.dma_semaphore, #tpu.memory_space<semaphore_mem>>
          %dma_start3A_111 = tpu.memref_slice %arg5[%add3A_76] : memref<864000xi32, #tpu.memory_space<hbm>> -> memref<2000xi32, #tpu.memory_space<hbm>>
          %dma_start3A_112 = tpu.memref_slice %arg5[%add3A_76] : memref<864000xi32, #tpu.memory_space<hbm>> -> memref<2000xi32, #tpu.memory_space<hbm>>
          tpu.enqueue_dma source(%dma_start3A_112 : memref<2000xi32, #tpu.memory_space<hbm>>) target(%arg11 : memref<2000xi32, #tpu.memory_space<vmem>>) target_semaphore(%run_scoped3A : memref<!tpu.dma_semaphore, #tpu.memory_space<semaphore_mem>>)
          %dma_wait3A_113 = tpu.memref_slice %arg5[%add3A_76] : memref<864000xi32, #tpu.memory_space<hbm>> -> memref<2000xi32, #tpu.memory_space<hbm>>
          %dma_wait3A_114 = tpu.memref_slice %arg5[%add3A_76] : memref<864000xi32, #tpu.memory_space<hbm>> -> memref<2000xi32, #tpu.memory_space<hbm>>
          tpu.wait_dma2 semaphore(%run_scoped3A : memref<!tpu.dma_semaphore, #tpu.memory_space<semaphore_mem>>) src(%dma_wait3A_114 : memref<2000xi32, #tpu.memory_space<hbm>>) dst(%arg11 : memref<2000xi32, #tpu.memory_space<vmem>>)
          tpu.yield
        }) : () -> ()
        %dma_start3A_77 = arith.constant 0 : i32
        %dma_start3A_78 = arith.constant 0 : i32
        %dma_start3A_79 = tpu.memref_slice %arg2[%add3A_35, %dma_start3A_77, %dma_start3A_78] : memref<10x50176x16xf32, #tpu.memory_space<hbm>> -> memref<1x50176x16xf32, #tpu.memory_space<hbm>>
        %dma_start3A_80 = tpu.memref_squeeze %dma_start3A_79 : memref<1x50176x16xf32, #tpu.memory_space<hbm>> -> memref<50176x16xf32, #tpu.memory_space<hbm>>
        %dma_start3A_81 = arith.constant 0 : i32
        %dma_start3A_82 = arith.constant 0 : i32
        %dma_start3A_83 = tpu.memref_slice %dma_start3A_80[%dma_start3A_81, %dma_start3A_82] : memref<50176x16xf32, #tpu.memory_space<hbm>> -> memref<50176x16xf32, #tpu.memory_space<hbm>>
        tpu.enqueue_indirect_dma source(%dma_start3A_83 : memref<50176x16xf32, #tpu.memory_space<hbm>>) target(%arg12 : memref<2000x16xf32, #tpu.memory_space<vmem>>) offsets(%arg10 : memref<2000xi32, #tpu.memory_space<vmem>>) semaphore(%arg15 : memref<!tpu.dma_semaphore, #tpu.memory_space<semaphore_mem>>)
        %dma_wait3A_84 = arith.constant 0 : i32
        %dma_wait3A_85 = arith.constant 0 : i32
        %dma_wait3A_86 = tpu.memref_slice %arg2[%add3A_35, %dma_wait3A_84, %dma_wait3A_85] : memref<10x50176x16xf32, #tpu.memory_space<hbm>> -> memref<1x50176x16xf32, #tpu.memory_space<hbm>>
        %dma_wait3A_87 = tpu.memref_squeeze %dma_wait3A_86 : memref<1x50176x16xf32, #tpu.memory_space<hbm>> -> memref<50176x16xf32, #tpu.memory_space<hbm>>
        %dma_wait3A_88 = arith.constant 0 : i32
        %dma_wait3A_89 = arith.constant 0 : i32
        %dma_wait3A_90 = tpu.memref_slice %dma_wait3A_87[%dma_wait3A_88, %dma_wait3A_89] : memref<50176x16xf32, #tpu.memory_space<hbm>> -> memref<50176x16xf32, #tpu.memory_space<hbm>>
        tpu.wait_indirect_dma semaphore(%arg14 : memref<!tpu.dma_semaphore, #tpu.memory_space<semaphore_mem>>) src(%dma_wait3A_90 : memref<50176x16xf32, #tpu.memory_space<hbm>>) dst(%arg9 : memref<2000x16xf32, #tpu.memory_space<vmem>>)
        "tpu.region"() ({
          %run_scoped3A = tpu.sem_alloc : memref<!tpu.dma_semaphore, #tpu.memory_space<semaphore_mem>>
          %dma_start3A_111 = arith.constant 0 : i32
          %dma_start3A_112 = arith.constant 0 : i32
          %dma_start3A_113 = tpu.memref_slice %arg13[%dma_start3A_111, %dma_start3A_112] : memref<50176x16xf32, #tpu.memory_space<vmem_shared>> -> memref<50176x16xf32, #tpu.memory_space<vmem_shared>>
          tpu.enqueue_indirect_dma source(%arg9 : memref<2000x16xf32, #tpu.memory_space<vmem>>) target(%dma_start3A_113 : memref<50176x16xf32, #tpu.memory_space<vmem_shared>>) offsets(%arg8 : memref<2000xi32, #tpu.memory_space<vmem>>) semaphore(%run_scoped3A : memref<!tpu.dma_semaphore, #tpu.memory_space<semaphore_mem>>) {add = true}
          %dma_wait3A_114 = arith.constant 0 : i32
          %dma_wait3A_115 = arith.constant 0 : i32
          %dma_wait3A_116 = tpu.memref_slice %arg13[%dma_wait3A_114, %dma_wait3A_115] : memref<50176x16xf32, #tpu.memory_space<vmem_shared>> -> memref<50176x16xf32, #tpu.memory_space<vmem_shared>>
          tpu.wait_indirect_dma semaphore(%run_scoped3A : memref<!tpu.dma_semaphore, #tpu.memory_space<semaphore_mem>>) src(%arg9 : memref<2000x16xf32, #tpu.memory_space<vmem>>) dst(%dma_wait3A_116 : memref<50176x16xf32, #tpu.memory_space<vmem_shared>>)
          tpu.yield
        }) : () -> ()
        %add3A_91 = arith.constant 2 : i32
        %add3A_92 = arith.addi %mul3A_71, %add3A_91 : i32
        %mul3A_93 = arith.constant 2000 : i32
        %mul3A_94 = arith.muli %add3A_92, %mul3A_93 : i32
        %add3A_95 = arith.addi %mul3A_0, %mul3A_94 : i32
        "tpu.region"() ({
          %run_scoped3A = tpu.sem_alloc : memref<!tpu.dma_semaphore, #tpu.memory_space<semaphore_mem>>
          %dma_start3A_111 = tpu.memref_slice %arg4[%add3A_95] : memref<864000xi32, #tpu.memory_space<hbm>> -> memref<2000xi32, #tpu.memory_space<hbm>>
          %dma_start3A_112 = tpu.memref_slice %arg4[%add3A_95] : memref<864000xi32, #tpu.memory_space<hbm>> -> memref<2000xi32, #tpu.memory_space<hbm>>
          tpu.enqueue_dma source(%dma_start3A_112 : memref<2000xi32, #tpu.memory_space<hbm>>) target(%arg7 : memref<2000xi32, #tpu.memory_space<vmem>>) target_semaphore(%run_scoped3A : memref<!tpu.dma_semaphore, #tpu.memory_space<semaphore_mem>>)
          %dma_wait3A_113 = tpu.memref_slice %arg4[%add3A_95] : memref<864000xi32, #tpu.memory_space<hbm>> -> memref<2000xi32, #tpu.memory_space<hbm>>
          %dma_wait3A_114 = tpu.memref_slice %arg4[%add3A_95] : memref<864000xi32, #tpu.memory_space<hbm>> -> memref<2000xi32, #tpu.memory_space<hbm>>
          tpu.wait_dma2 semaphore(%run_scoped3A : memref<!tpu.dma_semaphore, #tpu.memory_space<semaphore_mem>>) src(%dma_wait3A_114 : memref<2000xi32, #tpu.memory_space<hbm>>) dst(%arg7 : memref<2000xi32, #tpu.memory_space<vmem>>)
          tpu.yield
        }) : () -> ()
        "tpu.region"() ({
          %run_scoped3A = tpu.sem_alloc : memref<!tpu.dma_semaphore, #tpu.memory_space<semaphore_mem>>
          %dma_start3A_111 = tpu.memref_slice %arg5[%add3A_95] : memref<864000xi32, #tpu.memory_space<hbm>> -> memref<2000xi32, #tpu.memory_space<hbm>>
          %dma_start3A_112 = tpu.memref_slice %arg5[%add3A_95] : memref<864000xi32, #tpu.memory_space<hbm>> -> memref<2000xi32, #tpu.memory_space<hbm>>
          tpu.enqueue_dma source(%dma_start3A_112 : memref<2000xi32, #tpu.memory_space<hbm>>) target(%arg8 : memref<2000xi32, #tpu.memory_space<vmem>>) target_semaphore(%run_scoped3A : memref<!tpu.dma_semaphore, #tpu.memory_space<semaphore_mem>>)
          %dma_wait3A_113 = tpu.memref_slice %arg5[%add3A_95] : memref<864000xi32, #tpu.memory_space<hbm>> -> memref<2000xi32, #tpu.memory_space<hbm>>
          %dma_wait3A_114 = tpu.memref_slice %arg5[%add3A_95] : memref<864000xi32, #tpu.memory_space<hbm>> -> memref<2000xi32, #tpu.memory_space<hbm>>
          tpu.wait_dma2 semaphore(%run_scoped3A : memref<!tpu.dma_semaphore, #tpu.memory_space<semaphore_mem>>) src(%dma_wait3A_114 : memref<2000xi32, #tpu.memory_space<hbm>>) dst(%arg8 : memref<2000xi32, #tpu.memory_space<vmem>>)
          tpu.yield
        }) : () -> ()
        %dma_start3A_96 = arith.constant 0 : i32
        %dma_start3A_97 = arith.constant 0 : i32
        %dma_start3A_98 = tpu.memref_slice %arg2[%add3A_35, %dma_start3A_96, %dma_start3A_97] : memref<10x50176x16xf32, #tpu.memory_space<hbm>> -> memref<1x50176x16xf32, #tpu.memory_space<hbm>>
        %dma_start3A_99 = tpu.memref_squeeze %dma_start3A_98 : memref<1x50176x16xf32, #tpu.memory_space<hbm>> -> memref<50176x16xf32, #tpu.memory_space<hbm>>
        %dma_start3A_100 = arith.constant 0 : i32
        %dma_start3A_101 = arith.constant 0 : i32
        %dma_start3A_102 = tpu.memref_slice %dma_start3A_99[%dma_start3A_100, %dma_start3A_101] : memref<50176x16xf32, #tpu.memory_space<hbm>> -> memref<50176x16xf32, #tpu.memory_space<hbm>>
        tpu.enqueue_indirect_dma source(%dma_start3A_102 : memref<50176x16xf32, #tpu.memory_space<hbm>>) target(%arg9 : memref<2000x16xf32, #tpu.memory_space<vmem>>) offsets(%arg7 : memref<2000xi32, #tpu.memory_space<vmem>>) semaphore(%arg14 : memref<!tpu.dma_semaphore, #tpu.memory_space<semaphore_mem>>)
        %dma_wait3A_103 = arith.constant 0 : i32
        %dma_wait3A_104 = arith.constant 0 : i32
        %dma_wait3A_105 = tpu.memref_slice %arg2[%add3A_35, %dma_wait3A_103, %dma_wait3A_104] : memref<10x50176x16xf32, #tpu.memory_space<hbm>> -> memref<1x50176x16xf32, #tpu.memory_space<hbm>>
        %dma_wait3A_106 = tpu.memref_squeeze %dma_wait3A_105 : memref<1x50176x16xf32, #tpu.memory_space<hbm>> -> memref<50176x16xf32, #tpu.memory_space<hbm>>
        %dma_wait3A_107 = arith.constant 0 : i32
        %dma_wait3A_108 = arith.constant 0 : i32
        %dma_wait3A_109 = tpu.memref_slice %dma_wait3A_106[%dma_wait3A_107, %dma_wait3A_108] : memref<50176x16xf32, #tpu.memory_space<hbm>> -> memref<50176x16xf32, #tpu.memory_space<hbm>>
        tpu.wait_indirect_dma semaphore(%arg15 : memref<!tpu.dma_semaphore, #tpu.memory_space<semaphore_mem>>) src(%dma_wait3A_109 : memref<50176x16xf32, #tpu.memory_space<hbm>>) dst(%arg12 : memref<2000x16xf32, #tpu.memory_space<vmem>>)
        "tpu.region"() ({
          %run_scoped3A = tpu.sem_alloc : memref<!tpu.dma_semaphore, #tpu.memory_space<semaphore_mem>>
          %dma_start3A_111 = arith.constant 0 : i32
          %dma_start3A_112 = arith.constant 0 : i32
          %dma_start3A_113 = tpu.memref_slice %arg13[%dma_start3A_111, %dma_start3A_112] : memref<50176x16xf32, #tpu.memory_space<vmem_shared>> -> memref<50176x16xf32, #tpu.memory_space<vmem_shared>>
          tpu.enqueue_indirect_dma source(%arg12 : memref<2000x16xf32, #tpu.memory_space<vmem>>) target(%dma_start3A_113 : memref<50176x16xf32, #tpu.memory_space<vmem_shared>>) offsets(%arg11 : memref<2000xi32, #tpu.memory_space<vmem>>) semaphore(%run_scoped3A : memref<!tpu.dma_semaphore, #tpu.memory_space<semaphore_mem>>) {add = true}
          %dma_wait3A_114 = arith.constant 0 : i32
          %dma_wait3A_115 = arith.constant 0 : i32
          %dma_wait3A_116 = tpu.memref_slice %arg13[%dma_wait3A_114, %dma_wait3A_115] : memref<50176x16xf32, #tpu.memory_space<vmem_shared>> -> memref<50176x16xf32, #tpu.memory_space<vmem_shared>>
          tpu.wait_indirect_dma semaphore(%run_scoped3A : memref<!tpu.dma_semaphore, #tpu.memory_space<semaphore_mem>>) src(%arg12 : memref<2000x16xf32, #tpu.memory_space<vmem>>) dst(%dma_wait3A_116 : memref<50176x16xf32, #tpu.memory_space<vmem_shared>>)
          tpu.yield
        }) : () -> ()
        %scan3A_110 = arith.constant 0 : i32
        scf.yield %scan3A_110 : i32
      }
      %scan3A_53 = arith.constant 13 : i32
      %dma_wait3A = arith.constant 0 : i32
      %dma_wait3A_54 = arith.constant 0 : i32
      %dma_wait3A_55 = tpu.memref_slice %arg2[%add3A_35, %dma_wait3A, %dma_wait3A_54] : memref<10x50176x16xf32, #tpu.memory_space<hbm>> -> memref<1x50176x16xf32, #tpu.memory_space<hbm>>
      %dma_wait3A_56 = tpu.memref_squeeze %dma_wait3A_55 : memref<1x50176x16xf32, #tpu.memory_space<hbm>> -> memref<50176x16xf32, #tpu.memory_space<hbm>>
      %dma_wait3A_57 = arith.constant 0 : i32
      %dma_wait3A_58 = arith.constant 0 : i32
      %dma_wait3A_59 = tpu.memref_slice %dma_wait3A_56[%dma_wait3A_57, %dma_wait3A_58] : memref<50176x16xf32, #tpu.memory_space<hbm>> -> memref<50176x16xf32, #tpu.memory_space<hbm>>
      tpu.wait_indirect_dma semaphore(%arg14 : memref<!tpu.dma_semaphore, #tpu.memory_space<semaphore_mem>>) src(%dma_wait3A_59 : memref<50176x16xf32, #tpu.memory_space<hbm>>) dst(%arg9 : memref<2000x16xf32, #tpu.memory_space<vmem>>)
      "tpu.region"() ({
        %run_scoped3A = tpu.sem_alloc : memref<!tpu.dma_semaphore, #tpu.memory_space<semaphore_mem>>
        %dma_start3A_68 = arith.constant 0 : i32
        %dma_start3A_69 = arith.constant 0 : i32
        %dma_start3A_70 = tpu.memref_slice %arg13[%dma_start3A_68, %dma_start3A_69] : memref<50176x16xf32, #tpu.memory_space<vmem_shared>> -> memref<50176x16xf32, #tpu.memory_space<vmem_shared>>
        tpu.enqueue_indirect_dma source(%arg9 : memref<2000x16xf32, #tpu.memory_space<vmem>>) target(%dma_start3A_70 : memref<50176x16xf32, #tpu.memory_space<vmem_shared>>) offsets(%arg8 : memref<2000xi32, #tpu.memory_space<vmem>>) semaphore(%run_scoped3A : memref<!tpu.dma_semaphore, #tpu.memory_space<semaphore_mem>>) {add = true}
        %dma_wait3A_71 = arith.constant 0 : i32
        %dma_wait3A_72 = arith.constant 0 : i32
        %dma_wait3A_73 = tpu.memref_slice %arg13[%dma_wait3A_71, %dma_wait3A_72] : memref<50176x16xf32, #tpu.memory_space<vmem_shared>> -> memref<50176x16xf32, #tpu.memory_space<vmem_shared>>
        tpu.wait_indirect_dma semaphore(%run_scoped3A : memref<!tpu.dma_semaphore, #tpu.memory_space<semaphore_mem>>) src(%arg9 : memref<2000x16xf32, #tpu.memory_space<vmem>>) dst(%dma_wait3A_73 : memref<50176x16xf32, #tpu.memory_space<vmem_shared>>)
        tpu.yield
      }) : () -> ()
      %barrier3A_60 = arith.constant 0 : index
      tpu.barrier barrier_id(%barrier3A_60)
      %mul3A_61 = arith.constant 3136 : i32
      %mul3A_62 = arith.muli %arg1, %mul3A_61 : i32
      %mul3A_63 = arith.constant 3136 : i32
      %mul3A_64 = arith.muli %arg1, %mul3A_63 : i32
      %mul3A_65 = arith.constant 16 : i32
      %mul3A_66 = arith.muli %add3A_35, %mul3A_65 : i32
      "tpu.region"() ({
        %run_scoped3A = tpu.sem_alloc : memref<!tpu.dma_semaphore, #tpu.memory_space<semaphore_mem>>
        %dma_start3A_68 = tpu.memref_slice %arg6[%mul3A_64, %mul3A_66] : memref<50176x160xf32, #tpu.memory_space<hbm>> -> memref<3136x16xf32, #tpu.memory_space<hbm>>
        %dma_start3A_69 = arith.constant 0 : i32
        %dma_start3A_70 = tpu.memref_slice %arg13[%mul3A_62, %dma_start3A_69] : memref<50176x16xf32, #tpu.memory_space<vmem_shared>> -> memref<3136x16xf32, #tpu.memory_space<vmem_shared>>
        tpu.enqueue_dma source(%dma_start3A_70 : memref<3136x16xf32, #tpu.memory_space<vmem_shared>>) target(%dma_start3A_68 : memref<3136x16xf32, #tpu.memory_space<hbm>>) target_semaphore(%run_scoped3A : memref<!tpu.dma_semaphore, #tpu.memory_space<semaphore_mem>>)
        %dma_wait3A_71 = tpu.memref_slice %arg6[%mul3A_64, %mul3A_66] : memref<50176x160xf32, #tpu.memory_space<hbm>> -> memref<3136x16xf32, #tpu.memory_space<hbm>>
        %dma_wait3A_72 = arith.constant 0 : i32
        %dma_wait3A_73 = tpu.memref_slice %arg13[%mul3A_62, %dma_wait3A_72] : memref<50176x16xf32, #tpu.memory_space<vmem_shared>> -> memref<3136x16xf32, #tpu.memory_space<vmem_shared>>
        tpu.wait_dma2 semaphore(%run_scoped3A : memref<!tpu.dma_semaphore, #tpu.memory_space<semaphore_mem>>) src(%dma_wait3A_73 : memref<3136x16xf32, #tpu.memory_space<vmem_shared>>) dst(%dma_wait3A_71 : memref<3136x16xf32, #tpu.memory_space<hbm>>)
        tpu.yield
      }) : () -> ()
      %while3A_67 = arith.constant 0 : i32
      scf.yield %while3A_67 : i32
    }
    return
  }
}

#map = affine_map<(d0, d1) -> (0, 0, 0)>
#map1 = affine_map<(d0, d1) -> (0, 0)>
#map2 = affine_map<(d0, d1) -> (0)>
module attributes {stable_mosaic.version = 14 : i64} {
  func.func @_scatter_body(%arg0: i32, %arg1: i32, %arg2: memref<20x50176x16xf32, #tpu.memory_space<hbm>>, %arg3: memref<50176x16xf32, #tpu.memory_space<hbm>>, %arg4: memref<864000xi32, #tpu.memory_space<hbm>>, %arg5: memref<864000xi32, #tpu.memory_space<hbm>>, %arg6: memref<50176x320xf32, #tpu.memory_space<hbm>>, %arg7: memref<2000xi32, #tpu.memory_space<vmem>>, %arg8: memref<2000xi32, #tpu.memory_space<vmem>>, %arg9: memref<2000x16xf32, #tpu.memory_space<vmem>>, %arg10: memref<2000xi32, #tpu.memory_space<vmem>>, %arg11: memref<2000xi32, #tpu.memory_space<vmem>>, %arg12: memref<2000x16xf32, #tpu.memory_space<vmem>>, %arg13: memref<50176x16xf32, #tpu.memory_space<vmem_shared>>, %arg14: memref<!tpu.dma_semaphore, #tpu.memory_space<semaphore_mem>>, %arg15: memref<!tpu.dma_semaphore, #tpu.memory_space<semaphore_mem>>) attributes {dimension_semantics = [#tpu.dimension_semantics<core_parallel>, #tpu.dimension_semantics<subcore_parallel>], iteration_bounds = array<i64: 2, 16>, scalar_prefetch = 0 : i64, scratch_operands = 9 : i64, tpu.core_type = #tpu.core_type<sc_vector_subcore>, window_params = [{transform_indices = #map}, {transform_indices = #map1}, {transform_indices = #map2}, {transform_indices = #map2}, {transform_indices = #map1}]} {
    %mul3A = arith.constant 54000 : i32
    %mul3A_0 = arith.muli %arg1, %mul3A : i32
    %sub3A = arith.constant 20 : i32
    %sub3A_1 = arith.subi %sub3A, %arg0 : i32
    %add3A = arith.constant 1 : i32
    %add3A_2 = arith.addi %sub3A_1, %add3A : i32
    %jit3A = arith.constant 2 : i32
    %div3A = arith.divsi %add3A_2, %jit3A : i32
    %sign3A = arith.constant 0 : i32
    %sign3A_3 = arith.cmpi sgt, %add3A_2, %sign3A : i32
    %sign3A_4 = arith.extui %sign3A_3 : i1 to i32
    %sign3A_5 = arith.constant 0 : i32
    %sign3A_6 = arith.cmpi slt, %add3A_2, %sign3A_5 : i32
    %sign3A_7 = arith.extui %sign3A_6 : i1 to i32
    %sign3A_8 = arith.subi %sign3A_4, %sign3A_7 : i32
    %sign3A_9 = arith.constant 0 : i32
    %sign3A_10 = arith.cmpi sgt, %jit3A, %sign3A_9 : i32
    %sign3A_11 = arith.extui %sign3A_10 : i1 to i32
    %sign3A_12 = arith.constant 0 : i32
    %sign3A_13 = arith.cmpi slt, %jit3A, %sign3A_12 : i32
    %sign3A_14 = arith.extui %sign3A_13 : i1 to i32
    %sign3A_15 = arith.subi %sign3A_11, %sign3A_14 : i32
    %ne3A = arith.cmpi ne, %sign3A_8, %sign3A_15 : i32
    %rem3A = arith.remsi %add3A_2, %jit3A : i32
    %ne3A_16 = arith.constant 0 : i32
    %ne3A_17 = arith.cmpi ne, %rem3A, %ne3A_16 : i32
    %and3A = arith.andi %ne3A, %ne3A_17 : i1
    %sub3A_18 = arith.constant 1 : i32
    %sub3A_19 = arith.subi %div3A, %sub3A_18 : i32
    %select_n3A = arith.select %and3A, %sub3A_19, %div3A : i32
    %while3A = arith.constant 0 : i32
    %while3A_20 = arith.constant 0 : i32
    %while3A_21 = arith.subi %select_n3A, %while3A : i32
    %while3A_22 = arith.addi %while3A, %while3A_21 : i32
    %while3A_23 = arith.constant 1 : i32
    %while3A_24 = arith.divsi %while3A_21, %while3A_23 : i32
    %while3A_25 = arith.muli %while3A_24, %while3A_23 : i32
    %while3A_26 = arith.addi %while3A, %while3A_25 : i32
    %while3A_27 = arith.constant 1 : i32
    %while3A_28 = scf.for %while3A_31 = %while3A to %while3A_26 step %while3A_27 iter_args(%while3A_32 = %while3A_20) -> (i32)  : i32 {
      %mul3A_33 = arith.constant 2 : i32
      %mul3A_34 = arith.muli %mul3A_33, %while3A_31 : i32
      %add3A_35 = arith.addi %arg0, %mul3A_34 : i32
      %mul3A_36 = arith.constant 3136 : i32
      %mul3A_37 = arith.muli %arg1, %mul3A_36 : i32
      %mul3A_38 = arith.constant 3136 : i32
      %mul3A_39 = arith.muli %arg1, %mul3A_38 : i32
      "tpu.region"() ({
        %run_scoped3A = tpu.sem_alloc : memref<!tpu.dma_semaphore, #tpu.memory_space<semaphore_mem>>
        %dma_start3A_68 = arith.constant 0 : i32
        %dma_start3A_69 = tpu.memref_slice %arg13[%mul3A_39, %dma_start3A_68] : memref<50176x16xf32, #tpu.memory_space<vmem_shared>> -> memref<3136x16xf32, #tpu.memory_space<vmem_shared>>
        %dma_start3A_70 = arith.constant 0 : i32
        %dma_start3A_71 = tpu.memref_slice %arg3[%mul3A_37, %dma_start3A_70] : memref<50176x16xf32, #tpu.memory_space<hbm>> -> memref<3136x16xf32, #tpu.memory_space<hbm>>
        tpu.enqueue_dma source(%dma_start3A_71 : memref<3136x16xf32, #tpu.memory_space<hbm>>) target(%dma_start3A_69 : memref<3136x16xf32, #tpu.memory_space<vmem_shared>>) target_semaphore(%run_scoped3A : memref<!tpu.dma_semaphore, #tpu.memory_space<semaphore_mem>>)
        %dma_wait3A_72 = arith.constant 0 : i32
        %dma_wait3A_73 = tpu.memref_slice %arg13[%mul3A_39, %dma_wait3A_72] : memref<50176x16xf32, #tpu.memory_space<vmem_shared>> -> memref<3136x16xf32, #tpu.memory_space<vmem_shared>>
        %dma_wait3A_74 = arith.constant 0 : i32
        %dma_wait3A_75 = tpu.memref_slice %arg3[%mul3A_37, %dma_wait3A_74] : memref<50176x16xf32, #tpu.memory_space<hbm>> -> memref<3136x16xf32, #tpu.memory_space<hbm>>
        tpu.wait_dma2 semaphore(%run_scoped3A : memref<!tpu.dma_semaphore, #tpu.memory_space<semaphore_mem>>) src(%dma_wait3A_75 : memref<3136x16xf32, #tpu.memory_space<hbm>>) dst(%dma_wait3A_73 : memref<3136x16xf32, #tpu.memory_space<vmem_shared>>)
        tpu.yield
      }) : () -> ()
      %barrier3A = arith.constant 0 : index
      tpu.barrier barrier_id(%barrier3A)
      %add3A_40 = arith.constant 0 : i32
      %add3A_41 = arith.addi %mul3A_0, %add3A_40 : i32
      "tpu.region"() ({
        %run_scoped3A = tpu.sem_alloc : memref<!tpu.dma_semaphore, #tpu.memory_space<semaphore_mem>>
        %dma_start3A_68 = tpu.memref_slice %arg4[%add3A_41] : memref<864000xi32, #tpu.memory_space<hbm>> -> memref<2000xi32, #tpu.memory_space<hbm>>
        %dma_start3A_69 = tpu.memref_slice %arg4[%add3A_41] : memref<864000xi32, #tpu.memory_space<hbm>> -> memref<2000xi32, #tpu.memory_space<hbm>>
        tpu.enqueue_dma source(%dma_start3A_69 : memref<2000xi32, #tpu.memory_space<hbm>>) target(%arg7 : memref<2000xi32, #tpu.memory_space<vmem>>) target_semaphore(%run_scoped3A : memref<!tpu.dma_semaphore, #tpu.memory_space<semaphore_mem>>)
        %dma_wait3A_70 = tpu.memref_slice %arg4[%add3A_41] : memref<864000xi32, #tpu.memory_space<hbm>> -> memref<2000xi32, #tpu.memory_space<hbm>>
        %dma_wait3A_71 = tpu.memref_slice %arg4[%add3A_41] : memref<864000xi32, #tpu.memory_space<hbm>> -> memref<2000xi32, #tpu.memory_space<hbm>>
        tpu.wait_dma2 semaphore(%run_scoped3A : memref<!tpu.dma_semaphore, #tpu.memory_space<semaphore_mem>>) src(%dma_wait3A_71 : memref<2000xi32, #tpu.memory_space<hbm>>) dst(%arg7 : memref<2000xi32, #tpu.memory_space<vmem>>)
        tpu.yield
      }) : () -> ()
      "tpu.region"() ({
        %run_scoped3A = tpu.sem_alloc : memref<!tpu.dma_semaphore, #tpu.memory_space<semaphore_mem>>
        %dma_start3A_68 = tpu.memref_slice %arg5[%add3A_41] : memref<864000xi32, #tpu.memory_space<hbm>> -> memref<2000xi32, #tpu.memory_space<hbm>>
        %dma_start3A_69 = tpu.memref_slice %arg5[%add3A_41] : memref<864000xi32, #tpu.memory_space<hbm>> -> memref<2000xi32, #tpu.memory_space<hbm>>
        tpu.enqueue_dma source(%dma_start3A_69 : memref<2000xi32, #tpu.memory_space<hbm>>) target(%arg8 : memref<2000xi32, #tpu.memory_space<vmem>>) target_semaphore(%run_scoped3A : memref<!tpu.dma_semaphore, #tpu.memory_space<semaphore_mem>>)
        %dma_wait3A_70 = tpu.memref_slice %arg5[%add3A_41] : memref<864000xi32, #tpu.memory_space<hbm>> -> memref<2000xi32, #tpu.memory_space<hbm>>
        %dma_wait3A_71 = tpu.memref_slice %arg5[%add3A_41] : memref<864000xi32, #tpu.memory_space<hbm>> -> memref<2000xi32, #tpu.memory_space<hbm>>
        tpu.wait_dma2 semaphore(%run_scoped3A : memref<!tpu.dma_semaphore, #tpu.memory_space<semaphore_mem>>) src(%dma_wait3A_71 : memref<2000xi32, #tpu.memory_space<hbm>>) dst(%arg8 : memref<2000xi32, #tpu.memory_space<vmem>>)
        tpu.yield
      }) : () -> ()
      %dma_start3A = arith.constant 0 : i32
      %dma_start3A_42 = arith.constant 0 : i32
      %dma_start3A_43 = tpu.memref_slice %arg2[%add3A_35, %dma_start3A, %dma_start3A_42] : memref<20x50176x16xf32, #tpu.memory_space<hbm>> -> memref<1x50176x16xf32, #tpu.memory_space<hbm>>
      %dma_start3A_44 = tpu.memref_squeeze %dma_start3A_43 : memref<1x50176x16xf32, #tpu.memory_space<hbm>> -> memref<50176x16xf32, #tpu.memory_space<hbm>>
      %dma_start3A_45 = arith.constant 0 : i32
      %dma_start3A_46 = arith.constant 0 : i32
      %dma_start3A_47 = tpu.memref_slice %dma_start3A_44[%dma_start3A_45, %dma_start3A_46] : memref<50176x16xf32, #tpu.memory_space<hbm>> -> memref<50176x16xf32, #tpu.memory_space<hbm>>
      tpu.enqueue_indirect_dma source(%dma_start3A_47 : memref<50176x16xf32, #tpu.memory_space<hbm>>) target(%arg9 : memref<2000x16xf32, #tpu.memory_space<vmem>>) offsets(%arg7 : memref<2000xi32, #tpu.memory_space<vmem>>) semaphore(%arg14 : memref<!tpu.dma_semaphore, #tpu.memory_space<semaphore_mem>>)
      %scan3A = arith.constant 0 : i32
      %scan3A_48 = arith.constant 0 : i32
      %scan3A_49 = arith.constant 13 : i32
      %scan3A_50 = arith.addi %scan3A_48, %scan3A_49 : i32
      %scan3A_51 = arith.constant 1 : i32
      %scan3A_52 = scf.for %scan3A_68 = %scan3A_48 to %scan3A_50 step %scan3A_51 iter_args(%scan3A_69 = %scan3A) -> (i32)  : i32 {
        %mul3A_70 = arith.constant 2 : i32
        %mul3A_71 = arith.muli %mul3A_70, %scan3A_68 : i32
        %add3A_72 = arith.constant 1 : i32
        %add3A_73 = arith.addi %mul3A_71, %add3A_72 : i32
        %mul3A_74 = arith.constant 2000 : i32
        %mul3A_75 = arith.muli %add3A_73, %mul3A_74 : i32
        %add3A_76 = arith.addi %mul3A_0, %mul3A_75 : i32
        "tpu.region"() ({
          %run_scoped3A = tpu.sem_alloc : memref<!tpu.dma_semaphore, #tpu.memory_space<semaphore_mem>>
          %dma_start3A_111 = tpu.memref_slice %arg4[%add3A_76] : memref<864000xi32, #tpu.memory_space<hbm>> -> memref<2000xi32, #tpu.memory_space<hbm>>
          %dma_start3A_112 = tpu.memref_slice %arg4[%add3A_76] : memref<864000xi32, #tpu.memory_space<hbm>> -> memref<2000xi32, #tpu.memory_space<hbm>>
          tpu.enqueue_dma source(%dma_start3A_112 : memref<2000xi32, #tpu.memory_space<hbm>>) target(%arg10 : memref<2000xi32, #tpu.memory_space<vmem>>) target_semaphore(%run_scoped3A : memref<!tpu.dma_semaphore, #tpu.memory_space<semaphore_mem>>)
          %dma_wait3A_113 = tpu.memref_slice %arg4[%add3A_76] : memref<864000xi32, #tpu.memory_space<hbm>> -> memref<2000xi32, #tpu.memory_space<hbm>>
          %dma_wait3A_114 = tpu.memref_slice %arg4[%add3A_76] : memref<864000xi32, #tpu.memory_space<hbm>> -> memref<2000xi32, #tpu.memory_space<hbm>>
          tpu.wait_dma2 semaphore(%run_scoped3A : memref<!tpu.dma_semaphore, #tpu.memory_space<semaphore_mem>>) src(%dma_wait3A_114 : memref<2000xi32, #tpu.memory_space<hbm>>) dst(%arg10 : memref<2000xi32, #tpu.memory_space<vmem>>)
          tpu.yield
        }) : () -> ()
        "tpu.region"() ({
          %run_scoped3A = tpu.sem_alloc : memref<!tpu.dma_semaphore, #tpu.memory_space<semaphore_mem>>
          %dma_start3A_111 = tpu.memref_slice %arg5[%add3A_76] : memref<864000xi32, #tpu.memory_space<hbm>> -> memref<2000xi32, #tpu.memory_space<hbm>>
          %dma_start3A_112 = tpu.memref_slice %arg5[%add3A_76] : memref<864000xi32, #tpu.memory_space<hbm>> -> memref<2000xi32, #tpu.memory_space<hbm>>
          tpu.enqueue_dma source(%dma_start3A_112 : memref<2000xi32, #tpu.memory_space<hbm>>) target(%arg11 : memref<2000xi32, #tpu.memory_space<vmem>>) target_semaphore(%run_scoped3A : memref<!tpu.dma_semaphore, #tpu.memory_space<semaphore_mem>>)
          %dma_wait3A_113 = tpu.memref_slice %arg5[%add3A_76] : memref<864000xi32, #tpu.memory_space<hbm>> -> memref<2000xi32, #tpu.memory_space<hbm>>
          %dma_wait3A_114 = tpu.memref_slice %arg5[%add3A_76] : memref<864000xi32, #tpu.memory_space<hbm>> -> memref<2000xi32, #tpu.memory_space<hbm>>
          tpu.wait_dma2 semaphore(%run_scoped3A : memref<!tpu.dma_semaphore, #tpu.memory_space<semaphore_mem>>) src(%dma_wait3A_114 : memref<2000xi32, #tpu.memory_space<hbm>>) dst(%arg11 : memref<2000xi32, #tpu.memory_space<vmem>>)
          tpu.yield
        }) : () -> ()
        %dma_start3A_77 = arith.constant 0 : i32
        %dma_start3A_78 = arith.constant 0 : i32
        %dma_start3A_79 = tpu.memref_slice %arg2[%add3A_35, %dma_start3A_77, %dma_start3A_78] : memref<20x50176x16xf32, #tpu.memory_space<hbm>> -> memref<1x50176x16xf32, #tpu.memory_space<hbm>>
        %dma_start3A_80 = tpu.memref_squeeze %dma_start3A_79 : memref<1x50176x16xf32, #tpu.memory_space<hbm>> -> memref<50176x16xf32, #tpu.memory_space<hbm>>
        %dma_start3A_81 = arith.constant 0 : i32
        %dma_start3A_82 = arith.constant 0 : i32
        %dma_start3A_83 = tpu.memref_slice %dma_start3A_80[%dma_start3A_81, %dma_start3A_82] : memref<50176x16xf32, #tpu.memory_space<hbm>> -> memref<50176x16xf32, #tpu.memory_space<hbm>>
        tpu.enqueue_indirect_dma source(%dma_start3A_83 : memref<50176x16xf32, #tpu.memory_space<hbm>>) target(%arg12 : memref<2000x16xf32, #tpu.memory_space<vmem>>) offsets(%arg10 : memref<2000xi32, #tpu.memory_space<vmem>>) semaphore(%arg15 : memref<!tpu.dma_semaphore, #tpu.memory_space<semaphore_mem>>)
        %dma_wait3A_84 = arith.constant 0 : i32
        %dma_wait3A_85 = arith.constant 0 : i32
        %dma_wait3A_86 = tpu.memref_slice %arg2[%add3A_35, %dma_wait3A_84, %dma_wait3A_85] : memref<20x50176x16xf32, #tpu.memory_space<hbm>> -> memref<1x50176x16xf32, #tpu.memory_space<hbm>>
        %dma_wait3A_87 = tpu.memref_squeeze %dma_wait3A_86 : memref<1x50176x16xf32, #tpu.memory_space<hbm>> -> memref<50176x16xf32, #tpu.memory_space<hbm>>
        %dma_wait3A_88 = arith.constant 0 : i32
        %dma_wait3A_89 = arith.constant 0 : i32
        %dma_wait3A_90 = tpu.memref_slice %dma_wait3A_87[%dma_wait3A_88, %dma_wait3A_89] : memref<50176x16xf32, #tpu.memory_space<hbm>> -> memref<50176x16xf32, #tpu.memory_space<hbm>>
        tpu.wait_indirect_dma semaphore(%arg14 : memref<!tpu.dma_semaphore, #tpu.memory_space<semaphore_mem>>) src(%dma_wait3A_90 : memref<50176x16xf32, #tpu.memory_space<hbm>>) dst(%arg9 : memref<2000x16xf32, #tpu.memory_space<vmem>>)
        "tpu.region"() ({
          %run_scoped3A = tpu.sem_alloc : memref<!tpu.dma_semaphore, #tpu.memory_space<semaphore_mem>>
          %dma_start3A_111 = arith.constant 0 : i32
          %dma_start3A_112 = arith.constant 0 : i32
          %dma_start3A_113 = tpu.memref_slice %arg13[%dma_start3A_111, %dma_start3A_112] : memref<50176x16xf32, #tpu.memory_space<vmem_shared>> -> memref<50176x16xf32, #tpu.memory_space<vmem_shared>>
          tpu.enqueue_indirect_dma source(%arg9 : memref<2000x16xf32, #tpu.memory_space<vmem>>) target(%dma_start3A_113 : memref<50176x16xf32, #tpu.memory_space<vmem_shared>>) offsets(%arg8 : memref<2000xi32, #tpu.memory_space<vmem>>) semaphore(%run_scoped3A : memref<!tpu.dma_semaphore, #tpu.memory_space<semaphore_mem>>) {add = true}
          %dma_wait3A_114 = arith.constant 0 : i32
          %dma_wait3A_115 = arith.constant 0 : i32
          %dma_wait3A_116 = tpu.memref_slice %arg13[%dma_wait3A_114, %dma_wait3A_115] : memref<50176x16xf32, #tpu.memory_space<vmem_shared>> -> memref<50176x16xf32, #tpu.memory_space<vmem_shared>>
          tpu.wait_indirect_dma semaphore(%run_scoped3A : memref<!tpu.dma_semaphore, #tpu.memory_space<semaphore_mem>>) src(%arg9 : memref<2000x16xf32, #tpu.memory_space<vmem>>) dst(%dma_wait3A_116 : memref<50176x16xf32, #tpu.memory_space<vmem_shared>>)
          tpu.yield
        }) : () -> ()
        %add3A_91 = arith.constant 2 : i32
        %add3A_92 = arith.addi %mul3A_71, %add3A_91 : i32
        %mul3A_93 = arith.constant 2000 : i32
        %mul3A_94 = arith.muli %add3A_92, %mul3A_93 : i32
        %add3A_95 = arith.addi %mul3A_0, %mul3A_94 : i32
        "tpu.region"() ({
          %run_scoped3A = tpu.sem_alloc : memref<!tpu.dma_semaphore, #tpu.memory_space<semaphore_mem>>
          %dma_start3A_111 = tpu.memref_slice %arg4[%add3A_95] : memref<864000xi32, #tpu.memory_space<hbm>> -> memref<2000xi32, #tpu.memory_space<hbm>>
          %dma_start3A_112 = tpu.memref_slice %arg4[%add3A_95] : memref<864000xi32, #tpu.memory_space<hbm>> -> memref<2000xi32, #tpu.memory_space<hbm>>
          tpu.enqueue_dma source(%dma_start3A_112 : memref<2000xi32, #tpu.memory_space<hbm>>) target(%arg7 : memref<2000xi32, #tpu.memory_space<vmem>>) target_semaphore(%run_scoped3A : memref<!tpu.dma_semaphore, #tpu.memory_space<semaphore_mem>>)
          %dma_wait3A_113 = tpu.memref_slice %arg4[%add3A_95] : memref<864000xi32, #tpu.memory_space<hbm>> -> memref<2000xi32, #tpu.memory_space<hbm>>
          %dma_wait3A_114 = tpu.memref_slice %arg4[%add3A_95] : memref<864000xi32, #tpu.memory_space<hbm>> -> memref<2000xi32, #tpu.memory_space<hbm>>
          tpu.wait_dma2 semaphore(%run_scoped3A : memref<!tpu.dma_semaphore, #tpu.memory_space<semaphore_mem>>) src(%dma_wait3A_114 : memref<2000xi32, #tpu.memory_space<hbm>>) dst(%arg7 : memref<2000xi32, #tpu.memory_space<vmem>>)
          tpu.yield
        }) : () -> ()
        "tpu.region"() ({
          %run_scoped3A = tpu.sem_alloc : memref<!tpu.dma_semaphore, #tpu.memory_space<semaphore_mem>>
          %dma_start3A_111 = tpu.memref_slice %arg5[%add3A_95] : memref<864000xi32, #tpu.memory_space<hbm>> -> memref<2000xi32, #tpu.memory_space<hbm>>
          %dma_start3A_112 = tpu.memref_slice %arg5[%add3A_95] : memref<864000xi32, #tpu.memory_space<hbm>> -> memref<2000xi32, #tpu.memory_space<hbm>>
          tpu.enqueue_dma source(%dma_start3A_112 : memref<2000xi32, #tpu.memory_space<hbm>>) target(%arg8 : memref<2000xi32, #tpu.memory_space<vmem>>) target_semaphore(%run_scoped3A : memref<!tpu.dma_semaphore, #tpu.memory_space<semaphore_mem>>)
          %dma_wait3A_113 = tpu.memref_slice %arg5[%add3A_95] : memref<864000xi32, #tpu.memory_space<hbm>> -> memref<2000xi32, #tpu.memory_space<hbm>>
          %dma_wait3A_114 = tpu.memref_slice %arg5[%add3A_95] : memref<864000xi32, #tpu.memory_space<hbm>> -> memref<2000xi32, #tpu.memory_space<hbm>>
          tpu.wait_dma2 semaphore(%run_scoped3A : memref<!tpu.dma_semaphore, #tpu.memory_space<semaphore_mem>>) src(%dma_wait3A_114 : memref<2000xi32, #tpu.memory_space<hbm>>) dst(%arg8 : memref<2000xi32, #tpu.memory_space<vmem>>)
          tpu.yield
        }) : () -> ()
        %dma_start3A_96 = arith.constant 0 : i32
        %dma_start3A_97 = arith.constant 0 : i32
        %dma_start3A_98 = tpu.memref_slice %arg2[%add3A_35, %dma_start3A_96, %dma_start3A_97] : memref<20x50176x16xf32, #tpu.memory_space<hbm>> -> memref<1x50176x16xf32, #tpu.memory_space<hbm>>
        %dma_start3A_99 = tpu.memref_squeeze %dma_start3A_98 : memref<1x50176x16xf32, #tpu.memory_space<hbm>> -> memref<50176x16xf32, #tpu.memory_space<hbm>>
        %dma_start3A_100 = arith.constant 0 : i32
        %dma_start3A_101 = arith.constant 0 : i32
        %dma_start3A_102 = tpu.memref_slice %dma_start3A_99[%dma_start3A_100, %dma_start3A_101] : memref<50176x16xf32, #tpu.memory_space<hbm>> -> memref<50176x16xf32, #tpu.memory_space<hbm>>
        tpu.enqueue_indirect_dma source(%dma_start3A_102 : memref<50176x16xf32, #tpu.memory_space<hbm>>) target(%arg9 : memref<2000x16xf32, #tpu.memory_space<vmem>>) offsets(%arg7 : memref<2000xi32, #tpu.memory_space<vmem>>) semaphore(%arg14 : memref<!tpu.dma_semaphore, #tpu.memory_space<semaphore_mem>>)
        %dma_wait3A_103 = arith.constant 0 : i32
        %dma_wait3A_104 = arith.constant 0 : i32
        %dma_wait3A_105 = tpu.memref_slice %arg2[%add3A_35, %dma_wait3A_103, %dma_wait3A_104] : memref<20x50176x16xf32, #tpu.memory_space<hbm>> -> memref<1x50176x16xf32, #tpu.memory_space<hbm>>
        %dma_wait3A_106 = tpu.memref_squeeze %dma_wait3A_105 : memref<1x50176x16xf32, #tpu.memory_space<hbm>> -> memref<50176x16xf32, #tpu.memory_space<hbm>>
        %dma_wait3A_107 = arith.constant 0 : i32
        %dma_wait3A_108 = arith.constant 0 : i32
        %dma_wait3A_109 = tpu.memref_slice %dma_wait3A_106[%dma_wait3A_107, %dma_wait3A_108] : memref<50176x16xf32, #tpu.memory_space<hbm>> -> memref<50176x16xf32, #tpu.memory_space<hbm>>
        tpu.wait_indirect_dma semaphore(%arg15 : memref<!tpu.dma_semaphore, #tpu.memory_space<semaphore_mem>>) src(%dma_wait3A_109 : memref<50176x16xf32, #tpu.memory_space<hbm>>) dst(%arg12 : memref<2000x16xf32, #tpu.memory_space<vmem>>)
        "tpu.region"() ({
          %run_scoped3A = tpu.sem_alloc : memref<!tpu.dma_semaphore, #tpu.memory_space<semaphore_mem>>
          %dma_start3A_111 = arith.constant 0 : i32
          %dma_start3A_112 = arith.constant 0 : i32
          %dma_start3A_113 = tpu.memref_slice %arg13[%dma_start3A_111, %dma_start3A_112] : memref<50176x16xf32, #tpu.memory_space<vmem_shared>> -> memref<50176x16xf32, #tpu.memory_space<vmem_shared>>
          tpu.enqueue_indirect_dma source(%arg12 : memref<2000x16xf32, #tpu.memory_space<vmem>>) target(%dma_start3A_113 : memref<50176x16xf32, #tpu.memory_space<vmem_shared>>) offsets(%arg11 : memref<2000xi32, #tpu.memory_space<vmem>>) semaphore(%run_scoped3A : memref<!tpu.dma_semaphore, #tpu.memory_space<semaphore_mem>>) {add = true}
          %dma_wait3A_114 = arith.constant 0 : i32
          %dma_wait3A_115 = arith.constant 0 : i32
          %dma_wait3A_116 = tpu.memref_slice %arg13[%dma_wait3A_114, %dma_wait3A_115] : memref<50176x16xf32, #tpu.memory_space<vmem_shared>> -> memref<50176x16xf32, #tpu.memory_space<vmem_shared>>
          tpu.wait_indirect_dma semaphore(%run_scoped3A : memref<!tpu.dma_semaphore, #tpu.memory_space<semaphore_mem>>) src(%arg12 : memref<2000x16xf32, #tpu.memory_space<vmem>>) dst(%dma_wait3A_116 : memref<50176x16xf32, #tpu.memory_space<vmem_shared>>)
          tpu.yield
        }) : () -> ()
        %scan3A_110 = arith.constant 0 : i32
        scf.yield %scan3A_110 : i32
      }
      %scan3A_53 = arith.constant 13 : i32
      %dma_wait3A = arith.constant 0 : i32
      %dma_wait3A_54 = arith.constant 0 : i32
      %dma_wait3A_55 = tpu.memref_slice %arg2[%add3A_35, %dma_wait3A, %dma_wait3A_54] : memref<20x50176x16xf32, #tpu.memory_space<hbm>> -> memref<1x50176x16xf32, #tpu.memory_space<hbm>>
      %dma_wait3A_56 = tpu.memref_squeeze %dma_wait3A_55 : memref<1x50176x16xf32, #tpu.memory_space<hbm>> -> memref<50176x16xf32, #tpu.memory_space<hbm>>
      %dma_wait3A_57 = arith.constant 0 : i32
      %dma_wait3A_58 = arith.constant 0 : i32
      %dma_wait3A_59 = tpu.memref_slice %dma_wait3A_56[%dma_wait3A_57, %dma_wait3A_58] : memref<50176x16xf32, #tpu.memory_space<hbm>> -> memref<50176x16xf32, #tpu.memory_space<hbm>>
      tpu.wait_indirect_dma semaphore(%arg14 : memref<!tpu.dma_semaphore, #tpu.memory_space<semaphore_mem>>) src(%dma_wait3A_59 : memref<50176x16xf32, #tpu.memory_space<hbm>>) dst(%arg9 : memref<2000x16xf32, #tpu.memory_space<vmem>>)
      "tpu.region"() ({
        %run_scoped3A = tpu.sem_alloc : memref<!tpu.dma_semaphore, #tpu.memory_space<semaphore_mem>>
        %dma_start3A_68 = arith.constant 0 : i32
        %dma_start3A_69 = arith.constant 0 : i32
        %dma_start3A_70 = tpu.memref_slice %arg13[%dma_start3A_68, %dma_start3A_69] : memref<50176x16xf32, #tpu.memory_space<vmem_shared>> -> memref<50176x16xf32, #tpu.memory_space<vmem_shared>>
        tpu.enqueue_indirect_dma source(%arg9 : memref<2000x16xf32, #tpu.memory_space<vmem>>) target(%dma_start3A_70 : memref<50176x16xf32, #tpu.memory_space<vmem_shared>>) offsets(%arg8 : memref<2000xi32, #tpu.memory_space<vmem>>) semaphore(%run_scoped3A : memref<!tpu.dma_semaphore, #tpu.memory_space<semaphore_mem>>) {add = true}
        %dma_wait3A_71 = arith.constant 0 : i32
        %dma_wait3A_72 = arith.constant 0 : i32
        %dma_wait3A_73 = tpu.memref_slice %arg13[%dma_wait3A_71, %dma_wait3A_72] : memref<50176x16xf32, #tpu.memory_space<vmem_shared>> -> memref<50176x16xf32, #tpu.memory_space<vmem_shared>>
        tpu.wait_indirect_dma semaphore(%run_scoped3A : memref<!tpu.dma_semaphore, #tpu.memory_space<semaphore_mem>>) src(%arg9 : memref<2000x16xf32, #tpu.memory_space<vmem>>) dst(%dma_wait3A_73 : memref<50176x16xf32, #tpu.memory_space<vmem_shared>>)
        tpu.yield
      }) : () -> ()
      %barrier3A_60 = arith.constant 0 : index
      tpu.barrier barrier_id(%barrier3A_60)
      %mul3A_61 = arith.constant 3136 : i32
      %mul3A_62 = arith.muli %arg1, %mul3A_61 : i32
      %mul3A_63 = arith.constant 3136 : i32
      %mul3A_64 = arith.muli %arg1, %mul3A_63 : i32
      %mul3A_65 = arith.constant 16 : i32
      %mul3A_66 = arith.muli %add3A_35, %mul3A_65 : i32
      "tpu.region"() ({
        %run_scoped3A = tpu.sem_alloc : memref<!tpu.dma_semaphore, #tpu.memory_space<semaphore_mem>>
        %dma_start3A_68 = tpu.memref_slice %arg6[%mul3A_64, %mul3A_66] : memref<50176x320xf32, #tpu.memory_space<hbm>> -> memref<3136x16xf32, #tpu.memory_space<hbm>>
        %dma_start3A_69 = arith.constant 0 : i32
        %dma_start3A_70 = tpu.memref_slice %arg13[%mul3A_62, %dma_start3A_69] : memref<50176x16xf32, #tpu.memory_space<vmem_shared>> -> memref<3136x16xf32, #tpu.memory_space<vmem_shared>>
        tpu.enqueue_dma source(%dma_start3A_70 : memref<3136x16xf32, #tpu.memory_space<vmem_shared>>) target(%dma_start3A_68 : memref<3136x16xf32, #tpu.memory_space<hbm>>) target_semaphore(%run_scoped3A : memref<!tpu.dma_semaphore, #tpu.memory_space<semaphore_mem>>)
        %dma_wait3A_71 = tpu.memref_slice %arg6[%mul3A_64, %mul3A_66] : memref<50176x320xf32, #tpu.memory_space<hbm>> -> memref<3136x16xf32, #tpu.memory_space<hbm>>
        %dma_wait3A_72 = arith.constant 0 : i32
        %dma_wait3A_73 = tpu.memref_slice %arg13[%mul3A_62, %dma_wait3A_72] : memref<50176x16xf32, #tpu.memory_space<vmem_shared>> -> memref<3136x16xf32, #tpu.memory_space<vmem_shared>>
        tpu.wait_dma2 semaphore(%run_scoped3A : memref<!tpu.dma_semaphore, #tpu.memory_space<semaphore_mem>>) src(%dma_wait3A_73 : memref<3136x16xf32, #tpu.memory_space<vmem_shared>>) dst(%dma_wait3A_71 : memref<3136x16xf32, #tpu.memory_space<hbm>>)
        tpu.yield
      }) : () -> ()
      %while3A_67 = arith.constant 0 : i32
      scf.yield %while3A_67 : i32
    }
    %while3A_29 = arith.constant 1 : i32
    %while3A_30 = scf.for %while3A_31 = %while3A_26 to %while3A_22 step %while3A_29 iter_args(%while3A_32 = %while3A_28) -> (i32)  : i32 {
      %mul3A_33 = arith.constant 2 : i32
      %mul3A_34 = arith.muli %mul3A_33, %while3A_31 : i32
      %add3A_35 = arith.addi %arg0, %mul3A_34 : i32
      %mul3A_36 = arith.constant 3136 : i32
      %mul3A_37 = arith.muli %arg1, %mul3A_36 : i32
      %mul3A_38 = arith.constant 3136 : i32
      %mul3A_39 = arith.muli %arg1, %mul3A_38 : i32
      "tpu.region"() ({
        %run_scoped3A = tpu.sem_alloc : memref<!tpu.dma_semaphore, #tpu.memory_space<semaphore_mem>>
        %dma_start3A_68 = arith.constant 0 : i32
        %dma_start3A_69 = tpu.memref_slice %arg13[%mul3A_39, %dma_start3A_68] : memref<50176x16xf32, #tpu.memory_space<vmem_shared>> -> memref<3136x16xf32, #tpu.memory_space<vmem_shared>>
        %dma_start3A_70 = arith.constant 0 : i32
        %dma_start3A_71 = tpu.memref_slice %arg3[%mul3A_37, %dma_start3A_70] : memref<50176x16xf32, #tpu.memory_space<hbm>> -> memref<3136x16xf32, #tpu.memory_space<hbm>>
        tpu.enqueue_dma source(%dma_start3A_71 : memref<3136x16xf32, #tpu.memory_space<hbm>>) target(%dma_start3A_69 : memref<3136x16xf32, #tpu.memory_space<vmem_shared>>) target_semaphore(%run_scoped3A : memref<!tpu.dma_semaphore, #tpu.memory_space<semaphore_mem>>)
        %dma_wait3A_72 = arith.constant 0 : i32
        %dma_wait3A_73 = tpu.memref_slice %arg13[%mul3A_39, %dma_wait3A_72] : memref<50176x16xf32, #tpu.memory_space<vmem_shared>> -> memref<3136x16xf32, #tpu.memory_space<vmem_shared>>
        %dma_wait3A_74 = arith.constant 0 : i32
        %dma_wait3A_75 = tpu.memref_slice %arg3[%mul3A_37, %dma_wait3A_74] : memref<50176x16xf32, #tpu.memory_space<hbm>> -> memref<3136x16xf32, #tpu.memory_space<hbm>>
        tpu.wait_dma2 semaphore(%run_scoped3A : memref<!tpu.dma_semaphore, #tpu.memory_space<semaphore_mem>>) src(%dma_wait3A_75 : memref<3136x16xf32, #tpu.memory_space<hbm>>) dst(%dma_wait3A_73 : memref<3136x16xf32, #tpu.memory_space<vmem_shared>>)
        tpu.yield
      }) : () -> ()
      %barrier3A = arith.constant 0 : index
      tpu.barrier barrier_id(%barrier3A)
      %add3A_40 = arith.constant 0 : i32
      %add3A_41 = arith.addi %mul3A_0, %add3A_40 : i32
      "tpu.region"() ({
        %run_scoped3A = tpu.sem_alloc : memref<!tpu.dma_semaphore, #tpu.memory_space<semaphore_mem>>
        %dma_start3A_68 = tpu.memref_slice %arg4[%add3A_41] : memref<864000xi32, #tpu.memory_space<hbm>> -> memref<2000xi32, #tpu.memory_space<hbm>>
        %dma_start3A_69 = tpu.memref_slice %arg4[%add3A_41] : memref<864000xi32, #tpu.memory_space<hbm>> -> memref<2000xi32, #tpu.memory_space<hbm>>
        tpu.enqueue_dma source(%dma_start3A_69 : memref<2000xi32, #tpu.memory_space<hbm>>) target(%arg7 : memref<2000xi32, #tpu.memory_space<vmem>>) target_semaphore(%run_scoped3A : memref<!tpu.dma_semaphore, #tpu.memory_space<semaphore_mem>>)
        %dma_wait3A_70 = tpu.memref_slice %arg4[%add3A_41] : memref<864000xi32, #tpu.memory_space<hbm>> -> memref<2000xi32, #tpu.memory_space<hbm>>
        %dma_wait3A_71 = tpu.memref_slice %arg4[%add3A_41] : memref<864000xi32, #tpu.memory_space<hbm>> -> memref<2000xi32, #tpu.memory_space<hbm>>
        tpu.wait_dma2 semaphore(%run_scoped3A : memref<!tpu.dma_semaphore, #tpu.memory_space<semaphore_mem>>) src(%dma_wait3A_71 : memref<2000xi32, #tpu.memory_space<hbm>>) dst(%arg7 : memref<2000xi32, #tpu.memory_space<vmem>>)
        tpu.yield
      }) : () -> ()
      "tpu.region"() ({
        %run_scoped3A = tpu.sem_alloc : memref<!tpu.dma_semaphore, #tpu.memory_space<semaphore_mem>>
        %dma_start3A_68 = tpu.memref_slice %arg5[%add3A_41] : memref<864000xi32, #tpu.memory_space<hbm>> -> memref<2000xi32, #tpu.memory_space<hbm>>
        %dma_start3A_69 = tpu.memref_slice %arg5[%add3A_41] : memref<864000xi32, #tpu.memory_space<hbm>> -> memref<2000xi32, #tpu.memory_space<hbm>>
        tpu.enqueue_dma source(%dma_start3A_69 : memref<2000xi32, #tpu.memory_space<hbm>>) target(%arg8 : memref<2000xi32, #tpu.memory_space<vmem>>) target_semaphore(%run_scoped3A : memref<!tpu.dma_semaphore, #tpu.memory_space<semaphore_mem>>)
        %dma_wait3A_70 = tpu.memref_slice %arg5[%add3A_41] : memref<864000xi32, #tpu.memory_space<hbm>> -> memref<2000xi32, #tpu.memory_space<hbm>>
        %dma_wait3A_71 = tpu.memref_slice %arg5[%add3A_41] : memref<864000xi32, #tpu.memory_space<hbm>> -> memref<2000xi32, #tpu.memory_space<hbm>>
        tpu.wait_dma2 semaphore(%run_scoped3A : memref<!tpu.dma_semaphore, #tpu.memory_space<semaphore_mem>>) src(%dma_wait3A_71 : memref<2000xi32, #tpu.memory_space<hbm>>) dst(%arg8 : memref<2000xi32, #tpu.memory_space<vmem>>)
        tpu.yield
      }) : () -> ()
      %dma_start3A = arith.constant 0 : i32
      %dma_start3A_42 = arith.constant 0 : i32
      %dma_start3A_43 = tpu.memref_slice %arg2[%add3A_35, %dma_start3A, %dma_start3A_42] : memref<20x50176x16xf32, #tpu.memory_space<hbm>> -> memref<1x50176x16xf32, #tpu.memory_space<hbm>>
      %dma_start3A_44 = tpu.memref_squeeze %dma_start3A_43 : memref<1x50176x16xf32, #tpu.memory_space<hbm>> -> memref<50176x16xf32, #tpu.memory_space<hbm>>
      %dma_start3A_45 = arith.constant 0 : i32
      %dma_start3A_46 = arith.constant 0 : i32
      %dma_start3A_47 = tpu.memref_slice %dma_start3A_44[%dma_start3A_45, %dma_start3A_46] : memref<50176x16xf32, #tpu.memory_space<hbm>> -> memref<50176x16xf32, #tpu.memory_space<hbm>>
      tpu.enqueue_indirect_dma source(%dma_start3A_47 : memref<50176x16xf32, #tpu.memory_space<hbm>>) target(%arg9 : memref<2000x16xf32, #tpu.memory_space<vmem>>) offsets(%arg7 : memref<2000xi32, #tpu.memory_space<vmem>>) semaphore(%arg14 : memref<!tpu.dma_semaphore, #tpu.memory_space<semaphore_mem>>)
      %scan3A = arith.constant 0 : i32
      %scan3A_48 = arith.constant 0 : i32
      %scan3A_49 = arith.constant 13 : i32
      %scan3A_50 = arith.addi %scan3A_48, %scan3A_49 : i32
      %scan3A_51 = arith.constant 1 : i32
      %scan3A_52 = scf.for %scan3A_68 = %scan3A_48 to %scan3A_50 step %scan3A_51 iter_args(%scan3A_69 = %scan3A) -> (i32)  : i32 {
        %mul3A_70 = arith.constant 2 : i32
        %mul3A_71 = arith.muli %mul3A_70, %scan3A_68 : i32
        %add3A_72 = arith.constant 1 : i32
        %add3A_73 = arith.addi %mul3A_71, %add3A_72 : i32
        %mul3A_74 = arith.constant 2000 : i32
        %mul3A_75 = arith.muli %add3A_73, %mul3A_74 : i32
        %add3A_76 = arith.addi %mul3A_0, %mul3A_75 : i32
        "tpu.region"() ({
          %run_scoped3A = tpu.sem_alloc : memref<!tpu.dma_semaphore, #tpu.memory_space<semaphore_mem>>
          %dma_start3A_111 = tpu.memref_slice %arg4[%add3A_76] : memref<864000xi32, #tpu.memory_space<hbm>> -> memref<2000xi32, #tpu.memory_space<hbm>>
          %dma_start3A_112 = tpu.memref_slice %arg4[%add3A_76] : memref<864000xi32, #tpu.memory_space<hbm>> -> memref<2000xi32, #tpu.memory_space<hbm>>
          tpu.enqueue_dma source(%dma_start3A_112 : memref<2000xi32, #tpu.memory_space<hbm>>) target(%arg10 : memref<2000xi32, #tpu.memory_space<vmem>>) target_semaphore(%run_scoped3A : memref<!tpu.dma_semaphore, #tpu.memory_space<semaphore_mem>>)
          %dma_wait3A_113 = tpu.memref_slice %arg4[%add3A_76] : memref<864000xi32, #tpu.memory_space<hbm>> -> memref<2000xi32, #tpu.memory_space<hbm>>
          %dma_wait3A_114 = tpu.memref_slice %arg4[%add3A_76] : memref<864000xi32, #tpu.memory_space<hbm>> -> memref<2000xi32, #tpu.memory_space<hbm>>
          tpu.wait_dma2 semaphore(%run_scoped3A : memref<!tpu.dma_semaphore, #tpu.memory_space<semaphore_mem>>) src(%dma_wait3A_114 : memref<2000xi32, #tpu.memory_space<hbm>>) dst(%arg10 : memref<2000xi32, #tpu.memory_space<vmem>>)
          tpu.yield
        }) : () -> ()
        "tpu.region"() ({
          %run_scoped3A = tpu.sem_alloc : memref<!tpu.dma_semaphore, #tpu.memory_space<semaphore_mem>>
          %dma_start3A_111 = tpu.memref_slice %arg5[%add3A_76] : memref<864000xi32, #tpu.memory_space<hbm>> -> memref<2000xi32, #tpu.memory_space<hbm>>
          %dma_start3A_112 = tpu.memref_slice %arg5[%add3A_76] : memref<864000xi32, #tpu.memory_space<hbm>> -> memref<2000xi32, #tpu.memory_space<hbm>>
          tpu.enqueue_dma source(%dma_start3A_112 : memref<2000xi32, #tpu.memory_space<hbm>>) target(%arg11 : memref<2000xi32, #tpu.memory_space<vmem>>) target_semaphore(%run_scoped3A : memref<!tpu.dma_semaphore, #tpu.memory_space<semaphore_mem>>)
          %dma_wait3A_113 = tpu.memref_slice %arg5[%add3A_76] : memref<864000xi32, #tpu.memory_space<hbm>> -> memref<2000xi32, #tpu.memory_space<hbm>>
          %dma_wait3A_114 = tpu.memref_slice %arg5[%add3A_76] : memref<864000xi32, #tpu.memory_space<hbm>> -> memref<2000xi32, #tpu.memory_space<hbm>>
          tpu.wait_dma2 semaphore(%run_scoped3A : memref<!tpu.dma_semaphore, #tpu.memory_space<semaphore_mem>>) src(%dma_wait3A_114 : memref<2000xi32, #tpu.memory_space<hbm>>) dst(%arg11 : memref<2000xi32, #tpu.memory_space<vmem>>)
          tpu.yield
        }) : () -> ()
        %dma_start3A_77 = arith.constant 0 : i32
        %dma_start3A_78 = arith.constant 0 : i32
        %dma_start3A_79 = tpu.memref_slice %arg2[%add3A_35, %dma_start3A_77, %dma_start3A_78] : memref<20x50176x16xf32, #tpu.memory_space<hbm>> -> memref<1x50176x16xf32, #tpu.memory_space<hbm>>
        %dma_start3A_80 = tpu.memref_squeeze %dma_start3A_79 : memref<1x50176x16xf32, #tpu.memory_space<hbm>> -> memref<50176x16xf32, #tpu.memory_space<hbm>>
        %dma_start3A_81 = arith.constant 0 : i32
        %dma_start3A_82 = arith.constant 0 : i32
        %dma_start3A_83 = tpu.memref_slice %dma_start3A_80[%dma_start3A_81, %dma_start3A_82] : memref<50176x16xf32, #tpu.memory_space<hbm>> -> memref<50176x16xf32, #tpu.memory_space<hbm>>
        tpu.enqueue_indirect_dma source(%dma_start3A_83 : memref<50176x16xf32, #tpu.memory_space<hbm>>) target(%arg12 : memref<2000x16xf32, #tpu.memory_space<vmem>>) offsets(%arg10 : memref<2000xi32, #tpu.memory_space<vmem>>) semaphore(%arg15 : memref<!tpu.dma_semaphore, #tpu.memory_space<semaphore_mem>>)
        %dma_wait3A_84 = arith.constant 0 : i32
        %dma_wait3A_85 = arith.constant 0 : i32
        %dma_wait3A_86 = tpu.memref_slice %arg2[%add3A_35, %dma_wait3A_84, %dma_wait3A_85] : memref<20x50176x16xf32, #tpu.memory_space<hbm>> -> memref<1x50176x16xf32, #tpu.memory_space<hbm>>
        %dma_wait3A_87 = tpu.memref_squeeze %dma_wait3A_86 : memref<1x50176x16xf32, #tpu.memory_space<hbm>> -> memref<50176x16xf32, #tpu.memory_space<hbm>>
        %dma_wait3A_88 = arith.constant 0 : i32
        %dma_wait3A_89 = arith.constant 0 : i32
        %dma_wait3A_90 = tpu.memref_slice %dma_wait3A_87[%dma_wait3A_88, %dma_wait3A_89] : memref<50176x16xf32, #tpu.memory_space<hbm>> -> memref<50176x16xf32, #tpu.memory_space<hbm>>
        tpu.wait_indirect_dma semaphore(%arg14 : memref<!tpu.dma_semaphore, #tpu.memory_space<semaphore_mem>>) src(%dma_wait3A_90 : memref<50176x16xf32, #tpu.memory_space<hbm>>) dst(%arg9 : memref<2000x16xf32, #tpu.memory_space<vmem>>)
        "tpu.region"() ({
          %run_scoped3A = tpu.sem_alloc : memref<!tpu.dma_semaphore, #tpu.memory_space<semaphore_mem>>
          %dma_start3A_111 = arith.constant 0 : i32
          %dma_start3A_112 = arith.constant 0 : i32
          %dma_start3A_113 = tpu.memref_slice %arg13[%dma_start3A_111, %dma_start3A_112] : memref<50176x16xf32, #tpu.memory_space<vmem_shared>> -> memref<50176x16xf32, #tpu.memory_space<vmem_shared>>
          tpu.enqueue_indirect_dma source(%arg9 : memref<2000x16xf32, #tpu.memory_space<vmem>>) target(%dma_start3A_113 : memref<50176x16xf32, #tpu.memory_space<vmem_shared>>) offsets(%arg8 : memref<2000xi32, #tpu.memory_space<vmem>>) semaphore(%run_scoped3A : memref<!tpu.dma_semaphore, #tpu.memory_space<semaphore_mem>>) {add = true}
          %dma_wait3A_114 = arith.constant 0 : i32
          %dma_wait3A_115 = arith.constant 0 : i32
          %dma_wait3A_116 = tpu.memref_slice %arg13[%dma_wait3A_114, %dma_wait3A_115] : memref<50176x16xf32, #tpu.memory_space<vmem_shared>> -> memref<50176x16xf32, #tpu.memory_space<vmem_shared>>
          tpu.wait_indirect_dma semaphore(%run_scoped3A : memref<!tpu.dma_semaphore, #tpu.memory_space<semaphore_mem>>) src(%arg9 : memref<2000x16xf32, #tpu.memory_space<vmem>>) dst(%dma_wait3A_116 : memref<50176x16xf32, #tpu.memory_space<vmem_shared>>)
          tpu.yield
        }) : () -> ()
        %add3A_91 = arith.constant 2 : i32
        %add3A_92 = arith.addi %mul3A_71, %add3A_91 : i32
        %mul3A_93 = arith.constant 2000 : i32
        %mul3A_94 = arith.muli %add3A_92, %mul3A_93 : i32
        %add3A_95 = arith.addi %mul3A_0, %mul3A_94 : i32
        "tpu.region"() ({
          %run_scoped3A = tpu.sem_alloc : memref<!tpu.dma_semaphore, #tpu.memory_space<semaphore_mem>>
          %dma_start3A_111 = tpu.memref_slice %arg4[%add3A_95] : memref<864000xi32, #tpu.memory_space<hbm>> -> memref<2000xi32, #tpu.memory_space<hbm>>
          %dma_start3A_112 = tpu.memref_slice %arg4[%add3A_95] : memref<864000xi32, #tpu.memory_space<hbm>> -> memref<2000xi32, #tpu.memory_space<hbm>>
          tpu.enqueue_dma source(%dma_start3A_112 : memref<2000xi32, #tpu.memory_space<hbm>>) target(%arg7 : memref<2000xi32, #tpu.memory_space<vmem>>) target_semaphore(%run_scoped3A : memref<!tpu.dma_semaphore, #tpu.memory_space<semaphore_mem>>)
          %dma_wait3A_113 = tpu.memref_slice %arg4[%add3A_95] : memref<864000xi32, #tpu.memory_space<hbm>> -> memref<2000xi32, #tpu.memory_space<hbm>>
          %dma_wait3A_114 = tpu.memref_slice %arg4[%add3A_95] : memref<864000xi32, #tpu.memory_space<hbm>> -> memref<2000xi32, #tpu.memory_space<hbm>>
          tpu.wait_dma2 semaphore(%run_scoped3A : memref<!tpu.dma_semaphore, #tpu.memory_space<semaphore_mem>>) src(%dma_wait3A_114 : memref<2000xi32, #tpu.memory_space<hbm>>) dst(%arg7 : memref<2000xi32, #tpu.memory_space<vmem>>)
          tpu.yield
        }) : () -> ()
        "tpu.region"() ({
          %run_scoped3A = tpu.sem_alloc : memref<!tpu.dma_semaphore, #tpu.memory_space<semaphore_mem>>
          %dma_start3A_111 = tpu.memref_slice %arg5[%add3A_95] : memref<864000xi32, #tpu.memory_space<hbm>> -> memref<2000xi32, #tpu.memory_space<hbm>>
          %dma_start3A_112 = tpu.memref_slice %arg5[%add3A_95] : memref<864000xi32, #tpu.memory_space<hbm>> -> memref<2000xi32, #tpu.memory_space<hbm>>
          tpu.enqueue_dma source(%dma_start3A_112 : memref<2000xi32, #tpu.memory_space<hbm>>) target(%arg8 : memref<2000xi32, #tpu.memory_space<vmem>>) target_semaphore(%run_scoped3A : memref<!tpu.dma_semaphore, #tpu.memory_space<semaphore_mem>>)
          %dma_wait3A_113 = tpu.memref_slice %arg5[%add3A_95] : memref<864000xi32, #tpu.memory_space<hbm>> -> memref<2000xi32, #tpu.memory_space<hbm>>
          %dma_wait3A_114 = tpu.memref_slice %arg5[%add3A_95] : memref<864000xi32, #tpu.memory_space<hbm>> -> memref<2000xi32, #tpu.memory_space<hbm>>
          tpu.wait_dma2 semaphore(%run_scoped3A : memref<!tpu.dma_semaphore, #tpu.memory_space<semaphore_mem>>) src(%dma_wait3A_114 : memref<2000xi32, #tpu.memory_space<hbm>>) dst(%arg8 : memref<2000xi32, #tpu.memory_space<vmem>>)
          tpu.yield
        }) : () -> ()
        %dma_start3A_96 = arith.constant 0 : i32
        %dma_start3A_97 = arith.constant 0 : i32
        %dma_start3A_98 = tpu.memref_slice %arg2[%add3A_35, %dma_start3A_96, %dma_start3A_97] : memref<20x50176x16xf32, #tpu.memory_space<hbm>> -> memref<1x50176x16xf32, #tpu.memory_space<hbm>>
        %dma_start3A_99 = tpu.memref_squeeze %dma_start3A_98 : memref<1x50176x16xf32, #tpu.memory_space<hbm>> -> memref<50176x16xf32, #tpu.memory_space<hbm>>
        %dma_start3A_100 = arith.constant 0 : i32
        %dma_start3A_101 = arith.constant 0 : i32
        %dma_start3A_102 = tpu.memref_slice %dma_start3A_99[%dma_start3A_100, %dma_start3A_101] : memref<50176x16xf32, #tpu.memory_space<hbm>> -> memref<50176x16xf32, #tpu.memory_space<hbm>>
        tpu.enqueue_indirect_dma source(%dma_start3A_102 : memref<50176x16xf32, #tpu.memory_space<hbm>>) target(%arg9 : memref<2000x16xf32, #tpu.memory_space<vmem>>) offsets(%arg7 : memref<2000xi32, #tpu.memory_space<vmem>>) semaphore(%arg14 : memref<!tpu.dma_semaphore, #tpu.memory_space<semaphore_mem>>)
        %dma_wait3A_103 = arith.constant 0 : i32
        %dma_wait3A_104 = arith.constant 0 : i32
        %dma_wait3A_105 = tpu.memref_slice %arg2[%add3A_35, %dma_wait3A_103, %dma_wait3A_104] : memref<20x50176x16xf32, #tpu.memory_space<hbm>> -> memref<1x50176x16xf32, #tpu.memory_space<hbm>>
        %dma_wait3A_106 = tpu.memref_squeeze %dma_wait3A_105 : memref<1x50176x16xf32, #tpu.memory_space<hbm>> -> memref<50176x16xf32, #tpu.memory_space<hbm>>
        %dma_wait3A_107 = arith.constant 0 : i32
        %dma_wait3A_108 = arith.constant 0 : i32
        %dma_wait3A_109 = tpu.memref_slice %dma_wait3A_106[%dma_wait3A_107, %dma_wait3A_108] : memref<50176x16xf32, #tpu.memory_space<hbm>> -> memref<50176x16xf32, #tpu.memory_space<hbm>>
        tpu.wait_indirect_dma semaphore(%arg15 : memref<!tpu.dma_semaphore, #tpu.memory_space<semaphore_mem>>) src(%dma_wait3A_109 : memref<50176x16xf32, #tpu.memory_space<hbm>>) dst(%arg12 : memref<2000x16xf32, #tpu.memory_space<vmem>>)
        "tpu.region"() ({
          %run_scoped3A = tpu.sem_alloc : memref<!tpu.dma_semaphore, #tpu.memory_space<semaphore_mem>>
          %dma_start3A_111 = arith.constant 0 : i32
          %dma_start3A_112 = arith.constant 0 : i32
          %dma_start3A_113 = tpu.memref_slice %arg13[%dma_start3A_111, %dma_start3A_112] : memref<50176x16xf32, #tpu.memory_space<vmem_shared>> -> memref<50176x16xf32, #tpu.memory_space<vmem_shared>>
          tpu.enqueue_indirect_dma source(%arg12 : memref<2000x16xf32, #tpu.memory_space<vmem>>) target(%dma_start3A_113 : memref<50176x16xf32, #tpu.memory_space<vmem_shared>>) offsets(%arg11 : memref<2000xi32, #tpu.memory_space<vmem>>) semaphore(%run_scoped3A : memref<!tpu.dma_semaphore, #tpu.memory_space<semaphore_mem>>) {add = true}
          %dma_wait3A_114 = arith.constant 0 : i32
          %dma_wait3A_115 = arith.constant 0 : i32
          %dma_wait3A_116 = tpu.memref_slice %arg13[%dma_wait3A_114, %dma_wait3A_115] : memref<50176x16xf32, #tpu.memory_space<vmem_shared>> -> memref<50176x16xf32, #tpu.memory_space<vmem_shared>>
          tpu.wait_indirect_dma semaphore(%run_scoped3A : memref<!tpu.dma_semaphore, #tpu.memory_space<semaphore_mem>>) src(%arg12 : memref<2000x16xf32, #tpu.memory_space<vmem>>) dst(%dma_wait3A_116 : memref<50176x16xf32, #tpu.memory_space<vmem_shared>>)
          tpu.yield
        }) : () -> ()
        %scan3A_110 = arith.constant 0 : i32
        scf.yield %scan3A_110 : i32
      }
      %scan3A_53 = arith.constant 13 : i32
      %dma_wait3A = arith.constant 0 : i32
      %dma_wait3A_54 = arith.constant 0 : i32
      %dma_wait3A_55 = tpu.memref_slice %arg2[%add3A_35, %dma_wait3A, %dma_wait3A_54] : memref<20x50176x16xf32, #tpu.memory_space<hbm>> -> memref<1x50176x16xf32, #tpu.memory_space<hbm>>
      %dma_wait3A_56 = tpu.memref_squeeze %dma_wait3A_55 : memref<1x50176x16xf32, #tpu.memory_space<hbm>> -> memref<50176x16xf32, #tpu.memory_space<hbm>>
      %dma_wait3A_57 = arith.constant 0 : i32
      %dma_wait3A_58 = arith.constant 0 : i32
      %dma_wait3A_59 = tpu.memref_slice %dma_wait3A_56[%dma_wait3A_57, %dma_wait3A_58] : memref<50176x16xf32, #tpu.memory_space<hbm>> -> memref<50176x16xf32, #tpu.memory_space<hbm>>
      tpu.wait_indirect_dma semaphore(%arg14 : memref<!tpu.dma_semaphore, #tpu.memory_space<semaphore_mem>>) src(%dma_wait3A_59 : memref<50176x16xf32, #tpu.memory_space<hbm>>) dst(%arg9 : memref<2000x16xf32, #tpu.memory_space<vmem>>)
      "tpu.region"() ({
        %run_scoped3A = tpu.sem_alloc : memref<!tpu.dma_semaphore, #tpu.memory_space<semaphore_mem>>
        %dma_start3A_68 = arith.constant 0 : i32
        %dma_start3A_69 = arith.constant 0 : i32
        %dma_start3A_70 = tpu.memref_slice %arg13[%dma_start3A_68, %dma_start3A_69] : memref<50176x16xf32, #tpu.memory_space<vmem_shared>> -> memref<50176x16xf32, #tpu.memory_space<vmem_shared>>
        tpu.enqueue_indirect_dma source(%arg9 : memref<2000x16xf32, #tpu.memory_space<vmem>>) target(%dma_start3A_70 : memref<50176x16xf32, #tpu.memory_space<vmem_shared>>) offsets(%arg8 : memref<2000xi32, #tpu.memory_space<vmem>>) semaphore(%run_scoped3A : memref<!tpu.dma_semaphore, #tpu.memory_space<semaphore_mem>>) {add = true}
        %dma_wait3A_71 = arith.constant 0 : i32
        %dma_wait3A_72 = arith.constant 0 : i32
        %dma_wait3A_73 = tpu.memref_slice %arg13[%dma_wait3A_71, %dma_wait3A_72] : memref<50176x16xf32, #tpu.memory_space<vmem_shared>> -> memref<50176x16xf32, #tpu.memory_space<vmem_shared>>
        tpu.wait_indirect_dma semaphore(%run_scoped3A : memref<!tpu.dma_semaphore, #tpu.memory_space<semaphore_mem>>) src(%arg9 : memref<2000x16xf32, #tpu.memory_space<vmem>>) dst(%dma_wait3A_73 : memref<50176x16xf32, #tpu.memory_space<vmem_shared>>)
        tpu.yield
      }) : () -> ()
      %barrier3A_60 = arith.constant 0 : index
      tpu.barrier barrier_id(%barrier3A_60)
      %mul3A_61 = arith.constant 3136 : i32
      %mul3A_62 = arith.muli %arg1, %mul3A_61 : i32
      %mul3A_63 = arith.constant 3136 : i32
      %mul3A_64 = arith.muli %arg1, %mul3A_63 : i32
      %mul3A_65 = arith.constant 16 : i32
      %mul3A_66 = arith.muli %add3A_35, %mul3A_65 : i32
      "tpu.region"() ({
        %run_scoped3A = tpu.sem_alloc : memref<!tpu.dma_semaphore, #tpu.memory_space<semaphore_mem>>
        %dma_start3A_68 = tpu.memref_slice %arg6[%mul3A_64, %mul3A_66] : memref<50176x320xf32, #tpu.memory_space<hbm>> -> memref<3136x16xf32, #tpu.memory_space<hbm>>
        %dma_start3A_69 = arith.constant 0 : i32
        %dma_start3A_70 = tpu.memref_slice %arg13[%mul3A_62, %dma_start3A_69] : memref<50176x16xf32, #tpu.memory_space<vmem_shared>> -> memref<3136x16xf32, #tpu.memory_space<vmem_shared>>
        tpu.enqueue_dma source(%dma_start3A_70 : memref<3136x16xf32, #tpu.memory_space<vmem_shared>>) target(%dma_start3A_68 : memref<3136x16xf32, #tpu.memory_space<hbm>>) target_semaphore(%run_scoped3A : memref<!tpu.dma_semaphore, #tpu.memory_space<semaphore_mem>>)
        %dma_wait3A_71 = tpu.memref_slice %arg6[%mul3A_64, %mul3A_66] : memref<50176x320xf32, #tpu.memory_space<hbm>> -> memref<3136x16xf32, #tpu.memory_space<hbm>>
        %dma_wait3A_72 = arith.constant 0 : i32
        %dma_wait3A_73 = tpu.memref_slice %arg13[%mul3A_62, %dma_wait3A_72] : memref<50176x16xf32, #tpu.memory_space<vmem_shared>> -> memref<3136x16xf32, #tpu.memory_space<vmem_shared>>
        tpu.wait_dma2 semaphore(%run_scoped3A : memref<!tpu.dma_semaphore, #tpu.memory_space<semaphore_mem>>) src(%dma_wait3A_73 : memref<3136x16xf32, #tpu.memory_space<vmem_shared>>) dst(%dma_wait3A_71 : memref<3136x16xf32, #tpu.memory_space<hbm>>)
        tpu.yield
      }) : () -> ()
      %while3A_67 = arith.constant 0 : i32
      scf.yield %while3A_67 : i32
    }
    return
  }
}

#map = affine_map<(d0, d1) -> (0, 0, 0)>
#map1 = affine_map<(d0, d1) -> (0, 0)>
#map2 = affine_map<(d0, d1) -> (0)>
module attributes {stable_mosaic.version = 14 : i64} {
  func.func @_scatter_body(%arg0: i32, %arg1: i32, %arg2: memref<5x50176x16xf32, #tpu.memory_space<hbm>>, %arg3: memref<50176x16xf32, #tpu.memory_space<hbm>>, %arg4: memref<864000xi32, #tpu.memory_space<hbm>>, %arg5: memref<864000xi32, #tpu.memory_space<hbm>>, %arg6: memref<50176x80xf32, #tpu.memory_space<hbm>>, %arg7: memref<2000xi32, #tpu.memory_space<vmem>>, %arg8: memref<2000xi32, #tpu.memory_space<vmem>>, %arg9: memref<2000x16xf32, #tpu.memory_space<vmem>>, %arg10: memref<2000xi32, #tpu.memory_space<vmem>>, %arg11: memref<2000xi32, #tpu.memory_space<vmem>>, %arg12: memref<2000x16xf32, #tpu.memory_space<vmem>>, %arg13: memref<50176x16xf32, #tpu.memory_space<vmem_shared>>, %arg14: memref<!tpu.dma_semaphore, #tpu.memory_space<semaphore_mem>>, %arg15: memref<!tpu.dma_semaphore, #tpu.memory_space<semaphore_mem>>) attributes {dimension_semantics = [#tpu.dimension_semantics<core_parallel>, #tpu.dimension_semantics<subcore_parallel>], iteration_bounds = array<i64: 2, 16>, scalar_prefetch = 0 : i64, scratch_operands = 9 : i64, tpu.core_type = #tpu.core_type<sc_vector_subcore>, window_params = [{transform_indices = #map}, {transform_indices = #map1}, {transform_indices = #map2}, {transform_indices = #map2}, {transform_indices = #map1}]} {
    %mul3A = arith.constant 54000 : i32
    %mul3A_0 = arith.muli %arg1, %mul3A : i32
    %sub3A = arith.constant 5 : i32
    %sub3A_1 = arith.subi %sub3A, %arg0 : i32
    %add3A = arith.constant 1 : i32
    %add3A_2 = arith.addi %sub3A_1, %add3A : i32
    %jit3A = arith.constant 2 : i32
    %div3A = arith.divsi %add3A_2, %jit3A : i32
    %sign3A = arith.constant 0 : i32
    %sign3A_3 = arith.cmpi sgt, %add3A_2, %sign3A : i32
    %sign3A_4 = arith.extui %sign3A_3 : i1 to i32
    %sign3A_5 = arith.constant 0 : i32
    %sign3A_6 = arith.cmpi slt, %add3A_2, %sign3A_5 : i32
    %sign3A_7 = arith.extui %sign3A_6 : i1 to i32
    %sign3A_8 = arith.subi %sign3A_4, %sign3A_7 : i32
    %sign3A_9 = arith.constant 0 : i32
    %sign3A_10 = arith.cmpi sgt, %jit3A, %sign3A_9 : i32
    %sign3A_11 = arith.extui %sign3A_10 : i1 to i32
    %sign3A_12 = arith.constant 0 : i32
    %sign3A_13 = arith.cmpi slt, %jit3A, %sign3A_12 : i32
    %sign3A_14 = arith.extui %sign3A_13 : i1 to i32
    %sign3A_15 = arith.subi %sign3A_11, %sign3A_14 : i32
    %ne3A = arith.cmpi ne, %sign3A_8, %sign3A_15 : i32
    %rem3A = arith.remsi %add3A_2, %jit3A : i32
    %ne3A_16 = arith.constant 0 : i32
    %ne3A_17 = arith.cmpi ne, %rem3A, %ne3A_16 : i32
    %and3A = arith.andi %ne3A, %ne3A_17 : i1
    %sub3A_18 = arith.constant 1 : i32
    %sub3A_19 = arith.subi %div3A, %sub3A_18 : i32
    %select_n3A = arith.select %and3A, %sub3A_19, %div3A : i32
    %while3A = arith.constant 0 : i32
    %while3A_20 = arith.constant 0 : i32
    %while3A_21 = arith.subi %select_n3A, %while3A : i32
    %while3A_22 = arith.addi %while3A, %while3A_21 : i32
    %while3A_23 = arith.constant 1 : i32
    %while3A_24 = arith.divsi %while3A_21, %while3A_23 : i32
    %while3A_25 = arith.muli %while3A_24, %while3A_23 : i32
    %while3A_26 = arith.addi %while3A, %while3A_25 : i32
    %while3A_27 = arith.constant 1 : i32
    %while3A_28 = scf.for %while3A_31 = %while3A to %while3A_26 step %while3A_27 iter_args(%while3A_32 = %while3A_20) -> (i32)  : i32 {
      %mul3A_33 = arith.constant 2 : i32
      %mul3A_34 = arith.muli %mul3A_33, %while3A_31 : i32
      %add3A_35 = arith.addi %arg0, %mul3A_34 : i32
      %mul3A_36 = arith.constant 3136 : i32
      %mul3A_37 = arith.muli %arg1, %mul3A_36 : i32
      %mul3A_38 = arith.constant 3136 : i32
      %mul3A_39 = arith.muli %arg1, %mul3A_38 : i32
      "tpu.region"() ({
        %run_scoped3A = tpu.sem_alloc : memref<!tpu.dma_semaphore, #tpu.memory_space<semaphore_mem>>
        %dma_start3A_68 = arith.constant 0 : i32
        %dma_start3A_69 = tpu.memref_slice %arg13[%mul3A_39, %dma_start3A_68] : memref<50176x16xf32, #tpu.memory_space<vmem_shared>> -> memref<3136x16xf32, #tpu.memory_space<vmem_shared>>
        %dma_start3A_70 = arith.constant 0 : i32
        %dma_start3A_71 = tpu.memref_slice %arg3[%mul3A_37, %dma_start3A_70] : memref<50176x16xf32, #tpu.memory_space<hbm>> -> memref<3136x16xf32, #tpu.memory_space<hbm>>
        tpu.enqueue_dma source(%dma_start3A_71 : memref<3136x16xf32, #tpu.memory_space<hbm>>) target(%dma_start3A_69 : memref<3136x16xf32, #tpu.memory_space<vmem_shared>>) target_semaphore(%run_scoped3A : memref<!tpu.dma_semaphore, #tpu.memory_space<semaphore_mem>>)
        %dma_wait3A_72 = arith.constant 0 : i32
        %dma_wait3A_73 = tpu.memref_slice %arg13[%mul3A_39, %dma_wait3A_72] : memref<50176x16xf32, #tpu.memory_space<vmem_shared>> -> memref<3136x16xf32, #tpu.memory_space<vmem_shared>>
        %dma_wait3A_74 = arith.constant 0 : i32
        %dma_wait3A_75 = tpu.memref_slice %arg3[%mul3A_37, %dma_wait3A_74] : memref<50176x16xf32, #tpu.memory_space<hbm>> -> memref<3136x16xf32, #tpu.memory_space<hbm>>
        tpu.wait_dma2 semaphore(%run_scoped3A : memref<!tpu.dma_semaphore, #tpu.memory_space<semaphore_mem>>) src(%dma_wait3A_75 : memref<3136x16xf32, #tpu.memory_space<hbm>>) dst(%dma_wait3A_73 : memref<3136x16xf32, #tpu.memory_space<vmem_shared>>)
        tpu.yield
      }) : () -> ()
      %barrier3A = arith.constant 0 : index
      tpu.barrier barrier_id(%barrier3A)
      %add3A_40 = arith.constant 0 : i32
      %add3A_41 = arith.addi %mul3A_0, %add3A_40 : i32
      "tpu.region"() ({
        %run_scoped3A = tpu.sem_alloc : memref<!tpu.dma_semaphore, #tpu.memory_space<semaphore_mem>>
        %dma_start3A_68 = tpu.memref_slice %arg4[%add3A_41] : memref<864000xi32, #tpu.memory_space<hbm>> -> memref<2000xi32, #tpu.memory_space<hbm>>
        %dma_start3A_69 = tpu.memref_slice %arg4[%add3A_41] : memref<864000xi32, #tpu.memory_space<hbm>> -> memref<2000xi32, #tpu.memory_space<hbm>>
        tpu.enqueue_dma source(%dma_start3A_69 : memref<2000xi32, #tpu.memory_space<hbm>>) target(%arg7 : memref<2000xi32, #tpu.memory_space<vmem>>) target_semaphore(%run_scoped3A : memref<!tpu.dma_semaphore, #tpu.memory_space<semaphore_mem>>)
        %dma_wait3A_70 = tpu.memref_slice %arg4[%add3A_41] : memref<864000xi32, #tpu.memory_space<hbm>> -> memref<2000xi32, #tpu.memory_space<hbm>>
        %dma_wait3A_71 = tpu.memref_slice %arg4[%add3A_41] : memref<864000xi32, #tpu.memory_space<hbm>> -> memref<2000xi32, #tpu.memory_space<hbm>>
        tpu.wait_dma2 semaphore(%run_scoped3A : memref<!tpu.dma_semaphore, #tpu.memory_space<semaphore_mem>>) src(%dma_wait3A_71 : memref<2000xi32, #tpu.memory_space<hbm>>) dst(%arg7 : memref<2000xi32, #tpu.memory_space<vmem>>)
        tpu.yield
      }) : () -> ()
      "tpu.region"() ({
        %run_scoped3A = tpu.sem_alloc : memref<!tpu.dma_semaphore, #tpu.memory_space<semaphore_mem>>
        %dma_start3A_68 = tpu.memref_slice %arg5[%add3A_41] : memref<864000xi32, #tpu.memory_space<hbm>> -> memref<2000xi32, #tpu.memory_space<hbm>>
        %dma_start3A_69 = tpu.memref_slice %arg5[%add3A_41] : memref<864000xi32, #tpu.memory_space<hbm>> -> memref<2000xi32, #tpu.memory_space<hbm>>
        tpu.enqueue_dma source(%dma_start3A_69 : memref<2000xi32, #tpu.memory_space<hbm>>) target(%arg8 : memref<2000xi32, #tpu.memory_space<vmem>>) target_semaphore(%run_scoped3A : memref<!tpu.dma_semaphore, #tpu.memory_space<semaphore_mem>>)
        %dma_wait3A_70 = tpu.memref_slice %arg5[%add3A_41] : memref<864000xi32, #tpu.memory_space<hbm>> -> memref<2000xi32, #tpu.memory_space<hbm>>
        %dma_wait3A_71 = tpu.memref_slice %arg5[%add3A_41] : memref<864000xi32, #tpu.memory_space<hbm>> -> memref<2000xi32, #tpu.memory_space<hbm>>
        tpu.wait_dma2 semaphore(%run_scoped3A : memref<!tpu.dma_semaphore, #tpu.memory_space<semaphore_mem>>) src(%dma_wait3A_71 : memref<2000xi32, #tpu.memory_space<hbm>>) dst(%arg8 : memref<2000xi32, #tpu.memory_space<vmem>>)
        tpu.yield
      }) : () -> ()
      %dma_start3A = arith.constant 0 : i32
      %dma_start3A_42 = arith.constant 0 : i32
      %dma_start3A_43 = tpu.memref_slice %arg2[%add3A_35, %dma_start3A, %dma_start3A_42] : memref<5x50176x16xf32, #tpu.memory_space<hbm>> -> memref<1x50176x16xf32, #tpu.memory_space<hbm>>
      %dma_start3A_44 = tpu.memref_squeeze %dma_start3A_43 : memref<1x50176x16xf32, #tpu.memory_space<hbm>> -> memref<50176x16xf32, #tpu.memory_space<hbm>>
      %dma_start3A_45 = arith.constant 0 : i32
      %dma_start3A_46 = arith.constant 0 : i32
      %dma_start3A_47 = tpu.memref_slice %dma_start3A_44[%dma_start3A_45, %dma_start3A_46] : memref<50176x16xf32, #tpu.memory_space<hbm>> -> memref<50176x16xf32, #tpu.memory_space<hbm>>
      tpu.enqueue_indirect_dma source(%dma_start3A_47 : memref<50176x16xf32, #tpu.memory_space<hbm>>) target(%arg9 : memref<2000x16xf32, #tpu.memory_space<vmem>>) offsets(%arg7 : memref<2000xi32, #tpu.memory_space<vmem>>) semaphore(%arg14 : memref<!tpu.dma_semaphore, #tpu.memory_space<semaphore_mem>>)
      %scan3A = arith.constant 0 : i32
      %scan3A_48 = arith.constant 0 : i32
      %scan3A_49 = arith.constant 13 : i32
      %scan3A_50 = arith.addi %scan3A_48, %scan3A_49 : i32
      %scan3A_51 = arith.constant 1 : i32
      %scan3A_52 = scf.for %scan3A_68 = %scan3A_48 to %scan3A_50 step %scan3A_51 iter_args(%scan3A_69 = %scan3A) -> (i32)  : i32 {
        %mul3A_70 = arith.constant 2 : i32
        %mul3A_71 = arith.muli %mul3A_70, %scan3A_68 : i32
        %add3A_72 = arith.constant 1 : i32
        %add3A_73 = arith.addi %mul3A_71, %add3A_72 : i32
        %mul3A_74 = arith.constant 2000 : i32
        %mul3A_75 = arith.muli %add3A_73, %mul3A_74 : i32
        %add3A_76 = arith.addi %mul3A_0, %mul3A_75 : i32
        "tpu.region"() ({
          %run_scoped3A = tpu.sem_alloc : memref<!tpu.dma_semaphore, #tpu.memory_space<semaphore_mem>>
          %dma_start3A_111 = tpu.memref_slice %arg4[%add3A_76] : memref<864000xi32, #tpu.memory_space<hbm>> -> memref<2000xi32, #tpu.memory_space<hbm>>
          %dma_start3A_112 = tpu.memref_slice %arg4[%add3A_76] : memref<864000xi32, #tpu.memory_space<hbm>> -> memref<2000xi32, #tpu.memory_space<hbm>>
          tpu.enqueue_dma source(%dma_start3A_112 : memref<2000xi32, #tpu.memory_space<hbm>>) target(%arg10 : memref<2000xi32, #tpu.memory_space<vmem>>) target_semaphore(%run_scoped3A : memref<!tpu.dma_semaphore, #tpu.memory_space<semaphore_mem>>)
          %dma_wait3A_113 = tpu.memref_slice %arg4[%add3A_76] : memref<864000xi32, #tpu.memory_space<hbm>> -> memref<2000xi32, #tpu.memory_space<hbm>>
          %dma_wait3A_114 = tpu.memref_slice %arg4[%add3A_76] : memref<864000xi32, #tpu.memory_space<hbm>> -> memref<2000xi32, #tpu.memory_space<hbm>>
          tpu.wait_dma2 semaphore(%run_scoped3A : memref<!tpu.dma_semaphore, #tpu.memory_space<semaphore_mem>>) src(%dma_wait3A_114 : memref<2000xi32, #tpu.memory_space<hbm>>) dst(%arg10 : memref<2000xi32, #tpu.memory_space<vmem>>)
          tpu.yield
        }) : () -> ()
        "tpu.region"() ({
          %run_scoped3A = tpu.sem_alloc : memref<!tpu.dma_semaphore, #tpu.memory_space<semaphore_mem>>
          %dma_start3A_111 = tpu.memref_slice %arg5[%add3A_76] : memref<864000xi32, #tpu.memory_space<hbm>> -> memref<2000xi32, #tpu.memory_space<hbm>>
          %dma_start3A_112 = tpu.memref_slice %arg5[%add3A_76] : memref<864000xi32, #tpu.memory_space<hbm>> -> memref<2000xi32, #tpu.memory_space<hbm>>
          tpu.enqueue_dma source(%dma_start3A_112 : memref<2000xi32, #tpu.memory_space<hbm>>) target(%arg11 : memref<2000xi32, #tpu.memory_space<vmem>>) target_semaphore(%run_scoped3A : memref<!tpu.dma_semaphore, #tpu.memory_space<semaphore_mem>>)
          %dma_wait3A_113 = tpu.memref_slice %arg5[%add3A_76] : memref<864000xi32, #tpu.memory_space<hbm>> -> memref<2000xi32, #tpu.memory_space<hbm>>
          %dma_wait3A_114 = tpu.memref_slice %arg5[%add3A_76] : memref<864000xi32, #tpu.memory_space<hbm>> -> memref<2000xi32, #tpu.memory_space<hbm>>
          tpu.wait_dma2 semaphore(%run_scoped3A : memref<!tpu.dma_semaphore, #tpu.memory_space<semaphore_mem>>) src(%dma_wait3A_114 : memref<2000xi32, #tpu.memory_space<hbm>>) dst(%arg11 : memref<2000xi32, #tpu.memory_space<vmem>>)
          tpu.yield
        }) : () -> ()
        %dma_start3A_77 = arith.constant 0 : i32
        %dma_start3A_78 = arith.constant 0 : i32
        %dma_start3A_79 = tpu.memref_slice %arg2[%add3A_35, %dma_start3A_77, %dma_start3A_78] : memref<5x50176x16xf32, #tpu.memory_space<hbm>> -> memref<1x50176x16xf32, #tpu.memory_space<hbm>>
        %dma_start3A_80 = tpu.memref_squeeze %dma_start3A_79 : memref<1x50176x16xf32, #tpu.memory_space<hbm>> -> memref<50176x16xf32, #tpu.memory_space<hbm>>
        %dma_start3A_81 = arith.constant 0 : i32
        %dma_start3A_82 = arith.constant 0 : i32
        %dma_start3A_83 = tpu.memref_slice %dma_start3A_80[%dma_start3A_81, %dma_start3A_82] : memref<50176x16xf32, #tpu.memory_space<hbm>> -> memref<50176x16xf32, #tpu.memory_space<hbm>>
        tpu.enqueue_indirect_dma source(%dma_start3A_83 : memref<50176x16xf32, #tpu.memory_space<hbm>>) target(%arg12 : memref<2000x16xf32, #tpu.memory_space<vmem>>) offsets(%arg10 : memref<2000xi32, #tpu.memory_space<vmem>>) semaphore(%arg15 : memref<!tpu.dma_semaphore, #tpu.memory_space<semaphore_mem>>)
        %dma_wait3A_84 = arith.constant 0 : i32
        %dma_wait3A_85 = arith.constant 0 : i32
        %dma_wait3A_86 = tpu.memref_slice %arg2[%add3A_35, %dma_wait3A_84, %dma_wait3A_85] : memref<5x50176x16xf32, #tpu.memory_space<hbm>> -> memref<1x50176x16xf32, #tpu.memory_space<hbm>>
        %dma_wait3A_87 = tpu.memref_squeeze %dma_wait3A_86 : memref<1x50176x16xf32, #tpu.memory_space<hbm>> -> memref<50176x16xf32, #tpu.memory_space<hbm>>
        %dma_wait3A_88 = arith.constant 0 : i32
        %dma_wait3A_89 = arith.constant 0 : i32
        %dma_wait3A_90 = tpu.memref_slice %dma_wait3A_87[%dma_wait3A_88, %dma_wait3A_89] : memref<50176x16xf32, #tpu.memory_space<hbm>> -> memref<50176x16xf32, #tpu.memory_space<hbm>>
        tpu.wait_indirect_dma semaphore(%arg14 : memref<!tpu.dma_semaphore, #tpu.memory_space<semaphore_mem>>) src(%dma_wait3A_90 : memref<50176x16xf32, #tpu.memory_space<hbm>>) dst(%arg9 : memref<2000x16xf32, #tpu.memory_space<vmem>>)
        "tpu.region"() ({
          %run_scoped3A = tpu.sem_alloc : memref<!tpu.dma_semaphore, #tpu.memory_space<semaphore_mem>>
          %dma_start3A_111 = arith.constant 0 : i32
          %dma_start3A_112 = arith.constant 0 : i32
          %dma_start3A_113 = tpu.memref_slice %arg13[%dma_start3A_111, %dma_start3A_112] : memref<50176x16xf32, #tpu.memory_space<vmem_shared>> -> memref<50176x16xf32, #tpu.memory_space<vmem_shared>>
          tpu.enqueue_indirect_dma source(%arg9 : memref<2000x16xf32, #tpu.memory_space<vmem>>) target(%dma_start3A_113 : memref<50176x16xf32, #tpu.memory_space<vmem_shared>>) offsets(%arg8 : memref<2000xi32, #tpu.memory_space<vmem>>) semaphore(%run_scoped3A : memref<!tpu.dma_semaphore, #tpu.memory_space<semaphore_mem>>) {add = true}
          %dma_wait3A_114 = arith.constant 0 : i32
          %dma_wait3A_115 = arith.constant 0 : i32
          %dma_wait3A_116 = tpu.memref_slice %arg13[%dma_wait3A_114, %dma_wait3A_115] : memref<50176x16xf32, #tpu.memory_space<vmem_shared>> -> memref<50176x16xf32, #tpu.memory_space<vmem_shared>>
          tpu.wait_indirect_dma semaphore(%run_scoped3A : memref<!tpu.dma_semaphore, #tpu.memory_space<semaphore_mem>>) src(%arg9 : memref<2000x16xf32, #tpu.memory_space<vmem>>) dst(%dma_wait3A_116 : memref<50176x16xf32, #tpu.memory_space<vmem_shared>>)
          tpu.yield
        }) : () -> ()
        %add3A_91 = arith.constant 2 : i32
        %add3A_92 = arith.addi %mul3A_71, %add3A_91 : i32
        %mul3A_93 = arith.constant 2000 : i32
        %mul3A_94 = arith.muli %add3A_92, %mul3A_93 : i32
        %add3A_95 = arith.addi %mul3A_0, %mul3A_94 : i32
        "tpu.region"() ({
          %run_scoped3A = tpu.sem_alloc : memref<!tpu.dma_semaphore, #tpu.memory_space<semaphore_mem>>
          %dma_start3A_111 = tpu.memref_slice %arg4[%add3A_95] : memref<864000xi32, #tpu.memory_space<hbm>> -> memref<2000xi32, #tpu.memory_space<hbm>>
          %dma_start3A_112 = tpu.memref_slice %arg4[%add3A_95] : memref<864000xi32, #tpu.memory_space<hbm>> -> memref<2000xi32, #tpu.memory_space<hbm>>
          tpu.enqueue_dma source(%dma_start3A_112 : memref<2000xi32, #tpu.memory_space<hbm>>) target(%arg7 : memref<2000xi32, #tpu.memory_space<vmem>>) target_semaphore(%run_scoped3A : memref<!tpu.dma_semaphore, #tpu.memory_space<semaphore_mem>>)
          %dma_wait3A_113 = tpu.memref_slice %arg4[%add3A_95] : memref<864000xi32, #tpu.memory_space<hbm>> -> memref<2000xi32, #tpu.memory_space<hbm>>
          %dma_wait3A_114 = tpu.memref_slice %arg4[%add3A_95] : memref<864000xi32, #tpu.memory_space<hbm>> -> memref<2000xi32, #tpu.memory_space<hbm>>
          tpu.wait_dma2 semaphore(%run_scoped3A : memref<!tpu.dma_semaphore, #tpu.memory_space<semaphore_mem>>) src(%dma_wait3A_114 : memref<2000xi32, #tpu.memory_space<hbm>>) dst(%arg7 : memref<2000xi32, #tpu.memory_space<vmem>>)
          tpu.yield
        }) : () -> ()
        "tpu.region"() ({
          %run_scoped3A = tpu.sem_alloc : memref<!tpu.dma_semaphore, #tpu.memory_space<semaphore_mem>>
          %dma_start3A_111 = tpu.memref_slice %arg5[%add3A_95] : memref<864000xi32, #tpu.memory_space<hbm>> -> memref<2000xi32, #tpu.memory_space<hbm>>
          %dma_start3A_112 = tpu.memref_slice %arg5[%add3A_95] : memref<864000xi32, #tpu.memory_space<hbm>> -> memref<2000xi32, #tpu.memory_space<hbm>>
          tpu.enqueue_dma source(%dma_start3A_112 : memref<2000xi32, #tpu.memory_space<hbm>>) target(%arg8 : memref<2000xi32, #tpu.memory_space<vmem>>) target_semaphore(%run_scoped3A : memref<!tpu.dma_semaphore, #tpu.memory_space<semaphore_mem>>)
          %dma_wait3A_113 = tpu.memref_slice %arg5[%add3A_95] : memref<864000xi32, #tpu.memory_space<hbm>> -> memref<2000xi32, #tpu.memory_space<hbm>>
          %dma_wait3A_114 = tpu.memref_slice %arg5[%add3A_95] : memref<864000xi32, #tpu.memory_space<hbm>> -> memref<2000xi32, #tpu.memory_space<hbm>>
          tpu.wait_dma2 semaphore(%run_scoped3A : memref<!tpu.dma_semaphore, #tpu.memory_space<semaphore_mem>>) src(%dma_wait3A_114 : memref<2000xi32, #tpu.memory_space<hbm>>) dst(%arg8 : memref<2000xi32, #tpu.memory_space<vmem>>)
          tpu.yield
        }) : () -> ()
        %dma_start3A_96 = arith.constant 0 : i32
        %dma_start3A_97 = arith.constant 0 : i32
        %dma_start3A_98 = tpu.memref_slice %arg2[%add3A_35, %dma_start3A_96, %dma_start3A_97] : memref<5x50176x16xf32, #tpu.memory_space<hbm>> -> memref<1x50176x16xf32, #tpu.memory_space<hbm>>
        %dma_start3A_99 = tpu.memref_squeeze %dma_start3A_98 : memref<1x50176x16xf32, #tpu.memory_space<hbm>> -> memref<50176x16xf32, #tpu.memory_space<hbm>>
        %dma_start3A_100 = arith.constant 0 : i32
        %dma_start3A_101 = arith.constant 0 : i32
        %dma_start3A_102 = tpu.memref_slice %dma_start3A_99[%dma_start3A_100, %dma_start3A_101] : memref<50176x16xf32, #tpu.memory_space<hbm>> -> memref<50176x16xf32, #tpu.memory_space<hbm>>
        tpu.enqueue_indirect_dma source(%dma_start3A_102 : memref<50176x16xf32, #tpu.memory_space<hbm>>) target(%arg9 : memref<2000x16xf32, #tpu.memory_space<vmem>>) offsets(%arg7 : memref<2000xi32, #tpu.memory_space<vmem>>) semaphore(%arg14 : memref<!tpu.dma_semaphore, #tpu.memory_space<semaphore_mem>>)
        %dma_wait3A_103 = arith.constant 0 : i32
        %dma_wait3A_104 = arith.constant 0 : i32
        %dma_wait3A_105 = tpu.memref_slice %arg2[%add3A_35, %dma_wait3A_103, %dma_wait3A_104] : memref<5x50176x16xf32, #tpu.memory_space<hbm>> -> memref<1x50176x16xf32, #tpu.memory_space<hbm>>
        %dma_wait3A_106 = tpu.memref_squeeze %dma_wait3A_105 : memref<1x50176x16xf32, #tpu.memory_space<hbm>> -> memref<50176x16xf32, #tpu.memory_space<hbm>>
        %dma_wait3A_107 = arith.constant 0 : i32
        %dma_wait3A_108 = arith.constant 0 : i32
        %dma_wait3A_109 = tpu.memref_slice %dma_wait3A_106[%dma_wait3A_107, %dma_wait3A_108] : memref<50176x16xf32, #tpu.memory_space<hbm>> -> memref<50176x16xf32, #tpu.memory_space<hbm>>
        tpu.wait_indirect_dma semaphore(%arg15 : memref<!tpu.dma_semaphore, #tpu.memory_space<semaphore_mem>>) src(%dma_wait3A_109 : memref<50176x16xf32, #tpu.memory_space<hbm>>) dst(%arg12 : memref<2000x16xf32, #tpu.memory_space<vmem>>)
        "tpu.region"() ({
          %run_scoped3A = tpu.sem_alloc : memref<!tpu.dma_semaphore, #tpu.memory_space<semaphore_mem>>
          %dma_start3A_111 = arith.constant 0 : i32
          %dma_start3A_112 = arith.constant 0 : i32
          %dma_start3A_113 = tpu.memref_slice %arg13[%dma_start3A_111, %dma_start3A_112] : memref<50176x16xf32, #tpu.memory_space<vmem_shared>> -> memref<50176x16xf32, #tpu.memory_space<vmem_shared>>
          tpu.enqueue_indirect_dma source(%arg12 : memref<2000x16xf32, #tpu.memory_space<vmem>>) target(%dma_start3A_113 : memref<50176x16xf32, #tpu.memory_space<vmem_shared>>) offsets(%arg11 : memref<2000xi32, #tpu.memory_space<vmem>>) semaphore(%run_scoped3A : memref<!tpu.dma_semaphore, #tpu.memory_space<semaphore_mem>>) {add = true}
          %dma_wait3A_114 = arith.constant 0 : i32
          %dma_wait3A_115 = arith.constant 0 : i32
          %dma_wait3A_116 = tpu.memref_slice %arg13[%dma_wait3A_114, %dma_wait3A_115] : memref<50176x16xf32, #tpu.memory_space<vmem_shared>> -> memref<50176x16xf32, #tpu.memory_space<vmem_shared>>
          tpu.wait_indirect_dma semaphore(%run_scoped3A : memref<!tpu.dma_semaphore, #tpu.memory_space<semaphore_mem>>) src(%arg12 : memref<2000x16xf32, #tpu.memory_space<vmem>>) dst(%dma_wait3A_116 : memref<50176x16xf32, #tpu.memory_space<vmem_shared>>)
          tpu.yield
        }) : () -> ()
        %scan3A_110 = arith.constant 0 : i32
        scf.yield %scan3A_110 : i32
      }
      %scan3A_53 = arith.constant 13 : i32
      %dma_wait3A = arith.constant 0 : i32
      %dma_wait3A_54 = arith.constant 0 : i32
      %dma_wait3A_55 = tpu.memref_slice %arg2[%add3A_35, %dma_wait3A, %dma_wait3A_54] : memref<5x50176x16xf32, #tpu.memory_space<hbm>> -> memref<1x50176x16xf32, #tpu.memory_space<hbm>>
      %dma_wait3A_56 = tpu.memref_squeeze %dma_wait3A_55 : memref<1x50176x16xf32, #tpu.memory_space<hbm>> -> memref<50176x16xf32, #tpu.memory_space<hbm>>
      %dma_wait3A_57 = arith.constant 0 : i32
      %dma_wait3A_58 = arith.constant 0 : i32
      %dma_wait3A_59 = tpu.memref_slice %dma_wait3A_56[%dma_wait3A_57, %dma_wait3A_58] : memref<50176x16xf32, #tpu.memory_space<hbm>> -> memref<50176x16xf32, #tpu.memory_space<hbm>>
      tpu.wait_indirect_dma semaphore(%arg14 : memref<!tpu.dma_semaphore, #tpu.memory_space<semaphore_mem>>) src(%dma_wait3A_59 : memref<50176x16xf32, #tpu.memory_space<hbm>>) dst(%arg9 : memref<2000x16xf32, #tpu.memory_space<vmem>>)
      "tpu.region"() ({
        %run_scoped3A = tpu.sem_alloc : memref<!tpu.dma_semaphore, #tpu.memory_space<semaphore_mem>>
        %dma_start3A_68 = arith.constant 0 : i32
        %dma_start3A_69 = arith.constant 0 : i32
        %dma_start3A_70 = tpu.memref_slice %arg13[%dma_start3A_68, %dma_start3A_69] : memref<50176x16xf32, #tpu.memory_space<vmem_shared>> -> memref<50176x16xf32, #tpu.memory_space<vmem_shared>>
        tpu.enqueue_indirect_dma source(%arg9 : memref<2000x16xf32, #tpu.memory_space<vmem>>) target(%dma_start3A_70 : memref<50176x16xf32, #tpu.memory_space<vmem_shared>>) offsets(%arg8 : memref<2000xi32, #tpu.memory_space<vmem>>) semaphore(%run_scoped3A : memref<!tpu.dma_semaphore, #tpu.memory_space<semaphore_mem>>) {add = true}
        %dma_wait3A_71 = arith.constant 0 : i32
        %dma_wait3A_72 = arith.constant 0 : i32
        %dma_wait3A_73 = tpu.memref_slice %arg13[%dma_wait3A_71, %dma_wait3A_72] : memref<50176x16xf32, #tpu.memory_space<vmem_shared>> -> memref<50176x16xf32, #tpu.memory_space<vmem_shared>>
        tpu.wait_indirect_dma semaphore(%run_scoped3A : memref<!tpu.dma_semaphore, #tpu.memory_space<semaphore_mem>>) src(%arg9 : memref<2000x16xf32, #tpu.memory_space<vmem>>) dst(%dma_wait3A_73 : memref<50176x16xf32, #tpu.memory_space<vmem_shared>>)
        tpu.yield
      }) : () -> ()
      %barrier3A_60 = arith.constant 0 : index
      tpu.barrier barrier_id(%barrier3A_60)
      %mul3A_61 = arith.constant 3136 : i32
      %mul3A_62 = arith.muli %arg1, %mul3A_61 : i32
      %mul3A_63 = arith.constant 3136 : i32
      %mul3A_64 = arith.muli %arg1, %mul3A_63 : i32
      %mul3A_65 = arith.constant 16 : i32
      %mul3A_66 = arith.muli %add3A_35, %mul3A_65 : i32
      "tpu.region"() ({
        %run_scoped3A = tpu.sem_alloc : memref<!tpu.dma_semaphore, #tpu.memory_space<semaphore_mem>>
        %dma_start3A_68 = tpu.memref_slice %arg6[%mul3A_64, %mul3A_66] : memref<50176x80xf32, #tpu.memory_space<hbm>> -> memref<3136x16xf32, #tpu.memory_space<hbm>>
        %dma_start3A_69 = arith.constant 0 : i32
        %dma_start3A_70 = tpu.memref_slice %arg13[%mul3A_62, %dma_start3A_69] : memref<50176x16xf32, #tpu.memory_space<vmem_shared>> -> memref<3136x16xf32, #tpu.memory_space<vmem_shared>>
        tpu.enqueue_dma source(%dma_start3A_70 : memref<3136x16xf32, #tpu.memory_space<vmem_shared>>) target(%dma_start3A_68 : memref<3136x16xf32, #tpu.memory_space<hbm>>) target_semaphore(%run_scoped3A : memref<!tpu.dma_semaphore, #tpu.memory_space<semaphore_mem>>)
        %dma_wait3A_71 = tpu.memref_slice %arg6[%mul3A_64, %mul3A_66] : memref<50176x80xf32, #tpu.memory_space<hbm>> -> memref<3136x16xf32, #tpu.memory_space<hbm>>
        %dma_wait3A_72 = arith.constant 0 : i32
        %dma_wait3A_73 = tpu.memref_slice %arg13[%mul3A_62, %dma_wait3A_72] : memref<50176x16xf32, #tpu.memory_space<vmem_shared>> -> memref<3136x16xf32, #tpu.memory_space<vmem_shared>>
        tpu.wait_dma2 semaphore(%run_scoped3A : memref<!tpu.dma_semaphore, #tpu.memory_space<semaphore_mem>>) src(%dma_wait3A_73 : memref<3136x16xf32, #tpu.memory_space<vmem_shared>>) dst(%dma_wait3A_71 : memref<3136x16xf32, #tpu.memory_space<hbm>>)
        tpu.yield
      }) : () -> ()
      %while3A_67 = arith.constant 0 : i32
      scf.yield %while3A_67 : i32
    }
    %while3A_29 = arith.constant 1 : i32
    %while3A_30 = scf.for %while3A_31 = %while3A_26 to %while3A_22 step %while3A_29 iter_args(%while3A_32 = %while3A_28) -> (i32)  : i32 {
      %mul3A_33 = arith.constant 2 : i32
      %mul3A_34 = arith.muli %mul3A_33, %while3A_31 : i32
      %add3A_35 = arith.addi %arg0, %mul3A_34 : i32
      %mul3A_36 = arith.constant 3136 : i32
      %mul3A_37 = arith.muli %arg1, %mul3A_36 : i32
      %mul3A_38 = arith.constant 3136 : i32
      %mul3A_39 = arith.muli %arg1, %mul3A_38 : i32
      "tpu.region"() ({
        %run_scoped3A = tpu.sem_alloc : memref<!tpu.dma_semaphore, #tpu.memory_space<semaphore_mem>>
        %dma_start3A_68 = arith.constant 0 : i32
        %dma_start3A_69 = tpu.memref_slice %arg13[%mul3A_39, %dma_start3A_68] : memref<50176x16xf32, #tpu.memory_space<vmem_shared>> -> memref<3136x16xf32, #tpu.memory_space<vmem_shared>>
        %dma_start3A_70 = arith.constant 0 : i32
        %dma_start3A_71 = tpu.memref_slice %arg3[%mul3A_37, %dma_start3A_70] : memref<50176x16xf32, #tpu.memory_space<hbm>> -> memref<3136x16xf32, #tpu.memory_space<hbm>>
        tpu.enqueue_dma source(%dma_start3A_71 : memref<3136x16xf32, #tpu.memory_space<hbm>>) target(%dma_start3A_69 : memref<3136x16xf32, #tpu.memory_space<vmem_shared>>) target_semaphore(%run_scoped3A : memref<!tpu.dma_semaphore, #tpu.memory_space<semaphore_mem>>)
        %dma_wait3A_72 = arith.constant 0 : i32
        %dma_wait3A_73 = tpu.memref_slice %arg13[%mul3A_39, %dma_wait3A_72] : memref<50176x16xf32, #tpu.memory_space<vmem_shared>> -> memref<3136x16xf32, #tpu.memory_space<vmem_shared>>
        %dma_wait3A_74 = arith.constant 0 : i32
        %dma_wait3A_75 = tpu.memref_slice %arg3[%mul3A_37, %dma_wait3A_74] : memref<50176x16xf32, #tpu.memory_space<hbm>> -> memref<3136x16xf32, #tpu.memory_space<hbm>>
        tpu.wait_dma2 semaphore(%run_scoped3A : memref<!tpu.dma_semaphore, #tpu.memory_space<semaphore_mem>>) src(%dma_wait3A_75 : memref<3136x16xf32, #tpu.memory_space<hbm>>) dst(%dma_wait3A_73 : memref<3136x16xf32, #tpu.memory_space<vmem_shared>>)
        tpu.yield
      }) : () -> ()
      %barrier3A = arith.constant 0 : index
      tpu.barrier barrier_id(%barrier3A)
      %add3A_40 = arith.constant 0 : i32
      %add3A_41 = arith.addi %mul3A_0, %add3A_40 : i32
      "tpu.region"() ({
        %run_scoped3A = tpu.sem_alloc : memref<!tpu.dma_semaphore, #tpu.memory_space<semaphore_mem>>
        %dma_start3A_68 = tpu.memref_slice %arg4[%add3A_41] : memref<864000xi32, #tpu.memory_space<hbm>> -> memref<2000xi32, #tpu.memory_space<hbm>>
        %dma_start3A_69 = tpu.memref_slice %arg4[%add3A_41] : memref<864000xi32, #tpu.memory_space<hbm>> -> memref<2000xi32, #tpu.memory_space<hbm>>
        tpu.enqueue_dma source(%dma_start3A_69 : memref<2000xi32, #tpu.memory_space<hbm>>) target(%arg7 : memref<2000xi32, #tpu.memory_space<vmem>>) target_semaphore(%run_scoped3A : memref<!tpu.dma_semaphore, #tpu.memory_space<semaphore_mem>>)
        %dma_wait3A_70 = tpu.memref_slice %arg4[%add3A_41] : memref<864000xi32, #tpu.memory_space<hbm>> -> memref<2000xi32, #tpu.memory_space<hbm>>
        %dma_wait3A_71 = tpu.memref_slice %arg4[%add3A_41] : memref<864000xi32, #tpu.memory_space<hbm>> -> memref<2000xi32, #tpu.memory_space<hbm>>
        tpu.wait_dma2 semaphore(%run_scoped3A : memref<!tpu.dma_semaphore, #tpu.memory_space<semaphore_mem>>) src(%dma_wait3A_71 : memref<2000xi32, #tpu.memory_space<hbm>>) dst(%arg7 : memref<2000xi32, #tpu.memory_space<vmem>>)
        tpu.yield
      }) : () -> ()
      "tpu.region"() ({
        %run_scoped3A = tpu.sem_alloc : memref<!tpu.dma_semaphore, #tpu.memory_space<semaphore_mem>>
        %dma_start3A_68 = tpu.memref_slice %arg5[%add3A_41] : memref<864000xi32, #tpu.memory_space<hbm>> -> memref<2000xi32, #tpu.memory_space<hbm>>
        %dma_start3A_69 = tpu.memref_slice %arg5[%add3A_41] : memref<864000xi32, #tpu.memory_space<hbm>> -> memref<2000xi32, #tpu.memory_space<hbm>>
        tpu.enqueue_dma source(%dma_start3A_69 : memref<2000xi32, #tpu.memory_space<hbm>>) target(%arg8 : memref<2000xi32, #tpu.memory_space<vmem>>) target_semaphore(%run_scoped3A : memref<!tpu.dma_semaphore, #tpu.memory_space<semaphore_mem>>)
        %dma_wait3A_70 = tpu.memref_slice %arg5[%add3A_41] : memref<864000xi32, #tpu.memory_space<hbm>> -> memref<2000xi32, #tpu.memory_space<hbm>>
        %dma_wait3A_71 = tpu.memref_slice %arg5[%add3A_41] : memref<864000xi32, #tpu.memory_space<hbm>> -> memref<2000xi32, #tpu.memory_space<hbm>>
        tpu.wait_dma2 semaphore(%run_scoped3A : memref<!tpu.dma_semaphore, #tpu.memory_space<semaphore_mem>>) src(%dma_wait3A_71 : memref<2000xi32, #tpu.memory_space<hbm>>) dst(%arg8 : memref<2000xi32, #tpu.memory_space<vmem>>)
        tpu.yield
      }) : () -> ()
      %dma_start3A = arith.constant 0 : i32
      %dma_start3A_42 = arith.constant 0 : i32
      %dma_start3A_43 = tpu.memref_slice %arg2[%add3A_35, %dma_start3A, %dma_start3A_42] : memref<5x50176x16xf32, #tpu.memory_space<hbm>> -> memref<1x50176x16xf32, #tpu.memory_space<hbm>>
      %dma_start3A_44 = tpu.memref_squeeze %dma_start3A_43 : memref<1x50176x16xf32, #tpu.memory_space<hbm>> -> memref<50176x16xf32, #tpu.memory_space<hbm>>
      %dma_start3A_45 = arith.constant 0 : i32
      %dma_start3A_46 = arith.constant 0 : i32
      %dma_start3A_47 = tpu.memref_slice %dma_start3A_44[%dma_start3A_45, %dma_start3A_46] : memref<50176x16xf32, #tpu.memory_space<hbm>> -> memref<50176x16xf32, #tpu.memory_space<hbm>>
      tpu.enqueue_indirect_dma source(%dma_start3A_47 : memref<50176x16xf32, #tpu.memory_space<hbm>>) target(%arg9 : memref<2000x16xf32, #tpu.memory_space<vmem>>) offsets(%arg7 : memref<2000xi32, #tpu.memory_space<vmem>>) semaphore(%arg14 : memref<!tpu.dma_semaphore, #tpu.memory_space<semaphore_mem>>)
      %scan3A = arith.constant 0 : i32
      %scan3A_48 = arith.constant 0 : i32
      %scan3A_49 = arith.constant 13 : i32
      %scan3A_50 = arith.addi %scan3A_48, %scan3A_49 : i32
      %scan3A_51 = arith.constant 1 : i32
      %scan3A_52 = scf.for %scan3A_68 = %scan3A_48 to %scan3A_50 step %scan3A_51 iter_args(%scan3A_69 = %scan3A) -> (i32)  : i32 {
        %mul3A_70 = arith.constant 2 : i32
        %mul3A_71 = arith.muli %mul3A_70, %scan3A_68 : i32
        %add3A_72 = arith.constant 1 : i32
        %add3A_73 = arith.addi %mul3A_71, %add3A_72 : i32
        %mul3A_74 = arith.constant 2000 : i32
        %mul3A_75 = arith.muli %add3A_73, %mul3A_74 : i32
        %add3A_76 = arith.addi %mul3A_0, %mul3A_75 : i32
        "tpu.region"() ({
          %run_scoped3A = tpu.sem_alloc : memref<!tpu.dma_semaphore, #tpu.memory_space<semaphore_mem>>
          %dma_start3A_111 = tpu.memref_slice %arg4[%add3A_76] : memref<864000xi32, #tpu.memory_space<hbm>> -> memref<2000xi32, #tpu.memory_space<hbm>>
          %dma_start3A_112 = tpu.memref_slice %arg4[%add3A_76] : memref<864000xi32, #tpu.memory_space<hbm>> -> memref<2000xi32, #tpu.memory_space<hbm>>
          tpu.enqueue_dma source(%dma_start3A_112 : memref<2000xi32, #tpu.memory_space<hbm>>) target(%arg10 : memref<2000xi32, #tpu.memory_space<vmem>>) target_semaphore(%run_scoped3A : memref<!tpu.dma_semaphore, #tpu.memory_space<semaphore_mem>>)
          %dma_wait3A_113 = tpu.memref_slice %arg4[%add3A_76] : memref<864000xi32, #tpu.memory_space<hbm>> -> memref<2000xi32, #tpu.memory_space<hbm>>
          %dma_wait3A_114 = tpu.memref_slice %arg4[%add3A_76] : memref<864000xi32, #tpu.memory_space<hbm>> -> memref<2000xi32, #tpu.memory_space<hbm>>
          tpu.wait_dma2 semaphore(%run_scoped3A : memref<!tpu.dma_semaphore, #tpu.memory_space<semaphore_mem>>) src(%dma_wait3A_114 : memref<2000xi32, #tpu.memory_space<hbm>>) dst(%arg10 : memref<2000xi32, #tpu.memory_space<vmem>>)
          tpu.yield
        }) : () -> ()
        "tpu.region"() ({
          %run_scoped3A = tpu.sem_alloc : memref<!tpu.dma_semaphore, #tpu.memory_space<semaphore_mem>>
          %dma_start3A_111 = tpu.memref_slice %arg5[%add3A_76] : memref<864000xi32, #tpu.memory_space<hbm>> -> memref<2000xi32, #tpu.memory_space<hbm>>
          %dma_start3A_112 = tpu.memref_slice %arg5[%add3A_76] : memref<864000xi32, #tpu.memory_space<hbm>> -> memref<2000xi32, #tpu.memory_space<hbm>>
          tpu.enqueue_dma source(%dma_start3A_112 : memref<2000xi32, #tpu.memory_space<hbm>>) target(%arg11 : memref<2000xi32, #tpu.memory_space<vmem>>) target_semaphore(%run_scoped3A : memref<!tpu.dma_semaphore, #tpu.memory_space<semaphore_mem>>)
          %dma_wait3A_113 = tpu.memref_slice %arg5[%add3A_76] : memref<864000xi32, #tpu.memory_space<hbm>> -> memref<2000xi32, #tpu.memory_space<hbm>>
          %dma_wait3A_114 = tpu.memref_slice %arg5[%add3A_76] : memref<864000xi32, #tpu.memory_space<hbm>> -> memref<2000xi32, #tpu.memory_space<hbm>>
          tpu.wait_dma2 semaphore(%run_scoped3A : memref<!tpu.dma_semaphore, #tpu.memory_space<semaphore_mem>>) src(%dma_wait3A_114 : memref<2000xi32, #tpu.memory_space<hbm>>) dst(%arg11 : memref<2000xi32, #tpu.memory_space<vmem>>)
          tpu.yield
        }) : () -> ()
        %dma_start3A_77 = arith.constant 0 : i32
        %dma_start3A_78 = arith.constant 0 : i32
        %dma_start3A_79 = tpu.memref_slice %arg2[%add3A_35, %dma_start3A_77, %dma_start3A_78] : memref<5x50176x16xf32, #tpu.memory_space<hbm>> -> memref<1x50176x16xf32, #tpu.memory_space<hbm>>
        %dma_start3A_80 = tpu.memref_squeeze %dma_start3A_79 : memref<1x50176x16xf32, #tpu.memory_space<hbm>> -> memref<50176x16xf32, #tpu.memory_space<hbm>>
        %dma_start3A_81 = arith.constant 0 : i32
        %dma_start3A_82 = arith.constant 0 : i32
        %dma_start3A_83 = tpu.memref_slice %dma_start3A_80[%dma_start3A_81, %dma_start3A_82] : memref<50176x16xf32, #tpu.memory_space<hbm>> -> memref<50176x16xf32, #tpu.memory_space<hbm>>
        tpu.enqueue_indirect_dma source(%dma_start3A_83 : memref<50176x16xf32, #tpu.memory_space<hbm>>) target(%arg12 : memref<2000x16xf32, #tpu.memory_space<vmem>>) offsets(%arg10 : memref<2000xi32, #tpu.memory_space<vmem>>) semaphore(%arg15 : memref<!tpu.dma_semaphore, #tpu.memory_space<semaphore_mem>>)
        %dma_wait3A_84 = arith.constant 0 : i32
        %dma_wait3A_85 = arith.constant 0 : i32
        %dma_wait3A_86 = tpu.memref_slice %arg2[%add3A_35, %dma_wait3A_84, %dma_wait3A_85] : memref<5x50176x16xf32, #tpu.memory_space<hbm>> -> memref<1x50176x16xf32, #tpu.memory_space<hbm>>
        %dma_wait3A_87 = tpu.memref_squeeze %dma_wait3A_86 : memref<1x50176x16xf32, #tpu.memory_space<hbm>> -> memref<50176x16xf32, #tpu.memory_space<hbm>>
        %dma_wait3A_88 = arith.constant 0 : i32
        %dma_wait3A_89 = arith.constant 0 : i32
        %dma_wait3A_90 = tpu.memref_slice %dma_wait3A_87[%dma_wait3A_88, %dma_wait3A_89] : memref<50176x16xf32, #tpu.memory_space<hbm>> -> memref<50176x16xf32, #tpu.memory_space<hbm>>
        tpu.wait_indirect_dma semaphore(%arg14 : memref<!tpu.dma_semaphore, #tpu.memory_space<semaphore_mem>>) src(%dma_wait3A_90 : memref<50176x16xf32, #tpu.memory_space<hbm>>) dst(%arg9 : memref<2000x16xf32, #tpu.memory_space<vmem>>)
        "tpu.region"() ({
          %run_scoped3A = tpu.sem_alloc : memref<!tpu.dma_semaphore, #tpu.memory_space<semaphore_mem>>
          %dma_start3A_111 = arith.constant 0 : i32
          %dma_start3A_112 = arith.constant 0 : i32
          %dma_start3A_113 = tpu.memref_slice %arg13[%dma_start3A_111, %dma_start3A_112] : memref<50176x16xf32, #tpu.memory_space<vmem_shared>> -> memref<50176x16xf32, #tpu.memory_space<vmem_shared>>
          tpu.enqueue_indirect_dma source(%arg9 : memref<2000x16xf32, #tpu.memory_space<vmem>>) target(%dma_start3A_113 : memref<50176x16xf32, #tpu.memory_space<vmem_shared>>) offsets(%arg8 : memref<2000xi32, #tpu.memory_space<vmem>>) semaphore(%run_scoped3A : memref<!tpu.dma_semaphore, #tpu.memory_space<semaphore_mem>>) {add = true}
          %dma_wait3A_114 = arith.constant 0 : i32
          %dma_wait3A_115 = arith.constant 0 : i32
          %dma_wait3A_116 = tpu.memref_slice %arg13[%dma_wait3A_114, %dma_wait3A_115] : memref<50176x16xf32, #tpu.memory_space<vmem_shared>> -> memref<50176x16xf32, #tpu.memory_space<vmem_shared>>
          tpu.wait_indirect_dma semaphore(%run_scoped3A : memref<!tpu.dma_semaphore, #tpu.memory_space<semaphore_mem>>) src(%arg9 : memref<2000x16xf32, #tpu.memory_space<vmem>>) dst(%dma_wait3A_116 : memref<50176x16xf32, #tpu.memory_space<vmem_shared>>)
          tpu.yield
        }) : () -> ()
        %add3A_91 = arith.constant 2 : i32
        %add3A_92 = arith.addi %mul3A_71, %add3A_91 : i32
        %mul3A_93 = arith.constant 2000 : i32
        %mul3A_94 = arith.muli %add3A_92, %mul3A_93 : i32
        %add3A_95 = arith.addi %mul3A_0, %mul3A_94 : i32
        "tpu.region"() ({
          %run_scoped3A = tpu.sem_alloc : memref<!tpu.dma_semaphore, #tpu.memory_space<semaphore_mem>>
          %dma_start3A_111 = tpu.memref_slice %arg4[%add3A_95] : memref<864000xi32, #tpu.memory_space<hbm>> -> memref<2000xi32, #tpu.memory_space<hbm>>
          %dma_start3A_112 = tpu.memref_slice %arg4[%add3A_95] : memref<864000xi32, #tpu.memory_space<hbm>> -> memref<2000xi32, #tpu.memory_space<hbm>>
          tpu.enqueue_dma source(%dma_start3A_112 : memref<2000xi32, #tpu.memory_space<hbm>>) target(%arg7 : memref<2000xi32, #tpu.memory_space<vmem>>) target_semaphore(%run_scoped3A : memref<!tpu.dma_semaphore, #tpu.memory_space<semaphore_mem>>)
          %dma_wait3A_113 = tpu.memref_slice %arg4[%add3A_95] : memref<864000xi32, #tpu.memory_space<hbm>> -> memref<2000xi32, #tpu.memory_space<hbm>>
          %dma_wait3A_114 = tpu.memref_slice %arg4[%add3A_95] : memref<864000xi32, #tpu.memory_space<hbm>> -> memref<2000xi32, #tpu.memory_space<hbm>>
          tpu.wait_dma2 semaphore(%run_scoped3A : memref<!tpu.dma_semaphore, #tpu.memory_space<semaphore_mem>>) src(%dma_wait3A_114 : memref<2000xi32, #tpu.memory_space<hbm>>) dst(%arg7 : memref<2000xi32, #tpu.memory_space<vmem>>)
          tpu.yield
        }) : () -> ()
        "tpu.region"() ({
          %run_scoped3A = tpu.sem_alloc : memref<!tpu.dma_semaphore, #tpu.memory_space<semaphore_mem>>
          %dma_start3A_111 = tpu.memref_slice %arg5[%add3A_95] : memref<864000xi32, #tpu.memory_space<hbm>> -> memref<2000xi32, #tpu.memory_space<hbm>>
          %dma_start3A_112 = tpu.memref_slice %arg5[%add3A_95] : memref<864000xi32, #tpu.memory_space<hbm>> -> memref<2000xi32, #tpu.memory_space<hbm>>
          tpu.enqueue_dma source(%dma_start3A_112 : memref<2000xi32, #tpu.memory_space<hbm>>) target(%arg8 : memref<2000xi32, #tpu.memory_space<vmem>>) target_semaphore(%run_scoped3A : memref<!tpu.dma_semaphore, #tpu.memory_space<semaphore_mem>>)
          %dma_wait3A_113 = tpu.memref_slice %arg5[%add3A_95] : memref<864000xi32, #tpu.memory_space<hbm>> -> memref<2000xi32, #tpu.memory_space<hbm>>
          %dma_wait3A_114 = tpu.memref_slice %arg5[%add3A_95] : memref<864000xi32, #tpu.memory_space<hbm>> -> memref<2000xi32, #tpu.memory_space<hbm>>
          tpu.wait_dma2 semaphore(%run_scoped3A : memref<!tpu.dma_semaphore, #tpu.memory_space<semaphore_mem>>) src(%dma_wait3A_114 : memref<2000xi32, #tpu.memory_space<hbm>>) dst(%arg8 : memref<2000xi32, #tpu.memory_space<vmem>>)
          tpu.yield
        }) : () -> ()
        %dma_start3A_96 = arith.constant 0 : i32
        %dma_start3A_97 = arith.constant 0 : i32
        %dma_start3A_98 = tpu.memref_slice %arg2[%add3A_35, %dma_start3A_96, %dma_start3A_97] : memref<5x50176x16xf32, #tpu.memory_space<hbm>> -> memref<1x50176x16xf32, #tpu.memory_space<hbm>>
        %dma_start3A_99 = tpu.memref_squeeze %dma_start3A_98 : memref<1x50176x16xf32, #tpu.memory_space<hbm>> -> memref<50176x16xf32, #tpu.memory_space<hbm>>
        %dma_start3A_100 = arith.constant 0 : i32
        %dma_start3A_101 = arith.constant 0 : i32
        %dma_start3A_102 = tpu.memref_slice %dma_start3A_99[%dma_start3A_100, %dma_start3A_101] : memref<50176x16xf32, #tpu.memory_space<hbm>> -> memref<50176x16xf32, #tpu.memory_space<hbm>>
        tpu.enqueue_indirect_dma source(%dma_start3A_102 : memref<50176x16xf32, #tpu.memory_space<hbm>>) target(%arg9 : memref<2000x16xf32, #tpu.memory_space<vmem>>) offsets(%arg7 : memref<2000xi32, #tpu.memory_space<vmem>>) semaphore(%arg14 : memref<!tpu.dma_semaphore, #tpu.memory_space<semaphore_mem>>)
        %dma_wait3A_103 = arith.constant 0 : i32
        %dma_wait3A_104 = arith.constant 0 : i32
        %dma_wait3A_105 = tpu.memref_slice %arg2[%add3A_35, %dma_wait3A_103, %dma_wait3A_104] : memref<5x50176x16xf32, #tpu.memory_space<hbm>> -> memref<1x50176x16xf32, #tpu.memory_space<hbm>>
        %dma_wait3A_106 = tpu.memref_squeeze %dma_wait3A_105 : memref<1x50176x16xf32, #tpu.memory_space<hbm>> -> memref<50176x16xf32, #tpu.memory_space<hbm>>
        %dma_wait3A_107 = arith.constant 0 : i32
        %dma_wait3A_108 = arith.constant 0 : i32
        %dma_wait3A_109 = tpu.memref_slice %dma_wait3A_106[%dma_wait3A_107, %dma_wait3A_108] : memref<50176x16xf32, #tpu.memory_space<hbm>> -> memref<50176x16xf32, #tpu.memory_space<hbm>>
        tpu.wait_indirect_dma semaphore(%arg15 : memref<!tpu.dma_semaphore, #tpu.memory_space<semaphore_mem>>) src(%dma_wait3A_109 : memref<50176x16xf32, #tpu.memory_space<hbm>>) dst(%arg12 : memref<2000x16xf32, #tpu.memory_space<vmem>>)
        "tpu.region"() ({
          %run_scoped3A = tpu.sem_alloc : memref<!tpu.dma_semaphore, #tpu.memory_space<semaphore_mem>>
          %dma_start3A_111 = arith.constant 0 : i32
          %dma_start3A_112 = arith.constant 0 : i32
          %dma_start3A_113 = tpu.memref_slice %arg13[%dma_start3A_111, %dma_start3A_112] : memref<50176x16xf32, #tpu.memory_space<vmem_shared>> -> memref<50176x16xf32, #tpu.memory_space<vmem_shared>>
          tpu.enqueue_indirect_dma source(%arg12 : memref<2000x16xf32, #tpu.memory_space<vmem>>) target(%dma_start3A_113 : memref<50176x16xf32, #tpu.memory_space<vmem_shared>>) offsets(%arg11 : memref<2000xi32, #tpu.memory_space<vmem>>) semaphore(%run_scoped3A : memref<!tpu.dma_semaphore, #tpu.memory_space<semaphore_mem>>) {add = true}
          %dma_wait3A_114 = arith.constant 0 : i32
          %dma_wait3A_115 = arith.constant 0 : i32
          %dma_wait3A_116 = tpu.memref_slice %arg13[%dma_wait3A_114, %dma_wait3A_115] : memref<50176x16xf32, #tpu.memory_space<vmem_shared>> -> memref<50176x16xf32, #tpu.memory_space<vmem_shared>>
          tpu.wait_indirect_dma semaphore(%run_scoped3A : memref<!tpu.dma_semaphore, #tpu.memory_space<semaphore_mem>>) src(%arg12 : memref<2000x16xf32, #tpu.memory_space<vmem>>) dst(%dma_wait3A_116 : memref<50176x16xf32, #tpu.memory_space<vmem_shared>>)
          tpu.yield
        }) : () -> ()
        %scan3A_110 = arith.constant 0 : i32
        scf.yield %scan3A_110 : i32
      }
      %scan3A_53 = arith.constant 13 : i32
      %dma_wait3A = arith.constant 0 : i32
      %dma_wait3A_54 = arith.constant 0 : i32
      %dma_wait3A_55 = tpu.memref_slice %arg2[%add3A_35, %dma_wait3A, %dma_wait3A_54] : memref<5x50176x16xf32, #tpu.memory_space<hbm>> -> memref<1x50176x16xf32, #tpu.memory_space<hbm>>
      %dma_wait3A_56 = tpu.memref_squeeze %dma_wait3A_55 : memref<1x50176x16xf32, #tpu.memory_space<hbm>> -> memref<50176x16xf32, #tpu.memory_space<hbm>>
      %dma_wait3A_57 = arith.constant 0 : i32
      %dma_wait3A_58 = arith.constant 0 : i32
      %dma_wait3A_59 = tpu.memref_slice %dma_wait3A_56[%dma_wait3A_57, %dma_wait3A_58] : memref<50176x16xf32, #tpu.memory_space<hbm>> -> memref<50176x16xf32, #tpu.memory_space<hbm>>
      tpu.wait_indirect_dma semaphore(%arg14 : memref<!tpu.dma_semaphore, #tpu.memory_space<semaphore_mem>>) src(%dma_wait3A_59 : memref<50176x16xf32, #tpu.memory_space<hbm>>) dst(%arg9 : memref<2000x16xf32, #tpu.memory_space<vmem>>)
      "tpu.region"() ({
        %run_scoped3A = tpu.sem_alloc : memref<!tpu.dma_semaphore, #tpu.memory_space<semaphore_mem>>
        %dma_start3A_68 = arith.constant 0 : i32
        %dma_start3A_69 = arith.constant 0 : i32
        %dma_start3A_70 = tpu.memref_slice %arg13[%dma_start3A_68, %dma_start3A_69] : memref<50176x16xf32, #tpu.memory_space<vmem_shared>> -> memref<50176x16xf32, #tpu.memory_space<vmem_shared>>
        tpu.enqueue_indirect_dma source(%arg9 : memref<2000x16xf32, #tpu.memory_space<vmem>>) target(%dma_start3A_70 : memref<50176x16xf32, #tpu.memory_space<vmem_shared>>) offsets(%arg8 : memref<2000xi32, #tpu.memory_space<vmem>>) semaphore(%run_scoped3A : memref<!tpu.dma_semaphore, #tpu.memory_space<semaphore_mem>>) {add = true}
        %dma_wait3A_71 = arith.constant 0 : i32
        %dma_wait3A_72 = arith.constant 0 : i32
        %dma_wait3A_73 = tpu.memref_slice %arg13[%dma_wait3A_71, %dma_wait3A_72] : memref<50176x16xf32, #tpu.memory_space<vmem_shared>> -> memref<50176x16xf32, #tpu.memory_space<vmem_shared>>
        tpu.wait_indirect_dma semaphore(%run_scoped3A : memref<!tpu.dma_semaphore, #tpu.memory_space<semaphore_mem>>) src(%arg9 : memref<2000x16xf32, #tpu.memory_space<vmem>>) dst(%dma_wait3A_73 : memref<50176x16xf32, #tpu.memory_space<vmem_shared>>)
        tpu.yield
      }) : () -> ()
      %barrier3A_60 = arith.constant 0 : index
      tpu.barrier barrier_id(%barrier3A_60)
      %mul3A_61 = arith.constant 3136 : i32
      %mul3A_62 = arith.muli %arg1, %mul3A_61 : i32
      %mul3A_63 = arith.constant 3136 : i32
      %mul3A_64 = arith.muli %arg1, %mul3A_63 : i32
      %mul3A_65 = arith.constant 16 : i32
      %mul3A_66 = arith.muli %add3A_35, %mul3A_65 : i32
      "tpu.region"() ({
        %run_scoped3A = tpu.sem_alloc : memref<!tpu.dma_semaphore, #tpu.memory_space<semaphore_mem>>
        %dma_start3A_68 = tpu.memref_slice %arg6[%mul3A_64, %mul3A_66] : memref<50176x80xf32, #tpu.memory_space<hbm>> -> memref<3136x16xf32, #tpu.memory_space<hbm>>
        %dma_start3A_69 = arith.constant 0 : i32
        %dma_start3A_70 = tpu.memref_slice %arg13[%mul3A_62, %dma_start3A_69] : memref<50176x16xf32, #tpu.memory_space<vmem_shared>> -> memref<3136x16xf32, #tpu.memory_space<vmem_shared>>
        tpu.enqueue_dma source(%dma_start3A_70 : memref<3136x16xf32, #tpu.memory_space<vmem_shared>>) target(%dma_start3A_68 : memref<3136x16xf32, #tpu.memory_space<hbm>>) target_semaphore(%run_scoped3A : memref<!tpu.dma_semaphore, #tpu.memory_space<semaphore_mem>>)
        %dma_wait3A_71 = tpu.memref_slice %arg6[%mul3A_64, %mul3A_66] : memref<50176x80xf32, #tpu.memory_space<hbm>> -> memref<3136x16xf32, #tpu.memory_space<hbm>>
        %dma_wait3A_72 = arith.constant 0 : i32
        %dma_wait3A_73 = tpu.memref_slice %arg13[%mul3A_62, %dma_wait3A_72] : memref<50176x16xf32, #tpu.memory_space<vmem_shared>> -> memref<3136x16xf32, #tpu.memory_space<vmem_shared>>
        tpu.wait_dma2 semaphore(%run_scoped3A : memref<!tpu.dma_semaphore, #tpu.memory_space<semaphore_mem>>) src(%dma_wait3A_73 : memref<3136x16xf32, #tpu.memory_space<vmem_shared>>) dst(%dma_wait3A_71 : memref<3136x16xf32, #tpu.memory_space<hbm>>)
        tpu.yield
      }) : () -> ()
      %while3A_67 = arith.constant 0 : i32
      scf.yield %while3A_67 : i32
    }
    return
  }
}

#map = affine_map<(d0, d1) -> (0, 0)>
#map1 = affine_map<(d0, d1) -> (0)>
module attributes {stable_mosaic.version = 14 : i64} {
  func.func @_segmax_body(%arg0: i32, %arg1: i32, %arg2: memref<50176x320xf32, #tpu.memory_space<hbm>>, %arg3: memref<50176xf32, #tpu.memory_space<hbm>>, %arg4: memref<320xf32, #tpu.memory_space<hbm>>, %arg5: memref<50176xi32, #tpu.memory_space<hbm>>, %arg6: memref<32x168960xf32, #tpu.memory_space<hbm>>, %arg7: memref<784x16xf32, #tpu.memory_space<vmem>>, %arg8: memref<784x16xf32, #tpu.memory_space<vmem>>, %arg9: memref<1584xi32, #tpu.memory_space<vmem>>, %arg10: memref<1584xf32, #tpu.memory_space<vmem>>, %arg11: memref<320xf32, #tpu.memory_space<vmem>>, %arg12: memref<8448xf32, #tpu.memory_space<vmem>>, %arg13: memref<!tpu.dma_semaphore, #tpu.memory_space<semaphore_mem>>, %arg14: memref<!tpu.dma_semaphore, #tpu.memory_space<semaphore_mem>>) attributes {dimension_semantics = [#tpu.dimension_semantics<core_parallel>, #tpu.dimension_semantics<subcore_parallel>], iteration_bounds = array<i64: 2, 16>, scalar_prefetch = 0 : i64, scratch_operands = 8 : i64, tpu.core_type = #tpu.core_type<sc_vector_subcore>, window_params = [{transform_indices = #map}, {transform_indices = #map1}, {transform_indices = #map1}, {transform_indices = #map1}, {transform_indices = #map}]} {
    %mul3A = arith.constant 16 : i32
    %mul3A_0 = arith.muli %arg0, %mul3A : i32
    %add3A = arith.addi %mul3A_0, %arg1 : i32
    %mul3A_1 = arith.constant 1568 : i32
    %mul3A_2 = arith.muli %add3A, %mul3A_1 : i32
    "tpu.region"() ({
      %run_scoped3A = tpu.sem_alloc : memref<!tpu.dma_semaphore, #tpu.memory_space<semaphore_mem>>
      %dma_start3A = arith.constant 0 : i32
      %dma_start3A_23 = tpu.memref_slice %arg9[%dma_start3A] : memref<1584xi32, #tpu.memory_space<vmem>> -> memref<1568xi32, #tpu.memory_space<vmem>>
      %dma_start3A_24 = tpu.memref_slice %arg5[%mul3A_2] : memref<50176xi32, #tpu.memory_space<hbm>> -> memref<1568xi32, #tpu.memory_space<hbm>>
      %dma_start3A_25 = arith.constant 0 : i32
      %dma_start3A_26 = tpu.memref_slice %arg9[%dma_start3A_25] : memref<1584xi32, #tpu.memory_space<vmem>> -> memref<1568xi32, #tpu.memory_space<vmem>>
      %dma_start3A_27 = tpu.memref_slice %arg5[%mul3A_2] : memref<50176xi32, #tpu.memory_space<hbm>> -> memref<1568xi32, #tpu.memory_space<hbm>>
      tpu.enqueue_dma source(%dma_start3A_27 : memref<1568xi32, #tpu.memory_space<hbm>>) target(%dma_start3A_26 : memref<1568xi32, #tpu.memory_space<vmem>>) target_semaphore(%run_scoped3A : memref<!tpu.dma_semaphore, #tpu.memory_space<semaphore_mem>>)
      %dma_wait3A = arith.constant 0 : i32
      %dma_wait3A_28 = tpu.memref_slice %arg9[%dma_wait3A] : memref<1584xi32, #tpu.memory_space<vmem>> -> memref<1568xi32, #tpu.memory_space<vmem>>
      %dma_wait3A_29 = tpu.memref_slice %arg5[%mul3A_2] : memref<50176xi32, #tpu.memory_space<hbm>> -> memref<1568xi32, #tpu.memory_space<hbm>>
      %dma_wait3A_30 = arith.constant 0 : i32
      %dma_wait3A_31 = tpu.memref_slice %arg9[%dma_wait3A_30] : memref<1584xi32, #tpu.memory_space<vmem>> -> memref<1568xi32, #tpu.memory_space<vmem>>
      %dma_wait3A_32 = tpu.memref_slice %arg5[%mul3A_2] : memref<50176xi32, #tpu.memory_space<hbm>> -> memref<1568xi32, #tpu.memory_space<hbm>>
      tpu.wait_dma2 semaphore(%run_scoped3A : memref<!tpu.dma_semaphore, #tpu.memory_space<semaphore_mem>>) src(%dma_wait3A_32 : memref<1568xi32, #tpu.memory_space<hbm>>) dst(%dma_wait3A_31 : memref<1568xi32, #tpu.memory_space<vmem>>)
      tpu.yield
    }) : () -> ()
    "tpu.region"() ({
      %run_scoped3A = tpu.sem_alloc : memref<!tpu.dma_semaphore, #tpu.memory_space<semaphore_mem>>
      %dma_start3A = arith.constant 0 : i32
      %dma_start3A_23 = tpu.memref_slice %arg10[%dma_start3A] : memref<1584xf32, #tpu.memory_space<vmem>> -> memref<1568xf32, #tpu.memory_space<vmem>>
      %dma_start3A_24 = tpu.memref_slice %arg3[%mul3A_2] : memref<50176xf32, #tpu.memory_space<hbm>> -> memref<1568xf32, #tpu.memory_space<hbm>>
      %dma_start3A_25 = arith.constant 0 : i32
      %dma_start3A_26 = tpu.memref_slice %arg10[%dma_start3A_25] : memref<1584xf32, #tpu.memory_space<vmem>> -> memref<1568xf32, #tpu.memory_space<vmem>>
      %dma_start3A_27 = tpu.memref_slice %arg3[%mul3A_2] : memref<50176xf32, #tpu.memory_space<hbm>> -> memref<1568xf32, #tpu.memory_space<hbm>>
      tpu.enqueue_dma source(%dma_start3A_27 : memref<1568xf32, #tpu.memory_space<hbm>>) target(%dma_start3A_26 : memref<1568xf32, #tpu.memory_space<vmem>>) target_semaphore(%run_scoped3A : memref<!tpu.dma_semaphore, #tpu.memory_space<semaphore_mem>>)
      %dma_wait3A = arith.constant 0 : i32
      %dma_wait3A_28 = tpu.memref_slice %arg10[%dma_wait3A] : memref<1584xf32, #tpu.memory_space<vmem>> -> memref<1568xf32, #tpu.memory_space<vmem>>
      %dma_wait3A_29 = tpu.memref_slice %arg3[%mul3A_2] : memref<50176xf32, #tpu.memory_space<hbm>> -> memref<1568xf32, #tpu.memory_space<hbm>>
      %dma_wait3A_30 = arith.constant 0 : i32
      %dma_wait3A_31 = tpu.memref_slice %arg10[%dma_wait3A_30] : memref<1584xf32, #tpu.memory_space<vmem>> -> memref<1568xf32, #tpu.memory_space<vmem>>
      %dma_wait3A_32 = tpu.memref_slice %arg3[%mul3A_2] : memref<50176xf32, #tpu.memory_space<hbm>> -> memref<1568xf32, #tpu.memory_space<hbm>>
      tpu.wait_dma2 semaphore(%run_scoped3A : memref<!tpu.dma_semaphore, #tpu.memory_space<semaphore_mem>>) src(%dma_wait3A_32 : memref<1568xf32, #tpu.memory_space<hbm>>) dst(%dma_wait3A_31 : memref<1568xf32, #tpu.memory_space<vmem>>)
      tpu.yield
    }) : () -> ()
    "tpu.region"() ({
      %run_scoped3A = tpu.sem_alloc : memref<!tpu.dma_semaphore, #tpu.memory_space<semaphore_mem>>
      tpu.enqueue_dma source(%arg4 : memref<320xf32, #tpu.memory_space<hbm>>) target(%arg11 : memref<320xf32, #tpu.memory_space<vmem>>) target_semaphore(%run_scoped3A : memref<!tpu.dma_semaphore, #tpu.memory_space<semaphore_mem>>)
      tpu.wait_dma2 semaphore(%run_scoped3A : memref<!tpu.dma_semaphore, #tpu.memory_space<semaphore_mem>>) src(%arg4 : memref<320xf32, #tpu.memory_space<hbm>>) dst(%arg11 : memref<320xf32, #tpu.memory_space<vmem>>)
      tpu.yield
    }) : () -> ()
    %scan3A = arith.constant 0 : i32
    %scan3A_3 = arith.constant 0 : i32
    %scan3A_4 = arith.constant 528 : i32
    %scan3A_5 = arith.addi %scan3A_3, %scan3A_4 : i32
    %scan3A_6 = arith.constant 1 : i32
    %scan3A_7 = scf.for %scan3A_23 = %scan3A_3 to %scan3A_5 step %scan3A_6 iter_args(%scan3A_24 = %scan3A) -> (i32)  : i32 {
      %broadcast_in_dim3A = arith.constant -1.000000e+30 : f32
      %broadcast_in_dim3A_25 = vector.broadcast %broadcast_in_dim3A : f32 to vector<16xf32>
      %mul3A_26 = arith.constant 16 : i32
      %mul3A_27 = arith.muli %scan3A_23, %mul3A_26 : i32
      %swap3A = arith.index_cast %mul3A_27 : i32 to index
      %swap3A_28 = tpu.vector_load %arg12[%swap3A] {strides = array<i32>} : memref<8448xf32, #tpu.memory_space<vmem>>, vector<16xf32>,
      %swap3A_29 = vector.shape_cast %swap3A_28 : vector<16xf32> to vector<16xf32>
      %swap3A_30 = vector.shape_cast %broadcast_in_dim3A_25 : vector<16xf32> to vector<16xf32>
      tpu.vector_store %arg12[%swap3A], %swap3A_30 {strides = array<i32>} : memref<8448xf32, #tpu.memory_space<vmem>>, vector<16xf32>,
      %scan3A_31 = arith.constant 0 : i32
      scf.yield %scan3A_31 : i32
    }
    %scan3A_8 = arith.constant 528 : i32
    %get3A = arith.constant 0 : index
    %get3A_9 = tpu.vector_load %arg9[%get3A] {strides = array<i32>} : memref<1584xi32, #tpu.memory_space<vmem>>, vector<16xi32>,
    %get3A_10 = vector.shape_cast %get3A_9 : vector<16xi32> to vector<16xi32>
    %slice3A = vector.extract_strided_slice %get3A_10 {offsets = [0], sizes = [1], strides = [1]} : vector<16xi32> to vector<1xi32>
    %squeeze3A = vector.extract %slice3A[0] : i32 from vector<1xi32>
    %get3A_11 = arith.constant 1552 : index
    %get3A_12 = tpu.vector_load %arg9[%get3A_11] {strides = array<i32>} : memref<1584xi32, #tpu.memory_space<vmem>>, vector<16xi32>,
    %get3A_13 = vector.shape_cast %get3A_12 : vector<16xi32> to vector<16xi32>
    %slice3A_14 = vector.extract_strided_slice %get3A_13 {offsets = [15], sizes = [1], strides = [1]} : vector<16xi32> to vector<1xi32>
    %squeeze3A_15 = vector.extract %slice3A_14[0] : i32 from vector<1xi32>
    %scan3A_16 = arith.constant 0 : i32
    %scan3A_17 = arith.constant 0 : i32
    %scan3A_18 = arith.constant 20 : i32
    %scan3A_19 = arith.addi %scan3A_17, %scan3A_18 : i32
    %scan3A_20 = arith.constant 1 : i32
    %scan3A_21 = scf.for %scan3A_23 = %scan3A_17 to %scan3A_19 step %scan3A_20 iter_args(%scan3A_24 = %scan3A_16) -> (i32)  : i32 {
      %add3A_25 = arith.constant 1 : i32
      %add3A_26 = arith.addi %squeeze3A_15, %add3A_25 : i32
      %while3A = arith.constant 0 : i32
      %while3A_27 = arith.subi %add3A_26, %squeeze3A : i32
      %while3A_28 = arith.addi %squeeze3A, %while3A_27 : i32
      %while3A_29 = arith.constant 1 : i32
      %while3A_30 = arith.divsi %while3A_27, %while3A_29 : i32
      %while3A_31 = arith.muli %while3A_30, %while3A_29 : i32
      %while3A_32 = arith.addi %squeeze3A, %while3A_31 : i32
      %while3A_33 = arith.constant 1 : i32
      %while3A_34 = scf.for %while3A_88 = %squeeze3A to %while3A_32 step %while3A_33 iter_args(%while3A_89 = %while3A) -> (i32)  : i32 {
        %broadcast_in_dim3A_90 = arith.constant -1.000000e+30 : f32
        %broadcast_in_dim3A_91 = vector.broadcast %broadcast_in_dim3A_90 : f32 to vector<16xf32>
        %mul3A_92 = arith.constant 16 : i32
        %mul3A_93 = arith.muli %while3A_88, %mul3A_92 : i32
        %swap3A_94 = arith.index_cast %mul3A_93 : i32 to index
        %swap3A_95 = tpu.vector_load %arg12[%swap3A_94] {strides = array<i32>} : memref<8448xf32, #tpu.memory_space<vmem>>, vector<16xf32>,
        %swap3A_96 = vector.shape_cast %swap3A_95 : vector<16xf32> to vector<16xf32>
        %swap3A_97 = vector.shape_cast %broadcast_in_dim3A_91 : vector<16xf32> to vector<16xf32>
        tpu.vector_store %arg12[%swap3A_94], %swap3A_97 {strides = array<i32>} : memref<8448xf32, #tpu.memory_space<vmem>>, vector<16xf32>,
        %while3A_98 = arith.constant 0 : i32
        scf.yield %while3A_98 : i32
      }
      %while3A_35 = arith.constant 1 : i32
      %while3A_36 = scf.for %while3A_88 = %while3A_32 to %while3A_28 step %while3A_35 iter_args(%while3A_89 = %while3A_34) -> (i32)  : i32 {
        %broadcast_in_dim3A_90 = arith.constant -1.000000e+30 : f32
        %broadcast_in_dim3A_91 = vector.broadcast %broadcast_in_dim3A_90 : f32 to vector<16xf32>
        %mul3A_92 = arith.constant 16 : i32
        %mul3A_93 = arith.muli %while3A_88, %mul3A_92 : i32
        %swap3A_94 = arith.index_cast %mul3A_93 : i32 to index
        %swap3A_95 = tpu.vector_load %arg12[%swap3A_94] {strides = array<i32>} : memref<8448xf32, #tpu.memory_space<vmem>>, vector<16xf32>,
        %swap3A_96 = vector.shape_cast %swap3A_95 : vector<16xf32> to vector<16xf32>
        %swap3A_97 = vector.shape_cast %broadcast_in_dim3A_91 : vector<16xf32> to vector<16xf32>
        tpu.vector_store %arg12[%swap3A_94], %swap3A_97 {strides = array<i32>} : memref<8448xf32, #tpu.memory_space<vmem>>, vector<16xf32>,
        %while3A_98 = arith.constant 0 : i32
        scf.yield %while3A_98 : i32
      }
      %mul3A_37 = arith.constant 16 : i32
      %mul3A_38 = arith.muli %scan3A_23, %mul3A_37 : i32
      %get3A_39 = arith.index_cast %mul3A_38 : i32 to index
      %get3A_40 = tpu.vector_load %arg11[%get3A_39] {strides = array<i32>} : memref<320xf32, #tpu.memory_space<vmem>>, vector<16xf32>,
      %get3A_41 = vector.shape_cast %get3A_40 : vector<16xf32> to vector<16xf32>
      %mul3A_42 = arith.constant 16 : i32
      %mul3A_43 = arith.muli %scan3A_23, %mul3A_42 : i32
      %dma_start3A = tpu.memref_slice %arg2[%mul3A_2, %mul3A_43] : memref<50176x320xf32, #tpu.memory_space<hbm>> -> memref<784x16xf32, #tpu.memory_space<hbm>>
      %dma_start3A_44 = tpu.memref_slice %arg2[%mul3A_2, %mul3A_43] : memref<50176x320xf32, #tpu.memory_space<hbm>> -> memref<784x16xf32, #tpu.memory_space<hbm>>
      tpu.enqueue_dma source(%dma_start3A_44 : memref<784x16xf32, #tpu.memory_space<hbm>>) target(%arg7 : memref<784x16xf32, #tpu.memory_space<vmem>>) target_semaphore(%arg13 : memref<!tpu.dma_semaphore, #tpu.memory_space<semaphore_mem>>)
      %add3A_45 = arith.constant 784 : i32
      %add3A_46 = arith.addi %mul3A_2, %add3A_45 : i32
      %mul3A_47 = arith.constant 16 : i32
      %mul3A_48 = arith.muli %scan3A_23, %mul3A_47 : i32
      %dma_start3A_49 = tpu.memref_slice %arg2[%add3A_46, %mul3A_48] : memref<50176x320xf32, #tpu.memory_space<hbm>> -> memref<784x16xf32, #tpu.memory_space<hbm>>
      %dma_start3A_50 = tpu.memref_slice %arg2[%add3A_46, %mul3A_48] : memref<50176x320xf32, #tpu.memory_space<hbm>> -> memref<784x16xf32, #tpu.memory_space<hbm>>
      tpu.enqueue_dma source(%dma_start3A_50 : memref<784x16xf32, #tpu.memory_space<hbm>>) target(%arg8 : memref<784x16xf32, #tpu.memory_space<vmem>>) target_semaphore(%arg14 : memref<!tpu.dma_semaphore, #tpu.memory_space<semaphore_mem>>)
      %mul3A_51 = arith.constant 16 : i32
      %mul3A_52 = arith.muli %scan3A_23, %mul3A_51 : i32
      %dma_wait3A = tpu.memref_slice %arg2[%mul3A_2, %mul3A_52] : memref<50176x320xf32, #tpu.memory_space<hbm>> -> memref<784x16xf32, #tpu.memory_space<hbm>>
      %dma_wait3A_53 = tpu.memref_slice %arg2[%mul3A_2, %mul3A_52] : memref<50176x320xf32, #tpu.memory_space<hbm>> -> memref<784x16xf32, #tpu.memory_space<hbm>>
      tpu.wait_dma2 semaphore(%arg13 : memref<!tpu.dma_semaphore, #tpu.memory_space<semaphore_mem>>) src(%dma_wait3A_53 : memref<784x16xf32, #tpu.memory_space<hbm>>) dst(%arg7 : memref<784x16xf32, #tpu.memory_space<vmem>>)
      %get3A_54 = arith.constant 0 : index
      %get3A_55 = tpu.vector_load %arg9[%get3A_54] {strides = array<i32>} : memref<1584xi32, #tpu.memory_space<vmem>>, vector<16xi32>,
      %get3A_56 = vector.shape_cast %get3A_55 : vector<16xi32> to vector<16xi32>
      %slice3A_57 = vector.extract_strided_slice %get3A_56 {offsets = [0], sizes = [1], strides = [1]} : vector<16xi32> to vector<1xi32>
      %squeeze3A_58 = vector.extract %slice3A_57[0] : i32 from vector<1xi32>
      %broadcast_in_dim3A = arith.constant -1.000000e+30 : f32
      %broadcast_in_dim3A_59 = vector.broadcast %broadcast_in_dim3A : f32 to vector<16xf32>
      %scan3A_60 = arith.constant 0 : i32
      %scan3A_61 = arith.constant 784 : i32
      %scan3A_62 = arith.addi %scan3A_60, %scan3A_61 : i32
      %scan3A_63 = arith.constant 1 : i32
      %scan3A_64:2 = scf.for %scan3A_88 = %scan3A_60 to %scan3A_62 step %scan3A_63 iter_args(%scan3A_89 = %squeeze3A_58, %scan3A_90 = %broadcast_in_dim3A_59) -> (i32, vector<16xf32>)  : i32 {
        %add3A_91 = arith.constant 0 : i32
        %add3A_92 = arith.addi %add3A_91, %scan3A_88 : i32
        %get3A_93 = arith.index_cast %add3A_92 : i32 to index
        %get3A_94 = tpu.vector_load %arg9[%get3A_93] {strides = array<i32>} : memref<1584xi32, #tpu.memory_space<vmem>>, vector<16xi32>,
        %get3A_95 = vector.shape_cast %get3A_94 : vector<16xi32> to vector<16xi32>
        %slice3A_96 = vector.extract_strided_slice %get3A_95 {offsets = [0], sizes = [1], strides = [1]} : vector<16xi32> to vector<1xi32>
        %squeeze3A_97 = vector.extract %slice3A_96[0] : i32 from vector<1xi32>
        %add3A_98 = arith.constant 0 : i32
        %add3A_99 = arith.addi %add3A_98, %scan3A_88 : i32
        %get3A_100 = arith.index_cast %add3A_99 : i32 to index
        %get3A_101 = tpu.vector_load %arg10[%get3A_100] {strides = array<i32>} : memref<1584xf32, #tpu.memory_space<vmem>>, vector<16xf32>,
        %get3A_102 = vector.shape_cast %get3A_101 : vector<16xf32> to vector<16xf32>
        %slice3A_103 = vector.extract_strided_slice %get3A_102 {offsets = [0], sizes = [1], strides = [1]} : vector<16xf32> to vector<1xf32>
        %squeeze3A_104 = vector.extract %slice3A_103[0] : f32 from vector<1xf32>
        %get3A_105 = arith.index_cast %scan3A_88 : i32 to index
        %get3A_106 = arith.constant 0 : index
        %get3A_107 = tpu.vector_load %arg7[%get3A_105, %get3A_106] {strides = array<i32>} : memref<784x16xf32, #tpu.memory_space<vmem>>, vector<1x16xf32>,
        %get3A_108 = vector.shape_cast %get3A_107 : vector<1x16xf32> to vector<16xf32>
        %mul3A_109 = vector.broadcast %squeeze3A_104 : f32 to vector<16xf32>
        %mul3A_110 = arith.mulf %get3A_108, %mul3A_109 : vector<16xf32>
        %add3A_111 = arith.addf %mul3A_110, %get3A_41 : vector<16xf32>
        %max3A = arith.constant 0.000000e+00 : f32
        %max3A_112 = vector.broadcast %max3A : f32 to vector<16xf32>
        %max3A_113 = arith.maximumf %add3A_111, %max3A_112 : vector<16xf32>
        %ne3A = arith.cmpi ne, %squeeze3A_97, %scan3A_89 : i32
        %convert_element_type3A = arith.extui %ne3A : i1 to i32
        %cond3A = arith.constant 0 : i32
        %cond3A_114 = arith.cmpi ne, %convert_element_type3A, %cond3A : i32
        scf.if %cond3A_114 {
          %mul3A_119 = arith.constant 16 : i32
          %mul3A_120 = arith.muli %scan3A_89, %mul3A_119 : i32
          %swap3A_121 = arith.index_cast %mul3A_120 : i32 to index
          %swap3A_122 = tpu.vector_load %arg12[%swap3A_121] {strides = array<i32>} : memref<8448xf32, #tpu.memory_space<vmem>>, vector<16xf32>,
          %swap3A_123 = vector.shape_cast %swap3A_122 : vector<16xf32> to vector<16xf32>
          %swap3A_124 = vector.shape_cast %scan3A_90 : vector<16xf32> to vector<16xf32>
          tpu.vector_store %arg12[%swap3A_121], %swap3A_124 {strides = array<i32>} : memref<8448xf32, #tpu.memory_space<vmem>>, vector<16xf32>,
        } else {
        }
        %ne3A_115 = arith.cmpi ne, %squeeze3A_97, %scan3A_89 : i32
        %broadcast_in_dim3A_116 = arith.constant -1.000000e+30 : f32
        %broadcast_in_dim3A_117 = vector.broadcast %broadcast_in_dim3A_116 : f32 to vector<16xf32>
        %select_n3A = arith.select %ne3A_115, %broadcast_in_dim3A_117, %scan3A_90 : vector<16xf32>
        %max3A_118 = arith.maximumf %select_n3A, %max3A_113 : vector<16xf32>
        scf.yield %squeeze3A_97, %max3A_118 : i32, vector<16xf32>
      }
      %scan3A_65 = arith.constant 784 : i32
      %add3A_66 = arith.constant 784 : i32
      %add3A_67 = arith.addi %mul3A_2, %add3A_66 : i32
      %mul3A_68 = arith.constant 16 : i32
      %mul3A_69 = arith.muli %scan3A_23, %mul3A_68 : i32
      %dma_wait3A_70 = tpu.memref_slice %arg2[%add3A_67, %mul3A_69] : memref<50176x320xf32, #tpu.memory_space<hbm>> -> memref<784x16xf32, #tpu.memory_space<hbm>>
      %dma_wait3A_71 = tpu.memref_slice %arg2[%add3A_67, %mul3A_69] : memref<50176x320xf32, #tpu.memory_space<hbm>> -> memref<784x16xf32, #tpu.memory_space<hbm>>
      tpu.wait_dma2 semaphore(%arg14 : memref<!tpu.dma_semaphore, #tpu.memory_space<semaphore_mem>>) src(%dma_wait3A_71 : memref<784x16xf32, #tpu.memory_space<hbm>>) dst(%arg8 : memref<784x16xf32, #tpu.memory_space<vmem>>)
      %scan3A_72 = arith.constant 0 : i32
      %scan3A_73 = arith.constant 784 : i32
      %scan3A_74 = arith.addi %scan3A_72, %scan3A_73 : i32
      %scan3A_75 = arith.constant 1 : i32
      %scan3A_76:2 = scf.for %scan3A_88 = %scan3A_72 to %scan3A_74 step %scan3A_75 iter_args(%scan3A_89 = %scan3A_64#0, %scan3A_90 = %scan3A_64#1) -> (i32, vector<16xf32>)  : i32 {
        %add3A_91 = arith.constant 784 : i32
        %add3A_92 = arith.addi %add3A_91, %scan3A_88 : i32
        %get3A_93 = arith.index_cast %add3A_92 : i32 to index
        %get3A_94 = tpu.vector_load %arg9[%get3A_93] {strides = array<i32>} : memref<1584xi32, #tpu.memory_space<vmem>>, vector<16xi32>,
        %get3A_95 = vector.shape_cast %get3A_94 : vector<16xi32> to vector<16xi32>
        %slice3A_96 = vector.extract_strided_slice %get3A_95 {offsets = [0], sizes = [1], strides = [1]} : vector<16xi32> to vector<1xi32>
        %squeeze3A_97 = vector.extract %slice3A_96[0] : i32 from vector<1xi32>
        %add3A_98 = arith.constant 784 : i32
        %add3A_99 = arith.addi %add3A_98, %scan3A_88 : i32
        %get3A_100 = arith.index_cast %add3A_99 : i32 to index
        %get3A_101 = tpu.vector_load %arg10[%get3A_100] {strides = array<i32>} : memref<1584xf32, #tpu.memory_space<vmem>>, vector<16xf32>,
        %get3A_102 = vector.shape_cast %get3A_101 : vector<16xf32> to vector<16xf32>
        %slice3A_103 = vector.extract_strided_slice %get3A_102 {offsets = [0], sizes = [1], strides = [1]} : vector<16xf32> to vector<1xf32>
        %squeeze3A_104 = vector.extract %slice3A_103[0] : f32 from vector<1xf32>
        %get3A_105 = arith.index_cast %scan3A_88 : i32 to index
        %get3A_106 = arith.constant 0 : index
        %get3A_107 = tpu.vector_load %arg8[%get3A_105, %get3A_106] {strides = array<i32>} : memref<784x16xf32, #tpu.memory_space<vmem>>, vector<1x16xf32>,
        %get3A_108 = vector.shape_cast %get3A_107 : vector<1x16xf32> to vector<16xf32>
        %mul3A_109 = vector.broadcast %squeeze3A_104 : f32 to vector<16xf32>
        %mul3A_110 = arith.mulf %get3A_108, %mul3A_109 : vector<16xf32>
        %add3A_111 = arith.addf %mul3A_110, %get3A_41 : vector<16xf32>
        %max3A = arith.constant 0.000000e+00 : f32
        %max3A_112 = vector.broadcast %max3A : f32 to vector<16xf32>
        %max3A_113 = arith.maximumf %add3A_111, %max3A_112 : vector<16xf32>
        %ne3A = arith.cmpi ne, %squeeze3A_97, %scan3A_89 : i32
        %convert_element_type3A = arith.extui %ne3A : i1 to i32
        %cond3A = arith.constant 0 : i32
        %cond3A_114 = arith.cmpi ne, %convert_element_type3A, %cond3A : i32
        scf.if %cond3A_114 {
          %mul3A_119 = arith.constant 16 : i32
          %mul3A_120 = arith.muli %scan3A_89, %mul3A_119 : i32
          %swap3A_121 = arith.index_cast %mul3A_120 : i32 to index
          %swap3A_122 = tpu.vector_load %arg12[%swap3A_121] {strides = array<i32>} : memref<8448xf32, #tpu.memory_space<vmem>>, vector<16xf32>,
          %swap3A_123 = vector.shape_cast %swap3A_122 : vector<16xf32> to vector<16xf32>
          %swap3A_124 = vector.shape_cast %scan3A_90 : vector<16xf32> to vector<16xf32>
          tpu.vector_store %arg12[%swap3A_121], %swap3A_124 {strides = array<i32>} : memref<8448xf32, #tpu.memory_space<vmem>>, vector<16xf32>,
        } else {
        }
        %ne3A_115 = arith.cmpi ne, %squeeze3A_97, %scan3A_89 : i32
        %broadcast_in_dim3A_116 = arith.constant -1.000000e+30 : f32
        %broadcast_in_dim3A_117 = vector.broadcast %broadcast_in_dim3A_116 : f32 to vector<16xf32>
        %select_n3A = arith.select %ne3A_115, %broadcast_in_dim3A_117, %scan3A_90 : vector<16xf32>
        %max3A_118 = arith.maximumf %select_n3A, %max3A_113 : vector<16xf32>
        scf.yield %squeeze3A_97, %max3A_118 : i32, vector<16xf32>
      }
      %scan3A_77 = arith.constant 784 : i32
      %mul3A_78 = arith.constant 16 : i32
      %mul3A_79 = arith.muli %scan3A_76#0, %mul3A_78 : i32
      %swap3A = arith.index_cast %mul3A_79 : i32 to index
      %swap3A_80 = tpu.vector_load %arg12[%swap3A] {strides = array<i32>} : memref<8448xf32, #tpu.memory_space<vmem>>, vector<16xf32>,
      %swap3A_81 = vector.shape_cast %swap3A_80 : vector<16xf32> to vector<16xf32>
      %swap3A_82 = vector.shape_cast %scan3A_76#1 : vector<16xf32> to vector<16xf32>
      tpu.vector_store %arg12[%swap3A], %swap3A_82 {strides = array<i32>} : memref<8448xf32, #tpu.memory_space<vmem>>, vector<16xf32>,
      %mul3A_83 = arith.constant 528 : i32
      %mul3A_84 = arith.muli %scan3A_23, %mul3A_83 : i32
      %mul3A_85 = arith.constant 16 : i32
      %mul3A_86 = arith.muli %mul3A_84, %mul3A_85 : i32
      "tpu.region"() ({
        %run_scoped3A = tpu.sem_alloc : memref<!tpu.dma_semaphore, #tpu.memory_space<semaphore_mem>>
        %dma_start3A_88 = tpu.memref_slice %arg6[%add3A, %mul3A_86] : memref<32x168960xf32, #tpu.memory_space<hbm>> -> memref<1x8448xf32, #tpu.memory_space<hbm>>
        %dma_start3A_89 = tpu.memref_squeeze %dma_start3A_88 : memref<1x8448xf32, #tpu.memory_space<hbm>> -> memref<8448xf32, #tpu.memory_space<hbm>>
        %dma_start3A_90 = tpu.memref_slice %arg6[%add3A, %mul3A_86] : memref<32x168960xf32, #tpu.memory_space<hbm>> -> memref<1x8448xf32, #tpu.memory_space<hbm>>
        %dma_start3A_91 = tpu.memref_squeeze %dma_start3A_90 : memref<1x8448xf32, #tpu.memory_space<hbm>> -> memref<8448xf32, #tpu.memory_space<hbm>>
        tpu.enqueue_dma source(%arg12 : memref<8448xf32, #tpu.memory_space<vmem>>) target(%dma_start3A_91 : memref<8448xf32, #tpu.memory_space<hbm>>) target_semaphore(%run_scoped3A : memref<!tpu.dma_semaphore, #tpu.memory_space<semaphore_mem>>)
        %dma_wait3A_92 = tpu.memref_slice %arg6[%add3A, %mul3A_86] : memref<32x168960xf32, #tpu.memory_space<hbm>> -> memref<1x8448xf32, #tpu.memory_space<hbm>>
        %dma_wait3A_93 = tpu.memref_squeeze %dma_wait3A_92 : memref<1x8448xf32, #tpu.memory_space<hbm>> -> memref<8448xf32, #tpu.memory_space<hbm>>
        %dma_wait3A_94 = tpu.memref_slice %arg6[%add3A, %mul3A_86] : memref<32x168960xf32, #tpu.memory_space<hbm>> -> memref<1x8448xf32, #tpu.memory_space<hbm>>
        %dma_wait3A_95 = tpu.memref_squeeze %dma_wait3A_94 : memref<1x8448xf32, #tpu.memory_space<hbm>> -> memref<8448xf32, #tpu.memory_space<hbm>>
        tpu.wait_dma2 semaphore(%run_scoped3A : memref<!tpu.dma_semaphore, #tpu.memory_space<semaphore_mem>>) src(%arg12 : memref<8448xf32, #tpu.memory_space<vmem>>) dst(%dma_wait3A_95 : memref<8448xf32, #tpu.memory_space<hbm>>)
        tpu.yield
      }) : () -> ()
      %scan3A_87 = arith.constant 0 : i32
      scf.yield %scan3A_87 : i32
    }
    %scan3A_22 = arith.constant 20 : i32
    return
  }
}

module attributes {stable_mosaic.version = 14 : i64} {
  func.func @_dis_body(%arg0: memref<2x392x128xf32, #tpu.memory_space<vmem>>, %arg1: memref<392x128xf32, #tpu.memory_space<vmem>>) attributes {dimension_semantics = [], scalar_prefetch = 0 : i64, scratch_operands = 0 : i64, tpu.core_type = #tpu.core_type<tc>} {
    %get3A = arith.constant 0 : index
    %get3A_0 = arith.constant 0 : index
    %get3A_1 = arith.constant 0 : index
    %get3A_2 = vector.load %arg0[%get3A, %get3A_0, %get3A_1] : memref<2x392x128xf32, #tpu.memory_space<vmem>>, vector<1x392x128xf32>
    %get3A_3 = vector.shape_cast %get3A_2 : vector<1x392x128xf32> to vector<392x128xf32>
    %add3A = arith.constant 1.000000e+00 : f32
    %add3A_4 = vector.broadcast %add3A : f32 to vector<392x128xf32>
    %add3A_5 = arith.addf %add3A_4, %get3A_3 : vector<392x128xf32>
    %get3A_6 = arith.constant 1 : index
    %get3A_7 = arith.constant 0 : index
    %get3A_8 = arith.constant 0 : index
    %get3A_9 = vector.load %arg0[%get3A_6, %get3A_7, %get3A_8] : memref<2x392x128xf32, #tpu.memory_space<vmem>>, vector<1x392x128xf32>
    %get3A_10 = vector.shape_cast %get3A_9 : vector<1x392x128xf32> to vector<392x128xf32>
    %add3A_11 = arith.addf %add3A_5, %get3A_10 : vector<392x128xf32>
    %sqrt3A = math.sqrt %add3A_11 : vector<392x128xf32>
    %div3A = arith.constant 1.000000e+00 : f32
    %div3A_12 = vector.broadcast %div3A : f32 to vector<392x128xf32>
    %div3A_13 = arith.divf %div3A_12, %sqrt3A : vector<392x128xf32>
    %swap3A = arith.constant 0 : index
    %swap3A_14 = arith.constant 0 : index
    %swap3A_15 = vector.load %arg1[%swap3A, %swap3A_14] : memref<392x128xf32, #tpu.memory_space<vmem>>, vector<392x128xf32>
    tpu.vector_store %arg1[%swap3A, %swap3A_14], %div3A_13 {strides = array<i32>} : memref<392x128xf32, #tpu.memory_space<vmem>>, vector<392x128xf32>,
    return
  }
}

module attributes {stable_mosaic.version = 14 : i64} {
  func.func @_l1_body(%arg0: i32, %arg1: i32, %arg2: memref<3136x80xf32, #tpu.memory_space<vmem>>, %arg3: memref<1x80x16xf32, #tpu.memory_space<vmem>>, %arg4: memref<3136x1xf32, #tpu.memory_space<vmem>>, %arg5: memref<1x3136x16xf32, #tpu.memory_space<vmem>>) attributes {dimension_semantics = [#tpu.dimension_semantics<arbitrary>, #tpu.dimension_semantics<arbitrary>], iteration_bounds = array<i64: 16, 5>, scalar_prefetch = 0 : i64, scratch_operands = 0 : i64, tpu.core_type = #tpu.core_type<tc>, window_params = [{transform_indices = @transform_0, window_bounds = array<i64: 3136, 80>}, {transform_indices = @transform_1, window_bounds = array<i64: 1, 80, 16>}, {transform_indices = @transform_2, window_bounds = array<i64: 3136, 1>}, {transform_indices = @transform_3, window_bounds = array<i64: 1, 3136, 16>}]} {
    %get3A = arith.constant 0 : index
    %get3A_0 = arith.constant 0 : index
    %get3A_1 = vector.load %arg2[%get3A, %get3A_0] : memref<3136x80xf32, #tpu.memory_space<vmem>>, vector<3136x80xf32>
    %get3A_2 = arith.constant 0 : index
    %get3A_3 = arith.constant 0 : index
    %get3A_4 = arith.constant 0 : index
    %get3A_5 = vector.load %arg3[%get3A_2, %get3A_3, %get3A_4] : memref<1x80x16xf32, #tpu.memory_space<vmem>>, vector<1x80x16xf32>
    %get3A_6 = vector.shape_cast %get3A_5 : vector<1x80x16xf32> to vector<80x16xf32>
    %dot_general3A = arith.constant dense<0.000000e+00> : vector<3136x16xf32>
    %dot_general3A_7 = tpu.matmul %get3A_1, %get3A_6, %dot_general3A {dimension_numbers = #tpu.dot_dimension_numbers<[1], [0], [0], [1], [0, 0, 1, 1], [], []>, transpose_lhs_hint = false} : vector<3136x80xf32>, vector<80x16xf32>, vector<3136x16xf32> -> vector<3136x16xf32>
    %get3A_8 = arith.constant 0 : index
    %get3A_9 = arith.constant 0 : index
    %get3A_10 = vector.load %arg4[%get3A_8, %get3A_9] : memref<3136x1xf32, #tpu.memory_space<vmem>>, vector<3136x1xf32>
    %mul3A = vector.broadcast %get3A_10 : vector<3136x1xf32> to vector<3136x16xf32>
    %mul3A_11 = arith.mulf %dot_general3A_7, %mul3A : vector<3136x16xf32>
    %broadcast_in_dim3A = vector.shape_cast %mul3A_11 : vector<3136x16xf32> to vector<1x3136x16xf32>
    %swap3A = arith.constant 0 : index
    %swap3A_12 = arith.constant 0 : index
    %swap3A_13 = arith.constant 0 : index
    %swap3A_14 = vector.load %arg5[%swap3A, %swap3A_12, %swap3A_13] : memref<1x3136x16xf32, #tpu.memory_space<vmem>>, vector<1x3136x16xf32>
    tpu.vector_store %arg5[%swap3A, %swap3A_12, %swap3A_13], %broadcast_in_dim3A {strides = array<i32>} : memref<1x3136x16xf32, #tpu.memory_space<vmem>>, vector<1x3136x16xf32>,
    return
  }
  func.func @transform_0(%arg0: i32, %arg1: i32) -> (i32, i32) {
    %c0_i32 = arith.constant 0 : i32
    %c0_i32_0 = arith.constant 0 : i32
    return %arg0, %c0_i32 : i32, i32
  }
  func.func @transform_1(%arg0: i32, %arg1: i32) -> (i32, i32, i32) {
    %c0_i32 = arith.constant 0 : i32
    %c0_i32_0 = arith.constant 0 : i32
    %c0_i32_1 = arith.constant 0 : i32
    return %arg1, %c0_i32, %c0_i32_0 : i32, i32, i32
  }
  func.func @transform_2(%arg0: i32, %arg1: i32) -> (i32, i32) {
    %c0_i32 = arith.constant 0 : i32
    %c0_i32_0 = arith.constant 0 : i32
    return %arg0, %c0_i32 : i32, i32
  }
  func.func @transform_3(%arg0: i32, %arg1: i32) -> (i32, i32, i32) {
    %c0_i32 = arith.constant 0 : i32
    %c0_i32_0 = arith.constant 0 : i32
    return %arg1, %arg0, %c0_i32 : i32, i32, i32
  }
}

module attributes {stable_mosaic.version = 14 : i64} {
  func.func @_mid_body(%arg0: i32, %arg1: i32, %arg2: memref<3136x80xf32, #tpu.memory_space<vmem>>, %arg3: memref<1x80x16xf32, #tpu.memory_space<vmem>>, %arg4: memref<3136x1xf32, #tpu.memory_space<vmem>>, %arg5: memref<1x80xf32, #tpu.memory_space<vmem>>, %arg6: memref<1x3136x16xf32, #tpu.memory_space<vmem>>, %arg7: memref<3136x80xf32, #tpu.memory_space<vmem>>) attributes {dimension_semantics = [#tpu.dimension_semantics<arbitrary>, #tpu.dimension_semantics<arbitrary>], iteration_bounds = array<i64: 16, 10>, scalar_prefetch = 0 : i64, scratch_operands = 1 : i64, tpu.core_type = #tpu.core_type<tc>, window_params = [{transform_indices = @transform_0, window_bounds = array<i64: 3136, 80>}, {transform_indices = @transform_1, window_bounds = array<i64: 1, 80, 16>}, {transform_indices = @transform_2, window_bounds = array<i64: 3136, 1>}, {pipeline_mode = #tpu.pipeline_mode<synchronous>, transform_indices = @transform_3, window_bounds = array<i64: 1, 80>}, {transform_indices = @transform_4, window_bounds = array<i64: 1, 3136, 16>}]} {
    %eq3A = arith.constant 0 : i32
    %eq3A_0 = arith.cmpi eq, %arg1, %eq3A : i32
    %convert_element_type3A = arith.extui %eq3A_0 : i1 to i32
    %cond3A = arith.constant 0 : i32
    %cond3A_1 = arith.cmpi ne, %convert_element_type3A, %cond3A : i32
    scf.if %cond3A_1 {
      %get3A_17 = arith.constant 0 : index
      %get3A_18 = arith.constant 0 : index
      %get3A_19 = vector.load %arg2[%get3A_17, %get3A_18] : memref<3136x80xf32, #tpu.memory_space<vmem>>, vector<3136x80xf32>
      %get3A_20 = arith.constant 0 : index
      %get3A_21 = arith.constant 0 : index
      %get3A_22 = vector.load %arg4[%get3A_20, %get3A_21] : memref<3136x1xf32, #tpu.memory_space<vmem>>, vector<3136x1xf32>
      %mul3A_23 = vector.broadcast %get3A_22 : vector<3136x1xf32> to vector<3136x80xf32>
      %mul3A_24 = arith.mulf %get3A_19, %mul3A_23 : vector<3136x80xf32>
      %get3A_25 = arith.constant 0 : index
      %get3A_26 = arith.constant 0 : index
      %get3A_27 = vector.load %arg5[%get3A_25, %get3A_26] : memref<1x80xf32, #tpu.memory_space<vmem>>, vector<1x80xf32>
      %add3A = vector.broadcast %get3A_27 : vector<1x80xf32> to vector<3136x80xf32>
      %add3A_28 = arith.addf %mul3A_24, %add3A : vector<3136x80xf32>
      %max3A = arith.constant 0.000000e+00 : f32
      %max3A_29 = vector.broadcast %max3A : f32 to vector<3136x80xf32>
      %max3A_30 = arith.maximumf %add3A_28, %max3A_29 : vector<3136x80xf32>
      %swap3A_31 = arith.constant 0 : index
      %swap3A_32 = arith.constant 0 : index
      %swap3A_33 = vector.load %arg7[%swap3A_31, %swap3A_32] : memref<3136x80xf32, #tpu.memory_space<vmem>>, vector<3136x80xf32>
      tpu.vector_store %arg7[%swap3A_31, %swap3A_32], %max3A_30 {strides = array<i32>} : memref<3136x80xf32, #tpu.memory_space<vmem>>, vector<3136x80xf32>,
    } else {
    }
    %get3A = arith.constant 0 : index
    %get3A_2 = arith.constant 0 : index
    %get3A_3 = vector.load %arg7[%get3A, %get3A_2] : memref<3136x80xf32, #tpu.memory_space<vmem>>, vector<3136x80xf32>
    %get3A_4 = arith.constant 0 : index
    %get3A_5 = arith.constant 0 : index
    %get3A_6 = arith.constant 0 : index
    %get3A_7 = vector.load %arg3[%get3A_4, %get3A_5, %get3A_6] : memref<1x80x16xf32, #tpu.memory_space<vmem>>, vector<1x80x16xf32>
    %get3A_8 = vector.shape_cast %get3A_7 : vector<1x80x16xf32> to vector<80x16xf32>
    %dot_general3A = arith.constant dense<0.000000e+00> : vector<3136x16xf32>
    %dot_general3A_9 = tpu.matmul %get3A_3, %get3A_8, %dot_general3A {dimension_numbers = #tpu.dot_dimension_numbers<[1], [0], [0], [1], [0, 0, 1, 1], [], []>, transpose_lhs_hint = false} : vector<3136x80xf32>, vector<80x16xf32>, vector<3136x16xf32> -> vector<3136x16xf32>
    %get3A_10 = arith.constant 0 : index
    %get3A_11 = arith.constant 0 : index
    %get3A_12 = vector.load %arg4[%get3A_10, %get3A_11] : memref<3136x1xf32, #tpu.memory_space<vmem>>, vector<3136x1xf32>
    %mul3A = vector.broadcast %get3A_12 : vector<3136x1xf32> to vector<3136x16xf32>
    %mul3A_13 = arith.mulf %dot_general3A_9, %mul3A : vector<3136x16xf32>
    %broadcast_in_dim3A = vector.shape_cast %mul3A_13 : vector<3136x16xf32> to vector<1x3136x16xf32>
    %swap3A = arith.constant 0 : index
    %swap3A_14 = arith.constant 0 : index
    %swap3A_15 = arith.constant 0 : index
    %swap3A_16 = vector.load %arg6[%swap3A, %swap3A_14, %swap3A_15] : memref<1x3136x16xf32, #tpu.memory_space<vmem>>, vector<1x3136x16xf32>
    tpu.vector_store %arg6[%swap3A, %swap3A_14, %swap3A_15], %broadcast_in_dim3A {strides = array<i32>} : memref<1x3136x16xf32, #tpu.memory_space<vmem>>, vector<1x3136x16xf32>,
    return
  }
  func.func @transform_0(%arg0: i32, %arg1: i32) -> (i32, i32) {
    %c0_i32 = arith.constant 0 : i32
    %c0_i32_0 = arith.constant 0 : i32
    return %arg0, %c0_i32 : i32, i32
  }
  func.func @transform_1(%arg0: i32, %arg1: i32) -> (i32, i32, i32) {
    %c0_i32 = arith.constant 0 : i32
    %c0_i32_0 = arith.constant 0 : i32
    %c0_i32_1 = arith.constant 0 : i32
    return %arg1, %c0_i32, %c0_i32_0 : i32, i32, i32
  }
  func.func @transform_2(%arg0: i32, %arg1: i32) -> (i32, i32) {
    %c0_i32 = arith.constant 0 : i32
    %c0_i32_0 = arith.constant 0 : i32
    return %arg0, %c0_i32 : i32, i32
  }
  func.func @transform_3(%arg0: i32, %arg1: i32) -> (i32, i32) {
    %c0_i32 = arith.constant 0 : i32
    %c0_i32_0 = arith.constant 0 : i32
    %c0_i32_1 = arith.constant 0 : i32
    return %c0_i32, %c0_i32_0 : i32, i32
  }
  func.func @transform_4(%arg0: i32, %arg1: i32) -> (i32, i32, i32) {
    %c0_i32 = arith.constant 0 : i32
    %c0_i32_0 = arith.constant 0 : i32
    return %arg1, %arg0, %c0_i32 : i32, i32, i32
  }
}

module attributes {stable_mosaic.version = 14 : i64} {
  func.func @_mid_body(%arg0: i32, %arg1: i32, %arg2: memref<3136x160xf32, #tpu.memory_space<vmem>>, %arg3: memref<1x160x16xf32, #tpu.memory_space<vmem>>, %arg4: memref<3136x1xf32, #tpu.memory_space<vmem>>, %arg5: memref<1x160xf32, #tpu.memory_space<vmem>>, %arg6: memref<1x3136x16xf32, #tpu.memory_space<vmem>>, %arg7: memref<3136x160xf32, #tpu.memory_space<vmem>>) attributes {dimension_semantics = [#tpu.dimension_semantics<arbitrary>, #tpu.dimension_semantics<arbitrary>], iteration_bounds = array<i64: 16, 20>, scalar_prefetch = 0 : i64, scratch_operands = 1 : i64, tpu.core_type = #tpu.core_type<tc>, window_params = [{transform_indices = @transform_0, window_bounds = array<i64: 3136, 160>}, {transform_indices = @transform_1, window_bounds = array<i64: 1, 160, 16>}, {transform_indices = @transform_2, window_bounds = array<i64: 3136, 1>}, {pipeline_mode = #tpu.pipeline_mode<synchronous>, transform_indices = @transform_3, window_bounds = array<i64: 1, 160>}, {transform_indices = @transform_4, window_bounds = array<i64: 1, 3136, 16>}]} {
    %eq3A = arith.constant 0 : i32
    %eq3A_0 = arith.cmpi eq, %arg1, %eq3A : i32
    %convert_element_type3A = arith.extui %eq3A_0 : i1 to i32
    %cond3A = arith.constant 0 : i32
    %cond3A_1 = arith.cmpi ne, %convert_element_type3A, %cond3A : i32
    scf.if %cond3A_1 {
      %get3A_17 = arith.constant 0 : index
      %get3A_18 = arith.constant 0 : index
      %get3A_19 = vector.load %arg2[%get3A_17, %get3A_18] : memref<3136x160xf32, #tpu.memory_space<vmem>>, vector<3136x160xf32>
      %get3A_20 = arith.constant 0 : index
      %get3A_21 = arith.constant 0 : index
      %get3A_22 = vector.load %arg4[%get3A_20, %get3A_21] : memref<3136x1xf32, #tpu.memory_space<vmem>>, vector<3136x1xf32>
      %mul3A_23 = vector.broadcast %get3A_22 : vector<3136x1xf32> to vector<3136x160xf32>
      %mul3A_24 = arith.mulf %get3A_19, %mul3A_23 : vector<3136x160xf32>
      %get3A_25 = arith.constant 0 : index
      %get3A_26 = arith.constant 0 : index
      %get3A_27 = vector.load %arg5[%get3A_25, %get3A_26] : memref<1x160xf32, #tpu.memory_space<vmem>>, vector<1x160xf32>
      %add3A = vector.broadcast %get3A_27 : vector<1x160xf32> to vector<3136x160xf32>
      %add3A_28 = arith.addf %mul3A_24, %add3A : vector<3136x160xf32>
      %max3A = arith.constant 0.000000e+00 : f32
      %max3A_29 = vector.broadcast %max3A : f32 to vector<3136x160xf32>
      %max3A_30 = arith.maximumf %add3A_28, %max3A_29 : vector<3136x160xf32>
      %swap3A_31 = arith.constant 0 : index
      %swap3A_32 = arith.constant 0 : index
      %swap3A_33 = vector.load %arg7[%swap3A_31, %swap3A_32] : memref<3136x160xf32, #tpu.memory_space<vmem>>, vector<3136x160xf32>
      tpu.vector_store %arg7[%swap3A_31, %swap3A_32], %max3A_30 {strides = array<i32>} : memref<3136x160xf32, #tpu.memory_space<vmem>>, vector<3136x160xf32>,
    } else {
    }
    %get3A = arith.constant 0 : index
    %get3A_2 = arith.constant 0 : index
    %get3A_3 = vector.load %arg7[%get3A, %get3A_2] : memref<3136x160xf32, #tpu.memory_space<vmem>>, vector<3136x160xf32>
    %get3A_4 = arith.constant 0 : index
    %get3A_5 = arith.constant 0 : index
    %get3A_6 = arith.constant 0 : index
    %get3A_7 = vector.load %arg3[%get3A_4, %get3A_5, %get3A_6] : memref<1x160x16xf32, #tpu.memory_space<vmem>>, vector<1x160x16xf32>
    %get3A_8 = vector.shape_cast %get3A_7 : vector<1x160x16xf32> to vector<160x16xf32>
    %dot_general3A = arith.constant dense<0.000000e+00> : vector<3136x16xf32>
    %dot_general3A_9 = tpu.matmul %get3A_3, %get3A_8, %dot_general3A {dimension_numbers = #tpu.dot_dimension_numbers<[1], [0], [0], [1], [0, 0, 1, 1], [], []>, transpose_lhs_hint = false} : vector<3136x160xf32>, vector<160x16xf32>, vector<3136x16xf32> -> vector<3136x16xf32>
    %get3A_10 = arith.constant 0 : index
    %get3A_11 = arith.constant 0 : index
    %get3A_12 = vector.load %arg4[%get3A_10, %get3A_11] : memref<3136x1xf32, #tpu.memory_space<vmem>>, vector<3136x1xf32>
    %mul3A = vector.broadcast %get3A_12 : vector<3136x1xf32> to vector<3136x16xf32>
    %mul3A_13 = arith.mulf %dot_general3A_9, %mul3A : vector<3136x16xf32>
    %broadcast_in_dim3A = vector.shape_cast %mul3A_13 : vector<3136x16xf32> to vector<1x3136x16xf32>
    %swap3A = arith.constant 0 : index
    %swap3A_14 = arith.constant 0 : index
    %swap3A_15 = arith.constant 0 : index
    %swap3A_16 = vector.load %arg6[%swap3A, %swap3A_14, %swap3A_15] : memref<1x3136x16xf32, #tpu.memory_space<vmem>>, vector<1x3136x16xf32>
    tpu.vector_store %arg6[%swap3A, %swap3A_14, %swap3A_15], %broadcast_in_dim3A {strides = array<i32>} : memref<1x3136x16xf32, #tpu.memory_space<vmem>>, vector<1x3136x16xf32>,
    return
  }
  func.func @transform_0(%arg0: i32, %arg1: i32) -> (i32, i32) {
    %c0_i32 = arith.constant 0 : i32
    %c0_i32_0 = arith.constant 0 : i32
    return %arg0, %c0_i32 : i32, i32
  }
  func.func @transform_1(%arg0: i32, %arg1: i32) -> (i32, i32, i32) {
    %c0_i32 = arith.constant 0 : i32
    %c0_i32_0 = arith.constant 0 : i32
    %c0_i32_1 = arith.constant 0 : i32
    return %arg1, %c0_i32, %c0_i32_0 : i32, i32, i32
  }
  func.func @transform_2(%arg0: i32, %arg1: i32) -> (i32, i32) {
    %c0_i32 = arith.constant 0 : i32
    %c0_i32_0 = arith.constant 0 : i32
    return %arg0, %c0_i32 : i32, i32
  }
  func.func @transform_3(%arg0: i32, %arg1: i32) -> (i32, i32) {
    %c0_i32 = arith.constant 0 : i32
    %c0_i32_0 = arith.constant 0 : i32
    %c0_i32_1 = arith.constant 0 : i32
    return %c0_i32, %c0_i32_0 : i32, i32
  }
  func.func @transform_4(%arg0: i32, %arg1: i32) -> (i32, i32, i32) {
    %c0_i32 = arith.constant 0 : i32
    %c0_i32_0 = arith.constant 0 : i32
    return %arg1, %arg0, %c0_i32 : i32, i32, i32
  }
}

module attributes {stable_mosaic.version = 14 : i64} {
  func.func @_gmax_body(%arg0: i32, %arg1: memref<1x20x528x16xf32, #tpu.memory_space<vmem>>, %arg2: memref<528x320xf32, #tpu.memory_space<vmem>>) attributes {dimension_semantics = [#tpu.dimension_semantics<arbitrary>], iteration_bounds = array<i64: 32>, scalar_prefetch = 0 : i64, scratch_operands = 0 : i64, tpu.core_type = #tpu.core_type<tc>, window_params = [{transform_indices = @transform_0, window_bounds = array<i64: 1, 20, 528, 16>}, {pipeline_mode = #tpu.pipeline_mode<synchronous>, transform_indices = @transform_1, window_bounds = array<i64: 528, 320>}]} {
    %eq3A = arith.constant 0 : i32
    %eq3A_0 = arith.cmpi eq, %arg0, %eq3A : i32
    %convert_element_type3A = arith.extui %eq3A_0 : i1 to i32
    %cond3A = arith.constant 0 : i32
    %cond3A_1 = arith.cmpi ne, %convert_element_type3A, %cond3A : i32
    scf.if %cond3A_1 {
      %broadcast_in_dim3A = arith.constant -1.000000e+30 : f32
      %broadcast_in_dim3A_126 = vector.broadcast %broadcast_in_dim3A : f32 to vector<528x320xf32>
      %swap3A_127 = arith.constant 0 : index
      %swap3A_128 = arith.constant 0 : index
      %swap3A_129 = vector.load %arg2[%swap3A_127, %swap3A_128] : memref<528x320xf32, #tpu.memory_space<vmem>>, vector<528x320xf32>
      tpu.vector_store %arg2[%swap3A_127, %swap3A_128], %broadcast_in_dim3A_126 {strides = array<i32>} : memref<528x320xf32, #tpu.memory_space<vmem>>, vector<528x320xf32>,
    } else {
    }
    %get3A = arith.constant 0 : index
    %get3A_2 = arith.constant 0 : index
    %get3A_3 = arith.constant 0 : index
    %get3A_4 = arith.constant 0 : index
    %get3A_5 = vector.load %arg1[%get3A, %get3A_2, %get3A_3, %get3A_4] : memref<1x20x528x16xf32, #tpu.memory_space<vmem>>, vector<1x1x528x16xf32>
    %get3A_6 = vector.shape_cast %get3A_5 : vector<1x1x528x16xf32> to vector<528x16xf32>
    %get3A_7 = arith.constant 0 : index
    %get3A_8 = arith.constant 1 : index
    %get3A_9 = arith.constant 0 : index
    %get3A_10 = arith.constant 0 : index
    %get3A_11 = vector.load %arg1[%get3A_7, %get3A_8, %get3A_9, %get3A_10] : memref<1x20x528x16xf32, #tpu.memory_space<vmem>>, vector<1x1x528x16xf32>
    %get3A_12 = vector.shape_cast %get3A_11 : vector<1x1x528x16xf32> to vector<528x16xf32>
    %get3A_13 = arith.constant 0 : index
    %get3A_14 = arith.constant 2 : index
    %get3A_15 = arith.constant 0 : index
    %get3A_16 = arith.constant 0 : index
    %get3A_17 = vector.load %arg1[%get3A_13, %get3A_14, %get3A_15, %get3A_16] : memref<1x20x528x16xf32, #tpu.memory_space<vmem>>, vector<1x1x528x16xf32>
    %get3A_18 = vector.shape_cast %get3A_17 : vector<1x1x528x16xf32> to vector<528x16xf32>
    %get3A_19 = arith.constant 0 : index
    %get3A_20 = arith.constant 3 : index
    %get3A_21 = arith.constant 0 : index
    %get3A_22 = arith.constant 0 : index
    %get3A_23 = vector.load %arg1[%get3A_19, %get3A_20, %get3A_21, %get3A_22] : memref<1x20x528x16xf32, #tpu.memory_space<vmem>>, vector<1x1x528x16xf32>
    %get3A_24 = vector.shape_cast %get3A_23 : vector<1x1x528x16xf32> to vector<528x16xf32>
    %get3A_25 = arith.constant 0 : index
    %get3A_26 = arith.constant 4 : index
    %get3A_27 = arith.constant 0 : index
    %get3A_28 = arith.constant 0 : index
    %get3A_29 = vector.load %arg1[%get3A_25, %get3A_26, %get3A_27, %get3A_28] : memref<1x20x528x16xf32, #tpu.memory_space<vmem>>, vector<1x1x528x16xf32>
    %get3A_30 = vector.shape_cast %get3A_29 : vector<1x1x528x16xf32> to vector<528x16xf32>
    %get3A_31 = arith.constant 0 : index
    %get3A_32 = arith.constant 5 : index
    %get3A_33 = arith.constant 0 : index
    %get3A_34 = arith.constant 0 : index
    %get3A_35 = vector.load %arg1[%get3A_31, %get3A_32, %get3A_33, %get3A_34] : memref<1x20x528x16xf32, #tpu.memory_space<vmem>>, vector<1x1x528x16xf32>
    %get3A_36 = vector.shape_cast %get3A_35 : vector<1x1x528x16xf32> to vector<528x16xf32>
    %get3A_37 = arith.constant 0 : index
    %get3A_38 = arith.constant 6 : index
    %get3A_39 = arith.constant 0 : index
    %get3A_40 = arith.constant 0 : index
    %get3A_41 = vector.load %arg1[%get3A_37, %get3A_38, %get3A_39, %get3A_40] : memref<1x20x528x16xf32, #tpu.memory_space<vmem>>, vector<1x1x528x16xf32>
    %get3A_42 = vector.shape_cast %get3A_41 : vector<1x1x528x16xf32> to vector<528x16xf32>
    %get3A_43 = arith.constant 0 : index
    %get3A_44 = arith.constant 7 : index
    %get3A_45 = arith.constant 0 : index
    %get3A_46 = arith.constant 0 : index
    %get3A_47 = vector.load %arg1[%get3A_43, %get3A_44, %get3A_45, %get3A_46] : memref<1x20x528x16xf32, #tpu.memory_space<vmem>>, vector<1x1x528x16xf32>
    %get3A_48 = vector.shape_cast %get3A_47 : vector<1x1x528x16xf32> to vector<528x16xf32>
    %get3A_49 = arith.constant 0 : index
    %get3A_50 = arith.constant 8 : index
    %get3A_51 = arith.constant 0 : index
    %get3A_52 = arith.constant 0 : index
    %get3A_53 = vector.load %arg1[%get3A_49, %get3A_50, %get3A_51, %get3A_52] : memref<1x20x528x16xf32, #tpu.memory_space<vmem>>, vector<1x1x528x16xf32>
    %get3A_54 = vector.shape_cast %get3A_53 : vector<1x1x528x16xf32> to vector<528x16xf32>
    %get3A_55 = arith.constant 0 : index
    %get3A_56 = arith.constant 9 : index
    %get3A_57 = arith.constant 0 : index
    %get3A_58 = arith.constant 0 : index
    %get3A_59 = vector.load %arg1[%get3A_55, %get3A_56, %get3A_57, %get3A_58] : memref<1x20x528x16xf32, #tpu.memory_space<vmem>>, vector<1x1x528x16xf32>
    %get3A_60 = vector.shape_cast %get3A_59 : vector<1x1x528x16xf32> to vector<528x16xf32>
    %get3A_61 = arith.constant 0 : index
    %get3A_62 = arith.constant 10 : index
    %get3A_63 = arith.constant 0 : index
    %get3A_64 = arith.constant 0 : index
    %get3A_65 = vector.load %arg1[%get3A_61, %get3A_62, %get3A_63, %get3A_64] : memref<1x20x528x16xf32, #tpu.memory_space<vmem>>, vector<1x1x528x16xf32>
    %get3A_66 = vector.shape_cast %get3A_65 : vector<1x1x528x16xf32> to vector<528x16xf32>
    %get3A_67 = arith.constant 0 : index
    %get3A_68 = arith.constant 11 : index
    %get3A_69 = arith.constant 0 : index
    %get3A_70 = arith.constant 0 : index
    %get3A_71 = vector.load %arg1[%get3A_67, %get3A_68, %get3A_69, %get3A_70] : memref<1x20x528x16xf32, #tpu.memory_space<vmem>>, vector<1x1x528x16xf32>
    %get3A_72 = vector.shape_cast %get3A_71 : vector<1x1x528x16xf32> to vector<528x16xf32>
    %get3A_73 = arith.constant 0 : index
    %get3A_74 = arith.constant 12 : index
    %get3A_75 = arith.constant 0 : index
    %get3A_76 = arith.constant 0 : index
    %get3A_77 = vector.load %arg1[%get3A_73, %get3A_74, %get3A_75, %get3A_76] : memref<1x20x528x16xf32, #tpu.memory_space<vmem>>, vector<1x1x528x16xf32>
    %get3A_78 = vector.shape_cast %get3A_77 : vector<1x1x528x16xf32> to vector<528x16xf32>
    %get3A_79 = arith.constant 0 : index
    %get3A_80 = arith.constant 13 : index
    %get3A_81 = arith.constant 0 : index
    %get3A_82 = arith.constant 0 : index
    %get3A_83 = vector.load %arg1[%get3A_79, %get3A_80, %get3A_81, %get3A_82] : memref<1x20x528x16xf32, #tpu.memory_space<vmem>>, vector<1x1x528x16xf32>
    %get3A_84 = vector.shape_cast %get3A_83 : vector<1x1x528x16xf32> to vector<528x16xf32>
    %get3A_85 = arith.constant 0 : index
    %get3A_86 = arith.constant 14 : index
    %get3A_87 = arith.constant 0 : index
    %get3A_88 = arith.constant 0 : index
    %get3A_89 = vector.load %arg1[%get3A_85, %get3A_86, %get3A_87, %get3A_88] : memref<1x20x528x16xf32, #tpu.memory_space<vmem>>, vector<1x1x528x16xf32>
    %get3A_90 = vector.shape_cast %get3A_89 : vector<1x1x528x16xf32> to vector<528x16xf32>
    %get3A_91 = arith.constant 0 : index
    %get3A_92 = arith.constant 15 : index
    %get3A_93 = arith.constant 0 : index
    %get3A_94 = arith.constant 0 : index
    %get3A_95 = vector.load %arg1[%get3A_91, %get3A_92, %get3A_93, %get3A_94] : memref<1x20x528x16xf32, #tpu.memory_space<vmem>>, vector<1x1x528x16xf32>
    %get3A_96 = vector.shape_cast %get3A_95 : vector<1x1x528x16xf32> to vector<528x16xf32>
    %get3A_97 = arith.constant 0 : index
    %get3A_98 = arith.constant 16 : index
    %get3A_99 = arith.constant 0 : index
    %get3A_100 = arith.constant 0 : index
    %get3A_101 = vector.load %arg1[%get3A_97, %get3A_98, %get3A_99, %get3A_100] : memref<1x20x528x16xf32, #tpu.memory_space<vmem>>, vector<1x1x528x16xf32>
    %get3A_102 = vector.shape_cast %get3A_101 : vector<1x1x528x16xf32> to vector<528x16xf32>
    %get3A_103 = arith.constant 0 : index
    %get3A_104 = arith.constant 17 : index
    %get3A_105 = arith.constant 0 : index
    %get3A_106 = arith.constant 0 : index
    %get3A_107 = vector.load %arg1[%get3A_103, %get3A_104, %get3A_105, %get3A_106] : memref<1x20x528x16xf32, #tpu.memory_space<vmem>>, vector<1x1x528x16xf32>
    %get3A_108 = vector.shape_cast %get3A_107 : vector<1x1x528x16xf32> to vector<528x16xf32>
    %get3A_109 = arith.constant 0 : index
    %get3A_110 = arith.constant 18 : index
    %get3A_111 = arith.constant 0 : index
    %get3A_112 = arith.constant 0 : index
    %get3A_113 = vector.load %arg1[%get3A_109, %get3A_110, %get3A_111, %get3A_112] : memref<1x20x528x16xf32, #tpu.memory_space<vmem>>, vector<1x1x528x16xf32>
    %get3A_114 = vector.shape_cast %get3A_113 : vector<1x1x528x16xf32> to vector<528x16xf32>
    %get3A_115 = arith.constant 0 : index
    %get3A_116 = arith.constant 19 : index
    %get3A_117 = arith.constant 0 : index
    %get3A_118 = arith.constant 0 : index
    %get3A_119 = vector.load %arg1[%get3A_115, %get3A_116, %get3A_117, %get3A_118] : memref<1x20x528x16xf32, #tpu.memory_space<vmem>>, vector<1x1x528x16xf32>
    %get3A_120 = vector.shape_cast %get3A_119 : vector<1x1x528x16xf32> to vector<528x16xf32>
    %concatenate3A = tpu.concatenate %get3A_6, %get3A_12, %get3A_18, %get3A_24, %get3A_30, %get3A_36, %get3A_42, %get3A_48, %get3A_54, %get3A_60, %get3A_66, %get3A_72, %get3A_78, %get3A_84, %get3A_90, %get3A_96, %get3A_102, %get3A_108, %get3A_114, %get3A_120 in 1 : vector<528x16xf32>, vector<528x16xf32>, vector<528x16xf32>, vector<528x16xf32>, vector<528x16xf32>, vector<528x16xf32>, vector<528x16xf32>, vector<528x16xf32>, vector<528x16xf32>, vector<528x16xf32>, vector<528x16xf32>, vector<528x16xf32>, vector<528x16xf32>, vector<528x16xf32>, vector<528x16xf32>, vector<528x16xf32>, vector<528x16xf32>, vector<528x16xf32>, vector<528x16xf32>, vector<528x16xf32> -> vector<528x320xf32>
    %get3A_121 = arith.constant 0 : index
    %get3A_122 = arith.constant 0 : index
    %get3A_123 = vector.load %arg2[%get3A_121, %get3A_122] : memref<528x320xf32, #tpu.memory_space<vmem>>, vector<528x320xf32>
    %max3A = arith.maximumf %get3A_123, %concatenate3A : vector<528x320xf32>
    %swap3A = arith.constant 0 : index
    %swap3A_124 = arith.constant 0 : index
    %swap3A_125 = vector.load %arg2[%swap3A, %swap3A_124] : memref<528x320xf32, #tpu.memory_space<vmem>>, vector<528x320xf32>
    tpu.vector_store %arg2[%swap3A, %swap3A_124], %max3A {strides = array<i32>} : memref<528x320xf32, #tpu.memory_space<vmem>>, vector<528x320xf32>,
    return
  }
  func.func @transform_0(%arg0: i32) -> (i32, i32, i32, i32) {
    %c0_i32 = arith.constant 0 : i32
    %c0_i32_0 = arith.constant 0 : i32
    %c0_i32_1 = arith.constant 0 : i32
    %c0_i32_2 = arith.constant 0 : i32
    return %arg0, %c0_i32, %c0_i32_0, %c0_i32_1 : i32, i32, i32, i32
  }
  func.func @transform_1(%arg0: i32) -> (i32, i32) {
    %c0_i32 = arith.constant 0 : i32
    %c0_i32_0 = arith.constant 0 : i32
    %c0_i32_1 = arith.constant 0 : i32
    return %c0_i32, %c0_i32_0 : i32, i32
  }
}

module attributes {stable_mosaic.version = 14 : i64} {
  func.func @_head_body(%arg0: memref<512x320xf32, #tpu.memory_space<vmem>>, %arg1: memref<512x128xf32, #tpu.memory_space<vmem>>, %arg2: memref<320x1024xf32, #tpu.memory_space<vmem>>, %arg3: memref<1x1024xf32, #tpu.memory_space<vmem>>, %arg4: memref<1024x128xf32, #tpu.memory_space<vmem>>, %arg5: memref<1x128xf32, #tpu.memory_space<vmem>>, %arg6: memref<256x1024xf32, #tpu.memory_space<vmem>>, %arg7: memref<1x1024xf32, #tpu.memory_space<vmem>>, %arg8: memref<1024x512xf32, #tpu.memory_space<vmem>>, %arg9: memref<1x512xf32, #tpu.memory_space<vmem>>, %arg10: memref<512x128xf32, #tpu.memory_space<vmem>>, %arg11: memref<1x128xf32, #tpu.memory_space<vmem>>, %arg12: memref<512x128xf32, #tpu.memory_space<vmem>>) attributes {dimension_semantics = [], scalar_prefetch = 0 : i64, scratch_operands = 0 : i64, tpu.core_type = #tpu.core_type<tc>} {
    %get3A = arith.constant 0 : index
    %get3A_0 = arith.constant 0 : index
    %get3A_1 = vector.load %arg0[%get3A, %get3A_0] : memref<512x320xf32, #tpu.memory_space<vmem>>, vector<512x320xf32>
    %get3A_2 = arith.constant 0 : index
    %get3A_3 = arith.constant 0 : index
    %get3A_4 = vector.load %arg2[%get3A_2, %get3A_3] : memref<320x1024xf32, #tpu.memory_space<vmem>>, vector<320x1024xf32>
    %dot_general3A = arith.constant dense<0.000000e+00> : vector<512x1024xf32>
    %dot_general3A_5 = tpu.matmul %get3A_1, %get3A_4, %dot_general3A {dimension_numbers = #tpu.dot_dimension_numbers<[1], [0], [0], [1], [0, 0, 1, 1], [], []>, transpose_lhs_hint = false} : vector<512x320xf32>, vector<320x1024xf32>, vector<512x1024xf32> -> vector<512x1024xf32>
    %get3A_6 = arith.constant 0 : index
    %get3A_7 = arith.constant 0 : index
    %get3A_8 = vector.load %arg3[%get3A_6, %get3A_7] : memref<1x1024xf32, #tpu.memory_space<vmem>>, vector<1x1024xf32>
    %add3A = vector.broadcast %get3A_8 : vector<1x1024xf32> to vector<512x1024xf32>
    %add3A_9 = arith.addf %dot_general3A_5, %add3A : vector<512x1024xf32>
    %max3A = arith.constant 0.000000e+00 : f32
    %max3A_10 = vector.broadcast %max3A : f32 to vector<512x1024xf32>
    %max3A_11 = arith.maximumf %add3A_9, %max3A_10 : vector<512x1024xf32>
    %get3A_12 = arith.constant 0 : index
    %get3A_13 = arith.constant 0 : index
    %get3A_14 = vector.load %arg4[%get3A_12, %get3A_13] : memref<1024x128xf32, #tpu.memory_space<vmem>>, vector<1024x128xf32>
    %dot_general3A_15 = arith.constant dense<0.000000e+00> : vector<512x128xf32>
    %dot_general3A_16 = tpu.matmul %max3A_11, %get3A_14, %dot_general3A_15 {dimension_numbers = #tpu.dot_dimension_numbers<[1], [0], [0], [1], [0, 0, 1, 1], [], []>, transpose_lhs_hint = false} : vector<512x1024xf32>, vector<1024x128xf32>, vector<512x128xf32> -> vector<512x128xf32>
    %get3A_17 = arith.constant 0 : index
    %get3A_18 = arith.constant 0 : index
    %get3A_19 = vector.load %arg5[%get3A_17, %get3A_18] : memref<1x128xf32, #tpu.memory_space<vmem>>, vector<1x128xf32>
    %add3A_20 = vector.broadcast %get3A_19 : vector<1x128xf32> to vector<512x128xf32>
    %add3A_21 = arith.addf %dot_general3A_16, %add3A_20 : vector<512x128xf32>
    %get3A_22 = arith.constant 0 : index
    %get3A_23 = arith.constant 0 : index
    %get3A_24 = vector.load %arg1[%get3A_22, %get3A_23] : memref<512x128xf32, #tpu.memory_space<vmem>>, vector<512x128xf32>
    %concatenate3A = tpu.concatenate %add3A_21, %get3A_24 in 1 : vector<512x128xf32>, vector<512x128xf32> -> vector<512x256xf32>
    %get3A_25 = arith.constant 0 : index
    %get3A_26 = arith.constant 0 : index
    %get3A_27 = vector.load %arg6[%get3A_25, %get3A_26] : memref<256x1024xf32, #tpu.memory_space<vmem>>, vector<256x1024xf32>
    %dot_general3A_28 = arith.constant dense<0.000000e+00> : vector<512x1024xf32>
    %dot_general3A_29 = tpu.matmul %concatenate3A, %get3A_27, %dot_general3A_28 {dimension_numbers = #tpu.dot_dimension_numbers<[1], [0], [0], [1], [0, 0, 1, 1], [], []>, transpose_lhs_hint = false} : vector<512x256xf32>, vector<256x1024xf32>, vector<512x1024xf32> -> vector<512x1024xf32>
    %get3A_30 = arith.constant 0 : index
    %get3A_31 = arith.constant 0 : index
    %get3A_32 = vector.load %arg7[%get3A_30, %get3A_31] : memref<1x1024xf32, #tpu.memory_space<vmem>>, vector<1x1024xf32>
    %add3A_33 = vector.broadcast %get3A_32 : vector<1x1024xf32> to vector<512x1024xf32>
    %add3A_34 = arith.addf %dot_general3A_29, %add3A_33 : vector<512x1024xf32>
    %max3A_35 = arith.constant 0.000000e+00 : f32
    %max3A_36 = vector.broadcast %max3A_35 : f32 to vector<512x1024xf32>
    %max3A_37 = arith.maximumf %add3A_34, %max3A_36 : vector<512x1024xf32>
    %get3A_38 = arith.constant 0 : index
    %get3A_39 = arith.constant 0 : index
    %get3A_40 = vector.load %arg8[%get3A_38, %get3A_39] : memref<1024x512xf32, #tpu.memory_space<vmem>>, vector<1024x512xf32>
    %dot_general3A_41 = arith.constant dense<0.000000e+00> : vector<512x512xf32>
    %dot_general3A_42 = tpu.matmul %max3A_37, %get3A_40, %dot_general3A_41 {dimension_numbers = #tpu.dot_dimension_numbers<[1], [0], [0], [1], [0, 0, 1, 1], [], []>, transpose_lhs_hint = false} : vector<512x1024xf32>, vector<1024x512xf32>, vector<512x512xf32> -> vector<512x512xf32>
    %get3A_43 = arith.constant 0 : index
    %get3A_44 = arith.constant 0 : index
    %get3A_45 = vector.load %arg9[%get3A_43, %get3A_44] : memref<1x512xf32, #tpu.memory_space<vmem>>, vector<1x512xf32>
    %add3A_46 = vector.broadcast %get3A_45 : vector<1x512xf32> to vector<512x512xf32>
    %add3A_47 = arith.addf %dot_general3A_42, %add3A_46 : vector<512x512xf32>
    %max3A_48 = arith.constant 0.000000e+00 : f32
    %max3A_49 = vector.broadcast %max3A_48 : f32 to vector<512x512xf32>
    %max3A_50 = arith.maximumf %add3A_47, %max3A_49 : vector<512x512xf32>
    %get3A_51 = arith.constant 0 : index
    %get3A_52 = arith.constant 0 : index
    %get3A_53 = vector.load %arg10[%get3A_51, %get3A_52] : memref<512x128xf32, #tpu.memory_space<vmem>>, vector<512x128xf32>
    %dot_general3A_54 = arith.constant dense<0.000000e+00> : vector<512x128xf32>
    %dot_general3A_55 = tpu.matmul %max3A_50, %get3A_53, %dot_general3A_54 {dimension_numbers = #tpu.dot_dimension_numbers<[1], [0], [0], [1], [0, 0, 1, 1], [], []>, transpose_lhs_hint = false} : vector<512x512xf32>, vector<512x128xf32>, vector<512x128xf32> -> vector<512x128xf32>
    %get3A_56 = arith.constant 0 : index
    %get3A_57 = arith.constant 0 : index
    %get3A_58 = vector.load %arg11[%get3A_56, %get3A_57] : memref<1x128xf32, #tpu.memory_space<vmem>>, vector<1x128xf32>
    %add3A_59 = vector.broadcast %get3A_58 : vector<1x128xf32> to vector<512x128xf32>
    %add3A_60 = arith.addf %dot_general3A_55, %add3A_59 : vector<512x128xf32>
    %swap3A = arith.constant 0 : index
    %swap3A_61 = arith.constant 0 : index
    %swap3A_62 = vector.load %arg12[%swap3A, %swap3A_61] : memref<512x128xf32, #tpu.memory_space<vmem>>, vector<512x128xf32>
    tpu.vector_store %arg12[%swap3A, %swap3A_61], %add3A_60 {strides = array<i32>} : memref<512x128xf32, #tpu.memory_space<vmem>>, vector<512x128xf32>,
    return
  }
}

</mosaic_0001>

<sc_bundles>
// kernel: kernel.13.cloned.1.call-start
scs
__scs_entry_jumppad:
0x0: {  	(pc) =	sbr.rel $0x88, $3  }
0x1: {  	(tag) =	ssettag $0x0;
	lr =	simm.s32 $0x1  }
0x2: {  	[smem:$0x3F8C] =	sst lr;
	_ =	strace $0xD0000000  }
0x3: {  	_ = 	snop  }
0x4: {  	_ = 	snop  }
0x5: {  	_ = 	snop  }
0x6: {  	_ = 	snop  }
0x7: {  	_ = 	snop  }
__scs_overlays_trampoline_lowered:
0x8: {  	[smem:$0x3F9B] =	sst s0  }
0x9: {  	[smem:$0x3F9C] =	sst s1  }
0xa: {  	[smem:$0x3F9D] =	sst s2  }
0xb: {  	[smem:$0x3F9E] =	sst s3  }
0xc: {  	[smem:$0x3F9F] =	sst s4  }
0xd: {  	[smem:$0x3FA0] =	sst s5  }
0xe: {  	[smem:$0x3FA1] =	sst s6  }
0xf: {  	[smem:$0x3FA2] =	sst s7  }
0x10: {  	[smem:$0x3FA3] =	sst s8  }
0x11: {  	[smem:$0x3FA4] =	sst s9;
	s0 =	simm.s32 @!p0 $0x0  }
0x12: {  	s1 =	sld [smem:$0x3F8A];
	s0 =	simm.s32 @p0 $0x1  }
0x13: {  	[smem:$0x3FA5] =	sst s0;
	s0 =	simm.s32 @!p1 $0x0  }
0x14: {  	s2 =	sld [smem:$0x3F89];
	s0 =	simm.s32 @p1 $0x1  }
0x15: {  	[smem:$0x3FA6] =	sst s0;
	s0 =	simm.s32 @!p2 $0x0  }
0x16: {  	s3 =	sld [smem:$0x3FDB];
	s0 =	simm.s32 @p2 $0x1  }
0x17: {  	s4 =	simm.s32 $0x1BF5;
	[smem:$0x3FA8] =	sst s0  }
0x18: {  	s0 =	sld [smem:$0x3F8B];
	_ =	swait.ge [sflag:s4], $0x0  }
0x19: {  	s7 =	sld [smem:$0x3F8C]  }
0x1a: {  	s8 =	sadd.s32 $0xFFFFE003, lr  }
0x1b: {  	s9 =	sadd.s32 $0xFFFFFEF7, lr;
	s5 =	simm.s32 $0xFFFFFFFF;
	p2 =	slt.u32 s8, $0xFFFFF086  }
0x1c: {  	p1 =	slt.u32 s9, $0xF7A;
	s5 =	simm.s32 @!p2 $0x0  }
0x1d: {  	s5 =	simm.s32 @p1 $0x1;
	p0 =	seq.s32 s7, s2  }
0x1e: {  	s7 =	smul.u32 @!p0 $0xF7A, s2;
	p2 =	seq.s32 @!p0 s5, $0x0  }
0x1f: {  	s9 =	smul.u32 $0xF7A, s1;
	s8 =	simm.s32 @!p0 $0x1BF5;
	p2 =	por !p2, p0  }
0x20: {  	[sflag:s8] =	ssyncset.s32 @!p0 $0xFFFFF086;
	s6 =	sadd.s32 @!p0 s3, s7;
	s7 =	simm.s32 @!p0 $0x108  }
0x21: {  	s3 =	sadd.s32 s3, s9;
	s6 =	sadd.s32 @!p0 $0x88, s6;
	s7 =	simm.s32 @p2 $0x1082  }
0x22: {  	[simem:s7], [sflag:s8] =	dma.local @!p0 [hbm:s6], $0xF7A  }
0x23: {  	s9 =	sor.u32 $0xD0000000, s2;
	s6 =	simm.s32 $0x108;
	_ =	swait.ge @!p0 [sflag:s8], $0x0  }
0x24: {  	s3 =	sadd.s32 $0x88, s3;
	s6 =	simm.s32 @!p1 $0x1082;
	[sflag:s4] =	ssyncset.s32 $0xFFFFF086  }
0x25: {  	[simem:s6], [sflag:s4] =	dma.local [hbm:s3], $0xF7A  }
0x26: {  	[smem:$0x3F8C] =	sst s1;
	(tag) =	ssettag s2;
	_ =	strace s9  }
0x27: {  	s1 =	sld [smem:$0x3F9C]  }
0x28: {  	s2 =	sld [smem:$0x3F9D]  }
0x29: {  	s4 =	sld [smem:$0x3F9F]  }
0x2a: {  	p0 =	seq.s32 s5, $0x0;
	s5 =	sld [smem:$0x3FA0]  }
0x2b: {  	s6 =	sld [smem:$0x3FA1]  }
0x2c: {  	s7 =	sld [smem:$0x3FA2]  }
0x2d: {  	s3 =	simm.s32 $0x108;
	s8 =	sld [smem:$0x3FA3]  }
0x2e: {  	s3 =	simm.s32 @!p0 $0x1082;
	s9 =	sld [smem:$0x3FA4]  }
0x2f: {  	lr =	sadd.s32 s0, s3;
	s0 =	sld [smem:$0x3F9B]  }
0x30: {  	s3 =	sld [smem:$0x3F9E]  }
0x31: {  	[smem:$0x3FA7] =	sst s10  }
0x32: {  	s10 =	sld [smem:$0x3FA5];
	_ =	sdelay $0x3  }
0x33: {  	p0 =	seq.s32 s10, $0x1;
	s10 =	sld [smem:$0x3FA7];
	_ =	sdelay $0x3  }
0x34: {  	[smem:$0x3FA7] =	sst s10  }
0x35: {  	s10 =	sld [smem:$0x3FA6];
	_ =	sdelay $0x3  }
0x36: {  	p1 =	seq.s32 s10, $0x1;
	s10 =	sld [smem:$0x3FA7];
	_ =	sdelay $0x3  }
0x37: {  	[smem:$0x3FA7] =	sst s10  }
0x38: {  	s10 =	sld [smem:$0x3FA8]  }
0x39: {  	_ = 	snop;
	(pc) =	sbr.ind lr, $3  }
0x3a: {  	_ = 	snop  }
0x3b: {  	_ = 	snop  }
0x3c: {  	p2 =	seq.s32 s10, $0x1;
	s10 =	sld [smem:$0x3FA7]  }
0x3d: {  	_ =	shalt  }
0x3e: {  	_ =	shalt  }
0x3f: {  	_ =	shalt  }
0x40: {  	_ =	shalt  }
0x41: {  	_ =	shalt  }
0x42: {  	_ =	shalt  }
0x43: {  	_ =	shalt  }
0x44: {  	_ =	shalt  }
0x45: {  	_ =	shalt  }
0x46: {  	_ =	shalt  }
0x47: {  	_ =	shalt  }
0x48: {  	_ =	shalt  }
0x49: {  	_ =	shalt  }
0x4a: {  	_ =	shalt  }
0x4b: {  	_ =	shalt  }
0x4c: {  	_ =	shalt  }
0x4d: {  	_ =	shalt  }
0x4e: {  	_ =	shalt  }
0x4f: {  	_ =	shalt  }
0x50: {  	_ =	shalt  }
0x51: {  	_ =	shalt  }
0x52: {  	_ =	shalt  }
0x53: {  	_ =	shalt  }
0x54: {  	_ =	shalt  }
0x55: {  	_ =	shalt  }
0x56: {  	_ =	shalt  }
0x57: {  	_ =	shalt  }
0x58: {  	_ =	shalt  }
0x59: {  	_ =	shalt  }
0x5a: {  	_ =	shalt  }
0x5b: {  	_ =	shalt  }
0x5c: {  	_ =	shalt  }
0x5d: {  	_ =	shalt  }
0x5e: {  	_ =	shalt  }
0x5f: {  	_ =	shalt  }
0x60: {  	_ =	shalt  }
0x61: {  	_ =	shalt  }
0x62: {  	_ =	shalt  }
0x63: {  	_ =	shalt  }
0x64: {  	_ =	shalt  }
0x65: {  	_ =	shalt  }
0x66: {  	_ =	shalt  }
0x67: {  	_ =	shalt  }
0x68: {  	_ =	shalt  }
0x69: {  	_ =	shalt  }
0x6a: {  	_ =	shalt  }
0x6b: {  	_ =	shalt  }
0x6c: {  	_ =	shalt  }
0x6d: {  	_ =	shalt  }
0x6e: {  	_ =	shalt  }
0x6f: {  	_ =	shalt  }
0x70: {  	_ =	shalt  }
0x71: {  	_ =	shalt  }
0x72: {  	_ =	shalt  }
0x73: {  	_ =	shalt  }
0x74: {  	_ =	shalt  }
0x75: {  	_ =	shalt  }
0x76: {  	_ =	shalt  }
0x77: {  	_ =	shalt  }
0x78: {  	_ =	shalt  }
0x79: {  	_ =	shalt  }
0x7a: {  	_ =	shalt  }
0x7b: {  	_ =	shalt  }
0x7c: {  	_ =	shalt  }
0x7d: {  	_ =	shalt  }
0x7e: {  	_ =	shalt  }
0x7f: {  	_ =	shalt  }
0x80: {  	_ =	shalt  }
0x81: {  	_ =	shalt  }
0x82: {  	_ =	shalt  }
0x83: {  	_ =	shalt  }
0x84: {  	_ =	shalt  }
0x85: {  	_ =	shalt  }
0x86: {  	_ =	shalt  }
0x87: {  	_ =	shalt  }
.Lfunc_end0:
.L_simem_size_0:
called_computation_lowered:
.L_overlay_start_0:
0x88: {  	s2 =	sld [smem:$0x3FD9]  }
0x89: {  	s3 =	sld [smem:$0x3FFE];
	_ =	sdelay $0x1  }
0x8a: {  	s1 =	srdreg.scid  }
0x8b: {  	s0 =	sand.u32 $0x1, s1  }
0x8c: {  	s16 =	sshll.u32 s0, $0xA;
	s2 =	sadd.s32 s3, s2  }
0x8d: {  	s2 =	sadd.s32 s2, s16  }
0x8e: {  	[smem:$0x3FB3] =	sst s2  }
0x8f: {  	_ = 	snop  }
0x90: {  	(tm) =	ssettm $0x1  }
0x91: {  	s17 =	sld [smem:$0x3FFB];
	_ =	sdelay $0x3  }
0x92: {  	_ =	strace s17  }
0x93: {  	s2 =	sld [smem:$0x3FFC];
	_ =	sdelay $0x3  }
0x94: {  	_ =	strace s2  }
0x95: {  	s2 =	sld [smem:$0x3FFD];
	_ =	sdelay $0x3  }
0x96: {  	_ =	strace s2  }
0x97: {  	_ =	strace $0x8FFFFFFF  }
0x98: {  	s18 =	sld [smem:$0x3FDB];
	_ =	sdelay $0x1  }
0x99: {  	s19 =	simm.s32 $_scs_section_size  }
0x9a: {  	s4 =	simm.s32 $_size__tile_overlayer_lowered;
	s5 =	simm.s32 $_tile_overlayer_lowered  }
0x9b: {  	s22 =	simm.s32 $0x1BFF;
	s21 =	sshll.u32 s5, $0x1;
	s2 =	sadd.s32 s19, s18  }
0x9c: {  	s6 =	simm.s32 $0x0;
	s20 =	sshll.u32 s4, $0x1;
	s4 =	sadd.s32 s21, s2  }
0x9d: {  	[timem:s6], [sflag:s22] =	dma.local [hbm:s4], s20  }
0x9e: {  	_ =	swait.ge [sflag:s22], s20  }
0x9f: {  	s3 =	ssub.s32 $0x0, s20;
	[sflag:s22] =	ssyncset.done $0x0  }
0xa0: {  	[sflag:s22] =	ssyncadd.s32 s3;
	_ =	sdelay $0x1  }
0xa1: {  	s23 =	simm.s32 $0x1B8B  }
0xa2: {  	_ =	swait.ge [sflag:s23], $0x1  }
0xa3: {  	[sflag:s23] =	ssyncset.done $0x0  }
0xa4: {  	s25 =	simm.s32 $0x1B8E;
	s24 =	sld [smem:$0x3FFE];
	[sflag:s23] =	ssyncadd.s32 $0xFFFFFFFF  }
0xa5: {  	s26 =	simm.s32 $execute0_lowered;
	[smem:$0x3FD2] =	sst s25  }
0xa6: {  	s4 =	sshll.u32 s26, $0x1;
	_ =	strace $0x80000046;
	[dreg:$0x1] =	wrdreg $0xFFFFFFFF  }
0xa7: {  	s28 =	simm.s32 $_size_execute0_lowered;
	s2 =	sadd.s32 s2, s4;
	[dreg:$0x0] =	wrdreg $0x0  }
0xa8: {  	s4 =	sshll.u32 s28, $0x1;
	[dreg:$0x2] =	wrdreg s2  }
0xa9: {  	[dreg:$0x3] =	wrdreg s4  }
0xaa: {  	[dreg:$0x4] =	wrdreg $0xC0  }
0xab: {  	_ =	task [dreg:s6], $0x5FFFF  }
0xac: {  	[dreg:$0x1] =	wrdreg $0xFFFFFFFF  }
0xad: {  	[dreg:$0x0] =	wrdreg $0x60  }
0xae: {  	[dreg:$0x2] =	wrdreg s24  }
0xaf: {  	[dreg:$0x3] =	wrdreg $0x14100  }
0xb0: {  	[dreg:$0x4] =	wrdreg $0x9  }
0xb1: {  	_ =	task.clear_ibuf [dreg:s6], $0x5FFFF;
	_ =	strace $0x90000046  }
0xb2: {  	s29 =	simm.s32 $0x9;
	_ =	strace $0x80000048  }
0xb3: {  	_ =	swait.ge [sflag:s29], $0x1  }
0xb4: {  	[sflag:s29] =	ssyncadd.s32 $0xFFFFFFFF  }
0xb5: {  	_ =	strace $0x90000048  }
0xb6: {  	_ =	sfence  }
0xb7: {  	s30 =	sld [smem:$0x0];
	_ =	sdelay $0x2  }
0xb8: {  	s31 =	sshll.u32 s1, $0xD;
	s1 =	sshrl.u32 s1, $0x2  }
0xb9: {  	s3 =	sand.u32 $0x4000, s31;
	s1 =	sadd.s32 s1, s30  }
0xba: {  	s0 =	sor.u32 s3, s0;
	s1 =	sshll.u32 s1, $0x11  }
0xbb: {  	s0 =	sor.u32 s1, s0  }
0xbc: {  	s0 =	sadd.s32 $0x8F2B, s0  }
0xbd: {  	[sflag:s0] =	ssyncadd.remote.s32 $0x1  }
0xbe: {  	_ =	sfence.sel $0xFFFF  }
0xbf: {  	[dreg:$0x0] =	wrdreg $0xFFFFFFFF;
	(pc) =	sbr.abs _section_cstart, $3  }
0xc0: {  	[dreg:$0x1] =	wrdreg $0xFFFFFFFF  }
0xc1: {  	_ =	task.clear_ibuf [dreg:s6], $0x2FFFF;
	_ =	strace $0x9FFFFFFF  }
0xc2: {  	(tm) =	ssettm $0x7FFFFFFF  }
0xc3: {  	_ =	shalt  }
tec
execute0_lowered:
.L_overlay_start_1:
0x0: {  	(tag) =	ssettag $0x1  }
0x1: {  	s0 =	srdreg.scid;
	s6 =	rddreg [dreg:$0x0]  }
0x2: {  	s2 =	rddreg [dreg:$0x1];
	s4 =	sand.u32 $0x1, s0  }
0x3: {  	s0 =	stileid.u32;
	s5 =	smul.u32 $0x61A80, s4  }
0x4: {  	s1 =	rddreg [dreg:$0x2];
	s3 =	simm.s32 $0x0;
	s7 =	smul.u32 $0x61A8, s0  }
0x5: {  	s10 =	simm.s32 $0x3E8;
	s13 =	simm.s32 $0x0;
	s8 =	smul.u32 $0xC40, s0  }
0x6: {  	[smem:$0x7FF] =	sst s3;
	s9 =	smul.u32 $0xC400, s4;
	s4 =	ssub.s32 $0x2, s4  }
0x7: {  	_ =	strace $0x80000047;
	s11 =	sshll.u32 s0, $0x6;
	s31 =	sshrl.u32 s4, $0x1  }
0x8: {  	s11 =	sor.u32 $0x1C01, s11;
	s5 =	sadd.s32 s7, s5;
	s28 =	sadd.s32 s8, s9  }
0x9: {  	s9 =	simm.s32 $0x1;
	s5 =	sshrl.u32 s5, $0x3;
	s7 =	sshrl.u32 s28, $0x3  }
0xa: {  	s29 =	sadd.s32 s5, s6;
	s30 =	sadd.s32 s7, s6;
	s6 =	ssub.s32 s4, s31  }
0xb: {  	s4 =	sadd.s32 s8, s2;
	s8 =	simm.s32 $0x7D0;
	s5 =	sadd.s32 $0x1C800, s30  }
0xc: {  	v0 =	vimm.f32 $1.000000000e+00;
	v1 =	vimm.f32 $0.0e+00;
	s6 =	smax.u32 s6, $0x1;
	s7 =	sadd.s32 $0x4000, s29;
	s12 =	sshrl.u32 s4, $0x3  }
.LBB2_1:
0xd: {  	s14 =	simm.s32 $0x0  }
.LBB2_2:
0xe: {  	p0 =	sne.s32 s14, $0xF40  }
.Ltmp0:
0xf: {  	_ = 	snop;
	(pc) =	sbr.rel @p0 .LBB2_2-.Ltmp0, $3  }
0x10: {  	_ =	sdelay $0x1  }
0x11: {  	s15 =	sshra.s32 s14, $0x2  }
0x12: {  	s14 =	sadd.s32 $0x40, s14;
	[tilespmem:s15+$0x0] =	vst v0  }
0x13: {  	s14 =	simm.s32 $0x40;
	s15 =	simm.s32 $0x0  }
.LBB2_4:
0x14: {  	p0 =	sne.s32 s14, $0x30C0;
	[tilespmem:s15+$0x7D0] =	vst v1;
	s15 =	smov.u32 s14;
	s14 =	sadd.s32 $0x40, s14  }
.Ltmp1:
0x15: {  	(pc) =	sbr.rel @p0 .LBB2_4-.Ltmp1, $2  }
0x16: {  	_ =	sdelay $0x2  }
0x17: {  	s15 =	sshra.s32 s15, $0x2  }
0x18: {  	[tilespmem:s15+$0x7D0] =	vst v1  }
0x19: {  	[spmem:s4] =	stream.linear.scatter [tilespmem:s8], [sflag:$0x1], $0xC40, $0x38;
	[tilespmem:$0x2050] =	vst v63  }
0x1a: {  	_ =	swait.ge [sflag:s9], $0xC40  }
0x1b: {  	[sflag:s9] =	ssyncset.done $0x0  }
0x1c: {  	[sflag:s9] =	ssyncadd.s32 $0xFFFFF3C0  }
0x1d: {  	s14 =	sadd.s32 $0x0, s7;
	[bflag:$0x0] =	sbarrier.arrive $0xFFFF  }
0x1e: {  	[tilespmem:s10], [sflag:$0x1] =	stream.linear.gather [hbm4b:s14+s3], $0x3E8, $0x38;
	[tilespmem:$0x2050] =	vst v63  }
0x1f: {  	_ =	swait.ge [sflag:s9], $0x3E8  }
0x20: {  	[sflag:s9] =	ssyncset.done $0x0  }
0x21: {  	[sflag:s9] =	ssyncadd.s32 $0xFFFFFC18  }
0x22: {  	[spmem:s2] =	stream.indirect.scatter.add.f32 [tilespmem:s3], [sflag:$0x1], $0x1, s10, s10, $0xb8;
	[tilespmem:$0x2050] =	vst v63  }
0x23: {  	_ =	swait.ge [sflag:s9], $0x3E8  }
0x24: {  	s15 =	simm.s32 $0xFA;
	s14 =	simm.s32 $0x7D;
	[sflag:s9] =	ssyncset.done $0x0  }
.LBB2_6:
0x25: {  	s16 =	sadd.s32 s14, s7  }
0x26: {  	[sflag:s9] =	ssyncadd.s32 $0xFFFFFC18;
	s14 =	smov.u32 s15;
	s17 =	sadd.s32 $0x7D, s15  }
0x27: {  	[tilespmem:s10], [sflag:$0x1] =	stream.linear.gather [hbm4b:s16+s3], $0x3E8, $0x38;
	[tilespmem:$0x2050] =	vst v63  }
0x28: {  	p0 =	sne.s32 s15, $0xBB8;
	_ =	swait.ge [sflag:s9], $0x3E8  }
.Ltmp2:
0x29: {  	[sflag:s9] =	ssyncset.done $0x0;
	(pc) =	sbr.rel @p0 .LBB2_6-.Ltmp2, $4  }
0x2a: {  	[sflag:s9] =	ssyncadd.s32 $0xFFFFFC18  }
0x2b: {  	[spmem:s2] =	stream.indirect.scatter.add.f32 [tilespmem:s3], [sflag:$0x1], $0x1, s10, s10, $0xb8;
	[tilespmem:$0x2050] =	vst v63  }
0x2c: {  	_ =	swait.ge [sflag:s9], $0x3E8  }
0x2d: {  	s15 =	smov.u32 s17;
	[sflag:s9] =	ssyncset.done $0x0  }
0x2e: {  	s14 =	sadd.s32 s14, s7;
	[sflag:s9] =	ssyncadd.s32 $0xFFFFFC18  }
0x2f: {  	[tilespmem:s10], [sflag:$0x1] =	stream.linear.gather [hbm4b:s14+s3], $0x3E8, $0x38;
	[tilespmem:$0x2050] =	vst v63  }
0x30: {  	_ =	swait.ge [sflag:s9], $0x3E8  }
0x31: {  	[sflag:s9] =	ssyncset.done $0x0  }
0x32: {  	[sflag:s9] =	ssyncadd.s32 $0xFFFFFC18  }
0x33: {  	[spmem:s2] =	stream.indirect.scatter.add.f32 [tilespmem:s3], [sflag:$0x1], $0x1, s10, s10, $0xb8;
	[tilespmem:$0x2050] =	vst v63  }
0x34: {  	_ =	swait.ge [sflag:s9], $0x3E8  }
0x35: {  	s13 =	sadd.s32 $0x1, s13;
	[sflag:s9] =	ssyncset.done $0x0  }
0x36: {  	p0 =	sne.s32 s13, s6;
	[sflag:s9] =	ssyncadd.s32 $0xFFFFFC18  }
.Ltmp3:
0x37: {  	[bflag:$0x0] =	sbarrier.arrive $0xFFFF;
	(pc) =	sbr.rel @p0 .LBB2_1-.Ltmp3, $4  }
0x38: {  	[hbm:s5], [sflag:s11] =	dma.local [spmem:s12], $0x188  }
0x39: {  	_ =	swait.ge [sflag:s9], $0x188  }
0x3a: {  	[sflag:s9] =	ssyncset.done $0x0  }
0x3b: {  	[sflag:s9] =	ssyncadd.s32 $0xFFFFFE78  }
0x3c: {  	_ =	sfence.sel $0x180000  }
0x3d: {  	[bflag:$0x0] =	sbarrier.arrive $0xFFFF  }
0x3e: {  	p0 =	sne.s32 s0, $0x0;
	_ =	strace $0x90000047  }
0x3f: {  	s0 =	sadd.s32 @!p0 $0x100000, s1;
	[bflag:$0x2] =	sbarrier.arrive $0xFFFF  }
0x40: {  	[sflag:s0] =	ssyncadd.tile.s32 @!p0 $0x1;
	_ =	shalt  }
.Lfunc_end2:
_tile_overlayer_lowered:
.L_overlay_start_2:
0x41: {  	(tag) =	ssettag $0x2  }
0x42: {  	s0 =	rddreg [dreg:$0x0];
	s2 =	stileid.u32  }
0x43: {  	s1 =	rddreg [dreg:$0x1];
	p0 =	sne.s32 s2, $0x0  }
0x44: {  	s3 =	rddreg [dreg:$0x2];
	[bflag:$0x3] =	sbarrier.arrive $0xFFFF;
	s2 =	simm.s32 @!p0 $0x1C01  }
0x45: {  	[timem:s3], [sflag:s2] =	dma.local @!p0 [hbm:s0], s1  }
0x46: {  	s0 =	simm.s32 @!p0 $0x1  }
0x47: {  	_ =	swait.ge @!p0 [sflag:s0], s1  }
0x48: {  	s1 =	ssub.s32 @!p0 $0x0, s1;
	[sflag:s0] =	ssyncset.done @!p0 $0x0  }
0x49: {  	[sflag:s0] =	ssyncadd.s32 @!p0 s1  }
0x4a: {  	[bflag:$0x3] =	sbarrier.arrive $0xFFFF  }
0x4b: {  	_ =	shalt  }

// kernel: kernel.16.cloned.1.call-start
scs
__scs_entry_jumppad:
0x0: {  	(pc) =	sbr.rel $0x88, $3  }
0x1: {  	(tag) =	ssettag $0x0;
	lr =	simm.s32 $0x1  }
0x2: {  	[smem:$0x3F8C] =	sst lr;
	_ =	strace $0xD0000000  }
0x3: {  	_ = 	snop  }
0x4: {  	_ = 	snop  }
0x5: {  	_ = 	snop  }
0x6: {  	_ = 	snop  }
0x7: {  	_ = 	snop  }
__scs_overlays_trampoline_lowered:
0x8: {  	[smem:$0x3F9B] =	sst s0  }
0x9: {  	[smem:$0x3F9C] =	sst s1  }
0xa: {  	[smem:$0x3F9D] =	sst s2  }
0xb: {  	[smem:$0x3F9E] =	sst s3  }
0xc: {  	[smem:$0x3F9F] =	sst s4  }
0xd: {  	[smem:$0x3FA0] =	sst s5  }
0xe: {  	[smem:$0x3FA1] =	sst s6  }
0xf: {  	[smem:$0x3FA2] =	sst s7  }
0x10: {  	[smem:$0x3FA3] =	sst s8  }
0x11: {  	[smem:$0x3FA4] =	sst s9;
	s0 =	simm.s32 @!p0 $0x0  }
0x12: {  	s1 =	sld [smem:$0x3F8A];
	s0 =	simm.s32 @p0 $0x1  }
0x13: {  	[smem:$0x3FA5] =	sst s0;
	s0 =	simm.s32 @!p1 $0x0  }
0x14: {  	s2 =	sld [smem:$0x3F89];
	s0 =	simm.s32 @p1 $0x1  }
0x15: {  	[smem:$0x3FA6] =	sst s0;
	s0 =	simm.s32 @!p2 $0x0  }
0x16: {  	s3 =	sld [smem:$0x3FDB];
	s0 =	simm.s32 @p2 $0x1  }
0x17: {  	s4 =	simm.s32 $0x1BF5;
	[smem:$0x3FA8] =	sst s0  }
0x18: {  	s0 =	sld [smem:$0x3F8B];
	_ =	swait.ge [sflag:s4], $0x0  }
0x19: {  	s7 =	sld [smem:$0x3F8C]  }
0x1a: {  	s8 =	sadd.s32 $0xFFFFE003, lr  }
0x1b: {  	s9 =	sadd.s32 $0xFFFFFEF7, lr;
	s5 =	simm.s32 $0xFFFFFFFF;
	p2 =	slt.u32 s8, $0xFFFFF086  }
0x1c: {  	p1 =	slt.u32 s9, $0xF7A;
	s5 =	simm.s32 @!p2 $0x0  }
0x1d: {  	s5 =	simm.s32 @p1 $0x1;
	p0 =	seq.s32 s7, s2  }
0x1e: {  	s7 =	smul.u32 @!p0 $0xF7A, s2;
	p2 =	seq.s32 @!p0 s5, $0x0  }
0x1f: {  	s9 =	smul.u32 $0xF7A, s1;
	s8 =	simm.s32 @!p0 $0x1BF5;
	p2 =	por !p2, p0  }
0x20: {  	[sflag:s8] =	ssyncset.s32 @!p0 $0xFFFFF086;
	s6 =	sadd.s32 @!p0 s3, s7;
	s7 =	simm.s32 @!p0 $0x108  }
0x21: {  	s3 =	sadd.s32 s3, s9;
	s6 =	sadd.s32 @!p0 $0x88, s6;
	s7 =	simm.s32 @p2 $0x1082  }
0x22: {  	[simem:s7], [sflag:s8] =	dma.local @!p0 [hbm:s6], $0xF7A  }
0x23: {  	s9 =	sor.u32 $0xD0000000, s2;
	s6 =	simm.s32 $0x108;
	_ =	swait.ge @!p0 [sflag:s8], $0x0  }
0x24: {  	s3 =	sadd.s32 $0x88, s3;
	s6 =	simm.s32 @!p1 $0x1082;
	[sflag:s4] =	ssyncset.s32 $0xFFFFF086  }
0x25: {  	[simem:s6], [sflag:s4] =	dma.local [hbm:s3], $0xF7A  }
0x26: {  	[smem:$0x3F8C] =	sst s1;
	(tag) =	ssettag s2;
	_ =	strace s9  }
0x27: {  	s1 =	sld [smem:$0x3F9C]  }
0x28: {  	s2 =	sld [smem:$0x3F9D]  }
0x29: {  	s4 =	sld [smem:$0x3F9F]  }
0x2a: {  	p0 =	seq.s32 s5, $0x0;
	s5 =	sld [smem:$0x3FA0]  }
0x2b: {  	s6 =	sld [smem:$0x3FA1]  }
0x2c: {  	s7 =	sld [smem:$0x3FA2]  }
0x2d: {  	s3 =	simm.s32 $0x108;
	s8 =	sld [smem:$0x3FA3]  }
0x2e: {  	s3 =	simm.s32 @!p0 $0x1082;
	s9 =	sld [smem:$0x3FA4]  }
0x2f: {  	lr =	sadd.s32 s0, s3;
	s0 =	sld [smem:$0x3F9B]  }
0x30: {  	s3 =	sld [smem:$0x3F9E]  }
0x31: {  	[smem:$0x3FA7] =	sst s10  }
0x32: {  	s10 =	sld [smem:$0x3FA5];
	_ =	sdelay $0x3  }
0x33: {  	p0 =	seq.s32 s10, $0x1;
	s10 =	sld [smem:$0x3FA7];
	_ =	sdelay $0x3  }
0x34: {  	[smem:$0x3FA7] =	sst s10  }
0x35: {  	s10 =	sld [smem:$0x3FA6];
	_ =	sdelay $0x3  }
0x36: {  	p1 =	seq.s32 s10, $0x1;
	s10 =	sld [smem:$0x3FA7];
	_ =	sdelay $0x3  }
0x37: {  	[smem:$0x3FA7] =	sst s10  }
0x38: {  	s10 =	sld [smem:$0x3FA8]  }
0x39: {  	_ = 	snop;
	(pc) =	sbr.ind lr, $3  }
0x3a: {  	_ = 	snop  }
0x3b: {  	_ = 	snop  }
0x3c: {  	p2 =	seq.s32 s10, $0x1;
	s10 =	sld [smem:$0x3FA7]  }
0x3d: {  	_ =	shalt  }
0x3e: {  	_ =	shalt  }
0x3f: {  	_ =	shalt  }
0x40: {  	_ =	shalt  }
0x41: {  	_ =	shalt  }
0x42: {  	_ =	shalt  }
0x43: {  	_ =	shalt  }
0x44: {  	_ =	shalt  }
0x45: {  	_ =	shalt  }
0x46: {  	_ =	shalt  }
0x47: {  	_ =	shalt  }
0x48: {  	_ =	shalt  }
0x49: {  	_ =	shalt  }
0x4a: {  	_ =	shalt  }
0x4b: {  	_ =	shalt  }
0x4c: {  	_ =	shalt  }
0x4d: {  	_ =	shalt  }
0x4e: {  	_ =	shalt  }
0x4f: {  	_ =	shalt  }
0x50: {  	_ =	shalt  }
0x51: {  	_ =	shalt  }
0x52: {  	_ =	shalt  }
0x53: {  	_ =	shalt  }
0x54: {  	_ =	shalt  }
0x55: {  	_ =	shalt  }
0x56: {  	_ =	shalt  }
0x57: {  	_ =	shalt  }
0x58: {  	_ =	shalt  }
0x59: {  	_ =	shalt  }
0x5a: {  	_ =	shalt  }
0x5b: {  	_ =	shalt  }
0x5c: {  	_ =	shalt  }
0x5d: {  	_ =	shalt  }
0x5e: {  	_ =	shalt  }
0x5f: {  	_ =	shalt  }
0x60: {  	_ =	shalt  }
0x61: {  	_ =	shalt  }
0x62: {  	_ =	shalt  }
0x63: {  	_ =	shalt  }
0x64: {  	_ =	shalt  }
0x65: {  	_ =	shalt  }
0x66: {  	_ =	shalt  }
0x67: {  	_ =	shalt  }
0x68: {  	_ =	shalt  }
0x69: {  	_ =	shalt  }
0x6a: {  	_ =	shalt  }
0x6b: {  	_ =	shalt  }
0x6c: {  	_ =	shalt  }
0x6d: {  	_ =	shalt  }
0x6e: {  	_ =	shalt  }
0x6f: {  	_ =	shalt  }
0x70: {  	_ =	shalt  }
0x71: {  	_ =	shalt  }
0x72: {  	_ =	shalt  }
0x73: {  	_ =	shalt  }
0x74: {  	_ =	shalt  }
0x75: {  	_ =	shalt  }
0x76: {  	_ =	shalt  }
0x77: {  	_ =	shalt  }
0x78: {  	_ =	shalt  }
0x79: {  	_ =	shalt  }
0x7a: {  	_ =	shalt  }
0x7b: {  	_ =	shalt  }
0x7c: {  	_ =	shalt  }
0x7d: {  	_ =	shalt  }
0x7e: {  	_ =	shalt  }
0x7f: {  	_ =	shalt  }
0x80: {  	_ =	shalt  }
0x81: {  	_ =	shalt  }
0x82: {  	_ =	shalt  }
0x83: {  	_ =	shalt  }
0x84: {  	_ =	shalt  }
0x85: {  	_ =	shalt  }
0x86: {  	_ =	shalt  }
0x87: {  	_ =	shalt  }
.Lfunc_end0:
.L_simem_size_0:
called_computation.1_lowered:
.L_overlay_start_0:
0x88: {  	s2 =	sld [smem:$0x3FD9]  }
0x89: {  	s3 =	sld [smem:$0x3FFE];
	_ =	sdelay $0x1  }
0x8a: {  	s1 =	srdreg.scid  }
0x8b: {  	s0 =	sand.u32 $0x1, s1  }
0x8c: {  	s16 =	sshll.u32 s0, $0xA;
	s2 =	sadd.s32 s3, s2  }
0x8d: {  	s2 =	sadd.s32 s2, s16  }
0x8e: {  	[smem:$0x3FB3] =	sst s2  }
0x8f: {  	_ = 	snop  }
0x90: {  	(tm) =	ssettm $0x1  }
0x91: {  	s17 =	sld [smem:$0x3FFB];
	_ =	sdelay $0x3  }
0x92: {  	_ =	strace s17  }
0x93: {  	s2 =	sld [smem:$0x3FFC];
	_ =	sdelay $0x3  }
0x94: {  	_ =	strace s2  }
0x95: {  	s2 =	sld [smem:$0x3FFD];
	_ =	sdelay $0x3  }
0x96: {  	_ =	strace s2  }
0x97: {  	_ =	strace $0x8FFFFFFF  }
0x98: {  	s18 =	sld [smem:$0x3FDB];
	_ =	sdelay $0x1  }
0x99: {  	s19 =	simm.s32 $_scs_section_size  }
0x9a: {  	s4 =	simm.s32 $_size__tile_overlayer_lowered;
	s5 =	simm.s32 $_tile_overlayer_lowered  }
0x9b: {  	s22 =	simm.s32 $0x1BFF;
	s21 =	sshll.u32 s5, $0x1;
	s2 =	sadd.s32 s19, s18  }
0x9c: {  	s6 =	simm.s32 $0x0;
	s20 =	sshll.u32 s4, $0x1;
	s4 =	sadd.s32 s21, s2  }
0x9d: {  	[timem:s6], [sflag:s22] =	dma.local [hbm:s4], s20  }
0x9e: {  	_ =	swait.ge [sflag:s22], s20  }
0x9f: {  	s3 =	ssub.s32 $0x0, s20;
	[sflag:s22] =	ssyncset.done $0x0  }
0xa0: {  	[sflag:s22] =	ssyncadd.s32 s3;
	_ =	sdelay $0x1  }
0xa1: {  	s23 =	simm.s32 $0x1B8B  }
0xa2: {  	_ =	swait.ge [sflag:s23], $0x1  }
0xa3: {  	[sflag:s23] =	ssyncset.done $0x0  }
0xa4: {  	s25 =	simm.s32 $0x1B8E;
	s24 =	sld [smem:$0x3FFE];
	[sflag:s23] =	ssyncadd.s32 $0xFFFFFFFF  }
0xa5: {  	s26 =	simm.s32 $execute0_lowered;
	[smem:$0x3FD2] =	sst s25  }
0xa6: {  	s4 =	sshll.u32 s26, $0x1;
	_ =	strace $0x80000049;
	[dreg:$0x1] =	wrdreg $0xFFFFFFFF  }
0xa7: {  	s28 =	simm.s32 $_size_execute0_lowered;
	s2 =	sadd.s32 s2, s4;
	[dreg:$0x0] =	wrdreg $0x0  }
0xa8: {  	s4 =	sshll.u32 s28, $0x1;
	[dreg:$0x2] =	wrdreg s2  }
0xa9: {  	[dreg:$0x3] =	wrdreg s4  }
0xaa: {  	[dreg:$0x4] =	wrdreg $0xC0  }
0xab: {  	_ =	task [dreg:s6], $0x5FFFF  }
0xac: {  	[dreg:$0x1] =	wrdreg $0xFFFFFFFF  }
0xad: {  	[dreg:$0x0] =	wrdreg $0x60  }
0xae: {  	[dreg:$0x2] =	wrdreg s24  }
0xaf: {  	[dreg:$0x3] =	wrdreg $0x119400  }
0xb0: {  	[dreg:$0x4] =	wrdreg $0x9  }
0xb1: {  	_ =	task.clear_ibuf [dreg:s6], $0x5FFFF;
	_ =	strace $0x90000049  }
0xb2: {  	s29 =	simm.s32 $0x9;
	_ =	strace $0x8000004B  }
0xb3: {  	_ =	swait.ge [sflag:s29], $0x1  }
0xb4: {  	[sflag:s29] =	ssyncadd.s32 $0xFFFFFFFF  }
0xb5: {  	_ =	strace $0x9000004B  }
0xb6: {  	_ =	sfence  }
0xb7: {  	s30 =	sld [smem:$0x0];
	_ =	sdelay $0x2  }
0xb8: {  	s31 =	sshll.u32 s1, $0xD;
	s1 =	sshrl.u32 s1, $0x2  }
0xb9: {  	s3 =	sand.u32 $0x4000, s31;
	s1 =	sadd.s32 s1, s30  }
0xba: {  	s0 =	sor.u32 s3, s0;
	s1 =	sshll.u32 s1, $0x11  }
0xbb: {  	s0 =	sor.u32 s1, s0  }
0xbc: {  	s0 =	sadd.s32 $0x8F2B, s0  }
0xbd: {  	[sflag:s0] =	ssyncadd.remote.s32 $0x1  }
0xbe: {  	_ =	sfence.sel $0xFFFF  }
0xbf: {  	[dreg:$0x0] =	wrdreg $0xFFFFFFFF;
	(pc) =	sbr.abs _section_cstart, $3  }
0xc0: {  	[dreg:$0x1] =	wrdreg $0xFFFFFFFF  }
0xc1: {  	_ =	task.clear_ibuf [dreg:s6], $0x2FFFF;
	_ =	strace $0x9FFFFFFF  }
0xc2: {  	(tm) =	ssettm $0x7FFFFFFF  }
0xc3: {  	_ =	shalt  }
tec
execute0_lowered:
.L_overlay_start_1:
0x0: {  	(tag) =	ssettag $0x1  }
0x1: {  	s0 =	rddreg [dreg:$0x0]  }
0x2: {  	s2 =	rddreg [dreg:$0x1]  }
0x3: {  	s3 =	simm.s32 $0x0;
	s12 =	stileid.u32;
	s5 =	srdreg.scid  }
0x4: {  	s17 =	simm.s32 $0x3;
	s18 =	simm.s32 $0x7D0;
	s19 =	simm.s32 $0xFA0  }
0x5: {  	s20 =	simm.s32 $0x8CA0;
	s21 =	simm.s32 $0x9470;
	s22 =	simm.s32 $0x9C40  }
0x6: {  	s23 =	simm.s32 $0x1;
	s24 =	simm.s32 $0x2;
	s1 =	smul.u32 $0xC400, s12  }
0x7: {  	[smem:$0x7FF] =	sst s3;
	s4 =	sadd.s32 $0x5A00, s0;
	s9 =	smul.u32 $0xD2F0, s12  }
0x8: {  	s5 =	sand.u32 $0x1, s5;
	s13 =	sadd.s32 $0xFE000, s0;
	s15 =	smul.u32 $0x1A5E, s12  }
0x9: {  	s14 =	sadd.s32 $0xE3A00, s0;
	s10 =	sshll.u32 s12, $0x6;
	s12 =	smul.u32 $0x3D400, s12  }
0xa: {  	_ =	strace $0x8000004A;
	s7 =	ssub.s32 $0x2, s5;
	s31 =	ssub.s32 $0x6, s5  }
0xb: {  	s6 =	sshrl.u32 s1, $0x3;
	s30 =	sshrl.u32 s7, $0x1;
	s1 =	sadd.s32 s1, s2  }
0xc: {  	s11 =	sshrl.u32 s9, $0x3;
	s9 =	sor.u32 $0x1C03, s10;
	s8 =	sadd.s32 s6, s0  }
0xd: {  	s6 =	sadd.s32 $0x1DC600, s0;
	s0 =	ssub.s32 s7, s30;
	s7 =	sshrl.u32 s31, $0x1  }
0xe: {  	s10 =	sadd.s32 s13, s11;
	s11 =	sadd.s32 s14, s11;
	s14 =	sadd.s32 s15, s14  }
0xf: {  	s15 =	sadd.s32 s15, s13;
	s16 =	sshrl.u32 s1, $0x3;
	s0 =	smax.u32 s0, $0x1  }
0x10: {  	s1 =	simm.s32 $0x0;
	s8 =	sadd.s32 $0x80200, s8;
	[dreg:$0x3] =	wrdreg s0  }
.LBB2_1:
0x11: {  	[dreg:$0x4] =	wrdreg s1;
	s28 =	simm.s32 $0x0  }
.LBB2_2:
0x12: {  	[spmem:s16], [sflag:s9] =	dma.local [hbm:s8], $0x1880  }
0x13: {  	_ =	swait.ge [sflag:s17], $0x1880  }
0x14: {  	[sflag:s17] =	ssyncset.done $0x0  }
0x15: {  	[sflag:s17] =	ssyncadd.s32 $0xFFFFE780  }
0x16: {  	[bflag:$0x0] =	sbarrier.arrive $0xFFFF  }
0x17: {  	[tilespmem:s3], [sflag:$0x3] =	stream.linear.gather [hbm4b:s10+s3], $0x7D0, $0x38;
	[tilespmem:$0x1DD40] =	vst v63  }
0x18: {  	_ =	swait.ge [sflag:s17], $0x7D0  }
0x19: {  	s0 =	sshll.u32 s28, $0x1;
	[sflag:s17] =	ssyncset.done $0x0  }
0x1a: {  	s29 =	sor.u32 s5, s0;
	[sflag:s17] =	ssyncadd.s32 $0xFFFFF830  }
0x1b: {  	[tilespmem:s18], [sflag:$0x3] =	stream.linear.gather [hbm4b:s11+s3], $0x7D0, $0x38;
	[tilespmem:$0x1DD40] =	vst v63  }
0x1c: {  	s0 =	smul.u32 $0x18800, s29;
	_ =	swait.ge [sflag:s17], $0x7D0  }
0x1d: {  	[sflag:s17] =	ssyncset.done $0x0  }
0x1e: {  	s26 =	sadd.s32 $0xFFFFE69C, s15;
	s30 =	sadd.s32 s4, s0;
	[sflag:s17] =	ssyncadd.s32 $0xFFFFF830  }
0x1f: {  	[tilespmem:s19], [sflag:$0x1] =	stream.indirect.gather [hbm4b:s30+s18], $0x10, s3, s18, $0xb8;
	[tilespmem:$0x1DD40] =	vst v63  }
0x20: {  	s1 =	sadd.s32 $0x1A5E, s26  }
0x21: {  	[tilespmem:s20], [sflag:$0x3] =	stream.linear.gather [hbm4b:s1+s3], $0x7D0, $0x38;
	[tilespmem:$0x1DD40] =	vst v63  }
0x22: {  	_ =	swait.ge [sflag:s17], $0x7D0  }
0x23: {  	s25 =	sadd.s32 $0xFFFFE69C, s14;
	[sflag:s17] =	ssyncset.done $0x0  }
0x24: {  	s13 =	sadd.s32 $0x1A5E, s25;
	[sflag:s17] =	ssyncadd.s32 $0xFFFFF830  }
0x25: {  	[tilespmem:s21], [sflag:$0x3] =	stream.linear.gather [hbm4b:s13+s3], $0x7D0, $0x38;
	[tilespmem:$0x1DD40] =	vst v63  }
0x26: {  	_ =	swait.ge [sflag:s17], $0x7D0  }
0x27: {  	[sflag:s17] =	ssyncset.done $0x0  }
0x28: {  	[sflag:s17] =	ssyncadd.s32 $0xFFFFF830  }
0x29: {  	[tilespmem:s22], [sflag:$0x2] =	stream.indirect.gather [hbm4b:s30+s18], $0x10, s20, s18, $0xb8;
	[tilespmem:$0x1DD40] =	vst v63  }
0x2a: {  	_ =	swait.ge [sflag:s23], $0x7D00  }
0x2b: {  	[sflag:s23] =	ssyncset.done $0x0  }
0x2c: {  	[sflag:s23] =	ssyncadd.s32 $0xFFFF8300  }
0x2d: {  	[spmem:s2] =	stream.indirect.scatter.add.f32 [tilespmem:s19], [sflag:$0x3], $0x10, s18, s18, $0xb8;
	[tilespmem:$0x1DD40] =	vst v63  }
0x2e: {  	_ =	swait.ge [sflag:s17], $0x7D00  }
0x2f: {  	[sflag:s17] =	ssyncset.done $0x0  }
0x30: {  	s0 =	sadd.s32 $0x1B58, s26;
	[sflag:s17] =	ssyncadd.s32 $0xFFFF8300  }
0x31: {  	[tilespmem:s3], [sflag:$0x3] =	stream.linear.gather [hbm4b:s0+s3], $0x7D0, $0x38;
	[tilespmem:$0x1DD40] =	vst v63  }
0x32: {  	_ =	swait.ge [sflag:s17], $0x7D0  }
0x33: {  	[sflag:s17] =	ssyncset.done $0x0  }
0x34: {  	s26 =	sadd.s32 $0x1B58, s25;
	[sflag:s17] =	ssyncadd.s32 $0xFFFFF830  }
0x35: {  	[tilespmem:s18], [sflag:$0x3] =	stream.linear.gather [hbm4b:s26+s3], $0x7D0, $0x38;
	[tilespmem:$0x1DD40] =	vst v63  }
0x36: {  	_ =	swait.ge [sflag:s17], $0x7D0  }
0x37: {  	[sflag:s17] =	ssyncset.done $0x0  }
0x38: {  	[sflag:s17] =	ssyncadd.s32 $0xFFFFF830  }
0x39: {  	[tilespmem:s19], [sflag:$0x1] =	stream.indirect.gather [hbm4b:s30+s18], $0x10, s3, s18, $0xb8;
	[tilespmem:$0x1DD40] =	vst v63  }
0x3a: {  	_ =	swait.ge [sflag:s24], $0x7D00  }
0x3b: {  	[sflag:s24] =	ssyncset.done $0x0  }
0x3c: {  	[sflag:s24] =	ssyncadd.s32 $0xFFFF8300  }
0x3d: {  	[spmem:s2] =	stream.indirect.scatter.add.f32 [tilespmem:s22], [sflag:$0x3], $0x10, s21, s18, $0xb8;
	[tilespmem:$0x1DD40] =	vst v63  }
0x3e: {  	s31 =	simm.s32 $0xFFFFE890;
	_ =	swait.ge [sflag:s17], $0x7D00  }
0x3f: {  	s1 =	sadd.s32 $0xFFFFE890, s15;
	s0 =	simm.s32 $0xFFFFEA84;
	[sflag:s17] =	ssyncset.done $0x0  }
.LBB2_3:
0x40: {  	s26 =	sadd.s32 $0x1A5E, s1  }
0x41: {  	[sflag:s17] =	ssyncadd.s32 $0xFFFF8300;
	s25 =	smov.u32 s0;
	s13 =	sadd.s32 $0x1F4, s0  }
0x42: {  	[tilespmem:s20], [sflag:$0x3] =	stream.linear.gather [hbm4b:s26+s3], $0x7D0, $0x38;
	[tilespmem:$0x1DD40] =	vst v63  }
0x43: {  	p0 =	sne.s32 s0, $0xFFFFFE0C;
	_ =	swait.ge [sflag:s17], $0x7D0  }
0x44: {  	s0 =	sadd.s32 s31, s14;
	s31 =	smov.u32 s25;
	[sflag:s17] =	ssyncset.done $0x0  }
0x45: {  	s25 =	sadd.s32 $0x1A5E, s0;
	[sflag:s17] =	ssyncadd.s32 $0xFFFFF830  }
0x46: {  	[tilespmem:s21], [sflag:$0x3] =	stream.linear.gather [hbm4b:s25+s3], $0x7D0, $0x38;
	[tilespmem:$0x1DD40] =	vst v63  }
0x47: {  	_ =	swait.ge [sflag:s17], $0x7D0  }
0x48: {  	[sflag:s17] =	ssyncset.done $0x0  }
0x49: {  	[sflag:s17] =	ssyncadd.s32 $0xFFFFF830  }
0x4a: {  	[tilespmem:s22], [sflag:$0x2] =	stream.indirect.gather [hbm4b:s30+s18], $0x10, s20, s18, $0xb8;
	[tilespmem:$0x1DD40] =	vst v63  }
0x4b: {  	_ =	swait.ge [sflag:s23], $0x7D00  }
0x4c: {  	[sflag:s23] =	ssyncset.done $0x0  }
0x4d: {  	[sflag:s23] =	ssyncadd.s32 $0xFFFF8300  }
0x4e: {  	[spmem:s2] =	stream.indirect.scatter.add.f32 [tilespmem:s19], [sflag:$0x3], $0x10, s18, s18, $0xb8;
	[tilespmem:$0x1DD40] =	vst v63  }
0x4f: {  	_ =	swait.ge [sflag:s17], $0x7D00  }
0x50: {  	[sflag:s17] =	ssyncset.done $0x0  }
0x51: {  	s1 =	sadd.s32 $0x1B58, s1;
	[sflag:s17] =	ssyncadd.s32 $0xFFFF8300  }
0x52: {  	[tilespmem:s3], [sflag:$0x3] =	stream.linear.gather [hbm4b:s1+s3], $0x7D0, $0x38;
	[tilespmem:$0x1DD40] =	vst v63  }
0x53: {  	_ =	swait.ge [sflag:s17], $0x7D0  }
0x54: {  	[sflag:s17] =	ssyncset.done $0x0  }
0x55: {  	s0 =	sadd.s32 $0x1B58, s0;
	[sflag:s17] =	ssyncadd.s32 $0xFFFFF830  }
0x56: {  	[tilespmem:s18], [sflag:$0x3] =	stream.linear.gather [hbm4b:s0+s3], $0x7D0, $0x38;
	[tilespmem:$0x1DD40] =	vst v63  }
0x57: {  	_ =	swait.ge [sflag:s17], $0x7D0  }
0x58: {  	[sflag:s17] =	ssyncset.done $0x0  }
0x59: {  	[sflag:s17] =	ssyncadd.s32 $0xFFFFF830  }
0x5a: {  	[tilespmem:s19], [sflag:$0x1] =	stream.indirect.gather [hbm4b:s30+s18], $0x10, s3, s18, $0xb8;
	[tilespmem:$0x1DD40] =	vst v63  }
0x5b: {  	_ =	swait.ge [sflag:s24], $0x7D00  }
.Ltmp0:
0x5c: {  	[sflag:s24] =	ssyncset.done $0x0;
	(pc) =	sbr.rel @p0 .LBB2_3-.Ltmp0, $4  }
0x5d: {  	[sflag:s24] =	ssyncadd.s32 $0xFFFF8300  }
0x5e: {  	[spmem:s2] =	stream.indirect.scatter.add.f32 [tilespmem:s22], [sflag:$0x3], $0x10, s21, s18, $0xb8;
	[tilespmem:$0x1DD40] =	vst v63  }
0x5f: {  	_ =	swait.ge [sflag:s17], $0x7D00  }
0x60: {  	s1 =	sadd.s32 s31, s15;
	s0 =	smov.u32 s13;
	[sflag:s17] =	ssyncset.done $0x0  }
0x61: {  	s0 =	sadd.s32 $0x1A5E, s1;
	[sflag:s17] =	ssyncadd.s32 $0xFFFF8300  }
0x62: {  	[tilespmem:s20], [sflag:$0x3] =	stream.linear.gather [hbm4b:s0+s3], $0x7D0, $0x38;
	[tilespmem:$0x1DD40] =	vst v63  }
0x63: {  	_ =	swait.ge [sflag:s17], $0x7D0  }
0x64: {  	s25 =	sadd.s32 s31, s14;
	[sflag:s17] =	ssyncset.done $0x0  }
0x65: {  	s13 =	sadd.s32 $0x1A5E, s25;
	[sflag:s17] =	ssyncadd.s32 $0xFFFFF830  }
0x66: {  	[tilespmem:s21], [sflag:$0x3] =	stream.linear.gather [hbm4b:s13+s3], $0x7D0, $0x38;
	[tilespmem:$0x1DD40] =	vst v63  }
0x67: {  	_ =	swait.ge [sflag:s17], $0x7D0  }
0x68: {  	[sflag:s17] =	ssyncset.done $0x0  }
0x69: {  	[sflag:s17] =	ssyncadd.s32 $0xFFFFF830  }
0x6a: {  	[tilespmem:s22], [sflag:$0x2] =	stream.indirect.gather [hbm4b:s30+s18], $0x10, s20, s18, $0xb8;
	[tilespmem:$0x1DD40] =	vst v63  }
0x6b: {  	_ =	swait.ge [sflag:s23], $0x7D00  }
0x6c: {  	[sflag:s23] =	ssyncset.done $0x0  }
0x6d: {  	[sflag:s23] =	ssyncadd.s32 $0xFFFF8300  }
0x6e: {  	[spmem:s2] =	stream.indirect.scatter.add.f32 [tilespmem:s19], [sflag:$0x3], $0x10, s18, s18, $0xb8;
	[tilespmem:$0x1DD40] =	vst v63  }
0x6f: {  	_ =	swait.ge [sflag:s17], $0x7D00  }
0x70: {  	[sflag:s17] =	ssyncset.done $0x0  }
0x71: {  	s26 =	sadd.s32 $0x1B58, s1;
	[sflag:s17] =	ssyncadd.s32 $0xFFFF8300  }
0x72: {  	[tilespmem:s3], [sflag:$0x3] =	stream.linear.gather [hbm4b:s26+s3], $0x7D0, $0x38;
	[tilespmem:$0x1DD40] =	vst v63  }
0x73: {  	_ =	swait.ge [sflag:s17], $0x7D0  }
0x74: {  	[sflag:s17] =	ssyncset.done $0x0  }
0x75: {  	s0 =	sadd.s32 $0x1B58, s25;
	[sflag:s17] =	ssyncadd.s32 $0xFFFFF830  }
0x76: {  	[tilespmem:s18], [sflag:$0x3] =	stream.linear.gather [hbm4b:s0+s3], $0x7D0, $0x38;
	[tilespmem:$0x1DD40] =	vst v63  }
0x77: {  	_ =	swait.ge [sflag:s17], $0x7D0  }
0x78: {  	[sflag:s17] =	ssyncset.done $0x0  }
0x79: {  	[sflag:s17] =	ssyncadd.s32 $0xFFFFF830  }
0x7a: {  	[tilespmem:s19], [sflag:$0x1] =	stream.indirect.gather [hbm4b:s30+s18], $0x10, s3, s18, $0xb8;
	[tilespmem:$0x1DD40] =	vst v63  }
0x7b: {  	_ =	swait.ge [sflag:s24], $0x7D00  }
0x7c: {  	[sflag:s24] =	ssyncset.done $0x0  }
0x7d: {  	[sflag:s24] =	ssyncadd.s32 $0xFFFF8300  }
0x7e: {  	[spmem:s2] =	stream.indirect.scatter.add.f32 [tilespmem:s22], [sflag:$0x3], $0x10, s21, s18, $0xb8;
	[tilespmem:$0x1DD40] =	vst v63  }
0x7f: {  	_ =	swait.ge [sflag:s17], $0x7D00  }
0x80: {  	[sflag:s17] =	ssyncset.done $0x0  }
0x81: {  	[sflag:s17] =	ssyncadd.s32 $0xFFFF8300  }
0x82: {  	_ =	swait.ge [sflag:s23], $0x7D00  }
0x83: {  	[sflag:s23] =	ssyncset.done $0x0  }
0x84: {  	[sflag:s23] =	ssyncadd.s32 $0xFFFF8300  }
0x85: {  	[spmem:s2] =	stream.indirect.scatter.add.f32 [tilespmem:s19], [sflag:$0x3], $0x10, s18, s18, $0xb8;
	[tilespmem:$0x1DD40] =	vst v63  }
0x86: {  	s31 =	simm.s32 $0xA;
	s30 =	sshll.u32 s29, $0x4;
	_ =	swait.ge [sflag:s17], $0x7D00  }
0x87: {  	s28 =	sadd.s32 $0x1, s28;
	s0 =	sadd.s32 s12, s30;
	[sflag:s17] =	ssyncset.done $0x0  }
0x88: {  	p0 =	sne.s32 s28, s7;
	s0 =	sshrl.u32 s0, $0x3;
	[sflag:s17] =	ssyncadd.s32 $0xFFFF8300  }
.Ltmp1:
0x89: {  	s0 =	sadd.s32 s6, s0;
	[bflag:$0x0] =	sbarrier.arrive $0xFFFF;
	(pc) =	sbr.rel @p0 .LBB2_2-.Ltmp1, $4  }
0x8a: {  	[hbm:s0@s31], [sflag:s9] =	dma.strided [spmem:s16@s24], $0x1880, s23, $0x2   }
0x8b: {  	_ =	swait.ge [sflag:s17], $0x1880  }
0x8c: {  	[sflag:s17] =	ssyncset.done $0x0  }
0x8d: {  	[sflag:s17] =	ssyncadd.s32 $0xFFFFE780  }
0x8e: {  	s1 =	rddreg [dreg:$0x4]  }
0x8f: {  	s0 =	rddreg [dreg:$0x3];
	s1 =	sadd.s32 $0x1, s1  }
0x90: {  	p0 =	sne.s32 s1, s0  }
.Ltmp2:
0x91: {  	_ = 	snop;
	(pc) =	sbr.rel @p0 .LBB2_1-.Ltmp2, $1  }
0x92: {  	_ =	sdelay $0x3  }
0x93: {  	_ =	sfence.sel $0x180000  }
0x94: {  	[bflag:$0x0] =	sbarrier.arrive $0xFFFF  }
0x95: {  	_ =	strace $0x9000004A  }
0x96: {  	s0 =	stileid.u32;
	[bflag:$0x2] =	sbarrier.arrive $0xFFFF  }
0x97: {  	p0 =	sne.s32 s0, $0x0;
	s0 =	rddreg [dreg:$0x2]  }
0x98: {  	s0 =	sadd.s32 @!p0 $0x100000, s0  }
0x99: {  	[sflag:s0] =	ssyncadd.tile.s32 @!p0 $0x1;
	_ =	shalt  }
.Lfunc_end2:
_tile_overlayer_lowered:
.L_overlay_start_2:
0x9a: {  	(tag) =	ssettag $0x2  }
0x9b: {  	s0 =	rddreg [dreg:$0x0];
	s2 =	stileid.u32  }
0x9c: {  	s1 =	rddreg [dreg:$0x1];
	p0 =	sne.s32 s2, $0x0  }
0x9d: {  	s3 =	rddreg [dreg:$0x2];
	[bflag:$0x3] =	sbarrier.arrive $0xFFFF;
	s2 =	simm.s32 @!p0 $0x1C03  }
0x9e: {  	[timem:s3], [sflag:s2] =	dma.local @!p0 [hbm:s0], s1  }
0x9f: {  	s0 =	simm.s32 @!p0 $0x3  }
0xa0: {  	_ =	swait.ge @!p0 [sflag:s0], s1  }
0xa1: {  	s1 =	ssub.s32 @!p0 $0x0, s1;
	[sflag:s0] =	ssyncset.done @!p0 $0x0  }
0xa2: {  	[sflag:s0] =	ssyncadd.s32 @!p0 s1  }
0xa3: {  	[bflag:$0x3] =	sbarrier.arrive $0xFFFF  }
0xa4: {  	_ =	shalt  }

// kernel: kernel.19.cloned.1.call-start
scs
__scs_entry_jumppad:
0x0: {  	(pc) =	sbr.rel $0x88, $3  }
0x1: {  	(tag) =	ssettag $0x0;
	lr =	simm.s32 $0x1  }
0x2: {  	[smem:$0x3F8C] =	sst lr;
	_ =	strace $0xD0000000  }
0x3: {  	_ = 	snop  }
0x4: {  	_ = 	snop  }
0x5: {  	_ = 	snop  }
0x6: {  	_ = 	snop  }
0x7: {  	_ = 	snop  }
__scs_overlays_trampoline_lowered:
0x8: {  	[smem:$0x3F9B] =	sst s0  }
0x9: {  	[smem:$0x3F9C] =	sst s1  }
0xa: {  	[smem:$0x3F9D] =	sst s2  }
0xb: {  	[smem:$0x3F9E] =	sst s3  }
0xc: {  	[smem:$0x3F9F] =	sst s4  }
0xd: {  	[smem:$0x3FA0] =	sst s5  }
0xe: {  	[smem:$0x3FA1] =	sst s6  }
0xf: {  	[smem:$0x3FA2] =	sst s7  }
0x10: {  	[smem:$0x3FA3] =	sst s8  }
0x11: {  	[smem:$0x3FA4] =	sst s9;
	s0 =	simm.s32 @!p0 $0x0  }
0x12: {  	s1 =	sld [smem:$0x3F8A];
	s0 =	simm.s32 @p0 $0x1  }
0x13: {  	[smem:$0x3FA5] =	sst s0;
	s0 =	simm.s32 @!p1 $0x0  }
0x14: {  	s2 =	sld [smem:$0x3F89];
	s0 =	simm.s32 @p1 $0x1  }
0x15: {  	[smem:$0x3FA6] =	sst s0;
	s0 =	simm.s32 @!p2 $0x0  }
0x16: {  	s3 =	sld [smem:$0x3FDB];
	s0 =	simm.s32 @p2 $0x1  }
0x17: {  	s4 =	simm.s32 $0x1BF5;
	[smem:$0x3FA8] =	sst s0  }
0x18: {  	s0 =	sld [smem:$0x3F8B];
	_ =	swait.ge [sflag:s4], $0x0  }
0x19: {  	s7 =	sld [smem:$0x3F8C]  }
0x1a: {  	s8 =	sadd.s32 $0xFFFFE003, lr  }
0x1b: {  	s9 =	sadd.s32 $0xFFFFFEF7, lr;
	s5 =	simm.s32 $0xFFFFFFFF;
	p2 =	slt.u32 s8, $0xFFFFF086  }
0x1c: {  	p1 =	slt.u32 s9, $0xF7A;
	s5 =	simm.s32 @!p2 $0x0  }
0x1d: {  	s5 =	simm.s32 @p1 $0x1;
	p0 =	seq.s32 s7, s2  }
0x1e: {  	s7 =	smul.u32 @!p0 $0xF7A, s2;
	p2 =	seq.s32 @!p0 s5, $0x0  }
0x1f: {  	s9 =	smul.u32 $0xF7A, s1;
	s8 =	simm.s32 @!p0 $0x1BF5;
	p2 =	por !p2, p0  }
0x20: {  	[sflag:s8] =	ssyncset.s32 @!p0 $0xFFFFF086;
	s6 =	sadd.s32 @!p0 s3, s7;
	s7 =	simm.s32 @!p0 $0x108  }
0x21: {  	s3 =	sadd.s32 s3, s9;
	s6 =	sadd.s32 @!p0 $0x88, s6;
	s7 =	simm.s32 @p2 $0x1082  }
0x22: {  	[simem:s7], [sflag:s8] =	dma.local @!p0 [hbm:s6], $0xF7A  }
0x23: {  	s9 =	sor.u32 $0xD0000000, s2;
	s6 =	simm.s32 $0x108;
	_ =	swait.ge @!p0 [sflag:s8], $0x0  }
0x24: {  	s3 =	sadd.s32 $0x88, s3;
	s6 =	simm.s32 @!p1 $0x1082;
	[sflag:s4] =	ssyncset.s32 $0xFFFFF086  }
0x25: {  	[simem:s6], [sflag:s4] =	dma.local [hbm:s3], $0xF7A  }
0x26: {  	[smem:$0x3F8C] =	sst s1;
	(tag) =	ssettag s2;
	_ =	strace s9  }
0x27: {  	s1 =	sld [smem:$0x3F9C]  }
0x28: {  	s2 =	sld [smem:$0x3F9D]  }
0x29: {  	s4 =	sld [smem:$0x3F9F]  }
0x2a: {  	p0 =	seq.s32 s5, $0x0;
	s5 =	sld [smem:$0x3FA0]  }
0x2b: {  	s6 =	sld [smem:$0x3FA1]  }
0x2c: {  	s7 =	sld [smem:$0x3FA2]  }
0x2d: {  	s3 =	simm.s32 $0x108;
	s8 =	sld [smem:$0x3FA3]  }
0x2e: {  	s3 =	simm.s32 @!p0 $0x1082;
	s9 =	sld [smem:$0x3FA4]  }
0x2f: {  	lr =	sadd.s32 s0, s3;
	s0 =	sld [smem:$0x3F9B]  }
0x30: {  	s3 =	sld [smem:$0x3F9E]  }
0x31: {  	[smem:$0x3FA7] =	sst s10  }
0x32: {  	s10 =	sld [smem:$0x3FA5];
	_ =	sdelay $0x3  }
0x33: {  	p0 =	seq.s32 s10, $0x1;
	s10 =	sld [smem:$0x3FA7];
	_ =	sdelay $0x3  }
0x34: {  	[smem:$0x3FA7] =	sst s10  }
0x35: {  	s10 =	sld [smem:$0x3FA6];
	_ =	sdelay $0x3  }
0x36: {  	p1 =	seq.s32 s10, $0x1;
	s10 =	sld [smem:$0x3FA7];
	_ =	sdelay $0x3  }
0x37: {  	[smem:$0x3FA7] =	sst s10  }
0x38: {  	s10 =	sld [smem:$0x3FA8]  }
0x39: {  	_ = 	snop;
	(pc) =	sbr.ind lr, $3  }
0x3a: {  	_ = 	snop  }
0x3b: {  	_ = 	snop  }
0x3c: {  	p2 =	seq.s32 s10, $0x1;
	s10 =	sld [smem:$0x3FA7]  }
0x3d: {  	_ =	shalt  }
0x3e: {  	_ =	shalt  }
0x3f: {  	_ =	shalt  }
0x40: {  	_ =	shalt  }
0x41: {  	_ =	shalt  }
0x42: {  	_ =	shalt  }
0x43: {  	_ =	shalt  }
0x44: {  	_ =	shalt  }
0x45: {  	_ =	shalt  }
0x46: {  	_ =	shalt  }
0x47: {  	_ =	shalt  }
0x48: {  	_ =	shalt  }
0x49: {  	_ =	shalt  }
0x4a: {  	_ =	shalt  }
0x4b: {  	_ =	shalt  }
0x4c: {  	_ =	shalt  }
0x4d: {  	_ =	shalt  }
0x4e: {  	_ =	shalt  }
0x4f: {  	_ =	shalt  }
0x50: {  	_ =	shalt  }
0x51: {  	_ =	shalt  }
0x52: {  	_ =	shalt  }
0x53: {  	_ =	shalt  }
0x54: {  	_ =	shalt  }
0x55: {  	_ =	shalt  }
0x56: {  	_ =	shalt  }
0x57: {  	_ =	shalt  }
0x58: {  	_ =	shalt  }
0x59: {  	_ =	shalt  }
0x5a: {  	_ =	shalt  }
0x5b: {  	_ =	shalt  }
0x5c: {  	_ =	shalt  }
0x5d: {  	_ =	shalt  }
0x5e: {  	_ =	shalt  }
0x5f: {  	_ =	shalt  }
0x60: {  	_ =	shalt  }
0x61: {  	_ =	shalt  }
0x62: {  	_ =	shalt  }
0x63: {  	_ =	shalt  }
0x64: {  	_ =	shalt  }
0x65: {  	_ =	shalt  }
0x66: {  	_ =	shalt  }
0x67: {  	_ =	shalt  }
0x68: {  	_ =	shalt  }
0x69: {  	_ =	shalt  }
0x6a: {  	_ =	shalt  }
0x6b: {  	_ =	shalt  }
0x6c: {  	_ =	shalt  }
0x6d: {  	_ =	shalt  }
0x6e: {  	_ =	shalt  }
0x6f: {  	_ =	shalt  }
0x70: {  	_ =	shalt  }
0x71: {  	_ =	shalt  }
0x72: {  	_ =	shalt  }
0x73: {  	_ =	shalt  }
0x74: {  	_ =	shalt  }
0x75: {  	_ =	shalt  }
0x76: {  	_ =	shalt  }
0x77: {  	_ =	shalt  }
0x78: {  	_ =	shalt  }
0x79: {  	_ =	shalt  }
0x7a: {  	_ =	shalt  }
0x7b: {  	_ =	shalt  }
0x7c: {  	_ =	shalt  }
0x7d: {  	_ =	shalt  }
0x7e: {  	_ =	shalt  }
0x7f: {  	_ =	shalt  }
0x80: {  	_ =	shalt  }
0x81: {  	_ =	shalt  }
0x82: {  	_ =	shalt  }
0x83: {  	_ =	shalt  }
0x84: {  	_ =	shalt  }
0x85: {  	_ =	shalt  }
0x86: {  	_ =	shalt  }
0x87: {  	_ =	shalt  }
.Lfunc_end0:
.L_simem_size_0:
called_computation.2_lowered:
.L_overlay_start_0:
0x88: {  	s2 =	sld [smem:$0x3FD9]  }
0x89: {  	s3 =	sld [smem:$0x3FFE];
	_ =	sdelay $0x1  }
0x8a: {  	s1 =	srdreg.scid  }
0x8b: {  	s0 =	sand.u32 $0x1, s1  }
0x8c: {  	s16 =	sshll.u32 s0, $0xA;
	s2 =	sadd.s32 s3, s2  }
0x8d: {  	s2 =	sadd.s32 s2, s16  }
0x8e: {  	[smem:$0x3FB3] =	sst s2  }
0x8f: {  	_ = 	snop  }
0x90: {  	(tm) =	ssettm $0x1  }
0x91: {  	s17 =	sld [smem:$0x3FFB];
	_ =	sdelay $0x3  }
0x92: {  	_ =	strace s17  }
0x93: {  	s2 =	sld [smem:$0x3FFC];
	_ =	sdelay $0x3  }
0x94: {  	_ =	strace s2  }
0x95: {  	s2 =	sld [smem:$0x3FFD];
	_ =	sdelay $0x3  }
0x96: {  	_ =	strace s2  }
0x97: {  	_ =	strace $0x8FFFFFFF  }
0x98: {  	s18 =	sld [smem:$0x3FDB];
	_ =	sdelay $0x1  }
0x99: {  	s19 =	simm.s32 $_scs_section_size  }
0x9a: {  	s4 =	simm.s32 $_size__tile_overlayer_lowered;
	s5 =	simm.s32 $_tile_overlayer_lowered  }
0x9b: {  	s22 =	simm.s32 $0x1BFF;
	s21 =	sshll.u32 s5, $0x1;
	s2 =	sadd.s32 s19, s18  }
0x9c: {  	s6 =	simm.s32 $0x0;
	s20 =	sshll.u32 s4, $0x1;
	s4 =	sadd.s32 s21, s2  }
0x9d: {  	[timem:s6], [sflag:s22] =	dma.local [hbm:s4], s20  }
0x9e: {  	_ =	swait.ge [sflag:s22], s20  }
0x9f: {  	s3 =	ssub.s32 $0x0, s20;
	[sflag:s22] =	ssyncset.done $0x0  }
0xa0: {  	[sflag:s22] =	ssyncadd.s32 s3;
	_ =	sdelay $0x1  }
0xa1: {  	s23 =	simm.s32 $0x1B8B  }
0xa2: {  	_ =	swait.ge [sflag:s23], $0x1  }
0xa3: {  	[sflag:s23] =	ssyncset.done $0x0  }
0xa4: {  	s25 =	simm.s32 $0x1B8E;
	s24 =	sld [smem:$0x3FFE];
	[sflag:s23] =	ssyncadd.s32 $0xFFFFFFFF  }
0xa5: {  	s26 =	simm.s32 $execute0_lowered;
	[smem:$0x3FD2] =	sst s25  }
0xa6: {  	s4 =	sshll.u32 s26, $0x1;
	_ =	strace $0x8000004C;
	[dreg:$0x1] =	wrdreg $0xFFFFFFFF  }
0xa7: {  	s28 =	simm.s32 $_size_execute0_lowered;
	s2 =	sadd.s32 s2, s4;
	[dreg:$0x0] =	wrdreg $0x0  }
0xa8: {  	s4 =	sshll.u32 s28, $0x1;
	[dreg:$0x2] =	wrdreg s2  }
0xa9: {  	[dreg:$0x3] =	wrdreg s4  }
0xaa: {  	[dreg:$0x4] =	wrdreg $0xC0  }
0xab: {  	_ =	task [dreg:s6], $0x5FFFF  }
0xac: {  	[dreg:$0x1] =	wrdreg $0xFFFFFFFF  }
0xad: {  	[dreg:$0x0] =	wrdreg $0x60  }
0xae: {  	[dreg:$0x2] =	wrdreg s24  }
0xaf: {  	[dreg:$0x3] =	wrdreg $0x119400  }
0xb0: {  	[dreg:$0x4] =	wrdreg $0x9  }
0xb1: {  	_ =	task.clear_ibuf [dreg:s6], $0x5FFFF;
	_ =	strace $0x9000004C  }
0xb2: {  	s29 =	simm.s32 $0x9;
	_ =	strace $0x8000004E  }
0xb3: {  	_ =	swait.ge [sflag:s29], $0x1  }
0xb4: {  	[sflag:s29] =	ssyncadd.s32 $0xFFFFFFFF  }
0xb5: {  	_ =	strace $0x9000004E  }
0xb6: {  	_ =	sfence  }
0xb7: {  	s30 =	sld [smem:$0x0];
	_ =	sdelay $0x2  }
0xb8: {  	s31 =	sshll.u32 s1, $0xD;
	s1 =	sshrl.u32 s1, $0x2  }
0xb9: {  	s3 =	sand.u32 $0x4000, s31;
	s1 =	sadd.s32 s1, s30  }
0xba: {  	s0 =	sor.u32 s3, s0;
	s1 =	sshll.u32 s1, $0x11  }
0xbb: {  	s0 =	sor.u32 s1, s0  }
0xbc: {  	s0 =	sadd.s32 $0x8F2B, s0  }
0xbd: {  	[sflag:s0] =	ssyncadd.remote.s32 $0x1  }
0xbe: {  	_ =	sfence.sel $0xFFFF  }
0xbf: {  	[dreg:$0x0] =	wrdreg $0xFFFFFFFF;
	(pc) =	sbr.abs _section_cstart, $3  }
0xc0: {  	[dreg:$0x1] =	wrdreg $0xFFFFFFFF  }
0xc1: {  	_ =	task.clear_ibuf [dreg:s6], $0x2FFFF;
	_ =	strace $0x9FFFFFFF  }
0xc2: {  	(tm) =	ssettm $0x7FFFFFFF  }
0xc3: {  	_ =	shalt  }
tec
execute0_lowered:
.L_overlay_start_1:
0x0: {  	(tag) =	ssettag $0x1  }
0x1: {  	s0 =	rddreg [dreg:$0x0]  }
0x2: {  	s2 =	rddreg [dreg:$0x1];
	s11 =	stileid.u32;
	s3 =	simm.s32 $0x0  }
0x3: {  	s6 =	srdreg.scid;
	s16 =	simm.s32 $0x3;
	s17 =	simm.s32 $0x7D0  }
0x4: {  	s18 =	simm.s32 $0xFA0;
	s19 =	simm.s32 $0x8CA0;
	s20 =	simm.s32 $0x9470  }
0x5: {  	s21 =	simm.s32 $0x9C40;
	s22 =	simm.s32 $0x1;
	s23 =	simm.s32 $0x2  }
0x6: {  	s24 =	simm.s32 $0x14;
	s1 =	smul.u32 $0xC400, s11;
	[smem:$0x7FF] =	sst s3  }
0x7: {  	s4 =	sadd.s32 $0x1DC600, s0;
	s14 =	sadd.s32 $0xFE000, s0;
	s9 =	smul.u32 $0xD2F0, s11  }
0x8: {  	s13 =	sadd.s32 $0xE3A00, s0;
	s31 =	sshll.u32 s11, $0x6;
	s15 =	smul.u32 $0x1A5E, s11  }
0x9: {  	s11 =	smul.u32 $0x7A800, s11;
	_ =	strace $0x8000004D;
	s5 =	sshrl.u32 s1, $0x3  }
0xa: {  	s1 =	sadd.s32 s1, s2;
	s7 =	sadd.s32 s5, s0;
	s5 =	sand.u32 $0x1, s6  }
0xb: {  	s10 =	sshrl.u32 s9, $0x3;
	s6 =	sadd.s32 $0x2D1600, s0;
	s8 =	ssub.s32 $0x2, s5  }
0xc: {  	s9 =	sadd.s32 s14, s10;
	s10 =	sadd.s32 s13, s10;
	s30 =	sshrl.u32 s8, $0x1  }
0xd: {  	s13 =	sadd.s32 s15, s13;
	s14 =	sadd.s32 s15, s14;
	s0 =	ssub.s32 s8, s30  }
0xe: {  	s15 =	sshrl.u32 s1, $0x3;
	s1 =	simm.s32 $0x0;
	s0 =	smax.u32 s0, $0x1  }
0xf: {  	s7 =	sadd.s32 $0x80200, s7;
	s8 =	sor.u32 $0x1C03, s31;
	[dreg:$0x3] =	wrdreg s0  }
.LBB2_1:
0x10: {  	[dreg:$0x4] =	wrdreg s1;
	s26 =	simm.s32 $0x0  }
.LBB2_2:
0x11: {  	[spmem:s15], [sflag:s8] =	dma.local [hbm:s7], $0x1880  }
0x12: {  	_ =	swait.ge [sflag:s16], $0x1880  }
0x13: {  	[sflag:s16] =	ssyncset.done $0x0  }
0x14: {  	[sflag:s16] =	ssyncadd.s32 $0xFFFFE780  }
0x15: {  	[bflag:$0x0] =	sbarrier.arrive $0xFFFF  }
0x16: {  	[tilespmem:s3], [sflag:$0x3] =	stream.linear.gather [hbm4b:s9+s3], $0x7D0, $0x38;
	[tilespmem:$0x1DD40] =	vst v63  }
0x17: {  	_ =	swait.ge [sflag:s16], $0x7D0  }
0x18: {  	s0 =	sshll.u32 s26, $0x1;
	[sflag:s16] =	ssyncset.done $0x0  }
0x19: {  	s28 =	sor.u32 s5, s0;
	[sflag:s16] =	ssyncadd.s32 $0xFFFFF830  }
0x1a: {  	[tilespmem:s17], [sflag:$0x3] =	stream.linear.gather [hbm4b:s10+s3], $0x7D0, $0x38;
	[tilespmem:$0x1DD40] =	vst v63  }
0x1b: {  	s0 =	smul.u32 $0x18800, s28;
	_ =	swait.ge [sflag:s16], $0x7D0  }
0x1c: {  	[sflag:s16] =	ssyncset.done $0x0  }
0x1d: {  	s25 =	sadd.s32 $0xFFFFE69C, s14;
	s29 =	sadd.s32 s4, s0;
	[sflag:s16] =	ssyncadd.s32 $0xFFFFF830  }
0x1e: {  	[tilespmem:s18], [sflag:$0x1] =	stream.indirect.gather [hbm4b:s29+s17], $0x10, s3, s17, $0xb8;
	[tilespmem:$0x1DD40] =	vst v63  }
0x1f: {  	s1 =	sadd.s32 $0x1A5E, s25  }
0x20: {  	[tilespmem:s19], [sflag:$0x3] =	stream.linear.gather [hbm4b:s1+s3], $0x7D0, $0x38;
	[tilespmem:$0x1DD40] =	vst v63  }
0x21: {  	_ =	swait.ge [sflag:s16], $0x7D0  }
0x22: {  	s12 =	sadd.s32 $0xFFFFE69C, s13;
	[sflag:s16] =	ssyncset.done $0x0  }
0x23: {  	s30 =	sadd.s32 $0x1A5E, s12;
	[sflag:s16] =	ssyncadd.s32 $0xFFFFF830  }
0x24: {  	[tilespmem:s20], [sflag:$0x3] =	stream.linear.gather [hbm4b:s30+s3], $0x7D0, $0x38;
	[tilespmem:$0x1DD40] =	vst v63  }
0x25: {  	_ =	swait.ge [sflag:s16], $0x7D0  }
0x26: {  	[sflag:s16] =	ssyncset.done $0x0  }
0x27: {  	[sflag:s16] =	ssyncadd.s32 $0xFFFFF830  }
0x28: {  	[tilespmem:s21], [sflag:$0x2] =	stream.indirect.gather [hbm4b:s29+s17], $0x10, s19, s17, $0xb8;
	[tilespmem:$0x1DD40] =	vst v63  }
0x29: {  	_ =	swait.ge [sflag:s22], $0x7D00  }
0x2a: {  	[sflag:s22] =	ssyncset.done $0x0  }
0x2b: {  	[sflag:s22] =	ssyncadd.s32 $0xFFFF8300  }
0x2c: {  	[spmem:s2] =	stream.indirect.scatter.add.f32 [tilespmem:s18], [sflag:$0x3], $0x10, s17, s17, $0xb8;
	[tilespmem:$0x1DD40] =	vst v63  }
0x2d: {  	_ =	swait.ge [sflag:s16], $0x7D00  }
0x2e: {  	[sflag:s16] =	ssyncset.done $0x0  }
0x2f: {  	s0 =	sadd.s32 $0x1B58, s25;
	[sflag:s16] =	ssyncadd.s32 $0xFFFF8300  }
0x30: {  	[tilespmem:s3], [sflag:$0x3] =	stream.linear.gather [hbm4b:s0+s3], $0x7D0, $0x38;
	[tilespmem:$0x1DD40] =	vst v63  }
0x31: {  	_ =	swait.ge [sflag:s16], $0x7D0  }
0x32: {  	[sflag:s16] =	ssyncset.done $0x0  }
0x33: {  	s25 =	sadd.s32 $0x1B58, s12;
	[sflag:s16] =	ssyncadd.s32 $0xFFFFF830  }
0x34: {  	[tilespmem:s17], [sflag:$0x3] =	stream.linear.gather [hbm4b:s25+s3], $0x7D0, $0x38;
	[tilespmem:$0x1DD40] =	vst v63  }
0x35: {  	_ =	swait.ge [sflag:s16], $0x7D0  }
0x36: {  	[sflag:s16] =	ssyncset.done $0x0  }
0x37: {  	[sflag:s16] =	ssyncadd.s32 $0xFFFFF830  }
0x38: {  	[tilespmem:s18], [sflag:$0x1] =	stream.indirect.gather [hbm4b:s29+s17], $0x10, s3, s17, $0xb8;
	[tilespmem:$0x1DD40] =	vst v63  }
0x39: {  	_ =	swait.ge [sflag:s23], $0x7D00  }
0x3a: {  	[sflag:s23] =	ssyncset.done $0x0  }
0x3b: {  	[sflag:s23] =	ssyncadd.s32 $0xFFFF8300  }
0x3c: {  	[spmem:s2] =	stream.indirect.scatter.add.f32 [tilespmem:s21], [sflag:$0x3], $0x10, s20, s17, $0xb8;
	[tilespmem:$0x1DD40] =	vst v63  }
0x3d: {  	s31 =	simm.s32 $0xFFFFEA84;
	_ =	swait.ge [sflag:s16], $0x7D00  }
0x3e: {  	s30 =	simm.s32 $0xFFFFE890;
	s0 =	sadd.s32 $0xFFFFE890, s14;
	[sflag:s16] =	ssyncset.done $0x0  }
.LBB2_3:
0x3f: {  	s12 =	sadd.s32 $0x1A5E, s0  }
0x40: {  	[sflag:s16] =	ssyncadd.s32 $0xFFFF8300;
	s25 =	smov.u32 s31;
	s1 =	sadd.s32 $0x1F4, s31  }
0x41: {  	[tilespmem:s19], [sflag:$0x3] =	stream.linear.gather [hbm4b:s12+s3], $0x7D0, $0x38;
	[tilespmem:$0x1DD40] =	vst v63  }
0x42: {  	p0 =	sne.s32 s31, $0xFFFFFE0C;
	_ =	swait.ge [sflag:s16], $0x7D0  }
0x43: {  	s12 =	sadd.s32 s30, s13;
	s30 =	smov.u32 s25;
	[sflag:s16] =	ssyncset.done $0x0  }
0x44: {  	s25 =	sadd.s32 $0x1A5E, s12;
	[sflag:s16] =	ssyncadd.s32 $0xFFFFF830  }
0x45: {  	[tilespmem:s20], [sflag:$0x3] =	stream.linear.gather [hbm4b:s25+s3], $0x7D0, $0x38;
	[tilespmem:$0x1DD40] =	vst v63  }
0x46: {  	_ =	swait.ge [sflag:s16], $0x7D0  }
0x47: {  	[sflag:s16] =	ssyncset.done $0x0  }
0x48: {  	[sflag:s16] =	ssyncadd.s32 $0xFFFFF830  }
0x49: {  	[tilespmem:s21], [sflag:$0x2] =	stream.indirect.gather [hbm4b:s29+s17], $0x10, s19, s17, $0xb8;
	[tilespmem:$0x1DD40] =	vst v63  }
0x4a: {  	_ =	swait.ge [sflag:s22], $0x7D00  }
0x4b: {  	[sflag:s22] =	ssyncset.done $0x0  }
0x4c: {  	[sflag:s22] =	ssyncadd.s32 $0xFFFF8300  }
0x4d: {  	[spmem:s2] =	stream.indirect.scatter.add.f32 [tilespmem:s18], [sflag:$0x3], $0x10, s17, s17, $0xb8;
	[tilespmem:$0x1DD40] =	vst v63  }
0x4e: {  	_ =	swait.ge [sflag:s16], $0x7D00  }
0x4f: {  	[sflag:s16] =	ssyncset.done $0x0  }
0x50: {  	s0 =	sadd.s32 $0x1B58, s0;
	[sflag:s16] =	ssyncadd.s32 $0xFFFF8300  }
0x51: {  	[tilespmem:s3], [sflag:$0x3] =	stream.linear.gather [hbm4b:s0+s3], $0x7D0, $0x38;
	[tilespmem:$0x1DD40] =	vst v63  }
0x52: {  	_ =	swait.ge [sflag:s16], $0x7D0  }
0x53: {  	[sflag:s16] =	ssyncset.done $0x0  }
0x54: {  	s0 =	sadd.s32 $0x1B58, s12;
	[sflag:s16] =	ssyncadd.s32 $0xFFFFF830  }
0x55: {  	[tilespmem:s17], [sflag:$0x3] =	stream.linear.gather [hbm4b:s0+s3], $0x7D0, $0x38;
	[tilespmem:$0x1DD40] =	vst v63  }
0x56: {  	_ =	swait.ge [sflag:s16], $0x7D0  }
0x57: {  	[sflag:s16] =	ssyncset.done $0x0  }
0x58: {  	[sflag:s16] =	ssyncadd.s32 $0xFFFFF830  }
0x59: {  	[tilespmem:s18], [sflag:$0x1] =	stream.indirect.gather [hbm4b:s29+s17], $0x10, s3, s17, $0xb8;
	[tilespmem:$0x1DD40] =	vst v63  }
0x5a: {  	_ =	swait.ge [sflag:s23], $0x7D00  }
.Ltmp0:
0x5b: {  	[sflag:s23] =	ssyncset.done $0x0;
	(pc) =	sbr.rel @p0 .LBB2_3-.Ltmp0, $4  }
0x5c: {  	[sflag:s23] =	ssyncadd.s32 $0xFFFF8300  }
0x5d: {  	[spmem:s2] =	stream.indirect.scatter.add.f32 [tilespmem:s21], [sflag:$0x3], $0x10, s20, s17, $0xb8;
	[tilespmem:$0x1DD40] =	vst v63  }
0x5e: {  	_ =	swait.ge [sflag:s16], $0x7D00  }
0x5f: {  	s31 =	smov.u32 s1;
	s0 =	sadd.s32 s30, s14;
	[sflag:s16] =	ssyncset.done $0x0  }
0x60: {  	s1 =	sadd.s32 $0x1A5E, s0;
	[sflag:s16] =	ssyncadd.s32 $0xFFFF8300  }
0x61: {  	[tilespmem:s19], [sflag:$0x3] =	stream.linear.gather [hbm4b:s1+s3], $0x7D0, $0x38;
	[tilespmem:$0x1DD40] =	vst v63  }
0x62: {  	_ =	swait.ge [sflag:s16], $0x7D0  }
0x63: {  	s31 =	sadd.s32 s30, s13;
	[sflag:s16] =	ssyncset.done $0x0  }
0x64: {  	s12 =	sadd.s32 $0x1A5E, s31;
	[sflag:s16] =	ssyncadd.s32 $0xFFFFF830  }
0x65: {  	[tilespmem:s20], [sflag:$0x3] =	stream.linear.gather [hbm4b:s12+s3], $0x7D0, $0x38;
	[tilespmem:$0x1DD40] =	vst v63  }
0x66: {  	_ =	swait.ge [sflag:s16], $0x7D0  }
0x67: {  	[sflag:s16] =	ssyncset.done $0x0  }
0x68: {  	[sflag:s16] =	ssyncadd.s32 $0xFFFFF830  }
0x69: {  	[tilespmem:s21], [sflag:$0x2] =	stream.indirect.gather [hbm4b:s29+s17], $0x10, s19, s17, $0xb8;
	[tilespmem:$0x1DD40] =	vst v63  }
0x6a: {  	_ =	swait.ge [sflag:s22], $0x7D00  }
0x6b: {  	[sflag:s22] =	ssyncset.done $0x0  }
0x6c: {  	[sflag:s22] =	ssyncadd.s32 $0xFFFF8300  }
0x6d: {  	[spmem:s2] =	stream.indirect.scatter.add.f32 [tilespmem:s18], [sflag:$0x3], $0x10, s17, s17, $0xb8;
	[tilespmem:$0x1DD40] =	vst v63  }
0x6e: {  	_ =	swait.ge [sflag:s16], $0x7D00  }
0x6f: {  	[sflag:s16] =	ssyncset.done $0x0  }
0x70: {  	s25 =	sadd.s32 $0x1B58, s0;
	[sflag:s16] =	ssyncadd.s32 $0xFFFF8300  }
0x71: {  	[tilespmem:s3], [sflag:$0x3] =	stream.linear.gather [hbm4b:s25+s3], $0x7D0, $0x38;
	[tilespmem:$0x1DD40] =	vst v63  }
0x72: {  	_ =	swait.ge [sflag:s16], $0x7D0  }
0x73: {  	[sflag:s16] =	ssyncset.done $0x0  }
0x74: {  	s30 =	sadd.s32 $0x1B58, s31;
	[sflag:s16] =	ssyncadd.s32 $0xFFFFF830  }
0x75: {  	[tilespmem:s17], [sflag:$0x3] =	stream.linear.gather [hbm4b:s30+s3], $0x7D0, $0x38;
	[tilespmem:$0x1DD40] =	vst v63  }
0x76: {  	_ =	swait.ge [sflag:s16], $0x7D0  }
0x77: {  	[sflag:s16] =	ssyncset.done $0x0  }
0x78: {  	[sflag:s16] =	ssyncadd.s32 $0xFFFFF830  }
0x79: {  	[tilespmem:s18], [sflag:$0x1] =	stream.indirect.gather [hbm4b:s29+s17], $0x10, s3, s17, $0xb8;
	[tilespmem:$0x1DD40] =	vst v63  }
0x7a: {  	_ =	swait.ge [sflag:s23], $0x7D00  }
0x7b: {  	[sflag:s23] =	ssyncset.done $0x0  }
0x7c: {  	[sflag:s23] =	ssyncadd.s32 $0xFFFF8300  }
0x7d: {  	[spmem:s2] =	stream.indirect.scatter.add.f32 [tilespmem:s21], [sflag:$0x3], $0x10, s20, s17, $0xb8;
	[tilespmem:$0x1DD40] =	vst v63  }
0x7e: {  	_ =	swait.ge [sflag:s16], $0x7D00  }
0x7f: {  	[sflag:s16] =	ssyncset.done $0x0  }
0x80: {  	[sflag:s16] =	ssyncadd.s32 $0xFFFF8300  }
0x81: {  	_ =	swait.ge [sflag:s22], $0x7D00  }
0x82: {  	[sflag:s22] =	ssyncset.done $0x0  }
0x83: {  	[sflag:s22] =	ssyncadd.s32 $0xFFFF8300  }
0x84: {  	[spmem:s2] =	stream.indirect.scatter.add.f32 [tilespmem:s18], [sflag:$0x3], $0x10, s17, s17, $0xb8;
	[tilespmem:$0x1DD40] =	vst v63  }
0x85: {  	s31 =	sshll.u32 s28, $0x4;
	_ =	swait.ge [sflag:s16], $0x7D00  }
0x86: {  	s26 =	sadd.s32 $0x1, s26;
	s0 =	sadd.s32 s11, s31;
	[sflag:s16] =	ssyncset.done $0x0  }
0x87: {  	p0 =	sne.s32 s26, $0x5;
	s0 =	sshrl.u32 s0, $0x3;
	[sflag:s16] =	ssyncadd.s32 $0xFFFF8300  }
.Ltmp1:
0x88: {  	s0 =	sadd.s32 s6, s0;
	[bflag:$0x0] =	sbarrier.arrive $0xFFFF;
	(pc) =	sbr.rel @p0 .LBB2_2-.Ltmp1, $4  }
0x89: {  	[hbm:s0@s24], [sflag:s8] =	dma.strided [spmem:s15@s23], $0x1880, s22, $0x2   }
0x8a: {  	_ =	swait.ge [sflag:s16], $0x1880  }
0x8b: {  	[sflag:s16] =	ssyncset.done $0x0  }
0x8c: {  	[sflag:s16] =	ssyncadd.s32 $0xFFFFE780  }
0x8d: {  	s1 =	rddreg [dreg:$0x4]  }
0x8e: {  	s0 =	rddreg [dreg:$0x3];
	s1 =	sadd.s32 $0x1, s1  }
0x8f: {  	p0 =	sne.s32 s1, s0  }
.Ltmp2:
0x90: {  	_ = 	snop;
	(pc) =	sbr.rel @p0 .LBB2_1-.Ltmp2, $1  }
0x91: {  	_ =	sdelay $0x3  }
0x92: {  	_ =	sfence.sel $0x180000  }
0x93: {  	[bflag:$0x0] =	sbarrier.arrive $0xFFFF  }
0x94: {  	_ =	strace $0x9000004D  }
0x95: {  	s0 =	stileid.u32;
	[bflag:$0x2] =	sbarrier.arrive $0xFFFF  }
0x96: {  	p0 =	sne.s32 s0, $0x0;
	s0 =	rddreg [dreg:$0x2]  }
0x97: {  	s0 =	sadd.s32 @!p0 $0x100000, s0  }
0x98: {  	[sflag:s0] =	ssyncadd.tile.s32 @!p0 $0x1;
	_ =	shalt  }
.Lfunc_end2:
_tile_overlayer_lowered:
.L_overlay_start_2:
0x99: {  	(tag) =	ssettag $0x2  }
0x9a: {  	s0 =	rddreg [dreg:$0x0];
	s2 =	stileid.u32  }
0x9b: {  	s1 =	rddreg [dreg:$0x1];
	p0 =	sne.s32 s2, $0x0  }
0x9c: {  	s3 =	rddreg [dreg:$0x2];
	[bflag:$0x3] =	sbarrier.arrive $0xFFFF;
	s2 =	simm.s32 @!p0 $0x1C03  }
0x9d: {  	[timem:s3], [sflag:s2] =	dma.local @!p0 [hbm:s0], s1  }
0x9e: {  	s0 =	simm.s32 @!p0 $0x3  }
0x9f: {  	_ =	swait.ge @!p0 [sflag:s0], s1  }
0xa0: {  	s1 =	ssub.s32 @!p0 $0x0, s1;
	[sflag:s0] =	ssyncset.done @!p0 $0x0  }
0xa1: {  	[sflag:s0] =	ssyncadd.s32 @!p0 s1  }
0xa2: {  	[bflag:$0x3] =	sbarrier.arrive $0xFFFF  }
0xa3: {  	_ =	shalt  }

// kernel: kernel.22.cloned.1.call-start
scs
__scs_entry_jumppad:
0x0: {  	(pc) =	sbr.rel $0x88, $3  }
0x1: {  	(tag) =	ssettag $0x0;
	lr =	simm.s32 $0x1  }
0x2: {  	[smem:$0x3F8C] =	sst lr;
	_ =	strace $0xD0000000  }
0x3: {  	_ = 	snop  }
0x4: {  	_ = 	snop  }
0x5: {  	_ = 	snop  }
0x6: {  	_ = 	snop  }
0x7: {  	_ = 	snop  }
__scs_overlays_trampoline_lowered:
0x8: {  	[smem:$0x3F9B] =	sst s0  }
0x9: {  	[smem:$0x3F9C] =	sst s1  }
0xa: {  	[smem:$0x3F9D] =	sst s2  }
0xb: {  	[smem:$0x3F9E] =	sst s3  }
0xc: {  	[smem:$0x3F9F] =	sst s4  }
0xd: {  	[smem:$0x3FA0] =	sst s5  }
0xe: {  	[smem:$0x3FA1] =	sst s6  }
0xf: {  	[smem:$0x3FA2] =	sst s7  }
0x10: {  	[smem:$0x3FA3] =	sst s8  }
0x11: {  	[smem:$0x3FA4] =	sst s9;
	s0 =	simm.s32 @!p0 $0x0  }
0x12: {  	s1 =	sld [smem:$0x3F8A];
	s0 =	simm.s32 @p0 $0x1  }
0x13: {  	[smem:$0x3FA5] =	sst s0;
	s0 =	simm.s32 @!p1 $0x0  }
0x14: {  	s2 =	sld [smem:$0x3F89];
	s0 =	simm.s32 @p1 $0x1  }
0x15: {  	[smem:$0x3FA6] =	sst s0;
	s0 =	simm.s32 @!p2 $0x0  }
0x16: {  	s3 =	sld [smem:$0x3FDB];
	s0 =	simm.s32 @p2 $0x1  }
0x17: {  	s4 =	simm.s32 $0x1BF5;
	[smem:$0x3FA8] =	sst s0  }
0x18: {  	s0 =	sld [smem:$0x3F8B];
	_ =	swait.ge [sflag:s4], $0x0  }
0x19: {  	s7 =	sld [smem:$0x3F8C]  }
0x1a: {  	s8 =	sadd.s32 $0xFFFFE003, lr  }
0x1b: {  	s9 =	sadd.s32 $0xFFFFFEF7, lr;
	s5 =	simm.s32 $0xFFFFFFFF;
	p2 =	slt.u32 s8, $0xFFFFF086  }
0x1c: {  	p1 =	slt.u32 s9, $0xF7A;
	s5 =	simm.s32 @!p2 $0x0  }
0x1d: {  	s5 =	simm.s32 @p1 $0x1;
	p0 =	seq.s32 s7, s2  }
0x1e: {  	s7 =	smul.u32 @!p0 $0xF7A, s2;
	p2 =	seq.s32 @!p0 s5, $0x0  }
0x1f: {  	s9 =	smul.u32 $0xF7A, s1;
	s8 =	simm.s32 @!p0 $0x1BF5;
	p2 =	por !p2, p0  }
0x20: {  	[sflag:s8] =	ssyncset.s32 @!p0 $0xFFFFF086;
	s6 =	sadd.s32 @!p0 s3, s7;
	s7 =	simm.s32 @!p0 $0x108  }
0x21: {  	s3 =	sadd.s32 s3, s9;
	s6 =	sadd.s32 @!p0 $0x88, s6;
	s7 =	simm.s32 @p2 $0x1082  }
0x22: {  	[simem:s7], [sflag:s8] =	dma.local @!p0 [hbm:s6], $0xF7A  }
0x23: {  	s9 =	sor.u32 $0xD0000000, s2;
	s6 =	simm.s32 $0x108;
	_ =	swait.ge @!p0 [sflag:s8], $0x0  }
0x24: {  	s3 =	sadd.s32 $0x88, s3;
	s6 =	simm.s32 @!p1 $0x1082;
	[sflag:s4] =	ssyncset.s32 $0xFFFFF086  }
0x25: {  	[simem:s6], [sflag:s4] =	dma.local [hbm:s3], $0xF7A  }
0x26: {  	[smem:$0x3F8C] =	sst s1;
	(tag) =	ssettag s2;
	_ =	strace s9  }
0x27: {  	s1 =	sld [smem:$0x3F9C]  }
0x28: {  	s2 =	sld [smem:$0x3F9D]  }
0x29: {  	s4 =	sld [smem:$0x3F9F]  }
0x2a: {  	p0 =	seq.s32 s5, $0x0;
	s5 =	sld [smem:$0x3FA0]  }
0x2b: {  	s6 =	sld [smem:$0x3FA1]  }
0x2c: {  	s7 =	sld [smem:$0x3FA2]  }
0x2d: {  	s3 =	simm.s32 $0x108;
	s8 =	sld [smem:$0x3FA3]  }
0x2e: {  	s3 =	simm.s32 @!p0 $0x1082;
	s9 =	sld [smem:$0x3FA4]  }
0x2f: {  	lr =	sadd.s32 s0, s3;
	s0 =	sld [smem:$0x3F9B]  }
0x30: {  	s3 =	sld [smem:$0x3F9E]  }
0x31: {  	[smem:$0x3FA7] =	sst s10  }
0x32: {  	s10 =	sld [smem:$0x3FA5];
	_ =	sdelay $0x3  }
0x33: {  	p0 =	seq.s32 s10, $0x1;
	s10 =	sld [smem:$0x3FA7];
	_ =	sdelay $0x3  }
0x34: {  	[smem:$0x3FA7] =	sst s10  }
0x35: {  	s10 =	sld [smem:$0x3FA6];
	_ =	sdelay $0x3  }
0x36: {  	p1 =	seq.s32 s10, $0x1;
	s10 =	sld [smem:$0x3FA7];
	_ =	sdelay $0x3  }
0x37: {  	[smem:$0x3FA7] =	sst s10  }
0x38: {  	s10 =	sld [smem:$0x3FA8]  }
0x39: {  	_ = 	snop;
	(pc) =	sbr.ind lr, $3  }
0x3a: {  	_ = 	snop  }
0x3b: {  	_ = 	snop  }
0x3c: {  	p2 =	seq.s32 s10, $0x1;
	s10 =	sld [smem:$0x3FA7]  }
0x3d: {  	_ =	shalt  }
0x3e: {  	_ =	shalt  }
0x3f: {  	_ =	shalt  }
0x40: {  	_ =	shalt  }
0x41: {  	_ =	shalt  }
0x42: {  	_ =	shalt  }
0x43: {  	_ =	shalt  }
0x44: {  	_ =	shalt  }
0x45: {  	_ =	shalt  }
0x46: {  	_ =	shalt  }
0x47: {  	_ =	shalt  }
0x48: {  	_ =	shalt  }
0x49: {  	_ =	shalt  }
0x4a: {  	_ =	shalt  }
0x4b: {  	_ =	shalt  }
0x4c: {  	_ =	shalt  }
0x4d: {  	_ =	shalt  }
0x4e: {  	_ =	shalt  }
0x4f: {  	_ =	shalt  }
0x50: {  	_ =	shalt  }
0x51: {  	_ =	shalt  }
0x52: {  	_ =	shalt  }
0x53: {  	_ =	shalt  }
0x54: {  	_ =	shalt  }
0x55: {  	_ =	shalt  }
0x56: {  	_ =	shalt  }
0x57: {  	_ =	shalt  }
0x58: {  	_ =	shalt  }
0x59: {  	_ =	shalt  }
0x5a: {  	_ =	shalt  }
0x5b: {  	_ =	shalt  }
0x5c: {  	_ =	shalt  }
0x5d: {  	_ =	shalt  }
0x5e: {  	_ =	shalt  }
0x5f: {  	_ =	shalt  }
0x60: {  	_ =	shalt  }
0x61: {  	_ =	shalt  }
0x62: {  	_ =	shalt  }
0x63: {  	_ =	shalt  }
0x64: {  	_ =	shalt  }
0x65: {  	_ =	shalt  }
0x66: {  	_ =	shalt  }
0x67: {  	_ =	shalt  }
0x68: {  	_ =	shalt  }
0x69: {  	_ =	shalt  }
0x6a: {  	_ =	shalt  }
0x6b: {  	_ =	shalt  }
0x6c: {  	_ =	shalt  }
0x6d: {  	_ =	shalt  }
0x6e: {  	_ =	shalt  }
0x6f: {  	_ =	shalt  }
0x70: {  	_ =	shalt  }
0x71: {  	_ =	shalt  }
0x72: {  	_ =	shalt  }
0x73: {  	_ =	shalt  }
0x74: {  	_ =	shalt  }
0x75: {  	_ =	shalt  }
0x76: {  	_ =	shalt  }
0x77: {  	_ =	shalt  }
0x78: {  	_ =	shalt  }
0x79: {  	_ =	shalt  }
0x7a: {  	_ =	shalt  }
0x7b: {  	_ =	shalt  }
0x7c: {  	_ =	shalt  }
0x7d: {  	_ =	shalt  }
0x7e: {  	_ =	shalt  }
0x7f: {  	_ =	shalt  }
0x80: {  	_ =	shalt  }
0x81: {  	_ =	shalt  }
0x82: {  	_ =	shalt  }
0x83: {  	_ =	shalt  }
0x84: {  	_ =	shalt  }
0x85: {  	_ =	shalt  }
0x86: {  	_ =	shalt  }
0x87: {  	_ =	shalt  }
.Lfunc_end0:
.L_simem_size_0:
called_computation.3_lowered:
.L_overlay_start_0:
0x88: {  	s2 =	sld [smem:$0x3FD9]  }
0x89: {  	s3 =	sld [smem:$0x3FFE];
	_ =	sdelay $0x1  }
0x8a: {  	s1 =	srdreg.scid  }
0x8b: {  	s0 =	sand.u32 $0x1, s1  }
0x8c: {  	s16 =	sshll.u32 s0, $0xA;
	s2 =	sadd.s32 s3, s2  }
0x8d: {  	s2 =	sadd.s32 s2, s16  }
0x8e: {  	[smem:$0x3FB3] =	sst s2  }
0x8f: {  	_ = 	snop  }
0x90: {  	(tm) =	ssettm $0x1  }
0x91: {  	s17 =	sld [smem:$0x3FFB];
	_ =	sdelay $0x3  }
0x92: {  	_ =	strace s17  }
0x93: {  	s2 =	sld [smem:$0x3FFC];
	_ =	sdelay $0x3  }
0x94: {  	_ =	strace s2  }
0x95: {  	s2 =	sld [smem:$0x3FFD];
	_ =	sdelay $0x3  }
0x96: {  	_ =	strace s2  }
0x97: {  	_ =	strace $0x8FFFFFFF  }
0x98: {  	s18 =	sld [smem:$0x3FDB];
	_ =	sdelay $0x1  }
0x99: {  	s19 =	simm.s32 $_scs_section_size  }
0x9a: {  	s4 =	simm.s32 $_size__tile_overlayer_lowered;
	s5 =	simm.s32 $_tile_overlayer_lowered  }
0x9b: {  	s22 =	simm.s32 $0x1BFF;
	s21 =	sshll.u32 s5, $0x1;
	s2 =	sadd.s32 s19, s18  }
0x9c: {  	s6 =	simm.s32 $0x0;
	s20 =	sshll.u32 s4, $0x1;
	s4 =	sadd.s32 s21, s2  }
0x9d: {  	[timem:s6], [sflag:s22] =	dma.local [hbm:s4], s20  }
0x9e: {  	_ =	swait.ge [sflag:s22], s20  }
0x9f: {  	s3 =	ssub.s32 $0x0, s20;
	[sflag:s22] =	ssyncset.done $0x0  }
0xa0: {  	[sflag:s22] =	ssyncadd.s32 s3;
	_ =	sdelay $0x1  }
0xa1: {  	s23 =	simm.s32 $0x1B8B  }
0xa2: {  	_ =	swait.ge [sflag:s23], $0x1  }
0xa3: {  	[sflag:s23] =	ssyncset.done $0x0  }
0xa4: {  	s25 =	simm.s32 $0x1B8E;
	s24 =	sld [smem:$0x3FFE];
	[sflag:s23] =	ssyncadd.s32 $0xFFFFFFFF  }
0xa5: {  	s26 =	simm.s32 $execute0_lowered;
	[smem:$0x3FD2] =	sst s25  }
0xa6: {  	s4 =	sshll.u32 s26, $0x1;
	_ =	strace $0x8000004F;
	[dreg:$0x1] =	wrdreg $0xFFFFFFFF  }
0xa7: {  	s28 =	simm.s32 $_size_execute0_lowered;
	s2 =	sadd.s32 s2, s4;
	[dreg:$0x0] =	wrdreg $0x0  }
0xa8: {  	s4 =	sshll.u32 s28, $0x1;
	[dreg:$0x2] =	wrdreg s2  }
0xa9: {  	[dreg:$0x3] =	wrdreg s4  }
0xaa: {  	[dreg:$0x4] =	wrdreg $0xC0  }
0xab: {  	_ =	task [dreg:s6], $0x5FFFF  }
0xac: {  	[dreg:$0x1] =	wrdreg $0xFFFFFFFF  }
0xad: {  	[dreg:$0x0] =	wrdreg $0x60  }
0xae: {  	[dreg:$0x2] =	wrdreg s24  }
0xaf: {  	[dreg:$0x3] =	wrdreg $0x119400  }
0xb0: {  	[dreg:$0x4] =	wrdreg $0x9  }
0xb1: {  	_ =	task.clear_ibuf [dreg:s6], $0x5FFFF;
	_ =	strace $0x9000004F  }
0xb2: {  	s29 =	simm.s32 $0x9;
	_ =	strace $0x80000051  }
0xb3: {  	_ =	swait.ge [sflag:s29], $0x1  }
0xb4: {  	[sflag:s29] =	ssyncadd.s32 $0xFFFFFFFF  }
0xb5: {  	_ =	strace $0x90000051  }
0xb6: {  	_ =	sfence  }
0xb7: {  	s30 =	sld [smem:$0x0];
	_ =	sdelay $0x2  }
0xb8: {  	s31 =	sshll.u32 s1, $0xD;
	s1 =	sshrl.u32 s1, $0x2  }
0xb9: {  	s3 =	sand.u32 $0x4000, s31;
	s1 =	sadd.s32 s1, s30  }
0xba: {  	s0 =	sor.u32 s3, s0;
	s1 =	sshll.u32 s1, $0x11  }
0xbb: {  	s0 =	sor.u32 s1, s0  }
0xbc: {  	s0 =	sadd.s32 $0x8F2B, s0  }
0xbd: {  	[sflag:s0] =	ssyncadd.remote.s32 $0x1  }
0xbe: {  	_ =	sfence.sel $0xFFFF  }
0xbf: {  	[dreg:$0x0] =	wrdreg $0xFFFFFFFF;
	(pc) =	sbr.abs _section_cstart, $3  }
0xc0: {  	[dreg:$0x1] =	wrdreg $0xFFFFFFFF  }
0xc1: {  	_ =	task.clear_ibuf [dreg:s6], $0x2FFFF;
	_ =	strace $0x9FFFFFFF  }
0xc2: {  	(tm) =	ssettm $0x7FFFFFFF  }
0xc3: {  	_ =	shalt  }
tec
execute0_lowered:
.L_overlay_start_1:
0x0: {  	(tag) =	ssettag $0x1  }
0x1: {  	s0 =	rddreg [dreg:$0x0]  }
0x2: {  	s2 =	rddreg [dreg:$0x1];
	s11 =	stileid.u32;
	s3 =	simm.s32 $0x0  }
0x3: {  	s6 =	srdreg.scid;
	s16 =	simm.s32 $0x3;
	s17 =	simm.s32 $0x7D0  }
0x4: {  	s18 =	simm.s32 $0xFA0;
	s19 =	simm.s32 $0x8CA0;
	s20 =	simm.s32 $0x9470  }
0x5: {  	s21 =	simm.s32 $0x9C40;
	s22 =	simm.s32 $0x1;
	s23 =	simm.s32 $0x2  }
0x6: {  	s24 =	simm.s32 $0x28;
	s1 =	smul.u32 $0xC400, s11;
	[smem:$0x7FF] =	sst s3  }
0x7: {  	s4 =	sadd.s32 $0x118600, s0;
	s14 =	sadd.s32 $0xFE000, s0;
	s9 =	smul.u32 $0xD2F0, s11  }
0x8: {  	s13 =	sadd.s32 $0xE3A00, s0;
	s31 =	sshll.u32 s11, $0x6;
	s15 =	smul.u32 $0x1A5E, s11  }
0x9: {  	s11 =	smul.u32 $0xF5000, s11;
	_ =	strace $0x80000050;
	s5 =	sshrl.u32 s1, $0x3  }
0xa: {  	s1 =	sadd.s32 s1, s2;
	s7 =	sadd.s32 s5, s0;
	s5 =	sand.u32 $0x1, s6  }
0xb: {  	s10 =	sshrl.u32 s9, $0x3;
	s6 =	sadd.s32 $0x302600, s0;
	s8 =	ssub.s32 $0x2, s5  }
0xc: {  	s9 =	sadd.s32 s14, s10;
	s10 =	sadd.s32 s13, s10;
	s30 =	sshrl.u32 s8, $0x1  }
0xd: {  	s13 =	sadd.s32 s15, s13;
	s14 =	sadd.s32 s15, s14;
	s0 =	ssub.s32 s8, s30  }
0xe: {  	s15 =	sshrl.u32 s1, $0x3;
	s1 =	simm.s32 $0x0;
	s0 =	smax.u32 s0, $0x1  }
0xf: {  	s7 =	sadd.s32 $0x80200, s7;
	s8 =	sor.u32 $0x1C03, s31;
	[dreg:$0x3] =	wrdreg s0  }
.LBB2_1:
0x10: {  	[dreg:$0x4] =	wrdreg s1;
	s26 =	simm.s32 $0x0  }
.LBB2_2:
0x11: {  	[spmem:s15], [sflag:s8] =	dma.local [hbm:s7], $0x1880  }
0x12: {  	_ =	swait.ge [sflag:s16], $0x1880  }
0x13: {  	[sflag:s16] =	ssyncset.done $0x0  }
0x14: {  	[sflag:s16] =	ssyncadd.s32 $0xFFFFE780  }
0x15: {  	[bflag:$0x0] =	sbarrier.arrive $0xFFFF  }
0x16: {  	[tilespmem:s3], [sflag:$0x3] =	stream.linear.gather [hbm4b:s9+s3], $0x7D0, $0x38;
	[tilespmem:$0x1DD40] =	vst v63  }
0x17: {  	_ =	swait.ge [sflag:s16], $0x7D0  }
0x18: {  	s0 =	sshll.u32 s26, $0x1;
	[sflag:s16] =	ssyncset.done $0x0  }
0x19: {  	s28 =	sor.u32 s5, s0;
	[sflag:s16] =	ssyncadd.s32 $0xFFFFF830  }
0x1a: {  	[tilespmem:s17], [sflag:$0x3] =	stream.linear.gather [hbm4b:s10+s3], $0x7D0, $0x38;
	[tilespmem:$0x1DD40] =	vst v63  }
0x1b: {  	s0 =	smul.u32 $0x18800, s28;
	_ =	swait.ge [sflag:s16], $0x7D0  }
0x1c: {  	[sflag:s16] =	ssyncset.done $0x0  }
0x1d: {  	s25 =	sadd.s32 $0xFFFFE69C, s14;
	s29 =	sadd.s32 s4, s0;
	[sflag:s16] =	ssyncadd.s32 $0xFFFFF830  }
0x1e: {  	[tilespmem:s18], [sflag:$0x1] =	stream.indirect.gather [hbm4b:s29+s17], $0x10, s3, s17, $0xb8;
	[tilespmem:$0x1DD40] =	vst v63  }
0x1f: {  	s1 =	sadd.s32 $0x1A5E, s25  }
0x20: {  	[tilespmem:s19], [sflag:$0x3] =	stream.linear.gather [hbm4b:s1+s3], $0x7D0, $0x38;
	[tilespmem:$0x1DD40] =	vst v63  }
0x21: {  	_ =	swait.ge [sflag:s16], $0x7D0  }
0x22: {  	s12 =	sadd.s32 $0xFFFFE69C, s13;
	[sflag:s16] =	ssyncset.done $0x0  }
0x23: {  	s30 =	sadd.s32 $0x1A5E, s12;
	[sflag:s16] =	ssyncadd.s32 $0xFFFFF830  }
0x24: {  	[tilespmem:s20], [sflag:$0x3] =	stream.linear.gather [hbm4b:s30+s3], $0x7D0, $0x38;
	[tilespmem:$0x1DD40] =	vst v63  }
0x25: {  	_ =	swait.ge [sflag:s16], $0x7D0  }
0x26: {  	[sflag:s16] =	ssyncset.done $0x0  }
0x27: {  	[sflag:s16] =	ssyncadd.s32 $0xFFFFF830  }
0x28: {  	[tilespmem:s21], [sflag:$0x2] =	stream.indirect.gather [hbm4b:s29+s17], $0x10, s19, s17, $0xb8;
	[tilespmem:$0x1DD40] =	vst v63  }
0x29: {  	_ =	swait.ge [sflag:s22], $0x7D00  }
0x2a: {  	[sflag:s22] =	ssyncset.done $0x0  }
0x2b: {  	[sflag:s22] =	ssyncadd.s32 $0xFFFF8300  }
0x2c: {  	[spmem:s2] =	stream.indirect.scatter.add.f32 [tilespmem:s18], [sflag:$0x3], $0x10, s17, s17, $0xb8;
	[tilespmem:$0x1DD40] =	vst v63  }
0x2d: {  	_ =	swait.ge [sflag:s16], $0x7D00  }
0x2e: {  	[sflag:s16] =	ssyncset.done $0x0  }
0x2f: {  	s0 =	sadd.s32 $0x1B58, s25;
	[sflag:s16] =	ssyncadd.s32 $0xFFFF8300  }
0x30: {  	[tilespmem:s3], [sflag:$0x3] =	stream.linear.gather [hbm4b:s0+s3], $0x7D0, $0x38;
	[tilespmem:$0x1DD40] =	vst v63  }
0x31: {  	_ =	swait.ge [sflag:s16], $0x7D0  }
0x32: {  	[sflag:s16] =	ssyncset.done $0x0  }
0x33: {  	s25 =	sadd.s32 $0x1B58, s12;
	[sflag:s16] =	ssyncadd.s32 $0xFFFFF830  }
0x34: {  	[tilespmem:s17], [sflag:$0x3] =	stream.linear.gather [hbm4b:s25+s3], $0x7D0, $0x38;
	[tilespmem:$0x1DD40] =	vst v63  }
0x35: {  	_ =	swait.ge [sflag:s16], $0x7D0  }
0x36: {  	[sflag:s16] =	ssyncset.done $0x0  }
0x37: {  	[sflag:s16] =	ssyncadd.s32 $0xFFFFF830  }
0x38: {  	[tilespmem:s18], [sflag:$0x1] =	stream.indirect.gather [hbm4b:s29+s17], $0x10, s3, s17, $0xb8;
	[tilespmem:$0x1DD40] =	vst v63  }
0x39: {  	_ =	swait.ge [sflag:s23], $0x7D00  }
0x3a: {  	[sflag:s23] =	ssyncset.done $0x0  }
0x3b: {  	[sflag:s23] =	ssyncadd.s32 $0xFFFF8300  }
0x3c: {  	[spmem:s2] =	stream.indirect.scatter.add.f32 [tilespmem:s21], [sflag:$0x3], $0x10, s20, s17, $0xb8;
	[tilespmem:$0x1DD40] =	vst v63  }
0x3d: {  	s31 =	simm.s32 $0xFFFFEA84;
	_ =	swait.ge [sflag:s16], $0x7D00  }
0x3e: {  	s30 =	simm.s32 $0xFFFFE890;
	s0 =	sadd.s32 $0xFFFFE890, s14;
	[sflag:s16] =	ssyncset.done $0x0  }
.LBB2_3:
0x3f: {  	s12 =	sadd.s32 $0x1A5E, s0  }
0x40: {  	[sflag:s16] =	ssyncadd.s32 $0xFFFF8300;
	s25 =	smov.u32 s31;
	s1 =	sadd.s32 $0x1F4, s31  }
0x41: {  	[tilespmem:s19], [sflag:$0x3] =	stream.linear.gather [hbm4b:s12+s3], $0x7D0, $0x38;
	[tilespmem:$0x1DD40] =	vst v63  }
0x42: {  	p0 =	sne.s32 s31, $0xFFFFFE0C;
	_ =	swait.ge [sflag:s16], $0x7D0  }
0x43: {  	s12 =	sadd.s32 s30, s13;
	s30 =	smov.u32 s25;
	[sflag:s16] =	ssyncset.done $0x0  }
0x44: {  	s25 =	sadd.s32 $0x1A5E, s12;
	[sflag:s16] =	ssyncadd.s32 $0xFFFFF830  }
0x45: {  	[tilespmem:s20], [sflag:$0x3] =	stream.linear.gather [hbm4b:s25+s3], $0x7D0, $0x38;
	[tilespmem:$0x1DD40] =	vst v63  }
0x46: {  	_ =	swait.ge [sflag:s16], $0x7D0  }
0x47: {  	[sflag:s16] =	ssyncset.done $0x0  }
0x48: {  	[sflag:s16] =	ssyncadd.s32 $0xFFFFF830  }
0x49: {  	[tilespmem:s21], [sflag:$0x2] =	stream.indirect.gather [hbm4b:s29+s17], $0x10, s19, s17, $0xb8;
	[tilespmem:$0x1DD40] =	vst v63  }
0x4a: {  	_ =	swait.ge [sflag:s22], $0x7D00  }
0x4b: {  	[sflag:s22] =	ssyncset.done $0x0  }
0x4c: {  	[sflag:s22] =	ssyncadd.s32 $0xFFFF8300  }
0x4d: {  	[spmem:s2] =	stream.indirect.scatter.add.f32 [tilespmem:s18], [sflag:$0x3], $0x10, s17, s17, $0xb8;
	[tilespmem:$0x1DD40] =	vst v63  }
0x4e: {  	_ =	swait.ge [sflag:s16], $0x7D00  }
0x4f: {  	[sflag:s16] =	ssyncset.done $0x0  }
0x50: {  	s0 =	sadd.s32 $0x1B58, s0;
	[sflag:s16] =	ssyncadd.s32 $0xFFFF8300  }
0x51: {  	[tilespmem:s3], [sflag:$0x3] =	stream.linear.gather [hbm4b:s0+s3], $0x7D0, $0x38;
	[tilespmem:$0x1DD40] =	vst v63  }
0x52: {  	_ =	swait.ge [sflag:s16], $0x7D0  }
0x53: {  	[sflag:s16] =	ssyncset.done $0x0  }
0x54: {  	s0 =	sadd.s32 $0x1B58, s12;
	[sflag:s16] =	ssyncadd.s32 $0xFFFFF830  }
0x55: {  	[tilespmem:s17], [sflag:$0x3] =	stream.linear.gather [hbm4b:s0+s3], $0x7D0, $0x38;
	[tilespmem:$0x1DD40] =	vst v63  }
0x56: {  	_ =	swait.ge [sflag:s16], $0x7D0  }
0x57: {  	[sflag:s16] =	ssyncset.done $0x0  }
0x58: {  	[sflag:s16] =	ssyncadd.s32 $0xFFFFF830  }
0x59: {  	[tilespmem:s18], [sflag:$0x1] =	stream.indirect.gather [hbm4b:s29+s17], $0x10, s3, s17, $0xb8;
	[tilespmem:$0x1DD40] =	vst v63  }
0x5a: {  	_ =	swait.ge [sflag:s23], $0x7D00  }
.Ltmp0:
0x5b: {  	[sflag:s23] =	ssyncset.done $0x0;
	(pc) =	sbr.rel @p0 .LBB2_3-.Ltmp0, $4  }
0x5c: {  	[sflag:s23] =	ssyncadd.s32 $0xFFFF8300  }
0x5d: {  	[spmem:s2] =	stream.indirect.scatter.add.f32 [tilespmem:s21], [sflag:$0x3], $0x10, s20, s17, $0xb8;
	[tilespmem:$0x1DD40] =	vst v63  }
0x5e: {  	_ =	swait.ge [sflag:s16], $0x7D00  }
0x5f: {  	s31 =	smov.u32 s1;
	s0 =	sadd.s32 s30, s14;
	[sflag:s16] =	ssyncset.done $0x0  }
0x60: {  	s1 =	sadd.s32 $0x1A5E, s0;
	[sflag:s16] =	ssyncadd.s32 $0xFFFF8300  }
0x61: {  	[tilespmem:s19], [sflag:$0x3] =	stream.linear.gather [hbm4b:s1+s3], $0x7D0, $0x38;
	[tilespmem:$0x1DD40] =	vst v63  }
0x62: {  	_ =	swait.ge [sflag:s16], $0x7D0  }
0x63: {  	s31 =	sadd.s32 s30, s13;
	[sflag:s16] =	ssyncset.done $0x0  }
0x64: {  	s12 =	sadd.s32 $0x1A5E, s31;
	[sflag:s16] =	ssyncadd.s32 $0xFFFFF830  }
0x65: {  	[tilespmem:s20], [sflag:$0x3] =	stream.linear.gather [hbm4b:s12+s3], $0x7D0, $0x38;
	[tilespmem:$0x1DD40] =	vst v63  }
0x66: {  	_ =	swait.ge [sflag:s16], $0x7D0  }
0x67: {  	[sflag:s16] =	ssyncset.done $0x0  }
0x68: {  	[sflag:s16] =	ssyncadd.s32 $0xFFFFF830  }
0x69: {  	[tilespmem:s21], [sflag:$0x2] =	stream.indirect.gather [hbm4b:s29+s17], $0x10, s19, s17, $0xb8;
	[tilespmem:$0x1DD40] =	vst v63  }
0x6a: {  	_ =	swait.ge [sflag:s22], $0x7D00  }
0x6b: {  	[sflag:s22] =	ssyncset.done $0x0  }
0x6c: {  	[sflag:s22] =	ssyncadd.s32 $0xFFFF8300  }
0x6d: {  	[spmem:s2] =	stream.indirect.scatter.add.f32 [tilespmem:s18], [sflag:$0x3], $0x10, s17, s17, $0xb8;
	[tilespmem:$0x1DD40] =	vst v63  }
0x6e: {  	_ =	swait.ge [sflag:s16], $0x7D00  }
0x6f: {  	[sflag:s16] =	ssyncset.done $0x0  }
0x70: {  	s25 =	sadd.s32 $0x1B58, s0;
	[sflag:s16] =	ssyncadd.s32 $0xFFFF8300  }
0x71: {  	[tilespmem:s3], [sflag:$0x3] =	stream.linear.gather [hbm4b:s25+s3], $0x7D0, $0x38;
	[tilespmem:$0x1DD40] =	vst v63  }
0x72: {  	_ =	swait.ge [sflag:s16], $0x7D0  }
0x73: {  	[sflag:s16] =	ssyncset.done $0x0  }
0x74: {  	s30 =	sadd.s32 $0x1B58, s31;
	[sflag:s16] =	ssyncadd.s32 $0xFFFFF830  }
0x75: {  	[tilespmem:s17], [sflag:$0x3] =	stream.linear.gather [hbm4b:s30+s3], $0x7D0, $0x38;
	[tilespmem:$0x1DD40] =	vst v63  }
0x76: {  	_ =	swait.ge [sflag:s16], $0x7D0  }
0x77: {  	[sflag:s16] =	ssyncset.done $0x0  }
0x78: {  	[sflag:s16] =	ssyncadd.s32 $0xFFFFF830  }
0x79: {  	[tilespmem:s18], [sflag:$0x1] =	stream.indirect.gather [hbm4b:s29+s17], $0x10, s3, s17, $0xb8;
	[tilespmem:$0x1DD40] =	vst v63  }
0x7a: {  	_ =	swait.ge [sflag:s23], $0x7D00  }
0x7b: {  	[sflag:s23] =	ssyncset.done $0x0  }
0x7c: {  	[sflag:s23] =	ssyncadd.s32 $0xFFFF8300  }
0x7d: {  	[spmem:s2] =	stream.indirect.scatter.add.f32 [tilespmem:s21], [sflag:$0x3], $0x10, s20, s17, $0xb8;
	[tilespmem:$0x1DD40] =	vst v63  }
0x7e: {  	_ =	swait.ge [sflag:s16], $0x7D00  }
0x7f: {  	[sflag:s16] =	ssyncset.done $0x0  }
0x80: {  	[sflag:s16] =	ssyncadd.s32 $0xFFFF8300  }
0x81: {  	_ =	swait.ge [sflag:s22], $0x7D00  }
0x82: {  	[sflag:s22] =	ssyncset.done $0x0  }
0x83: {  	[sflag:s22] =	ssyncadd.s32 $0xFFFF8300  }
0x84: {  	[spmem:s2] =	stream.indirect.scatter.add.f32 [tilespmem:s18], [sflag:$0x3], $0x10, s17, s17, $0xb8;
	[tilespmem:$0x1DD40] =	vst v63  }
0x85: {  	s31 =	sshll.u32 s28, $0x4;
	_ =	swait.ge [sflag:s16], $0x7D00  }
0x86: {  	s26 =	sadd.s32 $0x1, s26;
	s0 =	sadd.s32 s11, s31;
	[sflag:s16] =	ssyncset.done $0x0  }
0x87: {  	p0 =	sne.s32 s26, $0xA;
	s0 =	sshrl.u32 s0, $0x3;
	[sflag:s16] =	ssyncadd.s32 $0xFFFF8300  }
.Ltmp1:
0x88: {  	s0 =	sadd.s32 s6, s0;
	[bflag:$0x0] =	sbarrier.arrive $0xFFFF;
	(pc) =	sbr.rel @p0 .LBB2_2-.Ltmp1, $4  }
0x89: {  	[hbm:s0@s24], [sflag:s8] =	dma.strided [spmem:s15@s23], $0x1880, s22, $0x2   }
0x8a: {  	_ =	swait.ge [sflag:s16], $0x1880  }
0x8b: {  	[sflag:s16] =	ssyncset.done $0x0  }
0x8c: {  	[sflag:s16] =	ssyncadd.s32 $0xFFFFE780  }
0x8d: {  	s1 =	rddreg [dreg:$0x4]  }
0x8e: {  	s0 =	rddreg [dreg:$0x3];
	s1 =	sadd.s32 $0x1, s1  }
0x8f: {  	p0 =	sne.s32 s1, s0  }
.Ltmp2:
0x90: {  	_ = 	snop;
	(pc) =	sbr.rel @p0 .LBB2_1-.Ltmp2, $1  }
0x91: {  	_ =	sdelay $0x3  }
0x92: {  	_ =	sfence.sel $0x180000  }
0x93: {  	[bflag:$0x0] =	sbarrier.arrive $0xFFFF  }
0x94: {  	_ =	strace $0x90000050  }
0x95: {  	s0 =	stileid.u32;
	[bflag:$0x2] =	sbarrier.arrive $0xFFFF  }
0x96: {  	p0 =	sne.s32 s0, $0x0;
	s0 =	rddreg [dreg:$0x2]  }
0x97: {  	s0 =	sadd.s32 @!p0 $0x100000, s0  }
0x98: {  	[sflag:s0] =	ssyncadd.tile.s32 @!p0 $0x1;
	_ =	shalt  }
.Lfunc_end2:
_tile_overlayer_lowered:
.L_overlay_start_2:
0x99: {  	(tag) =	ssettag $0x2  }
0x9a: {  	s0 =	rddreg [dreg:$0x0];
	s2 =	stileid.u32  }
0x9b: {  	s1 =	rddreg [dreg:$0x1];
	p0 =	sne.s32 s2, $0x0  }
0x9c: {  	s3 =	rddreg [dreg:$0x2];
	[bflag:$0x3] =	sbarrier.arrive $0xFFFF;
	s2 =	simm.s32 @!p0 $0x1C03  }
0x9d: {  	[timem:s3], [sflag:s2] =	dma.local @!p0 [hbm:s0], s1  }
0x9e: {  	s0 =	simm.s32 @!p0 $0x3  }
0x9f: {  	_ =	swait.ge @!p0 [sflag:s0], s1  }
0xa0: {  	s1 =	ssub.s32 @!p0 $0x0, s1;
	[sflag:s0] =	ssyncset.done @!p0 $0x0  }
0xa1: {  	[sflag:s0] =	ssyncadd.s32 @!p0 s1  }
0xa2: {  	[bflag:$0x3] =	sbarrier.arrive $0xFFFF  }
0xa3: {  	_ =	shalt  }

// kernel: kernel.25.cloned.1.call-start
scs
__scs_entry_jumppad:
0x0: {  	(pc) =	sbr.rel $0x88, $3  }
0x1: {  	(tag) =	ssettag $0x0;
	lr =	simm.s32 $0x1  }
0x2: {  	[smem:$0x3F8C] =	sst lr;
	_ =	strace $0xD0000000  }
0x3: {  	_ = 	snop  }
0x4: {  	_ = 	snop  }
0x5: {  	_ = 	snop  }
0x6: {  	_ = 	snop  }
0x7: {  	_ = 	snop  }
__scs_overlays_trampoline_lowered:
0x8: {  	[smem:$0x3F9B] =	sst s0  }
0x9: {  	[smem:$0x3F9C] =	sst s1  }
0xa: {  	[smem:$0x3F9D] =	sst s2  }
0xb: {  	[smem:$0x3F9E] =	sst s3  }
0xc: {  	[smem:$0x3F9F] =	sst s4  }
0xd: {  	[smem:$0x3FA0] =	sst s5  }
0xe: {  	[smem:$0x3FA1] =	sst s6  }
0xf: {  	[smem:$0x3FA2] =	sst s7  }
0x10: {  	[smem:$0x3FA3] =	sst s8  }
0x11: {  	[smem:$0x3FA4] =	sst s9;
	s0 =	simm.s32 @!p0 $0x0  }
0x12: {  	s1 =	sld [smem:$0x3F8A];
	s0 =	simm.s32 @p0 $0x1  }
0x13: {  	[smem:$0x3FA5] =	sst s0;
	s0 =	simm.s32 @!p1 $0x0  }
0x14: {  	s2 =	sld [smem:$0x3F89];
	s0 =	simm.s32 @p1 $0x1  }
0x15: {  	[smem:$0x3FA6] =	sst s0;
	s0 =	simm.s32 @!p2 $0x0  }
0x16: {  	s3 =	sld [smem:$0x3FDB];
	s0 =	simm.s32 @p2 $0x1  }
0x17: {  	s4 =	simm.s32 $0x1BF5;
	[smem:$0x3FA8] =	sst s0  }
0x18: {  	s0 =	sld [smem:$0x3F8B];
	_ =	swait.ge [sflag:s4], $0x0  }
0x19: {  	s7 =	sld [smem:$0x3F8C]  }
0x1a: {  	s8 =	sadd.s32 $0xFFFFE003, lr  }
0x1b: {  	s9 =	sadd.s32 $0xFFFFFEF7, lr;
	s5 =	simm.s32 $0xFFFFFFFF;
	p2 =	slt.u32 s8, $0xFFFFF086  }
0x1c: {  	p1 =	slt.u32 s9, $0xF7A;
	s5 =	simm.s32 @!p2 $0x0  }
0x1d: {  	s5 =	simm.s32 @p1 $0x1;
	p0 =	seq.s32 s7, s2  }
0x1e: {  	s7 =	smul.u32 @!p0 $0xF7A, s2;
	p2 =	seq.s32 @!p0 s5, $0x0  }
0x1f: {  	s9 =	smul.u32 $0xF7A, s1;
	s8 =	simm.s32 @!p0 $0x1BF5;
	p2 =	por !p2, p0  }
0x20: {  	[sflag:s8] =	ssyncset.s32 @!p0 $0xFFFFF086;
	s6 =	sadd.s32 @!p0 s3, s7;
	s7 =	simm.s32 @!p0 $0x108  }
0x21: {  	s3 =	sadd.s32 s3, s9;
	s6 =	sadd.s32 @!p0 $0x88, s6;
	s7 =	simm.s32 @p2 $0x1082  }
0x22: {  	[simem:s7], [sflag:s8] =	dma.local @!p0 [hbm:s6], $0xF7A  }
0x23: {  	s9 =	sor.u32 $0xD0000000, s2;
	s6 =	simm.s32 $0x108;
	_ =	swait.ge @!p0 [sflag:s8], $0x0  }
0x24: {  	s3 =	sadd.s32 $0x88, s3;
	s6 =	simm.s32 @!p1 $0x1082;
	[sflag:s4] =	ssyncset.s32 $0xFFFFF086  }
0x25: {  	[simem:s6], [sflag:s4] =	dma.local [hbm:s3], $0xF7A  }
0x26: {  	[smem:$0x3F8C] =	sst s1;
	(tag) =	ssettag s2;
	_ =	strace s9  }
0x27: {  	s1 =	sld [smem:$0x3F9C]  }
0x28: {  	s2 =	sld [smem:$0x3F9D]  }
0x29: {  	s4 =	sld [smem:$0x3F9F]  }
0x2a: {  	p0 =	seq.s32 s5, $0x0;
	s5 =	sld [smem:$0x3FA0]  }
0x2b: {  	s6 =	sld [smem:$0x3FA1]  }
0x2c: {  	s7 =	sld [smem:$0x3FA2]  }
0x2d: {  	s3 =	simm.s32 $0x108;
	s8 =	sld [smem:$0x3FA3]  }
0x2e: {  	s3 =	simm.s32 @!p0 $0x1082;
	s9 =	sld [smem:$0x3FA4]  }
0x2f: {  	lr =	sadd.s32 s0, s3;
	s0 =	sld [smem:$0x3F9B]  }
0x30: {  	s3 =	sld [smem:$0x3F9E]  }
0x31: {  	[smem:$0x3FA7] =	sst s10  }
0x32: {  	s10 =	sld [smem:$0x3FA5];
	_ =	sdelay $0x3  }
0x33: {  	p0 =	seq.s32 s10, $0x1;
	s10 =	sld [smem:$0x3FA7];
	_ =	sdelay $0x3  }
0x34: {  	[smem:$0x3FA7] =	sst s10  }
0x35: {  	s10 =	sld [smem:$0x3FA6];
	_ =	sdelay $0x3  }
0x36: {  	p1 =	seq.s32 s10, $0x1;
	s10 =	sld [smem:$0x3FA7];
	_ =	sdelay $0x3  }
0x37: {  	[smem:$0x3FA7] =	sst s10  }
0x38: {  	s10 =	sld [smem:$0x3FA8]  }
0x39: {  	_ = 	snop;
	(pc) =	sbr.ind lr, $3  }
0x3a: {  	_ = 	snop  }
0x3b: {  	_ = 	snop  }
0x3c: {  	p2 =	seq.s32 s10, $0x1;
	s10 =	sld [smem:$0x3FA7]  }
0x3d: {  	_ =	shalt  }
0x3e: {  	_ =	shalt  }
0x3f: {  	_ =	shalt  }
0x40: {  	_ =	shalt  }
0x41: {  	_ =	shalt  }
0x42: {  	_ =	shalt  }
0x43: {  	_ =	shalt  }
0x44: {  	_ =	shalt  }
0x45: {  	_ =	shalt  }
0x46: {  	_ =	shalt  }
0x47: {  	_ =	shalt  }
0x48: {  	_ =	shalt  }
0x49: {  	_ =	shalt  }
0x4a: {  	_ =	shalt  }
0x4b: {  	_ =	shalt  }
0x4c: {  	_ =	shalt  }
0x4d: {  	_ =	shalt  }
0x4e: {  	_ =	shalt  }
0x4f: {  	_ =	shalt  }
0x50: {  	_ =	shalt  }
0x51: {  	_ =	shalt  }
0x52: {  	_ =	shalt  }
0x53: {  	_ =	shalt  }
0x54: {  	_ =	shalt  }
0x55: {  	_ =	shalt  }
0x56: {  	_ =	shalt  }
0x57: {  	_ =	shalt  }
0x58: {  	_ =	shalt  }
0x59: {  	_ =	shalt  }
0x5a: {  	_ =	shalt  }
0x5b: {  	_ =	shalt  }
0x5c: {  	_ =	shalt  }
0x5d: {  	_ =	shalt  }
0x5e: {  	_ =	shalt  }
0x5f: {  	_ =	shalt  }
0x60: {  	_ =	shalt  }
0x61: {  	_ =	shalt  }
0x62: {  	_ =	shalt  }
0x63: {  	_ =	shalt  }
0x64: {  	_ =	shalt  }
0x65: {  	_ =	shalt  }
0x66: {  	_ =	shalt  }
0x67: {  	_ =	shalt  }
0x68: {  	_ =	shalt  }
0x69: {  	_ =	shalt  }
0x6a: {  	_ =	shalt  }
0x6b: {  	_ =	shalt  }
0x6c: {  	_ =	shalt  }
0x6d: {  	_ =	shalt  }
0x6e: {  	_ =	shalt  }
0x6f: {  	_ =	shalt  }
0x70: {  	_ =	shalt  }
0x71: {  	_ =	shalt  }
0x72: {  	_ =	shalt  }
0x73: {  	_ =	shalt  }
0x74: {  	_ =	shalt  }
0x75: {  	_ =	shalt  }
0x76: {  	_ =	shalt  }
0x77: {  	_ =	shalt  }
0x78: {  	_ =	shalt  }
0x79: {  	_ =	shalt  }
0x7a: {  	_ =	shalt  }
0x7b: {  	_ =	shalt  }
0x7c: {  	_ =	shalt  }
0x7d: {  	_ =	shalt  }
0x7e: {  	_ =	shalt  }
0x7f: {  	_ =	shalt  }
0x80: {  	_ =	shalt  }
0x81: {  	_ =	shalt  }
0x82: {  	_ =	shalt  }
0x83: {  	_ =	shalt  }
0x84: {  	_ =	shalt  }
0x85: {  	_ =	shalt  }
0x86: {  	_ =	shalt  }
0x87: {  	_ =	shalt  }
.Lfunc_end0:
.L_simem_size_0:
called_computation.4_lowered:
.L_overlay_start_0:
0x88: {  	s2 =	sld [smem:$0x3FD9]  }
0x89: {  	s3 =	sld [smem:$0x3FFE];
	_ =	sdelay $0x1  }
0x8a: {  	s1 =	srdreg.scid  }
0x8b: {  	s0 =	sand.u32 $0x1, s1  }
0x8c: {  	s17 =	sshll.u32 s0, $0xA;
	s2 =	sadd.s32 s3, s2  }
0x8d: {  	s2 =	sadd.s32 s2, s17  }
0x8e: {  	[smem:$0x3FB3] =	sst s2  }
0x8f: {  	_ = 	snop  }
0x90: {  	s2 =	sld [smem:$0x3FD0];
	(tm) =	ssettm $0x1  }
0x91: {  	s18 =	sld [smem:$0x3FFB];
	_ =	sdelay $0x3  }
0x92: {  	_ =	strace s18  }
0x93: {  	s3 =	sld [smem:$0x3FFC];
	_ =	sdelay $0x3  }
0x94: {  	_ =	strace s3  }
0x95: {  	s3 =	sld [smem:$0x3FFD];
	_ =	sdelay $0x3  }
0x96: {  	_ =	strace s3  }
0x97: {  	_ =	strace $0x8FFFFFFF  }
0x98: {  	s19 =	sld [smem:$0x3FDB];
	_ =	sdelay $0x1  }
0x99: {  	s4 =	simm.s32 $_scs_section_size  }
0x9a: {  	s5 =	simm.s32 $_size__tile_overlayer_lowered;
	s6 =	simm.s32 $_tile_overlayer_lowered  }
0x9b: {  	s22 =	simm.s32 $0x1BFF;
	s21 =	sshll.u32 s6, $0x1;
	s3 =	sadd.s32 s4, s19  }
0x9c: {  	s7 =	simm.s32 $0x0;
	s20 =	sshll.u32 s5, $0x1;
	s5 =	sadd.s32 s21, s3  }
0x9d: {  	[timem:s7], [sflag:s22] =	dma.local [hbm:s5], s20  }
0x9e: {  	_ =	swait.ge [sflag:s22], s20  }
0x9f: {  	s4 =	ssub.s32 $0x0, s20;
	[sflag:s22] =	ssyncset.done $0x0  }
0xa0: {  	[sflag:s22] =	ssyncadd.s32 s4;
	_ =	sdelay $0x1  }
0xa1: {  	s23 =	simm.s32 $0x1B8B  }
0xa2: {  	_ =	swait.ge [sflag:s23], $0x1  }
0xa3: {  	[sflag:s23] =	ssyncset.done $0x0  }
0xa4: {  	s25 =	simm.s32 $0x1B8E;
	s24 =	sld [smem:$0x3FFE];
	[sflag:s23] =	ssyncadd.s32 $0xFFFFFFFF  }
0xa5: {  	s26 =	simm.s32 $execute0_lowered;
	[smem:$0x3FD2] =	sst s25  }
0xa6: {  	s5 =	sshll.u32 s26, $0x1;
	_ =	strace $0x80000052;
	[dreg:$0x1] =	wrdreg $0xFFFFFFFF  }
0xa7: {  	s28 =	simm.s32 $_size_execute0_lowered;
	s3 =	sadd.s32 s3, s5;
	[dreg:$0x0] =	wrdreg $0x0  }
0xa8: {  	s5 =	sshll.u32 s28, $0x1;
	[dreg:$0x2] =	wrdreg s3  }
0xa9: {  	[dreg:$0x3] =	wrdreg s5  }
0xaa: {  	[dreg:$0x4] =	wrdreg $0xC0  }
0xab: {  	_ =	task [dreg:s7], $0x5FFFF  }
0xac: {  	[dreg:$0x1] =	wrdreg $0xFFFFFFFF  }
0xad: {  	[dreg:$0x0] =	wrdreg $0x60  }
0xae: {  	[dreg:$0x2] =	wrdreg s24  }
0xaf: {  	[dreg:$0x3] =	wrdreg s2  }
0xb0: {  	[dreg:$0x4] =	wrdreg $0x9  }
0xb1: {  	_ =	task.clear_ibuf [dreg:s7], $0x5FFFF;
	_ =	strace $0x90000052  }
0xb2: {  	s29 =	simm.s32 $0x9;
	_ =	strace $0x80000054  }
0xb3: {  	_ =	swait.ge [sflag:s29], $0x1  }
0xb4: {  	[sflag:s29] =	ssyncadd.s32 $0xFFFFFFFF  }
0xb5: {  	_ =	strace $0x90000054  }
0xb6: {  	_ =	sfence  }
0xb7: {  	s30 =	sld [smem:$0x0];
	_ =	sdelay $0x2  }
0xb8: {  	s31 =	sshll.u32 s1, $0xD;
	s1 =	sshrl.u32 s1, $0x2  }
0xb9: {  	s3 =	sand.u32 $0x4000, s31;
	s1 =	sadd.s32 s1, s30  }
0xba: {  	s0 =	sor.u32 s3, s0;
	s1 =	sshll.u32 s1, $0x11  }
0xbb: {  	s0 =	sor.u32 s1, s0  }
0xbc: {  	s0 =	sadd.s32 $0x8F2B, s0  }
0xbd: {  	[sflag:s0] =	ssyncadd.remote.s32 $0x1  }
0xbe: {  	_ =	sfence.sel $0xFFFF  }
0xbf: {  	[dreg:$0x0] =	wrdreg $0xFFFFFFFF;
	(pc) =	sbr.abs _section_cstart, $3  }
0xc0: {  	[dreg:$0x1] =	wrdreg $0xFFFFFFFF  }
0xc1: {  	_ =	task.clear_ibuf [dreg:s7], $0x2FFFF;
	_ =	strace $0x9FFFFFFF  }
0xc2: {  	(tm) =	ssettm $0x7FFFFFFF  }
0xc3: {  	_ =	shalt  }
tec
execute0_lowered:
.L_overlay_start_1:
0x0: {  	(tag) =	ssettag $0x1  }
0x1: {  	s0 =	srdreg.scid;
	s6 =	rddreg [dreg:$0x0]  }
0x2: {  	s2 =	rddreg [dreg:$0x1];
	s1 =	stileid.u32;
	s3 =	simm.s32 $0x0  }
0x3: {  	s12 =	simm.s32 $0x6200;
	s13 =	simm.s32 $0x3;
	s14 =	simm.s32 $0x6830  }
0x4: {  	s15 =	simm.s32 $0x6E60;
	s16 =	simm.s32 $0x10;
	s17 =	simm.s32 $0x140  }
0x5: {  	s18 =	simm.s32 $0x3100;
	s19 =	simm.s32 $0x1;
	s5 =	sand.u32 $0x1, s0  }
0x6: {  	s20 =	simm.s32 $0x2;
	s21 =	simm.s32 $0x6FA0;
	s4 =	sshll.u32 s5, $0x4  }
0x7: {  	s22 =	simm.s32 $0x0;
	s0 =	rddreg [dreg:$0x2];
	s10 =	sor.u32 s1, s4  }
0x8: {  	[smem:$0x7FF] =	sst s3;
	s8 =	ssub.s32 $0x2, s5;
	s7 =	smul.u32 $0xC4, s10  }
0x9: {  	_ =	strace $0x80000053;
	s31 =	sshrl.u32 s8, $0x1;
	s5 =	smul.u32 $0x7A800, s10  }
0xa: {  	s4 =	sadd.s32 $0x302600, s6;
	s11 =	ssub.s32 s8, s31;
	s10 =	smul.u32 $0x29400, s10  }
0xb: {  	s11 =	smax.u32 s11, $0x1;
	s9 =	sadd.s32 s7, s6;
	s6 =	sadd.s32 $0x9A400, s6  }
0xc: {  	v0 =	vimm.f32 $-1.000000020e+30;
	s7 =	sadd.s32 $0x98A00, s9;
	s8 =	sadd.s32 $0x4000, s9;
	s9 =	sadd.s32 $0x3D400, s5  }
.LBB2_1:
0xd: {  	[tilespmem:s12], [sflag:$0x3] =	stream.linear.gather [hbm4b:s7+s3], $0x620, $0x38;
	[tilespmem:$0x90A0] =	vst v63  }
0xe: {  	_ =	swait.ge [sflag:s13], $0x620  }
0xf: {  	[sflag:s13] =	ssyncset.done $0x0  }
0x10: {  	[sflag:s13] =	ssyncadd.s32 $0xFFFFF9E0  }
0x11: {  	[tilespmem:s14], [sflag:$0x3] =	stream.linear.gather [hbm4b:s8+s3], $0x620, $0x38;
	[tilespmem:$0x90A0] =	vst v63  }
0x12: {  	_ =	swait.ge [sflag:s13], $0x620  }
0x13: {  	[sflag:s13] =	ssyncset.done $0x0  }
0x14: {  	[sflag:s13] =	ssyncadd.s32 $0xFFFFF9E0  }
0x15: {  	[tilespmem:s15], [sflag:$0x3] =	stream.linear.gather [hbm4b:s2+s3], $0x140, $0x38;
	[tilespmem:$0x90A0] =	vst v63  }
0x16: {  	_ =	swait.ge [sflag:s13], $0x140  }
0x17: {  	[sflag:s13] =	ssyncset.done $0x0  }
0x18: {  	s23 =	simm.s32 $0x40;
	s24 =	simm.s32 $0x0;
	[sflag:s13] =	ssyncadd.s32 $0xFFFFFEC0  }
.LBB2_2:
0x19: {  	p0 =	sne.s32 s23, $0x83C0;
	[tilespmem:s24+$0x6FA0] =	vst v0;
	s24 =	smov.u32 s23;
	s23 =	sadd.s32 $0x40, s23  }
.Ltmp0:
0x1a: {  	(pc) =	sbr.rel @p0 .LBB2_2-.Ltmp0, $2  }
0x1b: {  	_ =	sdelay $0x2  }
0x1c: {  	s24 =	sshra.s32 s24, $0x2  }
0x1d: {  	[tilespmem:s24+$0x6FA0] =	vst v0  }
0x1e: {  	v1 =	vld [tilespmem:$0x6200]  }
0x1f: {  	v2 =	vld [tilespmem:$0x6810];
	_ =	sdelay $0x3  }
0x20: {  	(v2sf) =	vpush v1, $0x0  }
0x21: {  	(v2sf) =	vpush v2, $0xF;
	_ =	sdelay $0xd  }
0x22: {  	s26 =	spop (v2sf)  }
0x23: {  	s23 =	spop (v2sf);
	s31 =	sshll.u32 s26, $0x6  }
0x24: {  	s25 =	simm.s32 $0x0;
	s28 =	sadd.s32 $0x1, s23;
	s24 =	sshra.s32 s31, $0x2  }
0x25: {  	s23 =	ssub.s32 s28, s26;
	s24 =	sadd.s32 $0x6FA0, s24;
	p0 =	sle.s32 s28, s26  }
.LBB2_4:
.Ltmp1:
0x26: {  	(pc) =	sbr.rel @p0 .LBB2_7-.Ltmp1, $1  }
0x27: {  	_ =	sdelay $0x3  }
0x28: {  	p1 =	sne.s32 s23, $0x1  }
.Ltmp2:
0x29: {  	_ = 	snop;
	(pc) =	sbr.rel @!p1 .LBB2_7-.Ltmp2, $2  }
0x2a: {  	_ =	sdelay $0x2  }
0x2b: {  	s26 =	sadd.s32 $0xFFFFFFFF, s23;
	[tilespmem:s24+$0x0] =	vst v0;
	s28 =	smov.u32 s24  }
.LBB2_6:
0x2c: {  	p1 =	sne.s32 s26, $0x1  }
.Ltmp3:
0x2d: {  	_ = 	snop;
	(pc) =	sbr.rel @p1 .LBB2_6-.Ltmp3, $3  }
0x2e: {  	_ =	sdelay $0x1  }
0x2f: {  	s26 =	sadd.s32 $0xFFFFFFFF, s26;
	s28 =	sadd.s32 $0x10, s28  }
0x30: {  	[tilespmem:s28+$0x0] =	vst v0  }
.LBB2_7:
0x31: {  	s28 =	sshll.u32 s25, $0x4  }
0x32: {  	s26 =	sor.u32 s5, s28  }
0x33: {  	v1 =	vld [tilespmem:s28+$0x6E60];
	s28 =	sadd.s32 s9, s28;
	s26 =	sshrl.u32 s26, $0x3  }
0x34: {  	s28 =	sshrl.u32 s28, $0x3;
	s29 =	sadd.s32 s4, s26;
	s26 =	simm.s32 $0x0  }
0x35: {  	[tilespmem:s26], [sflag:$0x1] =	stream.strided.gather [hbm4b:s29+s16], $0x3100, s17, s16, $0x38;
	[tilespmem:$0x90A0] =	vst v63  }
0x36: {  	s28 =	sadd.s32 s4, s28  }
0x37: {  	[tilespmem:s18], [sflag:$0x2] =	stream.strided.gather [hbm4b:s28+s16], $0x3100, s17, s16, $0x38;
	[tilespmem:$0x90A0] =	vst v63  }
0x38: {  	_ =	swait.ge [sflag:s19], $0x3100  }
0x39: {  	[sflag:s19] =	ssyncset.done $0x0  }
0x3a: {  	[sflag:s19] =	ssyncadd.s32 $0xFFFFCF00  }
0x3b: {  	s28 =	simm.s32 $0x0;
	v2 =	vld [tilespmem:$0x6200]  }
0x3c: {  	v3 =	vld [tilespmem:s28+$0x6200];
	_ =	sdelay $0x3  }
0x3d: {  	(v2sf) =	vpush v2, $0x0  }
0x3e: {  	(v2sf) =	vpush v3, $0x0;
	_ =	sdelay $0x6  }
0x3f: {  	v2 =	vld.msk [tilespmem:s28+$0x6830 ss:$0x0], $0xffff  }
0x40: {  	v3 =	vld [tilespmem:s26+$0x0];
	_ =	sdelay $0x4  }
0x41: {  	v2 =	vmul.f32 v2, v3  }
0x42: {  	s28 =	spop (v2sf)  }
0x43: {  	v2 =	vadd.f32 v2, v1;
	s29 =	spop (v2sf)  }
0x44: {  	v3 =	vimm.f32 $-1.000000020e+30;
	p2 =	seq.s32 s29, s28  }
0x45: {  	v2 =	vmax.f32 v2, $0.0e+00;
	s30 =	sshll.u32 @!p2 s28, $0x6;
	v4 =	vpsel !p2, $0xF149F2CA, v3  }
0x46: {  	s28 =	simm.s32 $0x4;
	s30 =	sshra.s32 @!p2 s30, $0x2;
	v2 =	vmax.f32 v4, v2  }
.LBB2_8:
0x47: {  	s31 =	sshra.s32 s28, $0x2;
	s28 =	sadd.s32 $0x4, s28;
	[tilespmem:s30+$0x6FA0] =	vst @!p2 v3;
	v3 =	vmov v2;
	s30 =	smov.u32 s29  }
0x48: {  	v4 =	vld [tilespmem:s31+$0x6200];
	p1 =	sne.s32 s28, $0xC40;
	_ =	sdelay $0x4  }
0x49: {  	(v2sf) =	vpush v4, $0x0;
	_ =	sdelay $0x6  }
0x4a: {  	s26 =	sadd.s32 $0x10, s26;
	v4 =	vld.msk [tilespmem:s31+$0x6830 ss:$0x0], $0xffff  }
0x4b: {  	v5 =	vld [tilespmem:s26+$0x0];
	_ =	sdelay $0x4  }
0x4c: {  	v4 =	vmul.f32 v4, v5  }
.Ltmp4:
0x4d: {  	(pc) =	sbr.rel @p1 .LBB2_8-.Ltmp4, $4  }
0x4e: {  	v4 =	vadd.f32 v4, v1;
	s29 =	spop (v2sf)  }
0x4f: {  	p2 =	seq.s32 s29, s30  }
0x50: {  	v4 =	vmax.f32 v4, $0.0e+00;
	s30 =	sshll.u32 @!p2 s30, $0x6;
	v2 =	vpsel !p2, $0xF149F2CA, v2  }
0x51: {  	s30 =	sshra.s32 @!p2 s30, $0x2;
	v2 =	vmax.f32 v2, v4  }
0x52: {  	[tilespmem:s30+$0x6FA0] =	vst @!p2 v3  }
0x53: {  	_ =	swait.ge [sflag:s20], $0x3100  }
0x54: {  	s26 =	simm.s32 $0x0;
	[sflag:s20] =	ssyncset.done $0x0  }
0x55: {  	s28 =	sand.u32 $0x3FF, s26;
	[sflag:s20] =	ssyncadd.s32 $0xFFFFCF00  }
0x56: {  	v3 =	vld [tilespmem:s28+$0x6510];
	_ =	sdelay $0x4  }
0x57: {  	(v2sf) =	vpush v3, $0x0;
	_ =	sdelay $0x5  }
0x58: {  	s26 =	simm.s32 $0x3100  }
0x59: {  	v4 =	vld [tilespmem:s26+$0x0]  }
0x5a: {  	v3 =	vld.msk [tilespmem:s28+$0x6B40 ss:$0x0], $0xffff;
	_ =	sdelay $0x4  }
0x5b: {  	v3 =	vmul.f32 v3, v4;
	_ =	sdelay $0x1  }
0x5c: {  	v3 =	vadd.f32 v3, v1;
	s30 =	spop (v2sf)  }
0x5d: {  	p2 =	seq.s32 s30, s29  }
0x5e: {  	v3 =	vmax.f32 v3, $0.0e+00;
	s29 =	sshll.u32 @!p2 s29, $0x6;
	v4 =	vpsel !p2, $0xF149F2CA, v2  }
0x5f: {  	s28 =	simm.s32 $0x1;
	s29 =	sshra.s32 @!p2 s29, $0x2;
	v3 =	vmax.f32 v4, v3  }
.LBB2_10:
0x60: {  	s31 =	sand.u32 $0x3FF, s28;
	s28 =	sadd.s32 $0x1, s28;
	[tilespmem:s29+$0x6FA0] =	vst @!p2 v2;
	v2 =	vmov v3;
	s29 =	smov.u32 s30  }
0x61: {  	v4 =	vld [tilespmem:s31+$0x6510];
	p1 =	sne.s32 s28, $0x310;
	_ =	sdelay $0x4  }
0x62: {  	(v2sf) =	vpush v4, $0x0;
	_ =	sdelay $0x6  }
0x63: {  	s26 =	sadd.s32 $0x10, s26;
	v4 =	vld.msk [tilespmem:s31+$0x6B40 ss:$0x0], $0xffff  }
0x64: {  	v5 =	vld [tilespmem:s26+$0x0];
	_ =	sdelay $0x4  }
0x65: {  	v4 =	vmul.f32 v4, v5  }
.Ltmp5:
0x66: {  	(pc) =	sbr.rel @p1 .LBB2_10-.Ltmp5, $4  }
0x67: {  	v4 =	vadd.f32 v4, v1;
	s30 =	spop (v2sf)  }
0x68: {  	p2 =	seq.s32 s30, s29  }
0x69: {  	v4 =	vmax.f32 v4, $0.0e+00;
	s29 =	sshll.u32 @!p2 s29, $0x6;
	v3 =	vpsel !p2, $0xF149F2CA, v3  }
0x6a: {  	s29 =	sshra.s32 @!p2 s29, $0x2;
	v3 =	vmax.f32 v3, v4  }
0x6b: {  	s26 =	smul.u32 $0x2100, s25;
	_ =	sdelay $0x1  }
0x6c: {  	s28 =	sshll.u32 s30, $0x6;
	s25 =	sadd.s32 $0x1, s25;
	s26 =	sadd.s32 s10, s26  }
0x6d: {  	[tilespmem:s29+$0x6FA0] =	vst @!p2 v2;
	s28 =	sshra.s32 s28, $0x2;
	p1 =	sne.s32 s25, $0x14;
	s26 =	sshrl.u32 s26, $0x3  }
.Ltmp6:
0x6e: {  	[tilespmem:s28+$0x6FA0] =	vst v3;
	s26 =	sadd.s32 s6, s26;
	(pc) =	sbr.rel @p1 .LBB2_4-.Ltmp6, $4  }
0x6f: {  	[hbm4b:s26+s3] =	stream.linear.scatter [tilespmem:s21], [sflag:$0x3], $0x2100, $0x38;
	[tilespmem:$0x90A0] =	vst v63  }
0x70: {  	_ =	swait.ge [sflag:s13], $0x2100  }
0x71: {  	[sflag:s13] =	ssyncset.done $0x0  }
0x72: {  	[sflag:s13] =	ssyncadd.s32 $0xFFFFDF00  }
0x73: {  	s22 =	sadd.s32 $0x1, s22  }
0x74: {  	p0 =	sne.s32 s22, s11  }
.Ltmp7:
0x75: {  	_ = 	snop;
	(pc) =	sbr.rel @p0 .LBB2_1-.Ltmp7, $1  }
0x76: {  	_ =	sdelay $0x3  }
0x77: {  	_ =	sfence.sel $0x180000  }
0x78: {  	[bflag:$0x0] =	sbarrier.arrive $0xFFFF  }
0x79: {  	p0 =	sne.s32 s1, $0x0;
	_ =	strace $0x90000053  }
0x7a: {  	s0 =	sadd.s32 @!p0 $0x100000, s0;
	[bflag:$0x2] =	sbarrier.arrive $0xFFFF  }
0x7b: {  	[sflag:s0] =	ssyncadd.tile.s32 @!p0 $0x1;
	_ =	shalt  }
.Lfunc_end2:
_tile_overlayer_lowered:
.L_overlay_start_2:
0x7c: {  	(tag) =	ssettag $0x2  }
0x7d: {  	s0 =	rddreg [dreg:$0x0];
	s2 =	stileid.u32  }
0x7e: {  	s1 =	rddreg [dreg:$0x1];
	p0 =	sne.s32 s2, $0x0  }
0x7f: {  	s3 =	rddreg [dreg:$0x2];
	[bflag:$0x3] =	sbarrier.arrive $0xFFFF;
	s2 =	simm.s32 @!p0 $0x1C03  }
0x80: {  	[timem:s3], [sflag:s2] =	dma.local @!p0 [hbm:s0], s1  }
0x81: {  	s0 =	simm.s32 @!p0 $0x3  }
0x82: {  	_ =	swait.ge @!p0 [sflag:s0], s1  }
0x83: {  	s1 =	ssub.s32 @!p0 $0x0, s1;
	[sflag:s0] =	ssyncset.done @!p0 $0x0  }
0x84: {  	[sflag:s0] =	ssyncadd.s32 @!p0 s1  }
0x85: {  	[bflag:$0x3] =	sbarrier.arrive $0xFFFF  }
0x86: {  	_ =	shalt  }

</sc_bundles>
